<compile_context>
chip_gen: v7x
topology: tpu7x:2x2x1
jax: 0.10.2.dev20260603
libtpu: 0.0.44.dev20260713+nightly
codegen_flags: <defaults>
</compile_context>

<pallas_src>
import functools

import jax
import jax.numpy as jnp
from jax import lax
from jax.experimental import pallas as pl
from jax.experimental.pallas import tpu as pltpu
from jax.experimental.pallas import tpu_sc as plsc

BATCH = 1024
EMBED = 32
HID1 = 64
HID2 = 32
VOCAB = 100000
TILE = 2048
NB = (VOCAB + TILE - 1) // TILE

_NC = 2
_NS = 16
_NW = _NC * _NS
_BPW = BATCH // _NW


def _sc_gather_body(utab, uid, ptab, pid, uout, pout,
                    uidx_v, urows_v, pidx_v, prows_v, usem, psem):
    wid = lax.axis_index("s") * _NC + lax.axis_index("c")
    base = wid * _BPW
    pltpu.sync_copy(uid.at[pl.ds(base, _BPW)], uidx_v)
    pltpu.sync_copy(pid.at[pl.ds(base, _BPW)], pidx_v)
    lanes = jnp.arange(16, dtype=jnp.int32)
    copies = []
    for c in range(_BPW // 16):
        uvec = uidx_v[pl.ds(16 * c, 16)]
        pvec = pidx_v[pl.ds(16 * c, 16)]
        for k in range(16):
            su = jnp.sum(jnp.where(lanes == k, uvec, 0))
            sp = jnp.sum(jnp.where(lanes == k, pvec, 0))
            b = 16 * c + k
            copies.append(pltpu.async_copy(utab.at[su], urows_v.at[b], usem))
            copies.append(pltpu.async_copy(ptab.at[sp], prows_v.at[b], psem))
    for cp in copies:
        cp.wait()
    pltpu.sync_copy(urows_v, uout.at[pl.ds(base, _BPW)])
    pltpu.sync_copy(prows_v, pout.at[pl.ds(base, _BPW)])


def _stats_body(u, p, w1, b1, w2, b2, w3, b3, h_ref, m_ref, s_ref):
    j = pl.program_id(0)

    @pl.when(j == 0)
    def _init():
        a = u[:] @ w1[0:EMBED, :] + p[:] @ w1[EMBED:2 * EMBED, :] + b1[:]
        a = jnp.maximum(a, 0.0)
        h_ref[:] = jnp.maximum(a @ w2[:] + b2[:], 0.0)
        m_ref[:] = jnp.full((1, BATCH), -jnp.inf, jnp.float32)
        s_ref[:] = jnp.zeros((1, BATCH), jnp.float32)

    logits = lax.dot_general(w3[:], h_ref[:], (((0,), (1,)), ((), ())),
                             preferred_element_type=jnp.float32) + b3[:]
    row = j * TILE + lax.broadcasted_iota(jnp.int32, (TILE, BATCH), 0)
    logits = jnp.where(row < VOCAB, logits, -jnp.inf)
    m_old = m_ref[:]
    m_new = jnp.maximum(m_old, jnp.max(logits, axis=0, keepdims=True))
    s_ref[:] = (s_ref[:] * jnp.exp(m_old - m_new)
                + jnp.sum(jnp.exp(logits - m_new), axis=0, keepdims=True))
    m_ref[:] = m_new

    @pl.when(j == NB - 1)
    def _fin():
        s_ref[:] = 1.0 / s_ref[:]


def _write_body(h, m, s, w3, b3, o_ref):
    logits = lax.dot_general(w3[:], h[:], (((0,), (1,)), ((), ())),
                             preferred_element_type=jnp.float32) + b3[:]
    o_ref[:] = jnp.exp(logits - m[:]) * s[:]


def _const_spec(shape):
    return pl.BlockSpec(shape, lambda j: (0,) * len(shape))


def kernel(user_id, podcast_id, user_table, podcast_table, W1, b1, W2, b2, W3, b3):
    mesh = plsc.VectorSubcoreMesh(core_axis_name="c", subcore_axis_name="s")
    gather = pl.kernel(
        _sc_gather_body,
        out_type=[
            jax.ShapeDtypeStruct((BATCH, EMBED), jnp.float32),
            jax.ShapeDtypeStruct((BATCH, EMBED), jnp.float32),
        ],
        mesh=mesh,
        scratch_types=[
            pltpu.VMEM((_BPW,), jnp.int32),
            pltpu.VMEM((_BPW, EMBED), jnp.float32),
            pltpu.VMEM((_BPW,), jnp.int32),
            pltpu.VMEM((_BPW, EMBED), jnp.float32),
            pltpu.SemaphoreType.DMA,
            pltpu.SemaphoreType.DMA,
        ],
        compiler_params=pltpu.CompilerParams(needs_layout_passes=False),
    )
    u_emb, p_emb = gather(user_table, user_id, podcast_table, podcast_id)

    b1r = b1.reshape(1, HID1)
    b2r = b2.reshape(1, HID2)
    b3r = b3.reshape(VOCAB, 1)

    h, m, s = pl.pallas_call(
        _stats_body,
        grid=(NB,),
        in_specs=[
            _const_spec((BATCH, EMBED)),
            _const_spec((BATCH, EMBED)),
            _const_spec((2 * EMBED, HID1)),
            _const_spec((1, HID1)),
            _const_spec((HID1, HID2)),
            _const_spec((1, HID2)),
            pl.BlockSpec((HID2, TILE), lambda j: (0, j)),
            pl.BlockSpec((TILE, 1), lambda j: (j, 0)),
        ],
        out_specs=[
            _const_spec((BATCH, HID2)),
            _const_spec((1, BATCH)),
            _const_spec((1, BATCH)),
        ],
        out_shape=[
            jax.ShapeDtypeStruct((BATCH, HID2), jnp.float32),
            jax.ShapeDtypeStruct((1, BATCH), jnp.float32),
            jax.ShapeDtypeStruct((1, BATCH), jnp.float32),
        ],
    )(u_emb, p_emb, W1, b1r, W2, b2r, W3, b3r)

    out_t = pl.pallas_call(
        _write_body,
        grid=(NB,),
        in_specs=[
            _const_spec((BATCH, HID2)),
            _const_spec((1, BATCH)),
            _const_spec((1, BATCH)),
            pl.BlockSpec((HID2, TILE), lambda j: (0, j)),
            pl.BlockSpec((TILE, 1), lambda j: (j, 0)),
        ],
        out_specs=pl.BlockSpec((TILE, BATCH), lambda j: (j, 0)),
        out_shape=jax.ShapeDtypeStruct((VOCAB, BATCH), jnp.float32),
    )(h, m, s, W3, b3r)
    return out_t.T

# --- scband reference (transcript-rebuilt; emitter-appended) ---
"""Pipeline reference for scband-recommendation-model-55138790146177 (READ-ONLY COPY).

The authoritative reference and input builder live on the scoring server;
editing this copy changes nothing except your own understanding.
"""

import jax, jax.numpy as jnp
import numpy as np

NUM_USERS = 1000000
NUM_PODCASTS = 100000
EMBED_DIM = 32
BATCH = 1024


def setup_inputs(seed: int = 0) -> dict:
    key = jax.random.key(seed)
    ks = jax.random.split(key, 10)
    user_id = jax.random.randint(ks[0], (BATCH,), 0, NUM_USERS)
    podcast_id = jax.random.randint(ks[1], (BATCH,), 0, NUM_PODCASTS)
    user_table = jax.random.normal(ks[2], (NUM_USERS, EMBED_DIM), dtype=jnp.float32) * 0.05
    podcast_table = jax.random.normal(ks[3], (NUM_PODCASTS, EMBED_DIM), dtype=jnp.float32) * 0.05
    W1 = jax.random.normal(ks[4], (2 * EMBED_DIM, 64), dtype=jnp.float32) * 0.05
    b1 = jnp.zeros((64,), dtype=jnp.float32)
    W2 = jax.random.normal(ks[5], (64, 32), dtype=jnp.float32) * 0.05
    b2 = jnp.zeros((32,), dtype=jnp.float32)
    W3 = jax.random.normal(ks[6], (32, NUM_PODCASTS), dtype=jnp.float32) * 0.05
    b3 = jnp.zeros((NUM_PODCASTS,), dtype=jnp.float32)
    return {"user_id": user_id, "podcast_id": podcast_id,
            "user_table": user_table, "podcast_table": podcast_table,
            "W1": W1, "b1": b1, "W2": W2, "b2": b2, "W3": W3, "b3": b3}


def reference(user_id, podcast_id, user_table, podcast_table, W1, b1, W2, b2, W3, b3):
    # Embedding lookups (gather -> SparseCore friendly)
    user_emb = jnp.take(user_table, user_id, axis=0)        # [B, 32]
    podcast_emb = jnp.take(podcast_table, podcast_id, axis=0)  # [B, 32]
    x = jnp.concatenate([user_emb, podcast_emb], axis=1)    # [B, 64]
    x = jax.nn.relu(x @ W1 + b1)   # dense1 (dropout is identity at inference)
    x = jax.nn.relu(x @ W2 + b2)   # dense2
    logits = x @ W3 + b3           # [B, NUM_PODCASTS]
    return jax.nn.softmax(logits, axis=-1)

if __name__ == "__main__":
    import jax
    _d = setup_inputs()
    print(jax.jit(kernel)(*tuple(_d.values())))

</pallas_src>

<mosaic_0001>
#map = affine_map<(d0, d1) -> (0, 0)>
#map1 = affine_map<(d0, d1) -> (0)>
module attributes {stable_mosaic.version = 14 : i64} {
  func.func @_sc_gather_body(%arg0: i32, %arg1: i32, %arg2: memref<1000000x32xf32, #tpu.memory_space<hbm>>, %arg3: memref<1024xi32, #tpu.memory_space<hbm>>, %arg4: memref<100000x32xf32, #tpu.memory_space<hbm>>, %arg5: memref<1024xi32, #tpu.memory_space<hbm>>, %arg6: memref<1024x32xf32, #tpu.memory_space<hbm>>, %arg7: memref<1024x32xf32, #tpu.memory_space<hbm>>, %arg8: memref<32xi32, #tpu.memory_space<vmem>>, %arg9: memref<32x32xf32, #tpu.memory_space<vmem>>, %arg10: memref<32xi32, #tpu.memory_space<vmem>>, %arg11: memref<32x32xf32, #tpu.memory_space<vmem>>, %arg12: memref<!tpu.dma_semaphore, #tpu.memory_space<semaphore_mem>>, %arg13: memref<!tpu.dma_semaphore, #tpu.memory_space<semaphore_mem>>) attributes {dimension_semantics = [#tpu.dimension_semantics<core_parallel>, #tpu.dimension_semantics<subcore_parallel>], iteration_bounds = array<i64: 2, 16>, scalar_prefetch = 0 : i64, scratch_operands = 6 : i64, tpu.core_type = #tpu.core_type<sc_vector_subcore>, window_params = [{transform_indices = #map}, {transform_indices = #map1}, {transform_indices = #map}, {transform_indices = #map1}, {transform_indices = #map}, {transform_indices = #map}]} {
    %mul3A = arith.constant 2 : i32
    %mul3A_0 = arith.muli %arg1, %mul3A : i32
    %add3A = arith.addi %mul3A_0, %arg0 : i32
    %mul3A_1 = arith.constant 32 : i32
    %mul3A_2 = arith.muli %add3A, %mul3A_1 : i32
    "tpu.region"() ({
      %run_scoped3A = tpu.sem_alloc : memref<!tpu.dma_semaphore, #tpu.memory_space<semaphore_mem>>
      %dma_start3A_2307 = tpu.memref_slice %arg3[%mul3A_2] : memref<1024xi32, #tpu.memory_space<hbm>> -> memref<32xi32, #tpu.memory_space<hbm>>
      %dma_start3A_2308 = tpu.memref_slice %arg3[%mul3A_2] : memref<1024xi32, #tpu.memory_space<hbm>> -> memref<32xi32, #tpu.memory_space<hbm>>
      tpu.enqueue_dma source(%dma_start3A_2308 : memref<32xi32, #tpu.memory_space<hbm>>) target(%arg8 : memref<32xi32, #tpu.memory_space<vmem>>) target_semaphore(%run_scoped3A : memref<!tpu.dma_semaphore, #tpu.memory_space<semaphore_mem>>)
      %dma_wait3A_2309 = tpu.memref_slice %arg3[%mul3A_2] : memref<1024xi32, #tpu.memory_space<hbm>> -> memref<32xi32, #tpu.memory_space<hbm>>
      %dma_wait3A_2310 = tpu.memref_slice %arg3[%mul3A_2] : memref<1024xi32, #tpu.memory_space<hbm>> -> memref<32xi32, #tpu.memory_space<hbm>>
      tpu.wait_dma2 semaphore(%run_scoped3A : memref<!tpu.dma_semaphore, #tpu.memory_space<semaphore_mem>>) src(%dma_wait3A_2310 : memref<32xi32, #tpu.memory_space<hbm>>) dst(%arg8 : memref<32xi32, #tpu.memory_space<vmem>>)
      tpu.yield
    }) : () -> ()
    "tpu.region"() ({
      %run_scoped3A = tpu.sem_alloc : memref<!tpu.dma_semaphore, #tpu.memory_space<semaphore_mem>>
      %dma_start3A_2307 = tpu.memref_slice %arg5[%mul3A_2] : memref<1024xi32, #tpu.memory_space<hbm>> -> memref<32xi32, #tpu.memory_space<hbm>>
      %dma_start3A_2308 = tpu.memref_slice %arg5[%mul3A_2] : memref<1024xi32, #tpu.memory_space<hbm>> -> memref<32xi32, #tpu.memory_space<hbm>>
      tpu.enqueue_dma source(%dma_start3A_2308 : memref<32xi32, #tpu.memory_space<hbm>>) target(%arg10 : memref<32xi32, #tpu.memory_space<vmem>>) target_semaphore(%run_scoped3A : memref<!tpu.dma_semaphore, #tpu.memory_space<semaphore_mem>>)
      %dma_wait3A_2309 = tpu.memref_slice %arg5[%mul3A_2] : memref<1024xi32, #tpu.memory_space<hbm>> -> memref<32xi32, #tpu.memory_space<hbm>>
      %dma_wait3A_2310 = tpu.memref_slice %arg5[%mul3A_2] : memref<1024xi32, #tpu.memory_space<hbm>> -> memref<32xi32, #tpu.memory_space<hbm>>
      tpu.wait_dma2 semaphore(%run_scoped3A : memref<!tpu.dma_semaphore, #tpu.memory_space<semaphore_mem>>) src(%dma_wait3A_2310 : memref<32xi32, #tpu.memory_space<hbm>>) dst(%arg10 : memref<32xi32, #tpu.memory_space<vmem>>)
      tpu.yield
    }) : () -> ()
    %iota3A = tpu.iota {dimensions = array<i32: 0>} : vector<16xi32>
    %get3A = arith.constant 0 : index
    %get3A_3 = tpu.vector_load %arg8[%get3A] {strides = array<i32>} : memref<32xi32, #tpu.memory_space<vmem>>, vector<16xi32>,
    %get3A_4 = arith.constant 0 : index
    %get3A_5 = tpu.vector_load %arg10[%get3A_4] {strides = array<i32>} : memref<32xi32, #tpu.memory_space<vmem>>, vector<16xi32>,
    %eq3A = arith.constant 0 : i32
    %eq3A_6 = vector.broadcast %eq3A : i32 to vector<16xi32>
    %eq3A_7 = arith.cmpi eq, %iota3A, %eq3A_6 : vector<16xi32>
    %jit3A = arith.constant 0 : i32
    %broadcast_in_dim3A = vector.broadcast %jit3A : i32 to vector<16xi32>
    %select_n3A = arith.select %eq3A_7, %get3A_3, %broadcast_in_dim3A : vector<16xi1>, vector<16xi32>
    %reduce_sum3A = arith.constant true
    %reduce_sum3A_8 = vector.broadcast %reduce_sum3A : i1 to vector<16xi1>
    %reduce_sum3A_9 = tpu.scan <sum>, %select_n3A masked %reduce_sum3A_8 : vector<16xi32>, vector<16xi1> -> vector<16xi32>
    %reduce_sum3A_10 = vector.extract %reduce_sum3A_9[15] : i32 from vector<16xi32>
    %eq3A_11 = arith.constant 0 : i32
    %eq3A_12 = vector.broadcast %eq3A_11 : i32 to vector<16xi32>
    %eq3A_13 = arith.cmpi eq, %iota3A, %eq3A_12 : vector<16xi32>
    %jit3A_14 = arith.constant 0 : i32
    %broadcast_in_dim3A_15 = vector.broadcast %jit3A_14 : i32 to vector<16xi32>
    %select_n3A_16 = arith.select %eq3A_13, %get3A_5, %broadcast_in_dim3A_15 : vector<16xi1>, vector<16xi32>
    %reduce_sum3A_17 = arith.constant true
    %reduce_sum3A_18 = vector.broadcast %reduce_sum3A_17 : i1 to vector<16xi1>
    %reduce_sum3A_19 = tpu.scan <sum>, %select_n3A_16 masked %reduce_sum3A_18 : vector<16xi32>, vector<16xi1> -> vector<16xi32>
    %reduce_sum3A_20 = vector.extract %reduce_sum3A_19[15] : i32 from vector<16xi32>
    %dma_start3A = arith.constant 0 : i32
    %dma_start3A_21 = arith.constant 0 : i32
    %dma_start3A_22 = tpu.memref_slice %arg9[%dma_start3A, %dma_start3A_21] : memref<32x32xf32, #tpu.memory_space<vmem>> -> memref<1x32xf32, #tpu.memory_space<vmem>>
    %dma_start3A_23 = tpu.memref_squeeze %dma_start3A_22 : memref<1x32xf32, #tpu.memory_space<vmem>> -> memref<32xf32, #tpu.memory_space<vmem>>
    %dma_start3A_24 = arith.constant 0 : i32
    %dma_start3A_25 = tpu.memref_slice %arg2[%reduce_sum3A_10, %dma_start3A_24] : memref<1000000x32xf32, #tpu.memory_space<hbm>> -> memref<1x32xf32, #tpu.memory_space<hbm>>
    %dma_start3A_26 = tpu.memref_squeeze %dma_start3A_25 : memref<1x32xf32, #tpu.memory_space<hbm>> -> memref<32xf32, #tpu.memory_space<hbm>>
    %dma_start3A_27 = arith.constant 0 : i32
    %dma_start3A_28 = tpu.memref_slice %arg9[%dma_start3A, %dma_start3A_27] : memref<32x32xf32, #tpu.memory_space<vmem>> -> memref<1x32xf32, #tpu.memory_space<vmem>>
    %dma_start3A_29 = tpu.memref_squeeze %dma_start3A_28 : memref<1x32xf32, #tpu.memory_space<vmem>> -> memref<32xf32, #tpu.memory_space<vmem>>
    %dma_start3A_30 = arith.constant 0 : i32
    %dma_start3A_31 = tpu.memref_slice %arg2[%reduce_sum3A_10, %dma_start3A_30] : memref<1000000x32xf32, #tpu.memory_space<hbm>> -> memref<1x32xf32, #tpu.memory_space<hbm>>
    %dma_start3A_32 = tpu.memref_squeeze %dma_start3A_31 : memref<1x32xf32, #tpu.memory_space<hbm>> -> memref<32xf32, #tpu.memory_space<hbm>>
    tpu.enqueue_dma source(%dma_start3A_32 : memref<32xf32, #tpu.memory_space<hbm>>) target(%dma_start3A_29 : memref<32xf32, #tpu.memory_space<vmem>>) target_semaphore(%arg12 : memref<!tpu.dma_semaphore, #tpu.memory_space<semaphore_mem>>)
    %dma_start3A_33 = arith.constant 0 : i32
    %dma_start3A_34 = arith.constant 0 : i32
    %dma_start3A_35 = tpu.memref_slice %arg11[%dma_start3A_33, %dma_start3A_34] : memref<32x32xf32, #tpu.memory_space<vmem>> -> memref<1x32xf32, #tpu.memory_space<vmem>>
    %dma_start3A_36 = tpu.memref_squeeze %dma_start3A_35 : memref<1x32xf32, #tpu.memory_space<vmem>> -> memref<32xf32, #tpu.memory_space<vmem>>
    %dma_start3A_37 = arith.constant 0 : i32
    %dma_start3A_38 = tpu.memref_slice %arg4[%reduce_sum3A_20, %dma_start3A_37] : memref<100000x32xf32, #tpu.memory_space<hbm>> -> memref<1x32xf32, #tpu.memory_space<hbm>>
    %dma_start3A_39 = tpu.memref_squeeze %dma_start3A_38 : memref<1x32xf32, #tpu.memory_space<hbm>> -> memref<32xf32, #tpu.memory_space<hbm>>
    %dma_start3A_40 = arith.constant 0 : i32
    %dma_start3A_41 = tpu.memref_slice %arg11[%dma_start3A_33, %dma_start3A_40] : memref<32x32xf32, #tpu.memory_space<vmem>> -> memref<1x32xf32, #tpu.memory_space<vmem>>
    %dma_start3A_42 = tpu.memref_squeeze %dma_start3A_41 : memref<1x32xf32, #tpu.memory_space<vmem>> -> memref<32xf32, #tpu.memory_space<vmem>>
    %dma_start3A_43 = arith.constant 0 : i32
    %dma_start3A_44 = tpu.memref_slice %arg4[%reduce_sum3A_20, %dma_start3A_43] : memref<100000x32xf32, #tpu.memory_space<hbm>> -> memref<1x32xf32, #tpu.memory_space<hbm>>
    %dma_start3A_45 = tpu.memref_squeeze %dma_start3A_44 : memref<1x32xf32, #tpu.memory_space<hbm>> -> memref<32xf32, #tpu.memory_space<hbm>>
    tpu.enqueue_dma source(%dma_start3A_45 : memref<32xf32, #tpu.memory_space<hbm>>) target(%dma_start3A_42 : memref<32xf32, #tpu.memory_space<vmem>>) target_semaphore(%arg13 : memref<!tpu.dma_semaphore, #tpu.memory_space<semaphore_mem>>)
    %eq3A_46 = arith.constant 1 : i32
    %eq3A_47 = vector.broadcast %eq3A_46 : i32 to vector<16xi32>
    %eq3A_48 = arith.cmpi eq, %iota3A, %eq3A_47 : vector<16xi32>
    %jit3A_49 = arith.constant 0 : i32
    %broadcast_in_dim3A_50 = vector.broadcast %jit3A_49 : i32 to vector<16xi32>
    %select_n3A_51 = arith.select %eq3A_48, %get3A_3, %broadcast_in_dim3A_50 : vector<16xi1>, vector<16xi32>
    %reduce_sum3A_52 = arith.constant true
    %reduce_sum3A_53 = vector.broadcast %reduce_sum3A_52 : i1 to vector<16xi1>
    %reduce_sum3A_54 = tpu.scan <sum>, %select_n3A_51 masked %reduce_sum3A_53 : vector<16xi32>, vector<16xi1> -> vector<16xi32>
    %reduce_sum3A_55 = vector.extract %reduce_sum3A_54[15] : i32 from vector<16xi32>
    %eq3A_56 = arith.constant 1 : i32
    %eq3A_57 = vector.broadcast %eq3A_56 : i32 to vector<16xi32>
    %eq3A_58 = arith.cmpi eq, %iota3A, %eq3A_57 : vector<16xi32>
    %jit3A_59 = arith.constant 0 : i32
    %broadcast_in_dim3A_60 = vector.broadcast %jit3A_59 : i32 to vector<16xi32>
    %select_n3A_61 = arith.select %eq3A_58, %get3A_5, %broadcast_in_dim3A_60 : vector<16xi1>, vector<16xi32>
    %reduce_sum3A_62 = arith.constant true
    %reduce_sum3A_63 = vector.broadcast %reduce_sum3A_62 : i1 to vector<16xi1>
    %reduce_sum3A_64 = tpu.scan <sum>, %select_n3A_61 masked %reduce_sum3A_63 : vector<16xi32>, vector<16xi1> -> vector<16xi32>
    %reduce_sum3A_65 = vector.extract %reduce_sum3A_64[15] : i32 from vector<16xi32>
    %dma_start3A_66 = arith.constant 1 : i32
    %dma_start3A_67 = arith.constant 0 : i32
    %dma_start3A_68 = tpu.memref_slice %arg9[%dma_start3A_66, %dma_start3A_67] : memref<32x32xf32, #tpu.memory_space<vmem>> -> memref<1x32xf32, #tpu.memory_space<vmem>>
    %dma_start3A_69 = tpu.memref_squeeze %dma_start3A_68 : memref<1x32xf32, #tpu.memory_space<vmem>> -> memref<32xf32, #tpu.memory_space<vmem>>
    %dma_start3A_70 = arith.constant 0 : i32
    %dma_start3A_71 = tpu.memref_slice %arg2[%reduce_sum3A_55, %dma_start3A_70] : memref<1000000x32xf32, #tpu.memory_space<hbm>> -> memref<1x32xf32, #tpu.memory_space<hbm>>
    %dma_start3A_72 = tpu.memref_squeeze %dma_start3A_71 : memref<1x32xf32, #tpu.memory_space<hbm>> -> memref<32xf32, #tpu.memory_space<hbm>>
    %dma_start3A_73 = arith.constant 0 : i32
    %dma_start3A_74 = tpu.memref_slice %arg9[%dma_start3A_66, %dma_start3A_73] : memref<32x32xf32, #tpu.memory_space<vmem>> -> memref<1x32xf32, #tpu.memory_space<vmem>>
    %dma_start3A_75 = tpu.memref_squeeze %dma_start3A_74 : memref<1x32xf32, #tpu.memory_space<vmem>> -> memref<32xf32, #tpu.memory_space<vmem>>
    %dma_start3A_76 = arith.constant 0 : i32
    %dma_start3A_77 = tpu.memref_slice %arg2[%reduce_sum3A_55, %dma_start3A_76] : memref<1000000x32xf32, #tpu.memory_space<hbm>> -> memref<1x32xf32, #tpu.memory_space<hbm>>
    %dma_start3A_78 = tpu.memref_squeeze %dma_start3A_77 : memref<1x32xf32, #tpu.memory_space<hbm>> -> memref<32xf32, #tpu.memory_space<hbm>>
    tpu.enqueue_dma source(%dma_start3A_78 : memref<32xf32, #tpu.memory_space<hbm>>) target(%dma_start3A_75 : memref<32xf32, #tpu.memory_space<vmem>>) target_semaphore(%arg12 : memref<!tpu.dma_semaphore, #tpu.memory_space<semaphore_mem>>)
    %dma_start3A_79 = arith.constant 1 : i32
    %dma_start3A_80 = arith.constant 0 : i32
    %dma_start3A_81 = tpu.memref_slice %arg11[%dma_start3A_79, %dma_start3A_80] : memref<32x32xf32, #tpu.memory_space<vmem>> -> memref<1x32xf32, #tpu.memory_space<vmem>>
    %dma_start3A_82 = tpu.memref_squeeze %dma_start3A_81 : memref<1x32xf32, #tpu.memory_space<vmem>> -> memref<32xf32, #tpu.memory_space<vmem>>
    %dma_start3A_83 = arith.constant 0 : i32
    %dma_start3A_84 = tpu.memref_slice %arg4[%reduce_sum3A_65, %dma_start3A_83] : memref<100000x32xf32, #tpu.memory_space<hbm>> -> memref<1x32xf32, #tpu.memory_space<hbm>>
    %dma_start3A_85 = tpu.memref_squeeze %dma_start3A_84 : memref<1x32xf32, #tpu.memory_space<hbm>> -> memref<32xf32, #tpu.memory_space<hbm>>
    %dma_start3A_86 = arith.constant 0 : i32
    %dma_start3A_87 = tpu.memref_slice %arg11[%dma_start3A_79, %dma_start3A_86] : memref<32x32xf32, #tpu.memory_space<vmem>> -> memref<1x32xf32, #tpu.memory_space<vmem>>
    %dma_start3A_88 = tpu.memref_squeeze %dma_start3A_87 : memref<1x32xf32, #tpu.memory_space<vmem>> -> memref<32xf32, #tpu.memory_space<vmem>>
    %dma_start3A_89 = arith.constant 0 : i32
    %dma_start3A_90 = tpu.memref_slice %arg4[%reduce_sum3A_65, %dma_start3A_89] : memref<100000x32xf32, #tpu.memory_space<hbm>> -> memref<1x32xf32, #tpu.memory_space<hbm>>
    %dma_start3A_91 = tpu.memref_squeeze %dma_start3A_90 : memref<1x32xf32, #tpu.memory_space<hbm>> -> memref<32xf32, #tpu.memory_space<hbm>>
    tpu.enqueue_dma source(%dma_start3A_91 : memref<32xf32, #tpu.memory_space<hbm>>) target(%dma_start3A_88 : memref<32xf32, #tpu.memory_space<vmem>>) target_semaphore(%arg13 : memref<!tpu.dma_semaphore, #tpu.memory_space<semaphore_mem>>)
    %eq3A_92 = arith.constant 2 : i32
    %eq3A_93 = vector.broadcast %eq3A_92 : i32 to vector<16xi32>
    %eq3A_94 = arith.cmpi eq, %iota3A, %eq3A_93 : vector<16xi32>
    %jit3A_95 = arith.constant 0 : i32
    %broadcast_in_dim3A_96 = vector.broadcast %jit3A_95 : i32 to vector<16xi32>
    %select_n3A_97 = arith.select %eq3A_94, %get3A_3, %broadcast_in_dim3A_96 : vector<16xi1>, vector<16xi32>
    %reduce_sum3A_98 = arith.constant true
    %reduce_sum3A_99 = vector.broadcast %reduce_sum3A_98 : i1 to vector<16xi1>
    %reduce_sum3A_100 = tpu.scan <sum>, %select_n3A_97 masked %reduce_sum3A_99 : vector<16xi32>, vector<16xi1> -> vector<16xi32>
    %reduce_sum3A_101 = vector.extract %reduce_sum3A_100[15] : i32 from vector<16xi32>
    %eq3A_102 = arith.constant 2 : i32
    %eq3A_103 = vector.broadcast %eq3A_102 : i32 to vector<16xi32>
    %eq3A_104 = arith.cmpi eq, %iota3A, %eq3A_103 : vector<16xi32>
    %jit3A_105 = arith.constant 0 : i32
    %broadcast_in_dim3A_106 = vector.broadcast %jit3A_105 : i32 to vector<16xi32>
    %select_n3A_107 = arith.select %eq3A_104, %get3A_5, %broadcast_in_dim3A_106 : vector<16xi1>, vector<16xi32>
    %reduce_sum3A_108 = arith.constant true
    %reduce_sum3A_109 = vector.broadcast %reduce_sum3A_108 : i1 to vector<16xi1>
    %reduce_sum3A_110 = tpu.scan <sum>, %select_n3A_107 masked %reduce_sum3A_109 : vector<16xi32>, vector<16xi1> -> vector<16xi32>
    %reduce_sum3A_111 = vector.extract %reduce_sum3A_110[15] : i32 from vector<16xi32>
    %dma_start3A_112 = arith.constant 2 : i32
    %dma_start3A_113 = arith.constant 0 : i32
    %dma_start3A_114 = tpu.memref_slice %arg9[%dma_start3A_112, %dma_start3A_113] : memref<32x32xf32, #tpu.memory_space<vmem>> -> memref<1x32xf32, #tpu.memory_space<vmem>>
    %dma_start3A_115 = tpu.memref_squeeze %dma_start3A_114 : memref<1x32xf32, #tpu.memory_space<vmem>> -> memref<32xf32, #tpu.memory_space<vmem>>
    %dma_start3A_116 = arith.constant 0 : i32
    %dma_start3A_117 = tpu.memref_slice %arg2[%reduce_sum3A_101, %dma_start3A_116] : memref<1000000x32xf32, #tpu.memory_space<hbm>> -> memref<1x32xf32, #tpu.memory_space<hbm>>
    %dma_start3A_118 = tpu.memref_squeeze %dma_start3A_117 : memref<1x32xf32, #tpu.memory_space<hbm>> -> memref<32xf32, #tpu.memory_space<hbm>>
    %dma_start3A_119 = arith.constant 0 : i32
    %dma_start3A_120 = tpu.memref_slice %arg9[%dma_start3A_112, %dma_start3A_119] : memref<32x32xf32, #tpu.memory_space<vmem>> -> memref<1x32xf32, #tpu.memory_space<vmem>>
    %dma_start3A_121 = tpu.memref_squeeze %dma_start3A_120 : memref<1x32xf32, #tpu.memory_space<vmem>> -> memref<32xf32, #tpu.memory_space<vmem>>
    %dma_start3A_122 = arith.constant 0 : i32
    %dma_start3A_123 = tpu.memref_slice %arg2[%reduce_sum3A_101, %dma_start3A_122] : memref<1000000x32xf32, #tpu.memory_space<hbm>> -> memref<1x32xf32, #tpu.memory_space<hbm>>
    %dma_start3A_124 = tpu.memref_squeeze %dma_start3A_123 : memref<1x32xf32, #tpu.memory_space<hbm>> -> memref<32xf32, #tpu.memory_space<hbm>>
    tpu.enqueue_dma source(%dma_start3A_124 : memref<32xf32, #tpu.memory_space<hbm>>) target(%dma_start3A_121 : memref<32xf32, #tpu.memory_space<vmem>>) target_semaphore(%arg12 : memref<!tpu.dma_semaphore, #tpu.memory_space<semaphore_mem>>)
    %dma_start3A_125 = arith.constant 2 : i32
    %dma_start3A_126 = arith.constant 0 : i32
    %dma_start3A_127 = tpu.memref_slice %arg11[%dma_start3A_125, %dma_start3A_126] : memref<32x32xf32, #tpu.memory_space<vmem>> -> memref<1x32xf32, #tpu.memory_space<vmem>>
    %dma_start3A_128 = tpu.memref_squeeze %dma_start3A_127 : memref<1x32xf32, #tpu.memory_space<vmem>> -> memref<32xf32, #tpu.memory_space<vmem>>
    %dma_start3A_129 = arith.constant 0 : i32
    %dma_start3A_130 = tpu.memref_slice %arg4[%reduce_sum3A_111, %dma_start3A_129] : memref<100000x32xf32, #tpu.memory_space<hbm>> -> memref<1x32xf32, #tpu.memory_space<hbm>>
    %dma_start3A_131 = tpu.memref_squeeze %dma_start3A_130 : memref<1x32xf32, #tpu.memory_space<hbm>> -> memref<32xf32, #tpu.memory_space<hbm>>
    %dma_start3A_132 = arith.constant 0 : i32
    %dma_start3A_133 = tpu.memref_slice %arg11[%dma_start3A_125, %dma_start3A_132] : memref<32x32xf32, #tpu.memory_space<vmem>> -> memref<1x32xf32, #tpu.memory_space<vmem>>
    %dma_start3A_134 = tpu.memref_squeeze %dma_start3A_133 : memref<1x32xf32, #tpu.memory_space<vmem>> -> memref<32xf32, #tpu.memory_space<vmem>>
    %dma_start3A_135 = arith.constant 0 : i32
    %dma_start3A_136 = tpu.memref_slice %arg4[%reduce_sum3A_111, %dma_start3A_135] : memref<100000x32xf32, #tpu.memory_space<hbm>> -> memref<1x32xf32, #tpu.memory_space<hbm>>
    %dma_start3A_137 = tpu.memref_squeeze %dma_start3A_136 : memref<1x32xf32, #tpu.memory_space<hbm>> -> memref<32xf32, #tpu.memory_space<hbm>>
    tpu.enqueue_dma source(%dma_start3A_137 : memref<32xf32, #tpu.memory_space<hbm>>) target(%dma_start3A_134 : memref<32xf32, #tpu.memory_space<vmem>>) target_semaphore(%arg13 : memref<!tpu.dma_semaphore, #tpu.memory_space<semaphore_mem>>)
    %eq3A_138 = arith.constant 3 : i32
    %eq3A_139 = vector.broadcast %eq3A_138 : i32 to vector<16xi32>
    %eq3A_140 = arith.cmpi eq, %iota3A, %eq3A_139 : vector<16xi32>
    %jit3A_141 = arith.constant 0 : i32
    %broadcast_in_dim3A_142 = vector.broadcast %jit3A_141 : i32 to vector<16xi32>
    %select_n3A_143 = arith.select %eq3A_140, %get3A_3, %broadcast_in_dim3A_142 : vector<16xi1>, vector<16xi32>
    %reduce_sum3A_144 = arith.constant true
    %reduce_sum3A_145 = vector.broadcast %reduce_sum3A_144 : i1 to vector<16xi1>
    %reduce_sum3A_146 = tpu.scan <sum>, %select_n3A_143 masked %reduce_sum3A_145 : vector<16xi32>, vector<16xi1> -> vector<16xi32>
    %reduce_sum3A_147 = vector.extract %reduce_sum3A_146[15] : i32 from vector<16xi32>
    %eq3A_148 = arith.constant 3 : i32
    %eq3A_149 = vector.broadcast %eq3A_148 : i32 to vector<16xi32>
    %eq3A_150 = arith.cmpi eq, %iota3A, %eq3A_149 : vector<16xi32>
    %jit3A_151 = arith.constant 0 : i32
    %broadcast_in_dim3A_152 = vector.broadcast %jit3A_151 : i32 to vector<16xi32>
    %select_n3A_153 = arith.select %eq3A_150, %get3A_5, %broadcast_in_dim3A_152 : vector<16xi1>, vector<16xi32>
    %reduce_sum3A_154 = arith.constant true
    %reduce_sum3A_155 = vector.broadcast %reduce_sum3A_154 : i1 to vector<16xi1>
    %reduce_sum3A_156 = tpu.scan <sum>, %select_n3A_153 masked %reduce_sum3A_155 : vector<16xi32>, vector<16xi1> -> vector<16xi32>
    %reduce_sum3A_157 = vector.extract %reduce_sum3A_156[15] : i32 from vector<16xi32>
    %dma_start3A_158 = arith.constant 3 : i32
    %dma_start3A_159 = arith.constant 0 : i32
    %dma_start3A_160 = tpu.memref_slice %arg9[%dma_start3A_158, %dma_start3A_159] : memref<32x32xf32, #tpu.memory_space<vmem>> -> memref<1x32xf32, #tpu.memory_space<vmem>>
    %dma_start3A_161 = tpu.memref_squeeze %dma_start3A_160 : memref<1x32xf32, #tpu.memory_space<vmem>> -> memref<32xf32, #tpu.memory_space<vmem>>
    %dma_start3A_162 = arith.constant 0 : i32
    %dma_start3A_163 = tpu.memref_slice %arg2[%reduce_sum3A_147, %dma_start3A_162] : memref<1000000x32xf32, #tpu.memory_space<hbm>> -> memref<1x32xf32, #tpu.memory_space<hbm>>
    %dma_start3A_164 = tpu.memref_squeeze %dma_start3A_163 : memref<1x32xf32, #tpu.memory_space<hbm>> -> memref<32xf32, #tpu.memory_space<hbm>>
    %dma_start3A_165 = arith.constant 0 : i32
    %dma_start3A_166 = tpu.memref_slice %arg9[%dma_start3A_158, %dma_start3A_165] : memref<32x32xf32, #tpu.memory_space<vmem>> -> memref<1x32xf32, #tpu.memory_space<vmem>>
    %dma_start3A_167 = tpu.memref_squeeze %dma_start3A_166 : memref<1x32xf32, #tpu.memory_space<vmem>> -> memref<32xf32, #tpu.memory_space<vmem>>
    %dma_start3A_168 = arith.constant 0 : i32
    %dma_start3A_169 = tpu.memref_slice %arg2[%reduce_sum3A_147, %dma_start3A_168] : memref<1000000x32xf32, #tpu.memory_space<hbm>> -> memref<1x32xf32, #tpu.memory_space<hbm>>
    %dma_start3A_170 = tpu.memref_squeeze %dma_start3A_169 : memref<1x32xf32, #tpu.memory_space<hbm>> -> memref<32xf32, #tpu.memory_space<hbm>>
    tpu.enqueue_dma source(%dma_start3A_170 : memref<32xf32, #tpu.memory_space<hbm>>) target(%dma_start3A_167 : memref<32xf32, #tpu.memory_space<vmem>>) target_semaphore(%arg12 : memref<!tpu.dma_semaphore, #tpu.memory_space<semaphore_mem>>)
    %dma_start3A_171 = arith.constant 3 : i32
    %dma_start3A_172 = arith.constant 0 : i32
    %dma_start3A_173 = tpu.memref_slice %arg11[%dma_start3A_171, %dma_start3A_172] : memref<32x32xf32, #tpu.memory_space<vmem>> -> memref<1x32xf32, #tpu.memory_space<vmem>>
    %dma_start3A_174 = tpu.memref_squeeze %dma_start3A_173 : memref<1x32xf32, #tpu.memory_space<vmem>> -> memref<32xf32, #tpu.memory_space<vmem>>
    %dma_start3A_175 = arith.constant 0 : i32
    %dma_start3A_176 = tpu.memref_slice %arg4[%reduce_sum3A_157, %dma_start3A_175] : memref<100000x32xf32, #tpu.memory_space<hbm>> -> memref<1x32xf32, #tpu.memory_space<hbm>>
    %dma_start3A_177 = tpu.memref_squeeze %dma_start3A_176 : memref<1x32xf32, #tpu.memory_space<hbm>> -> memref<32xf32, #tpu.memory_space<hbm>>
    %dma_start3A_178 = arith.constant 0 : i32
    %dma_start3A_179 = tpu.memref_slice %arg11[%dma_start3A_171, %dma_start3A_178] : memref<32x32xf32, #tpu.memory_space<vmem>> -> memref<1x32xf32, #tpu.memory_space<vmem>>
    %dma_start3A_180 = tpu.memref_squeeze %dma_start3A_179 : memref<1x32xf32, #tpu.memory_space<vmem>> -> memref<32xf32, #tpu.memory_space<vmem>>
    %dma_start3A_181 = arith.constant 0 : i32
    %dma_start3A_182 = tpu.memref_slice %arg4[%reduce_sum3A_157, %dma_start3A_181] : memref<100000x32xf32, #tpu.memory_space<hbm>> -> memref<1x32xf32, #tpu.memory_space<hbm>>
    %dma_start3A_183 = tpu.memref_squeeze %dma_start3A_182 : memref<1x32xf32, #tpu.memory_space<hbm>> -> memref<32xf32, #tpu.memory_space<hbm>>
    tpu.enqueue_dma source(%dma_start3A_183 : memref<32xf32, #tpu.memory_space<hbm>>) target(%dma_start3A_180 : memref<32xf32, #tpu.memory_space<vmem>>) target_semaphore(%arg13 : memref<!tpu.dma_semaphore, #tpu.memory_space<semaphore_mem>>)
    %eq3A_184 = arith.constant 4 : i32
    %eq3A_185 = vector.broadcast %eq3A_184 : i32 to vector<16xi32>
    %eq3A_186 = arith.cmpi eq, %iota3A, %eq3A_185 : vector<16xi32>
    %jit3A_187 = arith.constant 0 : i32
    %broadcast_in_dim3A_188 = vector.broadcast %jit3A_187 : i32 to vector<16xi32>
    %select_n3A_189 = arith.select %eq3A_186, %get3A_3, %broadcast_in_dim3A_188 : vector<16xi1>, vector<16xi32>
    %reduce_sum3A_190 = arith.constant true
    %reduce_sum3A_191 = vector.broadcast %reduce_sum3A_190 : i1 to vector<16xi1>
    %reduce_sum3A_192 = tpu.scan <sum>, %select_n3A_189 masked %reduce_sum3A_191 : vector<16xi32>, vector<16xi1> -> vector<16xi32>
    %reduce_sum3A_193 = vector.extract %reduce_sum3A_192[15] : i32 from vector<16xi32>
    %eq3A_194 = arith.constant 4 : i32
    %eq3A_195 = vector.broadcast %eq3A_194 : i32 to vector<16xi32>
    %eq3A_196 = arith.cmpi eq, %iota3A, %eq3A_195 : vector<16xi32>
    %jit3A_197 = arith.constant 0 : i32
    %broadcast_in_dim3A_198 = vector.broadcast %jit3A_197 : i32 to vector<16xi32>
    %select_n3A_199 = arith.select %eq3A_196, %get3A_5, %broadcast_in_dim3A_198 : vector<16xi1>, vector<16xi32>
    %reduce_sum3A_200 = arith.constant true
    %reduce_sum3A_201 = vector.broadcast %reduce_sum3A_200 : i1 to vector<16xi1>
    %reduce_sum3A_202 = tpu.scan <sum>, %select_n3A_199 masked %reduce_sum3A_201 : vector<16xi32>, vector<16xi1> -> vector<16xi32>
    %reduce_sum3A_203 = vector.extract %reduce_sum3A_202[15] : i32 from vector<16xi32>
    %dma_start3A_204 = arith.constant 4 : i32
    %dma_start3A_205 = arith.constant 0 : i32
    %dma_start3A_206 = tpu.memref_slice %arg9[%dma_start3A_204, %dma_start3A_205] : memref<32x32xf32, #tpu.memory_space<vmem>> -> memref<1x32xf32, #tpu.memory_space<vmem>>
    %dma_start3A_207 = tpu.memref_squeeze %dma_start3A_206 : memref<1x32xf32, #tpu.memory_space<vmem>> -> memref<32xf32, #tpu.memory_space<vmem>>
    %dma_start3A_208 = arith.constant 0 : i32
    %dma_start3A_209 = tpu.memref_slice %arg2[%reduce_sum3A_193, %dma_start3A_208] : memref<1000000x32xf32, #tpu.memory_space<hbm>> -> memref<1x32xf32, #tpu.memory_space<hbm>>
    %dma_start3A_210 = tpu.memref_squeeze %dma_start3A_209 : memref<1x32xf32, #tpu.memory_space<hbm>> -> memref<32xf32, #tpu.memory_space<hbm>>
    %dma_start3A_211 = arith.constant 0 : i32
    %dma_start3A_212 = tpu.memref_slice %arg9[%dma_start3A_204, %dma_start3A_211] : memref<32x32xf32, #tpu.memory_space<vmem>> -> memref<1x32xf32, #tpu.memory_space<vmem>>
    %dma_start3A_213 = tpu.memref_squeeze %dma_start3A_212 : memref<1x32xf32, #tpu.memory_space<vmem>> -> memref<32xf32, #tpu.memory_space<vmem>>
    %dma_start3A_214 = arith.constant 0 : i32
    %dma_start3A_215 = tpu.memref_slice %arg2[%reduce_sum3A_193, %dma_start3A_214] : memref<1000000x32xf32, #tpu.memory_space<hbm>> -> memref<1x32xf32, #tpu.memory_space<hbm>>
    %dma_start3A_216 = tpu.memref_squeeze %dma_start3A_215 : memref<1x32xf32, #tpu.memory_space<hbm>> -> memref<32xf32, #tpu.memory_space<hbm>>
    tpu.enqueue_dma source(%dma_start3A_216 : memref<32xf32, #tpu.memory_space<hbm>>) target(%dma_start3A_213 : memref<32xf32, #tpu.memory_space<vmem>>) target_semaphore(%arg12 : memref<!tpu.dma_semaphore, #tpu.memory_space<semaphore_mem>>)
    %dma_start3A_217 = arith.constant 4 : i32
    %dma_start3A_218 = arith.constant 0 : i32
    %dma_start3A_219 = tpu.memref_slice %arg11[%dma_start3A_217, %dma_start3A_218] : memref<32x32xf32, #tpu.memory_space<vmem>> -> memref<1x32xf32, #tpu.memory_space<vmem>>
    %dma_start3A_220 = tpu.memref_squeeze %dma_start3A_219 : memref<1x32xf32, #tpu.memory_space<vmem>> -> memref<32xf32, #tpu.memory_space<vmem>>
    %dma_start3A_221 = arith.constant 0 : i32
    %dma_start3A_222 = tpu.memref_slice %arg4[%reduce_sum3A_203, %dma_start3A_221] : memref<100000x32xf32, #tpu.memory_space<hbm>> -> memref<1x32xf32, #tpu.memory_space<hbm>>
    %dma_start3A_223 = tpu.memref_squeeze %dma_start3A_222 : memref<1x32xf32, #tpu.memory_space<hbm>> -> memref<32xf32, #tpu.memory_space<hbm>>
    %dma_start3A_224 = arith.constant 0 : i32
    %dma_start3A_225 = tpu.memref_slice %arg11[%dma_start3A_217, %dma_start3A_224] : memref<32x32xf32, #tpu.memory_space<vmem>> -> memref<1x32xf32, #tpu.memory_space<vmem>>
    %dma_start3A_226 = tpu.memref_squeeze %dma_start3A_225 : memref<1x32xf32, #tpu.memory_space<vmem>> -> memref<32xf32, #tpu.memory_space<vmem>>
    %dma_start3A_227 = arith.constant 0 : i32
    %dma_start3A_228 = tpu.memref_slice %arg4[%reduce_sum3A_203, %dma_start3A_227] : memref<100000x32xf32, #tpu.memory_space<hbm>> -> memref<1x32xf32, #tpu.memory_space<hbm>>
    %dma_start3A_229 = tpu.memref_squeeze %dma_start3A_228 : memref<1x32xf32, #tpu.memory_space<hbm>> -> memref<32xf32, #tpu.memory_space<hbm>>
    tpu.enqueue_dma source(%dma_start3A_229 : memref<32xf32, #tpu.memory_space<hbm>>) target(%dma_start3A_226 : memref<32xf32, #tpu.memory_space<vmem>>) target_semaphore(%arg13 : memref<!tpu.dma_semaphore, #tpu.memory_space<semaphore_mem>>)
    %eq3A_230 = arith.constant 5 : i32
    %eq3A_231 = vector.broadcast %eq3A_230 : i32 to vector<16xi32>
    %eq3A_232 = arith.cmpi eq, %iota3A, %eq3A_231 : vector<16xi32>
    %jit3A_233 = arith.constant 0 : i32
    %broadcast_in_dim3A_234 = vector.broadcast %jit3A_233 : i32 to vector<16xi32>
    %select_n3A_235 = arith.select %eq3A_232, %get3A_3, %broadcast_in_dim3A_234 : vector<16xi1>, vector<16xi32>
    %reduce_sum3A_236 = arith.constant true
    %reduce_sum3A_237 = vector.broadcast %reduce_sum3A_236 : i1 to vector<16xi1>
    %reduce_sum3A_238 = tpu.scan <sum>, %select_n3A_235 masked %reduce_sum3A_237 : vector<16xi32>, vector<16xi1> -> vector<16xi32>
    %reduce_sum3A_239 = vector.extract %reduce_sum3A_238[15] : i32 from vector<16xi32>
    %eq3A_240 = arith.constant 5 : i32
    %eq3A_241 = vector.broadcast %eq3A_240 : i32 to vector<16xi32>
    %eq3A_242 = arith.cmpi eq, %iota3A, %eq3A_241 : vector<16xi32>
    %jit3A_243 = arith.constant 0 : i32
    %broadcast_in_dim3A_244 = vector.broadcast %jit3A_243 : i32 to vector<16xi32>
    %select_n3A_245 = arith.select %eq3A_242, %get3A_5, %broadcast_in_dim3A_244 : vector<16xi1>, vector<16xi32>
    %reduce_sum3A_246 = arith.constant true
    %reduce_sum3A_247 = vector.broadcast %reduce_sum3A_246 : i1 to vector<16xi1>
    %reduce_sum3A_248 = tpu.scan <sum>, %select_n3A_245 masked %reduce_sum3A_247 : vector<16xi32>, vector<16xi1> -> vector<16xi32>
    %reduce_sum3A_249 = vector.extract %reduce_sum3A_248[15] : i32 from vector<16xi32>
    %dma_start3A_250 = arith.constant 5 : i32
    %dma_start3A_251 = arith.constant 0 : i32
    %dma_start3A_252 = tpu.memref_slice %arg9[%dma_start3A_250, %dma_start3A_251] : memref<32x32xf32, #tpu.memory_space<vmem>> -> memref<1x32xf32, #tpu.memory_space<vmem>>
    %dma_start3A_253 = tpu.memref_squeeze %dma_start3A_252 : memref<1x32xf32, #tpu.memory_space<vmem>> -> memref<32xf32, #tpu.memory_space<vmem>>
    %dma_start3A_254 = arith.constant 0 : i32
    %dma_start3A_255 = tpu.memref_slice %arg2[%reduce_sum3A_239, %dma_start3A_254] : memref<1000000x32xf32, #tpu.memory_space<hbm>> -> memref<1x32xf32, #tpu.memory_space<hbm>>
    %dma_start3A_256 = tpu.memref_squeeze %dma_start3A_255 : memref<1x32xf32, #tpu.memory_space<hbm>> -> memref<32xf32, #tpu.memory_space<hbm>>
    %dma_start3A_257 = arith.constant 0 : i32
    %dma_start3A_258 = tpu.memref_slice %arg9[%dma_start3A_250, %dma_start3A_257] : memref<32x32xf32, #tpu.memory_space<vmem>> -> memref<1x32xf32, #tpu.memory_space<vmem>>
    %dma_start3A_259 = tpu.memref_squeeze %dma_start3A_258 : memref<1x32xf32, #tpu.memory_space<vmem>> -> memref<32xf32, #tpu.memory_space<vmem>>
    %dma_start3A_260 = arith.constant 0 : i32
    %dma_start3A_261 = tpu.memref_slice %arg2[%reduce_sum3A_239, %dma_start3A_260] : memref<1000000x32xf32, #tpu.memory_space<hbm>> -> memref<1x32xf32, #tpu.memory_space<hbm>>
    %dma_start3A_262 = tpu.memref_squeeze %dma_start3A_261 : memref<1x32xf32, #tpu.memory_space<hbm>> -> memref<32xf32, #tpu.memory_space<hbm>>
    tpu.enqueue_dma source(%dma_start3A_262 : memref<32xf32, #tpu.memory_space<hbm>>) target(%dma_start3A_259 : memref<32xf32, #tpu.memory_space<vmem>>) target_semaphore(%arg12 : memref<!tpu.dma_semaphore, #tpu.memory_space<semaphore_mem>>)
    %dma_start3A_263 = arith.constant 5 : i32
    %dma_start3A_264 = arith.constant 0 : i32
    %dma_start3A_265 = tpu.memref_slice %arg11[%dma_start3A_263, %dma_start3A_264] : memref<32x32xf32, #tpu.memory_space<vmem>> -> memref<1x32xf32, #tpu.memory_space<vmem>>
    %dma_start3A_266 = tpu.memref_squeeze %dma_start3A_265 : memref<1x32xf32, #tpu.memory_space<vmem>> -> memref<32xf32, #tpu.memory_space<vmem>>
    %dma_start3A_267 = arith.constant 0 : i32
    %dma_start3A_268 = tpu.memref_slice %arg4[%reduce_sum3A_249, %dma_start3A_267] : memref<100000x32xf32, #tpu.memory_space<hbm>> -> memref<1x32xf32, #tpu.memory_space<hbm>>
    %dma_start3A_269 = tpu.memref_squeeze %dma_start3A_268 : memref<1x32xf32, #tpu.memory_space<hbm>> -> memref<32xf32, #tpu.memory_space<hbm>>
    %dma_start3A_270 = arith.constant 0 : i32
    %dma_start3A_271 = tpu.memref_slice %arg11[%dma_start3A_263, %dma_start3A_270] : memref<32x32xf32, #tpu.memory_space<vmem>> -> memref<1x32xf32, #tpu.memory_space<vmem>>
    %dma_start3A_272 = tpu.memref_squeeze %dma_start3A_271 : memref<1x32xf32, #tpu.memory_space<vmem>> -> memref<32xf32, #tpu.memory_space<vmem>>
    %dma_start3A_273 = arith.constant 0 : i32
    %dma_start3A_274 = tpu.memref_slice %arg4[%reduce_sum3A_249, %dma_start3A_273] : memref<100000x32xf32, #tpu.memory_space<hbm>> -> memref<1x32xf32, #tpu.memory_space<hbm>>
    %dma_start3A_275 = tpu.memref_squeeze %dma_start3A_274 : memref<1x32xf32, #tpu.memory_space<hbm>> -> memref<32xf32, #tpu.memory_space<hbm>>
    tpu.enqueue_dma source(%dma_start3A_275 : memref<32xf32, #tpu.memory_space<hbm>>) target(%dma_start3A_272 : memref<32xf32, #tpu.memory_space<vmem>>) target_semaphore(%arg13 : memref<!tpu.dma_semaphore, #tpu.memory_space<semaphore_mem>>)
    %eq3A_276 = arith.constant 6 : i32
    %eq3A_277 = vector.broadcast %eq3A_276 : i32 to vector<16xi32>
    %eq3A_278 = arith.cmpi eq, %iota3A, %eq3A_277 : vector<16xi32>
    %jit3A_279 = arith.constant 0 : i32
    %broadcast_in_dim3A_280 = vector.broadcast %jit3A_279 : i32 to vector<16xi32>
    %select_n3A_281 = arith.select %eq3A_278, %get3A_3, %broadcast_in_dim3A_280 : vector<16xi1>, vector<16xi32>
    %reduce_sum3A_282 = arith.constant true
    %reduce_sum3A_283 = vector.broadcast %reduce_sum3A_282 : i1 to vector<16xi1>
    %reduce_sum3A_284 = tpu.scan <sum>, %select_n3A_281 masked %reduce_sum3A_283 : vector<16xi32>, vector<16xi1> -> vector<16xi32>
    %reduce_sum3A_285 = vector.extract %reduce_sum3A_284[15] : i32 from vector<16xi32>
    %eq3A_286 = arith.constant 6 : i32
    %eq3A_287 = vector.broadcast %eq3A_286 : i32 to vector<16xi32>
    %eq3A_288 = arith.cmpi eq, %iota3A, %eq3A_287 : vector<16xi32>
    %jit3A_289 = arith.constant 0 : i32
    %broadcast_in_dim3A_290 = vector.broadcast %jit3A_289 : i32 to vector<16xi32>
    %select_n3A_291 = arith.select %eq3A_288, %get3A_5, %broadcast_in_dim3A_290 : vector<16xi1>, vector<16xi32>
    %reduce_sum3A_292 = arith.constant true
    %reduce_sum3A_293 = vector.broadcast %reduce_sum3A_292 : i1 to vector<16xi1>
    %reduce_sum3A_294 = tpu.scan <sum>, %select_n3A_291 masked %reduce_sum3A_293 : vector<16xi32>, vector<16xi1> -> vector<16xi32>
    %reduce_sum3A_295 = vector.extract %reduce_sum3A_294[15] : i32 from vector<16xi32>
    %dma_start3A_296 = arith.constant 6 : i32
    %dma_start3A_297 = arith.constant 0 : i32
    %dma_start3A_298 = tpu.memref_slice %arg9[%dma_start3A_296, %dma_start3A_297] : memref<32x32xf32, #tpu.memory_space<vmem>> -> memref<1x32xf32, #tpu.memory_space<vmem>>
    %dma_start3A_299 = tpu.memref_squeeze %dma_start3A_298 : memref<1x32xf32, #tpu.memory_space<vmem>> -> memref<32xf32, #tpu.memory_space<vmem>>
    %dma_start3A_300 = arith.constant 0 : i32
    %dma_start3A_301 = tpu.memref_slice %arg2[%reduce_sum3A_285, %dma_start3A_300] : memref<1000000x32xf32, #tpu.memory_space<hbm>> -> memref<1x32xf32, #tpu.memory_space<hbm>>
    %dma_start3A_302 = tpu.memref_squeeze %dma_start3A_301 : memref<1x32xf32, #tpu.memory_space<hbm>> -> memref<32xf32, #tpu.memory_space<hbm>>
    %dma_start3A_303 = arith.constant 0 : i32
    %dma_start3A_304 = tpu.memref_slice %arg9[%dma_start3A_296, %dma_start3A_303] : memref<32x32xf32, #tpu.memory_space<vmem>> -> memref<1x32xf32, #tpu.memory_space<vmem>>
    %dma_start3A_305 = tpu.memref_squeeze %dma_start3A_304 : memref<1x32xf32, #tpu.memory_space<vmem>> -> memref<32xf32, #tpu.memory_space<vmem>>
    %dma_start3A_306 = arith.constant 0 : i32
    %dma_start3A_307 = tpu.memref_slice %arg2[%reduce_sum3A_285, %dma_start3A_306] : memref<1000000x32xf32, #tpu.memory_space<hbm>> -> memref<1x32xf32, #tpu.memory_space<hbm>>
    %dma_start3A_308 = tpu.memref_squeeze %dma_start3A_307 : memref<1x32xf32, #tpu.memory_space<hbm>> -> memref<32xf32, #tpu.memory_space<hbm>>
    tpu.enqueue_dma source(%dma_start3A_308 : memref<32xf32, #tpu.memory_space<hbm>>) target(%dma_start3A_305 : memref<32xf32, #tpu.memory_space<vmem>>) target_semaphore(%arg12 : memref<!tpu.dma_semaphore, #tpu.memory_space<semaphore_mem>>)
    %dma_start3A_309 = arith.constant 6 : i32
    %dma_start3A_310 = arith.constant 0 : i32
    %dma_start3A_311 = tpu.memref_slice %arg11[%dma_start3A_309, %dma_start3A_310] : memref<32x32xf32, #tpu.memory_space<vmem>> -> memref<1x32xf32, #tpu.memory_space<vmem>>
    %dma_start3A_312 = tpu.memref_squeeze %dma_start3A_311 : memref<1x32xf32, #tpu.memory_space<vmem>> -> memref<32xf32, #tpu.memory_space<vmem>>
    %dma_start3A_313 = arith.constant 0 : i32
    %dma_start3A_314 = tpu.memref_slice %arg4[%reduce_sum3A_295, %dma_start3A_313] : memref<100000x32xf32, #tpu.memory_space<hbm>> -> memref<1x32xf32, #tpu.memory_space<hbm>>
    %dma_start3A_315 = tpu.memref_squeeze %dma_start3A_314 : memref<1x32xf32, #tpu.memory_space<hbm>> -> memref<32xf32, #tpu.memory_space<hbm>>
    %dma_start3A_316 = arith.constant 0 : i32
    %dma_start3A_317 = tpu.memref_slice %arg11[%dma_start3A_309, %dma_start3A_316] : memref<32x32xf32, #tpu.memory_space<vmem>> -> memref<1x32xf32, #tpu.memory_space<vmem>>
    %dma_start3A_318 = tpu.memref_squeeze %dma_start3A_317 : memref<1x32xf32, #tpu.memory_space<vmem>> -> memref<32xf32, #tpu.memory_space<vmem>>
    %dma_start3A_319 = arith.constant 0 : i32
    %dma_start3A_320 = tpu.memref_slice %arg4[%reduce_sum3A_295, %dma_start3A_319] : memref<100000x32xf32, #tpu.memory_space<hbm>> -> memref<1x32xf32, #tpu.memory_space<hbm>>
    %dma_start3A_321 = tpu.memref_squeeze %dma_start3A_320 : memref<1x32xf32, #tpu.memory_space<hbm>> -> memref<32xf32, #tpu.memory_space<hbm>>
    tpu.enqueue_dma source(%dma_start3A_321 : memref<32xf32, #tpu.memory_space<hbm>>) target(%dma_start3A_318 : memref<32xf32, #tpu.memory_space<vmem>>) target_semaphore(%arg13 : memref<!tpu.dma_semaphore, #tpu.memory_space<semaphore_mem>>)
    %eq3A_322 = arith.constant 7 : i32
    %eq3A_323 = vector.broadcast %eq3A_322 : i32 to vector<16xi32>
    %eq3A_324 = arith.cmpi eq, %iota3A, %eq3A_323 : vector<16xi32>
    %jit3A_325 = arith.constant 0 : i32
    %broadcast_in_dim3A_326 = vector.broadcast %jit3A_325 : i32 to vector<16xi32>
    %select_n3A_327 = arith.select %eq3A_324, %get3A_3, %broadcast_in_dim3A_326 : vector<16xi1>, vector<16xi32>
    %reduce_sum3A_328 = arith.constant true
    %reduce_sum3A_329 = vector.broadcast %reduce_sum3A_328 : i1 to vector<16xi1>
    %reduce_sum3A_330 = tpu.scan <sum>, %select_n3A_327 masked %reduce_sum3A_329 : vector<16xi32>, vector<16xi1> -> vector<16xi32>
    %reduce_sum3A_331 = vector.extract %reduce_sum3A_330[15] : i32 from vector<16xi32>
    %eq3A_332 = arith.constant 7 : i32
    %eq3A_333 = vector.broadcast %eq3A_332 : i32 to vector<16xi32>
    %eq3A_334 = arith.cmpi eq, %iota3A, %eq3A_333 : vector<16xi32>
    %jit3A_335 = arith.constant 0 : i32
    %broadcast_in_dim3A_336 = vector.broadcast %jit3A_335 : i32 to vector<16xi32>
    %select_n3A_337 = arith.select %eq3A_334, %get3A_5, %broadcast_in_dim3A_336 : vector<16xi1>, vector<16xi32>
    %reduce_sum3A_338 = arith.constant true
    %reduce_sum3A_339 = vector.broadcast %reduce_sum3A_338 : i1 to vector<16xi1>
    %reduce_sum3A_340 = tpu.scan <sum>, %select_n3A_337 masked %reduce_sum3A_339 : vector<16xi32>, vector<16xi1> -> vector<16xi32>
    %reduce_sum3A_341 = vector.extract %reduce_sum3A_340[15] : i32 from vector<16xi32>
    %dma_start3A_342 = arith.constant 7 : i32
    %dma_start3A_343 = arith.constant 0 : i32
    %dma_start3A_344 = tpu.memref_slice %arg9[%dma_start3A_342, %dma_start3A_343] : memref<32x32xf32, #tpu.memory_space<vmem>> -> memref<1x32xf32, #tpu.memory_space<vmem>>
    %dma_start3A_345 = tpu.memref_squeeze %dma_start3A_344 : memref<1x32xf32, #tpu.memory_space<vmem>> -> memref<32xf32, #tpu.memory_space<vmem>>
    %dma_start3A_346 = arith.constant 0 : i32
    %dma_start3A_347 = tpu.memref_slice %arg2[%reduce_sum3A_331, %dma_start3A_346] : memref<1000000x32xf32, #tpu.memory_space<hbm>> -> memref<1x32xf32, #tpu.memory_space<hbm>>
    %dma_start3A_348 = tpu.memref_squeeze %dma_start3A_347 : memref<1x32xf32, #tpu.memory_space<hbm>> -> memref<32xf32, #tpu.memory_space<hbm>>
    %dma_start3A_349 = arith.constant 0 : i32
    %dma_start3A_350 = tpu.memref_slice %arg9[%dma_start3A_342, %dma_start3A_349] : memref<32x32xf32, #tpu.memory_space<vmem>> -> memref<1x32xf32, #tpu.memory_space<vmem>>
    %dma_start3A_351 = tpu.memref_squeeze %dma_start3A_350 : memref<1x32xf32, #tpu.memory_space<vmem>> -> memref<32xf32, #tpu.memory_space<vmem>>
    %dma_start3A_352 = arith.constant 0 : i32
    %dma_start3A_353 = tpu.memref_slice %arg2[%reduce_sum3A_331, %dma_start3A_352] : memref<1000000x32xf32, #tpu.memory_space<hbm>> -> memref<1x32xf32, #tpu.memory_space<hbm>>
    %dma_start3A_354 = tpu.memref_squeeze %dma_start3A_353 : memref<1x32xf32, #tpu.memory_space<hbm>> -> memref<32xf32, #tpu.memory_space<hbm>>
    tpu.enqueue_dma source(%dma_start3A_354 : memref<32xf32, #tpu.memory_space<hbm>>) target(%dma_start3A_351 : memref<32xf32, #tpu.memory_space<vmem>>) target_semaphore(%arg12 : memref<!tpu.dma_semaphore, #tpu.memory_space<semaphore_mem>>)
    %dma_start3A_355 = arith.constant 7 : i32
    %dma_start3A_356 = arith.constant 0 : i32
    %dma_start3A_357 = tpu.memref_slice %arg11[%dma_start3A_355, %dma_start3A_356] : memref<32x32xf32, #tpu.memory_space<vmem>> -> memref<1x32xf32, #tpu.memory_space<vmem>>
    %dma_start3A_358 = tpu.memref_squeeze %dma_start3A_357 : memref<1x32xf32, #tpu.memory_space<vmem>> -> memref<32xf32, #tpu.memory_space<vmem>>
    %dma_start3A_359 = arith.constant 0 : i32
    %dma_start3A_360 = tpu.memref_slice %arg4[%reduce_sum3A_341, %dma_start3A_359] : memref<100000x32xf32, #tpu.memory_space<hbm>> -> memref<1x32xf32, #tpu.memory_space<hbm>>
    %dma_start3A_361 = tpu.memref_squeeze %dma_start3A_360 : memref<1x32xf32, #tpu.memory_space<hbm>> -> memref<32xf32, #tpu.memory_space<hbm>>
    %dma_start3A_362 = arith.constant 0 : i32
    %dma_start3A_363 = tpu.memref_slice %arg11[%dma_start3A_355, %dma_start3A_362] : memref<32x32xf32, #tpu.memory_space<vmem>> -> memref<1x32xf32, #tpu.memory_space<vmem>>
    %dma_start3A_364 = tpu.memref_squeeze %dma_start3A_363 : memref<1x32xf32, #tpu.memory_space<vmem>> -> memref<32xf32, #tpu.memory_space<vmem>>
    %dma_start3A_365 = arith.constant 0 : i32
    %dma_start3A_366 = tpu.memref_slice %arg4[%reduce_sum3A_341, %dma_start3A_365] : memref<100000x32xf32, #tpu.memory_space<hbm>> -> memref<1x32xf32, #tpu.memory_space<hbm>>
    %dma_start3A_367 = tpu.memref_squeeze %dma_start3A_366 : memref<1x32xf32, #tpu.memory_space<hbm>> -> memref<32xf32, #tpu.memory_space<hbm>>
    tpu.enqueue_dma source(%dma_start3A_367 : memref<32xf32, #tpu.memory_space<hbm>>) target(%dma_start3A_364 : memref<32xf32, #tpu.memory_space<vmem>>) target_semaphore(%arg13 : memref<!tpu.dma_semaphore, #tpu.memory_space<semaphore_mem>>)
    %eq3A_368 = arith.constant 8 : i32
    %eq3A_369 = vector.broadcast %eq3A_368 : i32 to vector<16xi32>
    %eq3A_370 = arith.cmpi eq, %iota3A, %eq3A_369 : vector<16xi32>
    %jit3A_371 = arith.constant 0 : i32
    %broadcast_in_dim3A_372 = vector.broadcast %jit3A_371 : i32 to vector<16xi32>
    %select_n3A_373 = arith.select %eq3A_370, %get3A_3, %broadcast_in_dim3A_372 : vector<16xi1>, vector<16xi32>
    %reduce_sum3A_374 = arith.constant true
    %reduce_sum3A_375 = vector.broadcast %reduce_sum3A_374 : i1 to vector<16xi1>
    %reduce_sum3A_376 = tpu.scan <sum>, %select_n3A_373 masked %reduce_sum3A_375 : vector<16xi32>, vector<16xi1> -> vector<16xi32>
    %reduce_sum3A_377 = vector.extract %reduce_sum3A_376[15] : i32 from vector<16xi32>
    %eq3A_378 = arith.constant 8 : i32
    %eq3A_379 = vector.broadcast %eq3A_378 : i32 to vector<16xi32>
    %eq3A_380 = arith.cmpi eq, %iota3A, %eq3A_379 : vector<16xi32>
    %jit3A_381 = arith.constant 0 : i32
    %broadcast_in_dim3A_382 = vector.broadcast %jit3A_381 : i32 to vector<16xi32>
    %select_n3A_383 = arith.select %eq3A_380, %get3A_5, %broadcast_in_dim3A_382 : vector<16xi1>, vector<16xi32>
    %reduce_sum3A_384 = arith.constant true
    %reduce_sum3A_385 = vector.broadcast %reduce_sum3A_384 : i1 to vector<16xi1>
    %reduce_sum3A_386 = tpu.scan <sum>, %select_n3A_383 masked %reduce_sum3A_385 : vector<16xi32>, vector<16xi1> -> vector<16xi32>
    %reduce_sum3A_387 = vector.extract %reduce_sum3A_386[15] : i32 from vector<16xi32>
    %dma_start3A_388 = arith.constant 8 : i32
    %dma_start3A_389 = arith.constant 0 : i32
    %dma_start3A_390 = tpu.memref_slice %arg9[%dma_start3A_388, %dma_start3A_389] : memref<32x32xf32, #tpu.memory_space<vmem>> -> memref<1x32xf32, #tpu.memory_space<vmem>>
    %dma_start3A_391 = tpu.memref_squeeze %dma_start3A_390 : memref<1x32xf32, #tpu.memory_space<vmem>> -> memref<32xf32, #tpu.memory_space<vmem>>
    %dma_start3A_392 = arith.constant 0 : i32
    %dma_start3A_393 = tpu.memref_slice %arg2[%reduce_sum3A_377, %dma_start3A_392] : memref<1000000x32xf32, #tpu.memory_space<hbm>> -> memref<1x32xf32, #tpu.memory_space<hbm>>
    %dma_start3A_394 = tpu.memref_squeeze %dma_start3A_393 : memref<1x32xf32, #tpu.memory_space<hbm>> -> memref<32xf32, #tpu.memory_space<hbm>>
    %dma_start3A_395 = arith.constant 0 : i32
    %dma_start3A_396 = tpu.memref_slice %arg9[%dma_start3A_388, %dma_start3A_395] : memref<32x32xf32, #tpu.memory_space<vmem>> -> memref<1x32xf32, #tpu.memory_space<vmem>>
    %dma_start3A_397 = tpu.memref_squeeze %dma_start3A_396 : memref<1x32xf32, #tpu.memory_space<vmem>> -> memref<32xf32, #tpu.memory_space<vmem>>
    %dma_start3A_398 = arith.constant 0 : i32
    %dma_start3A_399 = tpu.memref_slice %arg2[%reduce_sum3A_377, %dma_start3A_398] : memref<1000000x32xf32, #tpu.memory_space<hbm>> -> memref<1x32xf32, #tpu.memory_space<hbm>>
    %dma_start3A_400 = tpu.memref_squeeze %dma_start3A_399 : memref<1x32xf32, #tpu.memory_space<hbm>> -> memref<32xf32, #tpu.memory_space<hbm>>
    tpu.enqueue_dma source(%dma_start3A_400 : memref<32xf32, #tpu.memory_space<hbm>>) target(%dma_start3A_397 : memref<32xf32, #tpu.memory_space<vmem>>) target_semaphore(%arg12 : memref<!tpu.dma_semaphore, #tpu.memory_space<semaphore_mem>>)
    %dma_start3A_401 = arith.constant 8 : i32
    %dma_start3A_402 = arith.constant 0 : i32
    %dma_start3A_403 = tpu.memref_slice %arg11[%dma_start3A_401, %dma_start3A_402] : memref<32x32xf32, #tpu.memory_space<vmem>> -> memref<1x32xf32, #tpu.memory_space<vmem>>
    %dma_start3A_404 = tpu.memref_squeeze %dma_start3A_403 : memref<1x32xf32, #tpu.memory_space<vmem>> -> memref<32xf32, #tpu.memory_space<vmem>>
    %dma_start3A_405 = arith.constant 0 : i32
    %dma_start3A_406 = tpu.memref_slice %arg4[%reduce_sum3A_387, %dma_start3A_405] : memref<100000x32xf32, #tpu.memory_space<hbm>> -> memref<1x32xf32, #tpu.memory_space<hbm>>
    %dma_start3A_407 = tpu.memref_squeeze %dma_start3A_406 : memref<1x32xf32, #tpu.memory_space<hbm>> -> memref<32xf32, #tpu.memory_space<hbm>>
    %dma_start3A_408 = arith.constant 0 : i32
    %dma_start3A_409 = tpu.memref_slice %arg11[%dma_start3A_401, %dma_start3A_408] : memref<32x32xf32, #tpu.memory_space<vmem>> -> memref<1x32xf32, #tpu.memory_space<vmem>>
    %dma_start3A_410 = tpu.memref_squeeze %dma_start3A_409 : memref<1x32xf32, #tpu.memory_space<vmem>> -> memref<32xf32, #tpu.memory_space<vmem>>
    %dma_start3A_411 = arith.constant 0 : i32
    %dma_start3A_412 = tpu.memref_slice %arg4[%reduce_sum3A_387, %dma_start3A_411] : memref<100000x32xf32, #tpu.memory_space<hbm>> -> memref<1x32xf32, #tpu.memory_space<hbm>>
    %dma_start3A_413 = tpu.memref_squeeze %dma_start3A_412 : memref<1x32xf32, #tpu.memory_space<hbm>> -> memref<32xf32, #tpu.memory_space<hbm>>
    tpu.enqueue_dma source(%dma_start3A_413 : memref<32xf32, #tpu.memory_space<hbm>>) target(%dma_start3A_410 : memref<32xf32, #tpu.memory_space<vmem>>) target_semaphore(%arg13 : memref<!tpu.dma_semaphore, #tpu.memory_space<semaphore_mem>>)
    %eq3A_414 = arith.constant 9 : i32
    %eq3A_415 = vector.broadcast %eq3A_414 : i32 to vector<16xi32>
    %eq3A_416 = arith.cmpi eq, %iota3A, %eq3A_415 : vector<16xi32>
    %jit3A_417 = arith.constant 0 : i32
    %broadcast_in_dim3A_418 = vector.broadcast %jit3A_417 : i32 to vector<16xi32>
    %select_n3A_419 = arith.select %eq3A_416, %get3A_3, %broadcast_in_dim3A_418 : vector<16xi1>, vector<16xi32>
    %reduce_sum3A_420 = arith.constant true
    %reduce_sum3A_421 = vector.broadcast %reduce_sum3A_420 : i1 to vector<16xi1>
    %reduce_sum3A_422 = tpu.scan <sum>, %select_n3A_419 masked %reduce_sum3A_421 : vector<16xi32>, vector<16xi1> -> vector<16xi32>
    %reduce_sum3A_423 = vector.extract %reduce_sum3A_422[15] : i32 from vector<16xi32>
    %eq3A_424 = arith.constant 9 : i32
    %eq3A_425 = vector.broadcast %eq3A_424 : i32 to vector<16xi32>
    %eq3A_426 = arith.cmpi eq, %iota3A, %eq3A_425 : vector<16xi32>
    %jit3A_427 = arith.constant 0 : i32
    %broadcast_in_dim3A_428 = vector.broadcast %jit3A_427 : i32 to vector<16xi32>
    %select_n3A_429 = arith.select %eq3A_426, %get3A_5, %broadcast_in_dim3A_428 : vector<16xi1>, vector<16xi32>
    %reduce_sum3A_430 = arith.constant true
    %reduce_sum3A_431 = vector.broadcast %reduce_sum3A_430 : i1 to vector<16xi1>
    %reduce_sum3A_432 = tpu.scan <sum>, %select_n3A_429 masked %reduce_sum3A_431 : vector<16xi32>, vector<16xi1> -> vector<16xi32>
    %reduce_sum3A_433 = vector.extract %reduce_sum3A_432[15] : i32 from vector<16xi32>
    %dma_start3A_434 = arith.constant 9 : i32
    %dma_start3A_435 = arith.constant 0 : i32
    %dma_start3A_436 = tpu.memref_slice %arg9[%dma_start3A_434, %dma_start3A_435] : memref<32x32xf32, #tpu.memory_space<vmem>> -> memref<1x32xf32, #tpu.memory_space<vmem>>
    %dma_start3A_437 = tpu.memref_squeeze %dma_start3A_436 : memref<1x32xf32, #tpu.memory_space<vmem>> -> memref<32xf32, #tpu.memory_space<vmem>>
    %dma_start3A_438 = arith.constant 0 : i32
    %dma_start3A_439 = tpu.memref_slice %arg2[%reduce_sum3A_423, %dma_start3A_438] : memref<1000000x32xf32, #tpu.memory_space<hbm>> -> memref<1x32xf32, #tpu.memory_space<hbm>>
    %dma_start3A_440 = tpu.memref_squeeze %dma_start3A_439 : memref<1x32xf32, #tpu.memory_space<hbm>> -> memref<32xf32, #tpu.memory_space<hbm>>
    %dma_start3A_441 = arith.constant 0 : i32
    %dma_start3A_442 = tpu.memref_slice %arg9[%dma_start3A_434, %dma_start3A_441] : memref<32x32xf32, #tpu.memory_space<vmem>> -> memref<1x32xf32, #tpu.memory_space<vmem>>
    %dma_start3A_443 = tpu.memref_squeeze %dma_start3A_442 : memref<1x32xf32, #tpu.memory_space<vmem>> -> memref<32xf32, #tpu.memory_space<vmem>>
    %dma_start3A_444 = arith.constant 0 : i32
    %dma_start3A_445 = tpu.memref_slice %arg2[%reduce_sum3A_423, %dma_start3A_444] : memref<1000000x32xf32, #tpu.memory_space<hbm>> -> memref<1x32xf32, #tpu.memory_space<hbm>>
    %dma_start3A_446 = tpu.memref_squeeze %dma_start3A_445 : memref<1x32xf32, #tpu.memory_space<hbm>> -> memref<32xf32, #tpu.memory_space<hbm>>
    tpu.enqueue_dma source(%dma_start3A_446 : memref<32xf32, #tpu.memory_space<hbm>>) target(%dma_start3A_443 : memref<32xf32, #tpu.memory_space<vmem>>) target_semaphore(%arg12 : memref<!tpu.dma_semaphore, #tpu.memory_space<semaphore_mem>>)
    %dma_start3A_447 = arith.constant 9 : i32
    %dma_start3A_448 = arith.constant 0 : i32
    %dma_start3A_449 = tpu.memref_slice %arg11[%dma_start3A_447, %dma_start3A_448] : memref<32x32xf32, #tpu.memory_space<vmem>> -> memref<1x32xf32, #tpu.memory_space<vmem>>
    %dma_start3A_450 = tpu.memref_squeeze %dma_start3A_449 : memref<1x32xf32, #tpu.memory_space<vmem>> -> memref<32xf32, #tpu.memory_space<vmem>>
    %dma_start3A_451 = arith.constant 0 : i32
    %dma_start3A_452 = tpu.memref_slice %arg4[%reduce_sum3A_433, %dma_start3A_451] : memref<100000x32xf32, #tpu.memory_space<hbm>> -> memref<1x32xf32, #tpu.memory_space<hbm>>
    %dma_start3A_453 = tpu.memref_squeeze %dma_start3A_452 : memref<1x32xf32, #tpu.memory_space<hbm>> -> memref<32xf32, #tpu.memory_space<hbm>>
    %dma_start3A_454 = arith.constant 0 : i32
    %dma_start3A_455 = tpu.memref_slice %arg11[%dma_start3A_447, %dma_start3A_454] : memref<32x32xf32, #tpu.memory_space<vmem>> -> memref<1x32xf32, #tpu.memory_space<vmem>>
    %dma_start3A_456 = tpu.memref_squeeze %dma_start3A_455 : memref<1x32xf32, #tpu.memory_space<vmem>> -> memref<32xf32, #tpu.memory_space<vmem>>
    %dma_start3A_457 = arith.constant 0 : i32
    %dma_start3A_458 = tpu.memref_slice %arg4[%reduce_sum3A_433, %dma_start3A_457] : memref<100000x32xf32, #tpu.memory_space<hbm>> -> memref<1x32xf32, #tpu.memory_space<hbm>>
    %dma_start3A_459 = tpu.memref_squeeze %dma_start3A_458 : memref<1x32xf32, #tpu.memory_space<hbm>> -> memref<32xf32, #tpu.memory_space<hbm>>
    tpu.enqueue_dma source(%dma_start3A_459 : memref<32xf32, #tpu.memory_space<hbm>>) target(%dma_start3A_456 : memref<32xf32, #tpu.memory_space<vmem>>) target_semaphore(%arg13 : memref<!tpu.dma_semaphore, #tpu.memory_space<semaphore_mem>>)
    %eq3A_460 = arith.constant 10 : i32
    %eq3A_461 = vector.broadcast %eq3A_460 : i32 to vector<16xi32>
    %eq3A_462 = arith.cmpi eq, %iota3A, %eq3A_461 : vector<16xi32>
    %jit3A_463 = arith.constant 0 : i32
    %broadcast_in_dim3A_464 = vector.broadcast %jit3A_463 : i32 to vector<16xi32>
    %select_n3A_465 = arith.select %eq3A_462, %get3A_3, %broadcast_in_dim3A_464 : vector<16xi1>, vector<16xi32>
    %reduce_sum3A_466 = arith.constant true
    %reduce_sum3A_467 = vector.broadcast %reduce_sum3A_466 : i1 to vector<16xi1>
    %reduce_sum3A_468 = tpu.scan <sum>, %select_n3A_465 masked %reduce_sum3A_467 : vector<16xi32>, vector<16xi1> -> vector<16xi32>
    %reduce_sum3A_469 = vector.extract %reduce_sum3A_468[15] : i32 from vector<16xi32>
    %eq3A_470 = arith.constant 10 : i32
    %eq3A_471 = vector.broadcast %eq3A_470 : i32 to vector<16xi32>
    %eq3A_472 = arith.cmpi eq, %iota3A, %eq3A_471 : vector<16xi32>
    %jit3A_473 = arith.constant 0 : i32
    %broadcast_in_dim3A_474 = vector.broadcast %jit3A_473 : i32 to vector<16xi32>
    %select_n3A_475 = arith.select %eq3A_472, %get3A_5, %broadcast_in_dim3A_474 : vector<16xi1>, vector<16xi32>
    %reduce_sum3A_476 = arith.constant true
    %reduce_sum3A_477 = vector.broadcast %reduce_sum3A_476 : i1 to vector<16xi1>
    %reduce_sum3A_478 = tpu.scan <sum>, %select_n3A_475 masked %reduce_sum3A_477 : vector<16xi32>, vector<16xi1> -> vector<16xi32>
    %reduce_sum3A_479 = vector.extract %reduce_sum3A_478[15] : i32 from vector<16xi32>
    %dma_start3A_480 = arith.constant 10 : i32
    %dma_start3A_481 = arith.constant 0 : i32
    %dma_start3A_482 = tpu.memref_slice %arg9[%dma_start3A_480, %dma_start3A_481] : memref<32x32xf32, #tpu.memory_space<vmem>> -> memref<1x32xf32, #tpu.memory_space<vmem>>
    %dma_start3A_483 = tpu.memref_squeeze %dma_start3A_482 : memref<1x32xf32, #tpu.memory_space<vmem>> -> memref<32xf32, #tpu.memory_space<vmem>>
    %dma_start3A_484 = arith.constant 0 : i32
    %dma_start3A_485 = tpu.memref_slice %arg2[%reduce_sum3A_469, %dma_start3A_484] : memref<1000000x32xf32, #tpu.memory_space<hbm>> -> memref<1x32xf32, #tpu.memory_space<hbm>>
    %dma_start3A_486 = tpu.memref_squeeze %dma_start3A_485 : memref<1x32xf32, #tpu.memory_space<hbm>> -> memref<32xf32, #tpu.memory_space<hbm>>
    %dma_start3A_487 = arith.constant 0 : i32
    %dma_start3A_488 = tpu.memref_slice %arg9[%dma_start3A_480, %dma_start3A_487] : memref<32x32xf32, #tpu.memory_space<vmem>> -> memref<1x32xf32, #tpu.memory_space<vmem>>
    %dma_start3A_489 = tpu.memref_squeeze %dma_start3A_488 : memref<1x32xf32, #tpu.memory_space<vmem>> -> memref<32xf32, #tpu.memory_space<vmem>>
    %dma_start3A_490 = arith.constant 0 : i32
    %dma_start3A_491 = tpu.memref_slice %arg2[%reduce_sum3A_469, %dma_start3A_490] : memref<1000000x32xf32, #tpu.memory_space<hbm>> -> memref<1x32xf32, #tpu.memory_space<hbm>>
    %dma_start3A_492 = tpu.memref_squeeze %dma_start3A_491 : memref<1x32xf32, #tpu.memory_space<hbm>> -> memref<32xf32, #tpu.memory_space<hbm>>
    tpu.enqueue_dma source(%dma_start3A_492 : memref<32xf32, #tpu.memory_space<hbm>>) target(%dma_start3A_489 : memref<32xf32, #tpu.memory_space<vmem>>) target_semaphore(%arg12 : memref<!tpu.dma_semaphore, #tpu.memory_space<semaphore_mem>>)
    %dma_start3A_493 = arith.constant 10 : i32
    %dma_start3A_494 = arith.constant 0 : i32
    %dma_start3A_495 = tpu.memref_slice %arg11[%dma_start3A_493, %dma_start3A_494] : memref<32x32xf32, #tpu.memory_space<vmem>> -> memref<1x32xf32, #tpu.memory_space<vmem>>
    %dma_start3A_496 = tpu.memref_squeeze %dma_start3A_495 : memref<1x32xf32, #tpu.memory_space<vmem>> -> memref<32xf32, #tpu.memory_space<vmem>>
    %dma_start3A_497 = arith.constant 0 : i32
    %dma_start3A_498 = tpu.memref_slice %arg4[%reduce_sum3A_479, %dma_start3A_497] : memref<100000x32xf32, #tpu.memory_space<hbm>> -> memref<1x32xf32, #tpu.memory_space<hbm>>
    %dma_start3A_499 = tpu.memref_squeeze %dma_start3A_498 : memref<1x32xf32, #tpu.memory_space<hbm>> -> memref<32xf32, #tpu.memory_space<hbm>>
    %dma_start3A_500 = arith.constant 0 : i32
    %dma_start3A_501 = tpu.memref_slice %arg11[%dma_start3A_493, %dma_start3A_500] : memref<32x32xf32, #tpu.memory_space<vmem>> -> memref<1x32xf32, #tpu.memory_space<vmem>>
    %dma_start3A_502 = tpu.memref_squeeze %dma_start3A_501 : memref<1x32xf32, #tpu.memory_space<vmem>> -> memref<32xf32, #tpu.memory_space<vmem>>
    %dma_start3A_503 = arith.constant 0 : i32
    %dma_start3A_504 = tpu.memref_slice %arg4[%reduce_sum3A_479, %dma_start3A_503] : memref<100000x32xf32, #tpu.memory_space<hbm>> -> memref<1x32xf32, #tpu.memory_space<hbm>>
    %dma_start3A_505 = tpu.memref_squeeze %dma_start3A_504 : memref<1x32xf32, #tpu.memory_space<hbm>> -> memref<32xf32, #tpu.memory_space<hbm>>
    tpu.enqueue_dma source(%dma_start3A_505 : memref<32xf32, #tpu.memory_space<hbm>>) target(%dma_start3A_502 : memref<32xf32, #tpu.memory_space<vmem>>) target_semaphore(%arg13 : memref<!tpu.dma_semaphore, #tpu.memory_space<semaphore_mem>>)
    %eq3A_506 = arith.constant 11 : i32
    %eq3A_507 = vector.broadcast %eq3A_506 : i32 to vector<16xi32>
    %eq3A_508 = arith.cmpi eq, %iota3A, %eq3A_507 : vector<16xi32>
    %jit3A_509 = arith.constant 0 : i32
    %broadcast_in_dim3A_510 = vector.broadcast %jit3A_509 : i32 to vector<16xi32>
    %select_n3A_511 = arith.select %eq3A_508, %get3A_3, %broadcast_in_dim3A_510 : vector<16xi1>, vector<16xi32>
    %reduce_sum3A_512 = arith.constant true
    %reduce_sum3A_513 = vector.broadcast %reduce_sum3A_512 : i1 to vector<16xi1>
    %reduce_sum3A_514 = tpu.scan <sum>, %select_n3A_511 masked %reduce_sum3A_513 : vector<16xi32>, vector<16xi1> -> vector<16xi32>
    %reduce_sum3A_515 = vector.extract %reduce_sum3A_514[15] : i32 from vector<16xi32>
    %eq3A_516 = arith.constant 11 : i32
    %eq3A_517 = vector.broadcast %eq3A_516 : i32 to vector<16xi32>
    %eq3A_518 = arith.cmpi eq, %iota3A, %eq3A_517 : vector<16xi32>
    %jit3A_519 = arith.constant 0 : i32
    %broadcast_in_dim3A_520 = vector.broadcast %jit3A_519 : i32 to vector<16xi32>
    %select_n3A_521 = arith.select %eq3A_518, %get3A_5, %broadcast_in_dim3A_520 : vector<16xi1>, vector<16xi32>
    %reduce_sum3A_522 = arith.constant true
    %reduce_sum3A_523 = vector.broadcast %reduce_sum3A_522 : i1 to vector<16xi1>
    %reduce_sum3A_524 = tpu.scan <sum>, %select_n3A_521 masked %reduce_sum3A_523 : vector<16xi32>, vector<16xi1> -> vector<16xi32>
    %reduce_sum3A_525 = vector.extract %reduce_sum3A_524[15] : i32 from vector<16xi32>
    %dma_start3A_526 = arith.constant 11 : i32
    %dma_start3A_527 = arith.constant 0 : i32
    %dma_start3A_528 = tpu.memref_slice %arg9[%dma_start3A_526, %dma_start3A_527] : memref<32x32xf32, #tpu.memory_space<vmem>> -> memref<1x32xf32, #tpu.memory_space<vmem>>
    %dma_start3A_529 = tpu.memref_squeeze %dma_start3A_528 : memref<1x32xf32, #tpu.memory_space<vmem>> -> memref<32xf32, #tpu.memory_space<vmem>>
    %dma_start3A_530 = arith.constant 0 : i32
    %dma_start3A_531 = tpu.memref_slice %arg2[%reduce_sum3A_515, %dma_start3A_530] : memref<1000000x32xf32, #tpu.memory_space<hbm>> -> memref<1x32xf32, #tpu.memory_space<hbm>>
    %dma_start3A_532 = tpu.memref_squeeze %dma_start3A_531 : memref<1x32xf32, #tpu.memory_space<hbm>> -> memref<32xf32, #tpu.memory_space<hbm>>
    %dma_start3A_533 = arith.constant 0 : i32
    %dma_start3A_534 = tpu.memref_slice %arg9[%dma_start3A_526, %dma_start3A_533] : memref<32x32xf32, #tpu.memory_space<vmem>> -> memref<1x32xf32, #tpu.memory_space<vmem>>
    %dma_start3A_535 = tpu.memref_squeeze %dma_start3A_534 : memref<1x32xf32, #tpu.memory_space<vmem>> -> memref<32xf32, #tpu.memory_space<vmem>>
    %dma_start3A_536 = arith.constant 0 : i32
    %dma_start3A_537 = tpu.memref_slice %arg2[%reduce_sum3A_515, %dma_start3A_536] : memref<1000000x32xf32, #tpu.memory_space<hbm>> -> memref<1x32xf32, #tpu.memory_space<hbm>>
    %dma_start3A_538 = tpu.memref_squeeze %dma_start3A_537 : memref<1x32xf32, #tpu.memory_space<hbm>> -> memref<32xf32, #tpu.memory_space<hbm>>
    tpu.enqueue_dma source(%dma_start3A_538 : memref<32xf32, #tpu.memory_space<hbm>>) target(%dma_start3A_535 : memref<32xf32, #tpu.memory_space<vmem>>) target_semaphore(%arg12 : memref<!tpu.dma_semaphore, #tpu.memory_space<semaphore_mem>>)
    %dma_start3A_539 = arith.constant 11 : i32
    %dma_start3A_540 = arith.constant 0 : i32
    %dma_start3A_541 = tpu.memref_slice %arg11[%dma_start3A_539, %dma_start3A_540] : memref<32x32xf32, #tpu.memory_space<vmem>> -> memref<1x32xf32, #tpu.memory_space<vmem>>
    %dma_start3A_542 = tpu.memref_squeeze %dma_start3A_541 : memref<1x32xf32, #tpu.memory_space<vmem>> -> memref<32xf32, #tpu.memory_space<vmem>>
    %dma_start3A_543 = arith.constant 0 : i32
    %dma_start3A_544 = tpu.memref_slice %arg4[%reduce_sum3A_525, %dma_start3A_543] : memref<100000x32xf32, #tpu.memory_space<hbm>> -> memref<1x32xf32, #tpu.memory_space<hbm>>
    %dma_start3A_545 = tpu.memref_squeeze %dma_start3A_544 : memref<1x32xf32, #tpu.memory_space<hbm>> -> memref<32xf32, #tpu.memory_space<hbm>>
    %dma_start3A_546 = arith.constant 0 : i32
    %dma_start3A_547 = tpu.memref_slice %arg11[%dma_start3A_539, %dma_start3A_546] : memref<32x32xf32, #tpu.memory_space<vmem>> -> memref<1x32xf32, #tpu.memory_space<vmem>>
    %dma_start3A_548 = tpu.memref_squeeze %dma_start3A_547 : memref<1x32xf32, #tpu.memory_space<vmem>> -> memref<32xf32, #tpu.memory_space<vmem>>
    %dma_start3A_549 = arith.constant 0 : i32
    %dma_start3A_550 = tpu.memref_slice %arg4[%reduce_sum3A_525, %dma_start3A_549] : memref<100000x32xf32, #tpu.memory_space<hbm>> -> memref<1x32xf32, #tpu.memory_space<hbm>>
    %dma_start3A_551 = tpu.memref_squeeze %dma_start3A_550 : memref<1x32xf32, #tpu.memory_space<hbm>> -> memref<32xf32, #tpu.memory_space<hbm>>
    tpu.enqueue_dma source(%dma_start3A_551 : memref<32xf32, #tpu.memory_space<hbm>>) target(%dma_start3A_548 : memref<32xf32, #tpu.memory_space<vmem>>) target_semaphore(%arg13 : memref<!tpu.dma_semaphore, #tpu.memory_space<semaphore_mem>>)
    %eq3A_552 = arith.constant 12 : i32
    %eq3A_553 = vector.broadcast %eq3A_552 : i32 to vector<16xi32>
    %eq3A_554 = arith.cmpi eq, %iota3A, %eq3A_553 : vector<16xi32>
    %jit3A_555 = arith.constant 0 : i32
    %broadcast_in_dim3A_556 = vector.broadcast %jit3A_555 : i32 to vector<16xi32>
    %select_n3A_557 = arith.select %eq3A_554, %get3A_3, %broadcast_in_dim3A_556 : vector<16xi1>, vector<16xi32>
    %reduce_sum3A_558 = arith.constant true
    %reduce_sum3A_559 = vector.broadcast %reduce_sum3A_558 : i1 to vector<16xi1>
    %reduce_sum3A_560 = tpu.scan <sum>, %select_n3A_557 masked %reduce_sum3A_559 : vector<16xi32>, vector<16xi1> -> vector<16xi32>
    %reduce_sum3A_561 = vector.extract %reduce_sum3A_560[15] : i32 from vector<16xi32>
    %eq3A_562 = arith.constant 12 : i32
    %eq3A_563 = vector.broadcast %eq3A_562 : i32 to vector<16xi32>
    %eq3A_564 = arith.cmpi eq, %iota3A, %eq3A_563 : vector<16xi32>
    %jit3A_565 = arith.constant 0 : i32
    %broadcast_in_dim3A_566 = vector.broadcast %jit3A_565 : i32 to vector<16xi32>
    %select_n3A_567 = arith.select %eq3A_564, %get3A_5, %broadcast_in_dim3A_566 : vector<16xi1>, vector<16xi32>
    %reduce_sum3A_568 = arith.constant true
    %reduce_sum3A_569 = vector.broadcast %reduce_sum3A_568 : i1 to vector<16xi1>
    %reduce_sum3A_570 = tpu.scan <sum>, %select_n3A_567 masked %reduce_sum3A_569 : vector<16xi32>, vector<16xi1> -> vector<16xi32>
    %reduce_sum3A_571 = vector.extract %reduce_sum3A_570[15] : i32 from vector<16xi32>
    %dma_start3A_572 = arith.constant 12 : i32
    %dma_start3A_573 = arith.constant 0 : i32
    %dma_start3A_574 = tpu.memref_slice %arg9[%dma_start3A_572, %dma_start3A_573] : memref<32x32xf32, #tpu.memory_space<vmem>> -> memref<1x32xf32, #tpu.memory_space<vmem>>
    %dma_start3A_575 = tpu.memref_squeeze %dma_start3A_574 : memref<1x32xf32, #tpu.memory_space<vmem>> -> memref<32xf32, #tpu.memory_space<vmem>>
    %dma_start3A_576 = arith.constant 0 : i32
    %dma_start3A_577 = tpu.memref_slice %arg2[%reduce_sum3A_561, %dma_start3A_576] : memref<1000000x32xf32, #tpu.memory_space<hbm>> -> memref<1x32xf32, #tpu.memory_space<hbm>>
    %dma_start3A_578 = tpu.memref_squeeze %dma_start3A_577 : memref<1x32xf32, #tpu.memory_space<hbm>> -> memref<32xf32, #tpu.memory_space<hbm>>
    %dma_start3A_579 = arith.constant 0 : i32
    %dma_start3A_580 = tpu.memref_slice %arg9[%dma_start3A_572, %dma_start3A_579] : memref<32x32xf32, #tpu.memory_space<vmem>> -> memref<1x32xf32, #tpu.memory_space<vmem>>
    %dma_start3A_581 = tpu.memref_squeeze %dma_start3A_580 : memref<1x32xf32, #tpu.memory_space<vmem>> -> memref<32xf32, #tpu.memory_space<vmem>>
    %dma_start3A_582 = arith.constant 0 : i32
    %dma_start3A_583 = tpu.memref_slice %arg2[%reduce_sum3A_561, %dma_start3A_582] : memref<1000000x32xf32, #tpu.memory_space<hbm>> -> memref<1x32xf32, #tpu.memory_space<hbm>>
    %dma_start3A_584 = tpu.memref_squeeze %dma_start3A_583 : memref<1x32xf32, #tpu.memory_space<hbm>> -> memref<32xf32, #tpu.memory_space<hbm>>
    tpu.enqueue_dma source(%dma_start3A_584 : memref<32xf32, #tpu.memory_space<hbm>>) target(%dma_start3A_581 : memref<32xf32, #tpu.memory_space<vmem>>) target_semaphore(%arg12 : memref<!tpu.dma_semaphore, #tpu.memory_space<semaphore_mem>>)
    %dma_start3A_585 = arith.constant 12 : i32
    %dma_start3A_586 = arith.constant 0 : i32
    %dma_start3A_587 = tpu.memref_slice %arg11[%dma_start3A_585, %dma_start3A_586] : memref<32x32xf32, #tpu.memory_space<vmem>> -> memref<1x32xf32, #tpu.memory_space<vmem>>
    %dma_start3A_588 = tpu.memref_squeeze %dma_start3A_587 : memref<1x32xf32, #tpu.memory_space<vmem>> -> memref<32xf32, #tpu.memory_space<vmem>>
    %dma_start3A_589 = arith.constant 0 : i32
    %dma_start3A_590 = tpu.memref_slice %arg4[%reduce_sum3A_571, %dma_start3A_589] : memref<100000x32xf32, #tpu.memory_space<hbm>> -> memref<1x32xf32, #tpu.memory_space<hbm>>
    %dma_start3A_591 = tpu.memref_squeeze %dma_start3A_590 : memref<1x32xf32, #tpu.memory_space<hbm>> -> memref<32xf32, #tpu.memory_space<hbm>>
    %dma_start3A_592 = arith.constant 0 : i32
    %dma_start3A_593 = tpu.memref_slice %arg11[%dma_start3A_585, %dma_start3A_592] : memref<32x32xf32, #tpu.memory_space<vmem>> -> memref<1x32xf32, #tpu.memory_space<vmem>>
    %dma_start3A_594 = tpu.memref_squeeze %dma_start3A_593 : memref<1x32xf32, #tpu.memory_space<vmem>> -> memref<32xf32, #tpu.memory_space<vmem>>
    %dma_start3A_595 = arith.constant 0 : i32
    %dma_start3A_596 = tpu.memref_slice %arg4[%reduce_sum3A_571, %dma_start3A_595] : memref<100000x32xf32, #tpu.memory_space<hbm>> -> memref<1x32xf32, #tpu.memory_space<hbm>>
    %dma_start3A_597 = tpu.memref_squeeze %dma_start3A_596 : memref<1x32xf32, #tpu.memory_space<hbm>> -> memref<32xf32, #tpu.memory_space<hbm>>
    tpu.enqueue_dma source(%dma_start3A_597 : memref<32xf32, #tpu.memory_space<hbm>>) target(%dma_start3A_594 : memref<32xf32, #tpu.memory_space<vmem>>) target_semaphore(%arg13 : memref<!tpu.dma_semaphore, #tpu.memory_space<semaphore_mem>>)
    %eq3A_598 = arith.constant 13 : i32
    %eq3A_599 = vector.broadcast %eq3A_598 : i32 to vector<16xi32>
    %eq3A_600 = arith.cmpi eq, %iota3A, %eq3A_599 : vector<16xi32>
    %jit3A_601 = arith.constant 0 : i32
    %broadcast_in_dim3A_602 = vector.broadcast %jit3A_601 : i32 to vector<16xi32>
    %select_n3A_603 = arith.select %eq3A_600, %get3A_3, %broadcast_in_dim3A_602 : vector<16xi1>, vector<16xi32>
    %reduce_sum3A_604 = arith.constant true
    %reduce_sum3A_605 = vector.broadcast %reduce_sum3A_604 : i1 to vector<16xi1>
    %reduce_sum3A_606 = tpu.scan <sum>, %select_n3A_603 masked %reduce_sum3A_605 : vector<16xi32>, vector<16xi1> -> vector<16xi32>
    %reduce_sum3A_607 = vector.extract %reduce_sum3A_606[15] : i32 from vector<16xi32>
    %eq3A_608 = arith.constant 13 : i32
    %eq3A_609 = vector.broadcast %eq3A_608 : i32 to vector<16xi32>
    %eq3A_610 = arith.cmpi eq, %iota3A, %eq3A_609 : vector<16xi32>
    %jit3A_611 = arith.constant 0 : i32
    %broadcast_in_dim3A_612 = vector.broadcast %jit3A_611 : i32 to vector<16xi32>
    %select_n3A_613 = arith.select %eq3A_610, %get3A_5, %broadcast_in_dim3A_612 : vector<16xi1>, vector<16xi32>
    %reduce_sum3A_614 = arith.constant true
    %reduce_sum3A_615 = vector.broadcast %reduce_sum3A_614 : i1 to vector<16xi1>
    %reduce_sum3A_616 = tpu.scan <sum>, %select_n3A_613 masked %reduce_sum3A_615 : vector<16xi32>, vector<16xi1> -> vector<16xi32>
    %reduce_sum3A_617 = vector.extract %reduce_sum3A_616[15] : i32 from vector<16xi32>
    %dma_start3A_618 = arith.constant 13 : i32
    %dma_start3A_619 = arith.constant 0 : i32
    %dma_start3A_620 = tpu.memref_slice %arg9[%dma_start3A_618, %dma_start3A_619] : memref<32x32xf32, #tpu.memory_space<vmem>> -> memref<1x32xf32, #tpu.memory_space<vmem>>
    %dma_start3A_621 = tpu.memref_squeeze %dma_start3A_620 : memref<1x32xf32, #tpu.memory_space<vmem>> -> memref<32xf32, #tpu.memory_space<vmem>>
    %dma_start3A_622 = arith.constant 0 : i32
    %dma_start3A_623 = tpu.memref_slice %arg2[%reduce_sum3A_607, %dma_start3A_622] : memref<1000000x32xf32, #tpu.memory_space<hbm>> -> memref<1x32xf32, #tpu.memory_space<hbm>>
    %dma_start3A_624 = tpu.memref_squeeze %dma_start3A_623 : memref<1x32xf32, #tpu.memory_space<hbm>> -> memref<32xf32, #tpu.memory_space<hbm>>
    %dma_start3A_625 = arith.constant 0 : i32
    %dma_start3A_626 = tpu.memref_slice %arg9[%dma_start3A_618, %dma_start3A_625] : memref<32x32xf32, #tpu.memory_space<vmem>> -> memref<1x32xf32, #tpu.memory_space<vmem>>
    %dma_start3A_627 = tpu.memref_squeeze %dma_start3A_626 : memref<1x32xf32, #tpu.memory_space<vmem>> -> memref<32xf32, #tpu.memory_space<vmem>>
    %dma_start3A_628 = arith.constant 0 : i32
    %dma_start3A_629 = tpu.memref_slice %arg2[%reduce_sum3A_607, %dma_start3A_628] : memref<1000000x32xf32, #tpu.memory_space<hbm>> -> memref<1x32xf32, #tpu.memory_space<hbm>>
    %dma_start3A_630 = tpu.memref_squeeze %dma_start3A_629 : memref<1x32xf32, #tpu.memory_space<hbm>> -> memref<32xf32, #tpu.memory_space<hbm>>
    tpu.enqueue_dma source(%dma_start3A_630 : memref<32xf32, #tpu.memory_space<hbm>>) target(%dma_start3A_627 : memref<32xf32, #tpu.memory_space<vmem>>) target_semaphore(%arg12 : memref<!tpu.dma_semaphore, #tpu.memory_space<semaphore_mem>>)
    %dma_start3A_631 = arith.constant 13 : i32
    %dma_start3A_632 = arith.constant 0 : i32
    %dma_start3A_633 = tpu.memref_slice %arg11[%dma_start3A_631, %dma_start3A_632] : memref<32x32xf32, #tpu.memory_space<vmem>> -> memref<1x32xf32, #tpu.memory_space<vmem>>
    %dma_start3A_634 = tpu.memref_squeeze %dma_start3A_633 : memref<1x32xf32, #tpu.memory_space<vmem>> -> memref<32xf32, #tpu.memory_space<vmem>>
    %dma_start3A_635 = arith.constant 0 : i32
    %dma_start3A_636 = tpu.memref_slice %arg4[%reduce_sum3A_617, %dma_start3A_635] : memref<100000x32xf32, #tpu.memory_space<hbm>> -> memref<1x32xf32, #tpu.memory_space<hbm>>
    %dma_start3A_637 = tpu.memref_squeeze %dma_start3A_636 : memref<1x32xf32, #tpu.memory_space<hbm>> -> memref<32xf32, #tpu.memory_space<hbm>>
    %dma_start3A_638 = arith.constant 0 : i32
    %dma_start3A_639 = tpu.memref_slice %arg11[%dma_start3A_631, %dma_start3A_638] : memref<32x32xf32, #tpu.memory_space<vmem>> -> memref<1x32xf32, #tpu.memory_space<vmem>>
    %dma_start3A_640 = tpu.memref_squeeze %dma_start3A_639 : memref<1x32xf32, #tpu.memory_space<vmem>> -> memref<32xf32, #tpu.memory_space<vmem>>
    %dma_start3A_641 = arith.constant 0 : i32
    %dma_start3A_642 = tpu.memref_slice %arg4[%reduce_sum3A_617, %dma_start3A_641] : memref<100000x32xf32, #tpu.memory_space<hbm>> -> memref<1x32xf32, #tpu.memory_space<hbm>>
    %dma_start3A_643 = tpu.memref_squeeze %dma_start3A_642 : memref<1x32xf32, #tpu.memory_space<hbm>> -> memref<32xf32, #tpu.memory_space<hbm>>
    tpu.enqueue_dma source(%dma_start3A_643 : memref<32xf32, #tpu.memory_space<hbm>>) target(%dma_start3A_640 : memref<32xf32, #tpu.memory_space<vmem>>) target_semaphore(%arg13 : memref<!tpu.dma_semaphore, #tpu.memory_space<semaphore_mem>>)
    %eq3A_644 = arith.constant 14 : i32
    %eq3A_645 = vector.broadcast %eq3A_644 : i32 to vector<16xi32>
    %eq3A_646 = arith.cmpi eq, %iota3A, %eq3A_645 : vector<16xi32>
    %jit3A_647 = arith.constant 0 : i32
    %broadcast_in_dim3A_648 = vector.broadcast %jit3A_647 : i32 to vector<16xi32>
    %select_n3A_649 = arith.select %eq3A_646, %get3A_3, %broadcast_in_dim3A_648 : vector<16xi1>, vector<16xi32>
    %reduce_sum3A_650 = arith.constant true
    %reduce_sum3A_651 = vector.broadcast %reduce_sum3A_650 : i1 to vector<16xi1>
    %reduce_sum3A_652 = tpu.scan <sum>, %select_n3A_649 masked %reduce_sum3A_651 : vector<16xi32>, vector<16xi1> -> vector<16xi32>
    %reduce_sum3A_653 = vector.extract %reduce_sum3A_652[15] : i32 from vector<16xi32>
    %eq3A_654 = arith.constant 14 : i32
    %eq3A_655 = vector.broadcast %eq3A_654 : i32 to vector<16xi32>
    %eq3A_656 = arith.cmpi eq, %iota3A, %eq3A_655 : vector<16xi32>
    %jit3A_657 = arith.constant 0 : i32
    %broadcast_in_dim3A_658 = vector.broadcast %jit3A_657 : i32 to vector<16xi32>
    %select_n3A_659 = arith.select %eq3A_656, %get3A_5, %broadcast_in_dim3A_658 : vector<16xi1>, vector<16xi32>
    %reduce_sum3A_660 = arith.constant true
    %reduce_sum3A_661 = vector.broadcast %reduce_sum3A_660 : i1 to vector<16xi1>
    %reduce_sum3A_662 = tpu.scan <sum>, %select_n3A_659 masked %reduce_sum3A_661 : vector<16xi32>, vector<16xi1> -> vector<16xi32>
    %reduce_sum3A_663 = vector.extract %reduce_sum3A_662[15] : i32 from vector<16xi32>
    %dma_start3A_664 = arith.constant 14 : i32
    %dma_start3A_665 = arith.constant 0 : i32
    %dma_start3A_666 = tpu.memref_slice %arg9[%dma_start3A_664, %dma_start3A_665] : memref<32x32xf32, #tpu.memory_space<vmem>> -> memref<1x32xf32, #tpu.memory_space<vmem>>
    %dma_start3A_667 = tpu.memref_squeeze %dma_start3A_666 : memref<1x32xf32, #tpu.memory_space<vmem>> -> memref<32xf32, #tpu.memory_space<vmem>>
    %dma_start3A_668 = arith.constant 0 : i32
    %dma_start3A_669 = tpu.memref_slice %arg2[%reduce_sum3A_653, %dma_start3A_668] : memref<1000000x32xf32, #tpu.memory_space<hbm>> -> memref<1x32xf32, #tpu.memory_space<hbm>>
    %dma_start3A_670 = tpu.memref_squeeze %dma_start3A_669 : memref<1x32xf32, #tpu.memory_space<hbm>> -> memref<32xf32, #tpu.memory_space<hbm>>
    %dma_start3A_671 = arith.constant 0 : i32
    %dma_start3A_672 = tpu.memref_slice %arg9[%dma_start3A_664, %dma_start3A_671] : memref<32x32xf32, #tpu.memory_space<vmem>> -> memref<1x32xf32, #tpu.memory_space<vmem>>
    %dma_start3A_673 = tpu.memref_squeeze %dma_start3A_672 : memref<1x32xf32, #tpu.memory_space<vmem>> -> memref<32xf32, #tpu.memory_space<vmem>>
    %dma_start3A_674 = arith.constant 0 : i32
    %dma_start3A_675 = tpu.memref_slice %arg2[%reduce_sum3A_653, %dma_start3A_674] : memref<1000000x32xf32, #tpu.memory_space<hbm>> -> memref<1x32xf32, #tpu.memory_space<hbm>>
    %dma_start3A_676 = tpu.memref_squeeze %dma_start3A_675 : memref<1x32xf32, #tpu.memory_space<hbm>> -> memref<32xf32, #tpu.memory_space<hbm>>
    tpu.enqueue_dma source(%dma_start3A_676 : memref<32xf32, #tpu.memory_space<hbm>>) target(%dma_start3A_673 : memref<32xf32, #tpu.memory_space<vmem>>) target_semaphore(%arg12 : memref<!tpu.dma_semaphore, #tpu.memory_space<semaphore_mem>>)
    %dma_start3A_677 = arith.constant 14 : i32
    %dma_start3A_678 = arith.constant 0 : i32
    %dma_start3A_679 = tpu.memref_slice %arg11[%dma_start3A_677, %dma_start3A_678] : memref<32x32xf32, #tpu.memory_space<vmem>> -> memref<1x32xf32, #tpu.memory_space<vmem>>
    %dma_start3A_680 = tpu.memref_squeeze %dma_start3A_679 : memref<1x32xf32, #tpu.memory_space<vmem>> -> memref<32xf32, #tpu.memory_space<vmem>>
    %dma_start3A_681 = arith.constant 0 : i32
    %dma_start3A_682 = tpu.memref_slice %arg4[%reduce_sum3A_663, %dma_start3A_681] : memref<100000x32xf32, #tpu.memory_space<hbm>> -> memref<1x32xf32, #tpu.memory_space<hbm>>
    %dma_start3A_683 = tpu.memref_squeeze %dma_start3A_682 : memref<1x32xf32, #tpu.memory_space<hbm>> -> memref<32xf32, #tpu.memory_space<hbm>>
    %dma_start3A_684 = arith.constant 0 : i32
    %dma_start3A_685 = tpu.memref_slice %arg11[%dma_start3A_677, %dma_start3A_684] : memref<32x32xf32, #tpu.memory_space<vmem>> -> memref<1x32xf32, #tpu.memory_space<vmem>>
    %dma_start3A_686 = tpu.memref_squeeze %dma_start3A_685 : memref<1x32xf32, #tpu.memory_space<vmem>> -> memref<32xf32, #tpu.memory_space<vmem>>
    %dma_start3A_687 = arith.constant 0 : i32
    %dma_start3A_688 = tpu.memref_slice %arg4[%reduce_sum3A_663, %dma_start3A_687] : memref<100000x32xf32, #tpu.memory_space<hbm>> -> memref<1x32xf32, #tpu.memory_space<hbm>>
    %dma_start3A_689 = tpu.memref_squeeze %dma_start3A_688 : memref<1x32xf32, #tpu.memory_space<hbm>> -> memref<32xf32, #tpu.memory_space<hbm>>
    tpu.enqueue_dma source(%dma_start3A_689 : memref<32xf32, #tpu.memory_space<hbm>>) target(%dma_start3A_686 : memref<32xf32, #tpu.memory_space<vmem>>) target_semaphore(%arg13 : memref<!tpu.dma_semaphore, #tpu.memory_space<semaphore_mem>>)
    %eq3A_690 = arith.constant 15 : i32
    %eq3A_691 = vector.broadcast %eq3A_690 : i32 to vector<16xi32>
    %eq3A_692 = arith.cmpi eq, %iota3A, %eq3A_691 : vector<16xi32>
    %jit3A_693 = arith.constant 0 : i32
    %broadcast_in_dim3A_694 = vector.broadcast %jit3A_693 : i32 to vector<16xi32>
    %select_n3A_695 = arith.select %eq3A_692, %get3A_3, %broadcast_in_dim3A_694 : vector<16xi1>, vector<16xi32>
    %reduce_sum3A_696 = arith.constant true
    %reduce_sum3A_697 = vector.broadcast %reduce_sum3A_696 : i1 to vector<16xi1>
    %reduce_sum3A_698 = tpu.scan <sum>, %select_n3A_695 masked %reduce_sum3A_697 : vector<16xi32>, vector<16xi1> -> vector<16xi32>
    %reduce_sum3A_699 = vector.extract %reduce_sum3A_698[15] : i32 from vector<16xi32>
    %eq3A_700 = arith.constant 15 : i32
    %eq3A_701 = vector.broadcast %eq3A_700 : i32 to vector<16xi32>
    %eq3A_702 = arith.cmpi eq, %iota3A, %eq3A_701 : vector<16xi32>
    %jit3A_703 = arith.constant 0 : i32
    %broadcast_in_dim3A_704 = vector.broadcast %jit3A_703 : i32 to vector<16xi32>
    %select_n3A_705 = arith.select %eq3A_702, %get3A_5, %broadcast_in_dim3A_704 : vector<16xi1>, vector<16xi32>
    %reduce_sum3A_706 = arith.constant true
    %reduce_sum3A_707 = vector.broadcast %reduce_sum3A_706 : i1 to vector<16xi1>
    %reduce_sum3A_708 = tpu.scan <sum>, %select_n3A_705 masked %reduce_sum3A_707 : vector<16xi32>, vector<16xi1> -> vector<16xi32>
    %reduce_sum3A_709 = vector.extract %reduce_sum3A_708[15] : i32 from vector<16xi32>
    %dma_start3A_710 = arith.constant 15 : i32
    %dma_start3A_711 = arith.constant 0 : i32
    %dma_start3A_712 = tpu.memref_slice %arg9[%dma_start3A_710, %dma_start3A_711] : memref<32x32xf32, #tpu.memory_space<vmem>> -> memref<1x32xf32, #tpu.memory_space<vmem>>
    %dma_start3A_713 = tpu.memref_squeeze %dma_start3A_712 : memref<1x32xf32, #tpu.memory_space<vmem>> -> memref<32xf32, #tpu.memory_space<vmem>>
    %dma_start3A_714 = arith.constant 0 : i32
    %dma_start3A_715 = tpu.memref_slice %arg2[%reduce_sum3A_699, %dma_start3A_714] : memref<1000000x32xf32, #tpu.memory_space<hbm>> -> memref<1x32xf32, #tpu.memory_space<hbm>>
    %dma_start3A_716 = tpu.memref_squeeze %dma_start3A_715 : memref<1x32xf32, #tpu.memory_space<hbm>> -> memref<32xf32, #tpu.memory_space<hbm>>
    %dma_start3A_717 = arith.constant 0 : i32
    %dma_start3A_718 = tpu.memref_slice %arg9[%dma_start3A_710, %dma_start3A_717] : memref<32x32xf32, #tpu.memory_space<vmem>> -> memref<1x32xf32, #tpu.memory_space<vmem>>
    %dma_start3A_719 = tpu.memref_squeeze %dma_start3A_718 : memref<1x32xf32, #tpu.memory_space<vmem>> -> memref<32xf32, #tpu.memory_space<vmem>>
    %dma_start3A_720 = arith.constant 0 : i32
    %dma_start3A_721 = tpu.memref_slice %arg2[%reduce_sum3A_699, %dma_start3A_720] : memref<1000000x32xf32, #tpu.memory_space<hbm>> -> memref<1x32xf32, #tpu.memory_space<hbm>>
    %dma_start3A_722 = tpu.memref_squeeze %dma_start3A_721 : memref<1x32xf32, #tpu.memory_space<hbm>> -> memref<32xf32, #tpu.memory_space<hbm>>
    tpu.enqueue_dma source(%dma_start3A_722 : memref<32xf32, #tpu.memory_space<hbm>>) target(%dma_start3A_719 : memref<32xf32, #tpu.memory_space<vmem>>) target_semaphore(%arg12 : memref<!tpu.dma_semaphore, #tpu.memory_space<semaphore_mem>>)
    %dma_start3A_723 = arith.constant 15 : i32
    %dma_start3A_724 = arith.constant 0 : i32
    %dma_start3A_725 = tpu.memref_slice %arg11[%dma_start3A_723, %dma_start3A_724] : memref<32x32xf32, #tpu.memory_space<vmem>> -> memref<1x32xf32, #tpu.memory_space<vmem>>
    %dma_start3A_726 = tpu.memref_squeeze %dma_start3A_725 : memref<1x32xf32, #tpu.memory_space<vmem>> -> memref<32xf32, #tpu.memory_space<vmem>>
    %dma_start3A_727 = arith.constant 0 : i32
    %dma_start3A_728 = tpu.memref_slice %arg4[%reduce_sum3A_709, %dma_start3A_727] : memref<100000x32xf32, #tpu.memory_space<hbm>> -> memref<1x32xf32, #tpu.memory_space<hbm>>
    %dma_start3A_729 = tpu.memref_squeeze %dma_start3A_728 : memref<1x32xf32, #tpu.memory_space<hbm>> -> memref<32xf32, #tpu.memory_space<hbm>>
    %dma_start3A_730 = arith.constant 0 : i32
    %dma_start3A_731 = tpu.memref_slice %arg11[%dma_start3A_723, %dma_start3A_730] : memref<32x32xf32, #tpu.memory_space<vmem>> -> memref<1x32xf32, #tpu.memory_space<vmem>>
    %dma_start3A_732 = tpu.memref_squeeze %dma_start3A_731 : memref<1x32xf32, #tpu.memory_space<vmem>> -> memref<32xf32, #tpu.memory_space<vmem>>
    %dma_start3A_733 = arith.constant 0 : i32
    %dma_start3A_734 = tpu.memref_slice %arg4[%reduce_sum3A_709, %dma_start3A_733] : memref<100000x32xf32, #tpu.memory_space<hbm>> -> memref<1x32xf32, #tpu.memory_space<hbm>>
    %dma_start3A_735 = tpu.memref_squeeze %dma_start3A_734 : memref<1x32xf32, #tpu.memory_space<hbm>> -> memref<32xf32, #tpu.memory_space<hbm>>
    tpu.enqueue_dma source(%dma_start3A_735 : memref<32xf32, #tpu.memory_space<hbm>>) target(%dma_start3A_732 : memref<32xf32, #tpu.memory_space<vmem>>) target_semaphore(%arg13 : memref<!tpu.dma_semaphore, #tpu.memory_space<semaphore_mem>>)
    %get3A_736 = arith.constant 16 : index
    %get3A_737 = tpu.vector_load %arg8[%get3A_736] {strides = array<i32>} : memref<32xi32, #tpu.memory_space<vmem>>, vector<16xi32>,
    %get3A_738 = arith.constant 16 : index
    %get3A_739 = tpu.vector_load %arg10[%get3A_738] {strides = array<i32>} : memref<32xi32, #tpu.memory_space<vmem>>, vector<16xi32>,
    %eq3A_740 = arith.constant 0 : i32
    %eq3A_741 = vector.broadcast %eq3A_740 : i32 to vector<16xi32>
    %eq3A_742 = arith.cmpi eq, %iota3A, %eq3A_741 : vector<16xi32>
    %jit3A_743 = arith.constant 0 : i32
    %broadcast_in_dim3A_744 = vector.broadcast %jit3A_743 : i32 to vector<16xi32>
    %select_n3A_745 = arith.select %eq3A_742, %get3A_737, %broadcast_in_dim3A_744 : vector<16xi1>, vector<16xi32>
    %reduce_sum3A_746 = arith.constant true
    %reduce_sum3A_747 = vector.broadcast %reduce_sum3A_746 : i1 to vector<16xi1>
    %reduce_sum3A_748 = tpu.scan <sum>, %select_n3A_745 masked %reduce_sum3A_747 : vector<16xi32>, vector<16xi1> -> vector<16xi32>
    %reduce_sum3A_749 = vector.extract %reduce_sum3A_748[15] : i32 from vector<16xi32>
    %eq3A_750 = arith.constant 0 : i32
    %eq3A_751 = vector.broadcast %eq3A_750 : i32 to vector<16xi32>
    %eq3A_752 = arith.cmpi eq, %iota3A, %eq3A_751 : vector<16xi32>
    %jit3A_753 = arith.constant 0 : i32
    %broadcast_in_dim3A_754 = vector.broadcast %jit3A_753 : i32 to vector<16xi32>
    %select_n3A_755 = arith.select %eq3A_752, %get3A_739, %broadcast_in_dim3A_754 : vector<16xi1>, vector<16xi32>
    %reduce_sum3A_756 = arith.constant true
    %reduce_sum3A_757 = vector.broadcast %reduce_sum3A_756 : i1 to vector<16xi1>
    %reduce_sum3A_758 = tpu.scan <sum>, %select_n3A_755 masked %reduce_sum3A_757 : vector<16xi32>, vector<16xi1> -> vector<16xi32>
    %reduce_sum3A_759 = vector.extract %reduce_sum3A_758[15] : i32 from vector<16xi32>
    %dma_start3A_760 = arith.constant 16 : i32
    %dma_start3A_761 = arith.constant 0 : i32
    %dma_start3A_762 = tpu.memref_slice %arg9[%dma_start3A_760, %dma_start3A_761] : memref<32x32xf32, #tpu.memory_space<vmem>> -> memref<1x32xf32, #tpu.memory_space<vmem>>
    %dma_start3A_763 = tpu.memref_squeeze %dma_start3A_762 : memref<1x32xf32, #tpu.memory_space<vmem>> -> memref<32xf32, #tpu.memory_space<vmem>>
    %dma_start3A_764 = arith.constant 0 : i32
    %dma_start3A_765 = tpu.memref_slice %arg2[%reduce_sum3A_749, %dma_start3A_764] : memref<1000000x32xf32, #tpu.memory_space<hbm>> -> memref<1x32xf32, #tpu.memory_space<hbm>>
    %dma_start3A_766 = tpu.memref_squeeze %dma_start3A_765 : memref<1x32xf32, #tpu.memory_space<hbm>> -> memref<32xf32, #tpu.memory_space<hbm>>
    %dma_start3A_767 = arith.constant 0 : i32
    %dma_start3A_768 = tpu.memref_slice %arg9[%dma_start3A_760, %dma_start3A_767] : memref<32x32xf32, #tpu.memory_space<vmem>> -> memref<1x32xf32, #tpu.memory_space<vmem>>
    %dma_start3A_769 = tpu.memref_squeeze %dma_start3A_768 : memref<1x32xf32, #tpu.memory_space<vmem>> -> memref<32xf32, #tpu.memory_space<vmem>>
    %dma_start3A_770 = arith.constant 0 : i32
    %dma_start3A_771 = tpu.memref_slice %arg2[%reduce_sum3A_749, %dma_start3A_770] : memref<1000000x32xf32, #tpu.memory_space<hbm>> -> memref<1x32xf32, #tpu.memory_space<hbm>>
    %dma_start3A_772 = tpu.memref_squeeze %dma_start3A_771 : memref<1x32xf32, #tpu.memory_space<hbm>> -> memref<32xf32, #tpu.memory_space<hbm>>
    tpu.enqueue_dma source(%dma_start3A_772 : memref<32xf32, #tpu.memory_space<hbm>>) target(%dma_start3A_769 : memref<32xf32, #tpu.memory_space<vmem>>) target_semaphore(%arg12 : memref<!tpu.dma_semaphore, #tpu.memory_space<semaphore_mem>>)
    %dma_start3A_773 = arith.constant 16 : i32
    %dma_start3A_774 = arith.constant 0 : i32
    %dma_start3A_775 = tpu.memref_slice %arg11[%dma_start3A_773, %dma_start3A_774] : memref<32x32xf32, #tpu.memory_space<vmem>> -> memref<1x32xf32, #tpu.memory_space<vmem>>
    %dma_start3A_776 = tpu.memref_squeeze %dma_start3A_775 : memref<1x32xf32, #tpu.memory_space<vmem>> -> memref<32xf32, #tpu.memory_space<vmem>>
    %dma_start3A_777 = arith.constant 0 : i32
    %dma_start3A_778 = tpu.memref_slice %arg4[%reduce_sum3A_759, %dma_start3A_777] : memref<100000x32xf32, #tpu.memory_space<hbm>> -> memref<1x32xf32, #tpu.memory_space<hbm>>
    %dma_start3A_779 = tpu.memref_squeeze %dma_start3A_778 : memref<1x32xf32, #tpu.memory_space<hbm>> -> memref<32xf32, #tpu.memory_space<hbm>>
    %dma_start3A_780 = arith.constant 0 : i32
    %dma_start3A_781 = tpu.memref_slice %arg11[%dma_start3A_773, %dma_start3A_780] : memref<32x32xf32, #tpu.memory_space<vmem>> -> memref<1x32xf32, #tpu.memory_space<vmem>>
    %dma_start3A_782 = tpu.memref_squeeze %dma_start3A_781 : memref<1x32xf32, #tpu.memory_space<vmem>> -> memref<32xf32, #tpu.memory_space<vmem>>
    %dma_start3A_783 = arith.constant 0 : i32
    %dma_start3A_784 = tpu.memref_slice %arg4[%reduce_sum3A_759, %dma_start3A_783] : memref<100000x32xf32, #tpu.memory_space<hbm>> -> memref<1x32xf32, #tpu.memory_space<hbm>>
    %dma_start3A_785 = tpu.memref_squeeze %dma_start3A_784 : memref<1x32xf32, #tpu.memory_space<hbm>> -> memref<32xf32, #tpu.memory_space<hbm>>
    tpu.enqueue_dma source(%dma_start3A_785 : memref<32xf32, #tpu.memory_space<hbm>>) target(%dma_start3A_782 : memref<32xf32, #tpu.memory_space<vmem>>) target_semaphore(%arg13 : memref<!tpu.dma_semaphore, #tpu.memory_space<semaphore_mem>>)
    %eq3A_786 = arith.constant 1 : i32
    %eq3A_787 = vector.broadcast %eq3A_786 : i32 to vector<16xi32>
    %eq3A_788 = arith.cmpi eq, %iota3A, %eq3A_787 : vector<16xi32>
    %jit3A_789 = arith.constant 0 : i32
    %broadcast_in_dim3A_790 = vector.broadcast %jit3A_789 : i32 to vector<16xi32>
    %select_n3A_791 = arith.select %eq3A_788, %get3A_737, %broadcast_in_dim3A_790 : vector<16xi1>, vector<16xi32>
    %reduce_sum3A_792 = arith.constant true
    %reduce_sum3A_793 = vector.broadcast %reduce_sum3A_792 : i1 to vector<16xi1>
    %reduce_sum3A_794 = tpu.scan <sum>, %select_n3A_791 masked %reduce_sum3A_793 : vector<16xi32>, vector<16xi1> -> vector<16xi32>
    %reduce_sum3A_795 = vector.extract %reduce_sum3A_794[15] : i32 from vector<16xi32>
    %eq3A_796 = arith.constant 1 : i32
    %eq3A_797 = vector.broadcast %eq3A_796 : i32 to vector<16xi32>
    %eq3A_798 = arith.cmpi eq, %iota3A, %eq3A_797 : vector<16xi32>
    %jit3A_799 = arith.constant 0 : i32
    %broadcast_in_dim3A_800 = vector.broadcast %jit3A_799 : i32 to vector<16xi32>
    %select_n3A_801 = arith.select %eq3A_798, %get3A_739, %broadcast_in_dim3A_800 : vector<16xi1>, vector<16xi32>
    %reduce_sum3A_802 = arith.constant true
    %reduce_sum3A_803 = vector.broadcast %reduce_sum3A_802 : i1 to vector<16xi1>
    %reduce_sum3A_804 = tpu.scan <sum>, %select_n3A_801 masked %reduce_sum3A_803 : vector<16xi32>, vector<16xi1> -> vector<16xi32>
    %reduce_sum3A_805 = vector.extract %reduce_sum3A_804[15] : i32 from vector<16xi32>
    %dma_start3A_806 = arith.constant 17 : i32
    %dma_start3A_807 = arith.constant 0 : i32
    %dma_start3A_808 = tpu.memref_slice %arg9[%dma_start3A_806, %dma_start3A_807] : memref<32x32xf32, #tpu.memory_space<vmem>> -> memref<1x32xf32, #tpu.memory_space<vmem>>
    %dma_start3A_809 = tpu.memref_squeeze %dma_start3A_808 : memref<1x32xf32, #tpu.memory_space<vmem>> -> memref<32xf32, #tpu.memory_space<vmem>>
    %dma_start3A_810 = arith.constant 0 : i32
    %dma_start3A_811 = tpu.memref_slice %arg2[%reduce_sum3A_795, %dma_start3A_810] : memref<1000000x32xf32, #tpu.memory_space<hbm>> -> memref<1x32xf32, #tpu.memory_space<hbm>>
    %dma_start3A_812 = tpu.memref_squeeze %dma_start3A_811 : memref<1x32xf32, #tpu.memory_space<hbm>> -> memref<32xf32, #tpu.memory_space<hbm>>
    %dma_start3A_813 = arith.constant 0 : i32
    %dma_start3A_814 = tpu.memref_slice %arg9[%dma_start3A_806, %dma_start3A_813] : memref<32x32xf32, #tpu.memory_space<vmem>> -> memref<1x32xf32, #tpu.memory_space<vmem>>
    %dma_start3A_815 = tpu.memref_squeeze %dma_start3A_814 : memref<1x32xf32, #tpu.memory_space<vmem>> -> memref<32xf32, #tpu.memory_space<vmem>>
    %dma_start3A_816 = arith.constant 0 : i32
    %dma_start3A_817 = tpu.memref_slice %arg2[%reduce_sum3A_795, %dma_start3A_816] : memref<1000000x32xf32, #tpu.memory_space<hbm>> -> memref<1x32xf32, #tpu.memory_space<hbm>>
    %dma_start3A_818 = tpu.memref_squeeze %dma_start3A_817 : memref<1x32xf32, #tpu.memory_space<hbm>> -> memref<32xf32, #tpu.memory_space<hbm>>
    tpu.enqueue_dma source(%dma_start3A_818 : memref<32xf32, #tpu.memory_space<hbm>>) target(%dma_start3A_815 : memref<32xf32, #tpu.memory_space<vmem>>) target_semaphore(%arg12 : memref<!tpu.dma_semaphore, #tpu.memory_space<semaphore_mem>>)
    %dma_start3A_819 = arith.constant 17 : i32
    %dma_start3A_820 = arith.constant 0 : i32
    %dma_start3A_821 = tpu.memref_slice %arg11[%dma_start3A_819, %dma_start3A_820] : memref<32x32xf32, #tpu.memory_space<vmem>> -> memref<1x32xf32, #tpu.memory_space<vmem>>
    %dma_start3A_822 = tpu.memref_squeeze %dma_start3A_821 : memref<1x32xf32, #tpu.memory_space<vmem>> -> memref<32xf32, #tpu.memory_space<vmem>>
    %dma_start3A_823 = arith.constant 0 : i32
    %dma_start3A_824 = tpu.memref_slice %arg4[%reduce_sum3A_805, %dma_start3A_823] : memref<100000x32xf32, #tpu.memory_space<hbm>> -> memref<1x32xf32, #tpu.memory_space<hbm>>
    %dma_start3A_825 = tpu.memref_squeeze %dma_start3A_824 : memref<1x32xf32, #tpu.memory_space<hbm>> -> memref<32xf32, #tpu.memory_space<hbm>>
    %dma_start3A_826 = arith.constant 0 : i32
    %dma_start3A_827 = tpu.memref_slice %arg11[%dma_start3A_819, %dma_start3A_826] : memref<32x32xf32, #tpu.memory_space<vmem>> -> memref<1x32xf32, #tpu.memory_space<vmem>>
    %dma_start3A_828 = tpu.memref_squeeze %dma_start3A_827 : memref<1x32xf32, #tpu.memory_space<vmem>> -> memref<32xf32, #tpu.memory_space<vmem>>
    %dma_start3A_829 = arith.constant 0 : i32
    %dma_start3A_830 = tpu.memref_slice %arg4[%reduce_sum3A_805, %dma_start3A_829] : memref<100000x32xf32, #tpu.memory_space<hbm>> -> memref<1x32xf32, #tpu.memory_space<hbm>>
    %dma_start3A_831 = tpu.memref_squeeze %dma_start3A_830 : memref<1x32xf32, #tpu.memory_space<hbm>> -> memref<32xf32, #tpu.memory_space<hbm>>
    tpu.enqueue_dma source(%dma_start3A_831 : memref<32xf32, #tpu.memory_space<hbm>>) target(%dma_start3A_828 : memref<32xf32, #tpu.memory_space<vmem>>) target_semaphore(%arg13 : memref<!tpu.dma_semaphore, #tpu.memory_space<semaphore_mem>>)
    %eq3A_832 = arith.constant 2 : i32
    %eq3A_833 = vector.broadcast %eq3A_832 : i32 to vector<16xi32>
    %eq3A_834 = arith.cmpi eq, %iota3A, %eq3A_833 : vector<16xi32>
    %jit3A_835 = arith.constant 0 : i32
    %broadcast_in_dim3A_836 = vector.broadcast %jit3A_835 : i32 to vector<16xi32>
    %select_n3A_837 = arith.select %eq3A_834, %get3A_737, %broadcast_in_dim3A_836 : vector<16xi1>, vector<16xi32>
    %reduce_sum3A_838 = arith.constant true
    %reduce_sum3A_839 = vector.broadcast %reduce_sum3A_838 : i1 to vector<16xi1>
    %reduce_sum3A_840 = tpu.scan <sum>, %select_n3A_837 masked %reduce_sum3A_839 : vector<16xi32>, vector<16xi1> -> vector<16xi32>
    %reduce_sum3A_841 = vector.extract %reduce_sum3A_840[15] : i32 from vector<16xi32>
    %eq3A_842 = arith.constant 2 : i32
    %eq3A_843 = vector.broadcast %eq3A_842 : i32 to vector<16xi32>
    %eq3A_844 = arith.cmpi eq, %iota3A, %eq3A_843 : vector<16xi32>
    %jit3A_845 = arith.constant 0 : i32
    %broadcast_in_dim3A_846 = vector.broadcast %jit3A_845 : i32 to vector<16xi32>
    %select_n3A_847 = arith.select %eq3A_844, %get3A_739, %broadcast_in_dim3A_846 : vector<16xi1>, vector<16xi32>
    %reduce_sum3A_848 = arith.constant true
    %reduce_sum3A_849 = vector.broadcast %reduce_sum3A_848 : i1 to vector<16xi1>
    %reduce_sum3A_850 = tpu.scan <sum>, %select_n3A_847 masked %reduce_sum3A_849 : vector<16xi32>, vector<16xi1> -> vector<16xi32>
    %reduce_sum3A_851 = vector.extract %reduce_sum3A_850[15] : i32 from vector<16xi32>
    %dma_start3A_852 = arith.constant 18 : i32
    %dma_start3A_853 = arith.constant 0 : i32
    %dma_start3A_854 = tpu.memref_slice %arg9[%dma_start3A_852, %dma_start3A_853] : memref<32x32xf32, #tpu.memory_space<vmem>> -> memref<1x32xf32, #tpu.memory_space<vmem>>
    %dma_start3A_855 = tpu.memref_squeeze %dma_start3A_854 : memref<1x32xf32, #tpu.memory_space<vmem>> -> memref<32xf32, #tpu.memory_space<vmem>>
    %dma_start3A_856 = arith.constant 0 : i32
    %dma_start3A_857 = tpu.memref_slice %arg2[%reduce_sum3A_841, %dma_start3A_856] : memref<1000000x32xf32, #tpu.memory_space<hbm>> -> memref<1x32xf32, #tpu.memory_space<hbm>>
    %dma_start3A_858 = tpu.memref_squeeze %dma_start3A_857 : memref<1x32xf32, #tpu.memory_space<hbm>> -> memref<32xf32, #tpu.memory_space<hbm>>
    %dma_start3A_859 = arith.constant 0 : i32
    %dma_start3A_860 = tpu.memref_slice %arg9[%dma_start3A_852, %dma_start3A_859] : memref<32x32xf32, #tpu.memory_space<vmem>> -> memref<1x32xf32, #tpu.memory_space<vmem>>
    %dma_start3A_861 = tpu.memref_squeeze %dma_start3A_860 : memref<1x32xf32, #tpu.memory_space<vmem>> -> memref<32xf32, #tpu.memory_space<vmem>>
    %dma_start3A_862 = arith.constant 0 : i32
    %dma_start3A_863 = tpu.memref_slice %arg2[%reduce_sum3A_841, %dma_start3A_862] : memref<1000000x32xf32, #tpu.memory_space<hbm>> -> memref<1x32xf32, #tpu.memory_space<hbm>>
    %dma_start3A_864 = tpu.memref_squeeze %dma_start3A_863 : memref<1x32xf32, #tpu.memory_space<hbm>> -> memref<32xf32, #tpu.memory_space<hbm>>
    tpu.enqueue_dma source(%dma_start3A_864 : memref<32xf32, #tpu.memory_space<hbm>>) target(%dma_start3A_861 : memref<32xf32, #tpu.memory_space<vmem>>) target_semaphore(%arg12 : memref<!tpu.dma_semaphore, #tpu.memory_space<semaphore_mem>>)
    %dma_start3A_865 = arith.constant 18 : i32
    %dma_start3A_866 = arith.constant 0 : i32
    %dma_start3A_867 = tpu.memref_slice %arg11[%dma_start3A_865, %dma_start3A_866] : memref<32x32xf32, #tpu.memory_space<vmem>> -> memref<1x32xf32, #tpu.memory_space<vmem>>
    %dma_start3A_868 = tpu.memref_squeeze %dma_start3A_867 : memref<1x32xf32, #tpu.memory_space<vmem>> -> memref<32xf32, #tpu.memory_space<vmem>>
    %dma_start3A_869 = arith.constant 0 : i32
    %dma_start3A_870 = tpu.memref_slice %arg4[%reduce_sum3A_851, %dma_start3A_869] : memref<100000x32xf32, #tpu.memory_space<hbm>> -> memref<1x32xf32, #tpu.memory_space<hbm>>
    %dma_start3A_871 = tpu.memref_squeeze %dma_start3A_870 : memref<1x32xf32, #tpu.memory_space<hbm>> -> memref<32xf32, #tpu.memory_space<hbm>>
    %dma_start3A_872 = arith.constant 0 : i32
    %dma_start3A_873 = tpu.memref_slice %arg11[%dma_start3A_865, %dma_start3A_872] : memref<32x32xf32, #tpu.memory_space<vmem>> -> memref<1x32xf32, #tpu.memory_space<vmem>>
    %dma_start3A_874 = tpu.memref_squeeze %dma_start3A_873 : memref<1x32xf32, #tpu.memory_space<vmem>> -> memref<32xf32, #tpu.memory_space<vmem>>
    %dma_start3A_875 = arith.constant 0 : i32
    %dma_start3A_876 = tpu.memref_slice %arg4[%reduce_sum3A_851, %dma_start3A_875] : memref<100000x32xf32, #tpu.memory_space<hbm>> -> memref<1x32xf32, #tpu.memory_space<hbm>>
    %dma_start3A_877 = tpu.memref_squeeze %dma_start3A_876 : memref<1x32xf32, #tpu.memory_space<hbm>> -> memref<32xf32, #tpu.memory_space<hbm>>
    tpu.enqueue_dma source(%dma_start3A_877 : memref<32xf32, #tpu.memory_space<hbm>>) target(%dma_start3A_874 : memref<32xf32, #tpu.memory_space<vmem>>) target_semaphore(%arg13 : memref<!tpu.dma_semaphore, #tpu.memory_space<semaphore_mem>>)
    %eq3A_878 = arith.constant 3 : i32
    %eq3A_879 = vector.broadcast %eq3A_878 : i32 to vector<16xi32>
    %eq3A_880 = arith.cmpi eq, %iota3A, %eq3A_879 : vector<16xi32>
    %jit3A_881 = arith.constant 0 : i32
    %broadcast_in_dim3A_882 = vector.broadcast %jit3A_881 : i32 to vector<16xi32>
    %select_n3A_883 = arith.select %eq3A_880, %get3A_737, %broadcast_in_dim3A_882 : vector<16xi1>, vector<16xi32>
    %reduce_sum3A_884 = arith.constant true
    %reduce_sum3A_885 = vector.broadcast %reduce_sum3A_884 : i1 to vector<16xi1>
    %reduce_sum3A_886 = tpu.scan <sum>, %select_n3A_883 masked %reduce_sum3A_885 : vector<16xi32>, vector<16xi1> -> vector<16xi32>
    %reduce_sum3A_887 = vector.extract %reduce_sum3A_886[15] : i32 from vector<16xi32>
    %eq3A_888 = arith.constant 3 : i32
    %eq3A_889 = vector.broadcast %eq3A_888 : i32 to vector<16xi32>
    %eq3A_890 = arith.cmpi eq, %iota3A, %eq3A_889 : vector<16xi32>
    %jit3A_891 = arith.constant 0 : i32
    %broadcast_in_dim3A_892 = vector.broadcast %jit3A_891 : i32 to vector<16xi32>
    %select_n3A_893 = arith.select %eq3A_890, %get3A_739, %broadcast_in_dim3A_892 : vector<16xi1>, vector<16xi32>
    %reduce_sum3A_894 = arith.constant true
    %reduce_sum3A_895 = vector.broadcast %reduce_sum3A_894 : i1 to vector<16xi1>
    %reduce_sum3A_896 = tpu.scan <sum>, %select_n3A_893 masked %reduce_sum3A_895 : vector<16xi32>, vector<16xi1> -> vector<16xi32>
    %reduce_sum3A_897 = vector.extract %reduce_sum3A_896[15] : i32 from vector<16xi32>
    %dma_start3A_898 = arith.constant 19 : i32
    %dma_start3A_899 = arith.constant 0 : i32
    %dma_start3A_900 = tpu.memref_slice %arg9[%dma_start3A_898, %dma_start3A_899] : memref<32x32xf32, #tpu.memory_space<vmem>> -> memref<1x32xf32, #tpu.memory_space<vmem>>
    %dma_start3A_901 = tpu.memref_squeeze %dma_start3A_900 : memref<1x32xf32, #tpu.memory_space<vmem>> -> memref<32xf32, #tpu.memory_space<vmem>>
    %dma_start3A_902 = arith.constant 0 : i32
    %dma_start3A_903 = tpu.memref_slice %arg2[%reduce_sum3A_887, %dma_start3A_902] : memref<1000000x32xf32, #tpu.memory_space<hbm>> -> memref<1x32xf32, #tpu.memory_space<hbm>>
    %dma_start3A_904 = tpu.memref_squeeze %dma_start3A_903 : memref<1x32xf32, #tpu.memory_space<hbm>> -> memref<32xf32, #tpu.memory_space<hbm>>
    %dma_start3A_905 = arith.constant 0 : i32
    %dma_start3A_906 = tpu.memref_slice %arg9[%dma_start3A_898, %dma_start3A_905] : memref<32x32xf32, #tpu.memory_space<vmem>> -> memref<1x32xf32, #tpu.memory_space<vmem>>
    %dma_start3A_907 = tpu.memref_squeeze %dma_start3A_906 : memref<1x32xf32, #tpu.memory_space<vmem>> -> memref<32xf32, #tpu.memory_space<vmem>>
    %dma_start3A_908 = arith.constant 0 : i32
    %dma_start3A_909 = tpu.memref_slice %arg2[%reduce_sum3A_887, %dma_start3A_908] : memref<1000000x32xf32, #tpu.memory_space<hbm>> -> memref<1x32xf32, #tpu.memory_space<hbm>>
    %dma_start3A_910 = tpu.memref_squeeze %dma_start3A_909 : memref<1x32xf32, #tpu.memory_space<hbm>> -> memref<32xf32, #tpu.memory_space<hbm>>
    tpu.enqueue_dma source(%dma_start3A_910 : memref<32xf32, #tpu.memory_space<hbm>>) target(%dma_start3A_907 : memref<32xf32, #tpu.memory_space<vmem>>) target_semaphore(%arg12 : memref<!tpu.dma_semaphore, #tpu.memory_space<semaphore_mem>>)
    %dma_start3A_911 = arith.constant 19 : i32
    %dma_start3A_912 = arith.constant 0 : i32
    %dma_start3A_913 = tpu.memref_slice %arg11[%dma_start3A_911, %dma_start3A_912] : memref<32x32xf32, #tpu.memory_space<vmem>> -> memref<1x32xf32, #tpu.memory_space<vmem>>
    %dma_start3A_914 = tpu.memref_squeeze %dma_start3A_913 : memref<1x32xf32, #tpu.memory_space<vmem>> -> memref<32xf32, #tpu.memory_space<vmem>>
    %dma_start3A_915 = arith.constant 0 : i32
    %dma_start3A_916 = tpu.memref_slice %arg4[%reduce_sum3A_897, %dma_start3A_915] : memref<100000x32xf32, #tpu.memory_space<hbm>> -> memref<1x32xf32, #tpu.memory_space<hbm>>
    %dma_start3A_917 = tpu.memref_squeeze %dma_start3A_916 : memref<1x32xf32, #tpu.memory_space<hbm>> -> memref<32xf32, #tpu.memory_space<hbm>>
    %dma_start3A_918 = arith.constant 0 : i32
    %dma_start3A_919 = tpu.memref_slice %arg11[%dma_start3A_911, %dma_start3A_918] : memref<32x32xf32, #tpu.memory_space<vmem>> -> memref<1x32xf32, #tpu.memory_space<vmem>>
    %dma_start3A_920 = tpu.memref_squeeze %dma_start3A_919 : memref<1x32xf32, #tpu.memory_space<vmem>> -> memref<32xf32, #tpu.memory_space<vmem>>
    %dma_start3A_921 = arith.constant 0 : i32
    %dma_start3A_922 = tpu.memref_slice %arg4[%reduce_sum3A_897, %dma_start3A_921] : memref<100000x32xf32, #tpu.memory_space<hbm>> -> memref<1x32xf32, #tpu.memory_space<hbm>>
    %dma_start3A_923 = tpu.memref_squeeze %dma_start3A_922 : memref<1x32xf32, #tpu.memory_space<hbm>> -> memref<32xf32, #tpu.memory_space<hbm>>
    tpu.enqueue_dma source(%dma_start3A_923 : memref<32xf32, #tpu.memory_space<hbm>>) target(%dma_start3A_920 : memref<32xf32, #tpu.memory_space<vmem>>) target_semaphore(%arg13 : memref<!tpu.dma_semaphore, #tpu.memory_space<semaphore_mem>>)
    %eq3A_924 = arith.constant 4 : i32
    %eq3A_925 = vector.broadcast %eq3A_924 : i32 to vector<16xi32>
    %eq3A_926 = arith.cmpi eq, %iota3A, %eq3A_925 : vector<16xi32>
    %jit3A_927 = arith.constant 0 : i32
    %broadcast_in_dim3A_928 = vector.broadcast %jit3A_927 : i32 to vector<16xi32>
    %select_n3A_929 = arith.select %eq3A_926, %get3A_737, %broadcast_in_dim3A_928 : vector<16xi1>, vector<16xi32>
    %reduce_sum3A_930 = arith.constant true
    %reduce_sum3A_931 = vector.broadcast %reduce_sum3A_930 : i1 to vector<16xi1>
    %reduce_sum3A_932 = tpu.scan <sum>, %select_n3A_929 masked %reduce_sum3A_931 : vector<16xi32>, vector<16xi1> -> vector<16xi32>
    %reduce_sum3A_933 = vector.extract %reduce_sum3A_932[15] : i32 from vector<16xi32>
    %eq3A_934 = arith.constant 4 : i32
    %eq3A_935 = vector.broadcast %eq3A_934 : i32 to vector<16xi32>
    %eq3A_936 = arith.cmpi eq, %iota3A, %eq3A_935 : vector<16xi32>
    %jit3A_937 = arith.constant 0 : i32
    %broadcast_in_dim3A_938 = vector.broadcast %jit3A_937 : i32 to vector<16xi32>
    %select_n3A_939 = arith.select %eq3A_936, %get3A_739, %broadcast_in_dim3A_938 : vector<16xi1>, vector<16xi32>
    %reduce_sum3A_940 = arith.constant true
    %reduce_sum3A_941 = vector.broadcast %reduce_sum3A_940 : i1 to vector<16xi1>
    %reduce_sum3A_942 = tpu.scan <sum>, %select_n3A_939 masked %reduce_sum3A_941 : vector<16xi32>, vector<16xi1> -> vector<16xi32>
    %reduce_sum3A_943 = vector.extract %reduce_sum3A_942[15] : i32 from vector<16xi32>
    %dma_start3A_944 = arith.constant 20 : i32
    %dma_start3A_945 = arith.constant 0 : i32
    %dma_start3A_946 = tpu.memref_slice %arg9[%dma_start3A_944, %dma_start3A_945] : memref<32x32xf32, #tpu.memory_space<vmem>> -> memref<1x32xf32, #tpu.memory_space<vmem>>
    %dma_start3A_947 = tpu.memref_squeeze %dma_start3A_946 : memref<1x32xf32, #tpu.memory_space<vmem>> -> memref<32xf32, #tpu.memory_space<vmem>>
    %dma_start3A_948 = arith.constant 0 : i32
    %dma_start3A_949 = tpu.memref_slice %arg2[%reduce_sum3A_933, %dma_start3A_948] : memref<1000000x32xf32, #tpu.memory_space<hbm>> -> memref<1x32xf32, #tpu.memory_space<hbm>>
    %dma_start3A_950 = tpu.memref_squeeze %dma_start3A_949 : memref<1x32xf32, #tpu.memory_space<hbm>> -> memref<32xf32, #tpu.memory_space<hbm>>
    %dma_start3A_951 = arith.constant 0 : i32
    %dma_start3A_952 = tpu.memref_slice %arg9[%dma_start3A_944, %dma_start3A_951] : memref<32x32xf32, #tpu.memory_space<vmem>> -> memref<1x32xf32, #tpu.memory_space<vmem>>
    %dma_start3A_953 = tpu.memref_squeeze %dma_start3A_952 : memref<1x32xf32, #tpu.memory_space<vmem>> -> memref<32xf32, #tpu.memory_space<vmem>>
    %dma_start3A_954 = arith.constant 0 : i32
    %dma_start3A_955 = tpu.memref_slice %arg2[%reduce_sum3A_933, %dma_start3A_954] : memref<1000000x32xf32, #tpu.memory_space<hbm>> -> memref<1x32xf32, #tpu.memory_space<hbm>>
    %dma_start3A_956 = tpu.memref_squeeze %dma_start3A_955 : memref<1x32xf32, #tpu.memory_space<hbm>> -> memref<32xf32, #tpu.memory_space<hbm>>
    tpu.enqueue_dma source(%dma_start3A_956 : memref<32xf32, #tpu.memory_space<hbm>>) target(%dma_start3A_953 : memref<32xf32, #tpu.memory_space<vmem>>) target_semaphore(%arg12 : memref<!tpu.dma_semaphore, #tpu.memory_space<semaphore_mem>>)
    %dma_start3A_957 = arith.constant 20 : i32
    %dma_start3A_958 = arith.constant 0 : i32
    %dma_start3A_959 = tpu.memref_slice %arg11[%dma_start3A_957, %dma_start3A_958] : memref<32x32xf32, #tpu.memory_space<vmem>> -> memref<1x32xf32, #tpu.memory_space<vmem>>
    %dma_start3A_960 = tpu.memref_squeeze %dma_start3A_959 : memref<1x32xf32, #tpu.memory_space<vmem>> -> memref<32xf32, #tpu.memory_space<vmem>>
    %dma_start3A_961 = arith.constant 0 : i32
    %dma_start3A_962 = tpu.memref_slice %arg4[%reduce_sum3A_943, %dma_start3A_961] : memref<100000x32xf32, #tpu.memory_space<hbm>> -> memref<1x32xf32, #tpu.memory_space<hbm>>
    %dma_start3A_963 = tpu.memref_squeeze %dma_start3A_962 : memref<1x32xf32, #tpu.memory_space<hbm>> -> memref<32xf32, #tpu.memory_space<hbm>>
    %dma_start3A_964 = arith.constant 0 : i32
    %dma_start3A_965 = tpu.memref_slice %arg11[%dma_start3A_957, %dma_start3A_964] : memref<32x32xf32, #tpu.memory_space<vmem>> -> memref<1x32xf32, #tpu.memory_space<vmem>>
    %dma_start3A_966 = tpu.memref_squeeze %dma_start3A_965 : memref<1x32xf32, #tpu.memory_space<vmem>> -> memref<32xf32, #tpu.memory_space<vmem>>
    %dma_start3A_967 = arith.constant 0 : i32
    %dma_start3A_968 = tpu.memref_slice %arg4[%reduce_sum3A_943, %dma_start3A_967] : memref<100000x32xf32, #tpu.memory_space<hbm>> -> memref<1x32xf32, #tpu.memory_space<hbm>>
    %dma_start3A_969 = tpu.memref_squeeze %dma_start3A_968 : memref<1x32xf32, #tpu.memory_space<hbm>> -> memref<32xf32, #tpu.memory_space<hbm>>
    tpu.enqueue_dma source(%dma_start3A_969 : memref<32xf32, #tpu.memory_space<hbm>>) target(%dma_start3A_966 : memref<32xf32, #tpu.memory_space<vmem>>) target_semaphore(%arg13 : memref<!tpu.dma_semaphore, #tpu.memory_space<semaphore_mem>>)
    %eq3A_970 = arith.constant 5 : i32
    %eq3A_971 = vector.broadcast %eq3A_970 : i32 to vector<16xi32>
    %eq3A_972 = arith.cmpi eq, %iota3A, %eq3A_971 : vector<16xi32>
    %jit3A_973 = arith.constant 0 : i32
    %broadcast_in_dim3A_974 = vector.broadcast %jit3A_973 : i32 to vector<16xi32>
    %select_n3A_975 = arith.select %eq3A_972, %get3A_737, %broadcast_in_dim3A_974 : vector<16xi1>, vector<16xi32>
    %reduce_sum3A_976 = arith.constant true
    %reduce_sum3A_977 = vector.broadcast %reduce_sum3A_976 : i1 to vector<16xi1>
    %reduce_sum3A_978 = tpu.scan <sum>, %select_n3A_975 masked %reduce_sum3A_977 : vector<16xi32>, vector<16xi1> -> vector<16xi32>
    %reduce_sum3A_979 = vector.extract %reduce_sum3A_978[15] : i32 from vector<16xi32>
    %eq3A_980 = arith.constant 5 : i32
    %eq3A_981 = vector.broadcast %eq3A_980 : i32 to vector<16xi32>
    %eq3A_982 = arith.cmpi eq, %iota3A, %eq3A_981 : vector<16xi32>
    %jit3A_983 = arith.constant 0 : i32
    %broadcast_in_dim3A_984 = vector.broadcast %jit3A_983 : i32 to vector<16xi32>
    %select_n3A_985 = arith.select %eq3A_982, %get3A_739, %broadcast_in_dim3A_984 : vector<16xi1>, vector<16xi32>
    %reduce_sum3A_986 = arith.constant true
    %reduce_sum3A_987 = vector.broadcast %reduce_sum3A_986 : i1 to vector<16xi1>
    %reduce_sum3A_988 = tpu.scan <sum>, %select_n3A_985 masked %reduce_sum3A_987 : vector<16xi32>, vector<16xi1> -> vector<16xi32>
    %reduce_sum3A_989 = vector.extract %reduce_sum3A_988[15] : i32 from vector<16xi32>
    %dma_start3A_990 = arith.constant 21 : i32
    %dma_start3A_991 = arith.constant 0 : i32
    %dma_start3A_992 = tpu.memref_slice %arg9[%dma_start3A_990, %dma_start3A_991] : memref<32x32xf32, #tpu.memory_space<vmem>> -> memref<1x32xf32, #tpu.memory_space<vmem>>
    %dma_start3A_993 = tpu.memref_squeeze %dma_start3A_992 : memref<1x32xf32, #tpu.memory_space<vmem>> -> memref<32xf32, #tpu.memory_space<vmem>>
    %dma_start3A_994 = arith.constant 0 : i32
    %dma_start3A_995 = tpu.memref_slice %arg2[%reduce_sum3A_979, %dma_start3A_994] : memref<1000000x32xf32, #tpu.memory_space<hbm>> -> memref<1x32xf32, #tpu.memory_space<hbm>>
    %dma_start3A_996 = tpu.memref_squeeze %dma_start3A_995 : memref<1x32xf32, #tpu.memory_space<hbm>> -> memref<32xf32, #tpu.memory_space<hbm>>
    %dma_start3A_997 = arith.constant 0 : i32
    %dma_start3A_998 = tpu.memref_slice %arg9[%dma_start3A_990, %dma_start3A_997] : memref<32x32xf32, #tpu.memory_space<vmem>> -> memref<1x32xf32, #tpu.memory_space<vmem>>
    %dma_start3A_999 = tpu.memref_squeeze %dma_start3A_998 : memref<1x32xf32, #tpu.memory_space<vmem>> -> memref<32xf32, #tpu.memory_space<vmem>>
    %dma_start3A_1000 = arith.constant 0 : i32
    %dma_start3A_1001 = tpu.memref_slice %arg2[%reduce_sum3A_979, %dma_start3A_1000] : memref<1000000x32xf32, #tpu.memory_space<hbm>> -> memref<1x32xf32, #tpu.memory_space<hbm>>
    %dma_start3A_1002 = tpu.memref_squeeze %dma_start3A_1001 : memref<1x32xf32, #tpu.memory_space<hbm>> -> memref<32xf32, #tpu.memory_space<hbm>>
    tpu.enqueue_dma source(%dma_start3A_1002 : memref<32xf32, #tpu.memory_space<hbm>>) target(%dma_start3A_999 : memref<32xf32, #tpu.memory_space<vmem>>) target_semaphore(%arg12 : memref<!tpu.dma_semaphore, #tpu.memory_space<semaphore_mem>>)
    %dma_start3A_1003 = arith.constant 21 : i32
    %dma_start3A_1004 = arith.constant 0 : i32
    %dma_start3A_1005 = tpu.memref_slice %arg11[%dma_start3A_1003, %dma_start3A_1004] : memref<32x32xf32, #tpu.memory_space<vmem>> -> memref<1x32xf32, #tpu.memory_space<vmem>>
    %dma_start3A_1006 = tpu.memref_squeeze %dma_start3A_1005 : memref<1x32xf32, #tpu.memory_space<vmem>> -> memref<32xf32, #tpu.memory_space<vmem>>
    %dma_start3A_1007 = arith.constant 0 : i32
    %dma_start3A_1008 = tpu.memref_slice %arg4[%reduce_sum3A_989, %dma_start3A_1007] : memref<100000x32xf32, #tpu.memory_space<hbm>> -> memref<1x32xf32, #tpu.memory_space<hbm>>
    %dma_start3A_1009 = tpu.memref_squeeze %dma_start3A_1008 : memref<1x32xf32, #tpu.memory_space<hbm>> -> memref<32xf32, #tpu.memory_space<hbm>>
    %dma_start3A_1010 = arith.constant 0 : i32
    %dma_start3A_1011 = tpu.memref_slice %arg11[%dma_start3A_1003, %dma_start3A_1010] : memref<32x32xf32, #tpu.memory_space<vmem>> -> memref<1x32xf32, #tpu.memory_space<vmem>>
    %dma_start3A_1012 = tpu.memref_squeeze %dma_start3A_1011 : memref<1x32xf32, #tpu.memory_space<vmem>> -> memref<32xf32, #tpu.memory_space<vmem>>
    %dma_start3A_1013 = arith.constant 0 : i32
    %dma_start3A_1014 = tpu.memref_slice %arg4[%reduce_sum3A_989, %dma_start3A_1013] : memref<100000x32xf32, #tpu.memory_space<hbm>> -> memref<1x32xf32, #tpu.memory_space<hbm>>
    %dma_start3A_1015 = tpu.memref_squeeze %dma_start3A_1014 : memref<1x32xf32, #tpu.memory_space<hbm>> -> memref<32xf32, #tpu.memory_space<hbm>>
    tpu.enqueue_dma source(%dma_start3A_1015 : memref<32xf32, #tpu.memory_space<hbm>>) target(%dma_start3A_1012 : memref<32xf32, #tpu.memory_space<vmem>>) target_semaphore(%arg13 : memref<!tpu.dma_semaphore, #tpu.memory_space<semaphore_mem>>)
    %eq3A_1016 = arith.constant 6 : i32
    %eq3A_1017 = vector.broadcast %eq3A_1016 : i32 to vector<16xi32>
    %eq3A_1018 = arith.cmpi eq, %iota3A, %eq3A_1017 : vector<16xi32>
    %jit3A_1019 = arith.constant 0 : i32
    %broadcast_in_dim3A_1020 = vector.broadcast %jit3A_1019 : i32 to vector<16xi32>
    %select_n3A_1021 = arith.select %eq3A_1018, %get3A_737, %broadcast_in_dim3A_1020 : vector<16xi1>, vector<16xi32>
    %reduce_sum3A_1022 = arith.constant true
    %reduce_sum3A_1023 = vector.broadcast %reduce_sum3A_1022 : i1 to vector<16xi1>
    %reduce_sum3A_1024 = tpu.scan <sum>, %select_n3A_1021 masked %reduce_sum3A_1023 : vector<16xi32>, vector<16xi1> -> vector<16xi32>
    %reduce_sum3A_1025 = vector.extract %reduce_sum3A_1024[15] : i32 from vector<16xi32>
    %eq3A_1026 = arith.constant 6 : i32
    %eq3A_1027 = vector.broadcast %eq3A_1026 : i32 to vector<16xi32>
    %eq3A_1028 = arith.cmpi eq, %iota3A, %eq3A_1027 : vector<16xi32>
    %jit3A_1029 = arith.constant 0 : i32
    %broadcast_in_dim3A_1030 = vector.broadcast %jit3A_1029 : i32 to vector<16xi32>
    %select_n3A_1031 = arith.select %eq3A_1028, %get3A_739, %broadcast_in_dim3A_1030 : vector<16xi1>, vector<16xi32>
    %reduce_sum3A_1032 = arith.constant true
    %reduce_sum3A_1033 = vector.broadcast %reduce_sum3A_1032 : i1 to vector<16xi1>
    %reduce_sum3A_1034 = tpu.scan <sum>, %select_n3A_1031 masked %reduce_sum3A_1033 : vector<16xi32>, vector<16xi1> -> vector<16xi32>
    %reduce_sum3A_1035 = vector.extract %reduce_sum3A_1034[15] : i32 from vector<16xi32>
    %dma_start3A_1036 = arith.constant 22 : i32
    %dma_start3A_1037 = arith.constant 0 : i32
    %dma_start3A_1038 = tpu.memref_slice %arg9[%dma_start3A_1036, %dma_start3A_1037] : memref<32x32xf32, #tpu.memory_space<vmem>> -> memref<1x32xf32, #tpu.memory_space<vmem>>
    %dma_start3A_1039 = tpu.memref_squeeze %dma_start3A_1038 : memref<1x32xf32, #tpu.memory_space<vmem>> -> memref<32xf32, #tpu.memory_space<vmem>>
    %dma_start3A_1040 = arith.constant 0 : i32
    %dma_start3A_1041 = tpu.memref_slice %arg2[%reduce_sum3A_1025, %dma_start3A_1040] : memref<1000000x32xf32, #tpu.memory_space<hbm>> -> memref<1x32xf32, #tpu.memory_space<hbm>>
    %dma_start3A_1042 = tpu.memref_squeeze %dma_start3A_1041 : memref<1x32xf32, #tpu.memory_space<hbm>> -> memref<32xf32, #tpu.memory_space<hbm>>
    %dma_start3A_1043 = arith.constant 0 : i32
    %dma_start3A_1044 = tpu.memref_slice %arg9[%dma_start3A_1036, %dma_start3A_1043] : memref<32x32xf32, #tpu.memory_space<vmem>> -> memref<1x32xf32, #tpu.memory_space<vmem>>
    %dma_start3A_1045 = tpu.memref_squeeze %dma_start3A_1044 : memref<1x32xf32, #tpu.memory_space<vmem>> -> memref<32xf32, #tpu.memory_space<vmem>>
    %dma_start3A_1046 = arith.constant 0 : i32
    %dma_start3A_1047 = tpu.memref_slice %arg2[%reduce_sum3A_1025, %dma_start3A_1046] : memref<1000000x32xf32, #tpu.memory_space<hbm>> -> memref<1x32xf32, #tpu.memory_space<hbm>>
    %dma_start3A_1048 = tpu.memref_squeeze %dma_start3A_1047 : memref<1x32xf32, #tpu.memory_space<hbm>> -> memref<32xf32, #tpu.memory_space<hbm>>
    tpu.enqueue_dma source(%dma_start3A_1048 : memref<32xf32, #tpu.memory_space<hbm>>) target(%dma_start3A_1045 : memref<32xf32, #tpu.memory_space<vmem>>) target_semaphore(%arg12 : memref<!tpu.dma_semaphore, #tpu.memory_space<semaphore_mem>>)
    %dma_start3A_1049 = arith.constant 22 : i32
    %dma_start3A_1050 = arith.constant 0 : i32
    %dma_start3A_1051 = tpu.memref_slice %arg11[%dma_start3A_1049, %dma_start3A_1050] : memref<32x32xf32, #tpu.memory_space<vmem>> -> memref<1x32xf32, #tpu.memory_space<vmem>>
    %dma_start3A_1052 = tpu.memref_squeeze %dma_start3A_1051 : memref<1x32xf32, #tpu.memory_space<vmem>> -> memref<32xf32, #tpu.memory_space<vmem>>
    %dma_start3A_1053 = arith.constant 0 : i32
    %dma_start3A_1054 = tpu.memref_slice %arg4[%reduce_sum3A_1035, %dma_start3A_1053] : memref<100000x32xf32, #tpu.memory_space<hbm>> -> memref<1x32xf32, #tpu.memory_space<hbm>>
    %dma_start3A_1055 = tpu.memref_squeeze %dma_start3A_1054 : memref<1x32xf32, #tpu.memory_space<hbm>> -> memref<32xf32, #tpu.memory_space<hbm>>
    %dma_start3A_1056 = arith.constant 0 : i32
    %dma_start3A_1057 = tpu.memref_slice %arg11[%dma_start3A_1049, %dma_start3A_1056] : memref<32x32xf32, #tpu.memory_space<vmem>> -> memref<1x32xf32, #tpu.memory_space<vmem>>
    %dma_start3A_1058 = tpu.memref_squeeze %dma_start3A_1057 : memref<1x32xf32, #tpu.memory_space<vmem>> -> memref<32xf32, #tpu.memory_space<vmem>>
    %dma_start3A_1059 = arith.constant 0 : i32
    %dma_start3A_1060 = tpu.memref_slice %arg4[%reduce_sum3A_1035, %dma_start3A_1059] : memref<100000x32xf32, #tpu.memory_space<hbm>> -> memref<1x32xf32, #tpu.memory_space<hbm>>
    %dma_start3A_1061 = tpu.memref_squeeze %dma_start3A_1060 : memref<1x32xf32, #tpu.memory_space<hbm>> -> memref<32xf32, #tpu.memory_space<hbm>>
    tpu.enqueue_dma source(%dma_start3A_1061 : memref<32xf32, #tpu.memory_space<hbm>>) target(%dma_start3A_1058 : memref<32xf32, #tpu.memory_space<vmem>>) target_semaphore(%arg13 : memref<!tpu.dma_semaphore, #tpu.memory_space<semaphore_mem>>)
    %eq3A_1062 = arith.constant 7 : i32
    %eq3A_1063 = vector.broadcast %eq3A_1062 : i32 to vector<16xi32>
    %eq3A_1064 = arith.cmpi eq, %iota3A, %eq3A_1063 : vector<16xi32>
    %jit3A_1065 = arith.constant 0 : i32
    %broadcast_in_dim3A_1066 = vector.broadcast %jit3A_1065 : i32 to vector<16xi32>
    %select_n3A_1067 = arith.select %eq3A_1064, %get3A_737, %broadcast_in_dim3A_1066 : vector<16xi1>, vector<16xi32>
    %reduce_sum3A_1068 = arith.constant true
    %reduce_sum3A_1069 = vector.broadcast %reduce_sum3A_1068 : i1 to vector<16xi1>
    %reduce_sum3A_1070 = tpu.scan <sum>, %select_n3A_1067 masked %reduce_sum3A_1069 : vector<16xi32>, vector<16xi1> -> vector<16xi32>
    %reduce_sum3A_1071 = vector.extract %reduce_sum3A_1070[15] : i32 from vector<16xi32>
    %eq3A_1072 = arith.constant 7 : i32
    %eq3A_1073 = vector.broadcast %eq3A_1072 : i32 to vector<16xi32>
    %eq3A_1074 = arith.cmpi eq, %iota3A, %eq3A_1073 : vector<16xi32>
    %jit3A_1075 = arith.constant 0 : i32
    %broadcast_in_dim3A_1076 = vector.broadcast %jit3A_1075 : i32 to vector<16xi32>
    %select_n3A_1077 = arith.select %eq3A_1074, %get3A_739, %broadcast_in_dim3A_1076 : vector<16xi1>, vector<16xi32>
    %reduce_sum3A_1078 = arith.constant true
    %reduce_sum3A_1079 = vector.broadcast %reduce_sum3A_1078 : i1 to vector<16xi1>
    %reduce_sum3A_1080 = tpu.scan <sum>, %select_n3A_1077 masked %reduce_sum3A_1079 : vector<16xi32>, vector<16xi1> -> vector<16xi32>
    %reduce_sum3A_1081 = vector.extract %reduce_sum3A_1080[15] : i32 from vector<16xi32>
    %dma_start3A_1082 = arith.constant 23 : i32
    %dma_start3A_1083 = arith.constant 0 : i32
    %dma_start3A_1084 = tpu.memref_slice %arg9[%dma_start3A_1082, %dma_start3A_1083] : memref<32x32xf32, #tpu.memory_space<vmem>> -> memref<1x32xf32, #tpu.memory_space<vmem>>
    %dma_start3A_1085 = tpu.memref_squeeze %dma_start3A_1084 : memref<1x32xf32, #tpu.memory_space<vmem>> -> memref<32xf32, #tpu.memory_space<vmem>>
    %dma_start3A_1086 = arith.constant 0 : i32
    %dma_start3A_1087 = tpu.memref_slice %arg2[%reduce_sum3A_1071, %dma_start3A_1086] : memref<1000000x32xf32, #tpu.memory_space<hbm>> -> memref<1x32xf32, #tpu.memory_space<hbm>>
    %dma_start3A_1088 = tpu.memref_squeeze %dma_start3A_1087 : memref<1x32xf32, #tpu.memory_space<hbm>> -> memref<32xf32, #tpu.memory_space<hbm>>
    %dma_start3A_1089 = arith.constant 0 : i32
    %dma_start3A_1090 = tpu.memref_slice %arg9[%dma_start3A_1082, %dma_start3A_1089] : memref<32x32xf32, #tpu.memory_space<vmem>> -> memref<1x32xf32, #tpu.memory_space<vmem>>
    %dma_start3A_1091 = tpu.memref_squeeze %dma_start3A_1090 : memref<1x32xf32, #tpu.memory_space<vmem>> -> memref<32xf32, #tpu.memory_space<vmem>>
    %dma_start3A_1092 = arith.constant 0 : i32
    %dma_start3A_1093 = tpu.memref_slice %arg2[%reduce_sum3A_1071, %dma_start3A_1092] : memref<1000000x32xf32, #tpu.memory_space<hbm>> -> memref<1x32xf32, #tpu.memory_space<hbm>>
    %dma_start3A_1094 = tpu.memref_squeeze %dma_start3A_1093 : memref<1x32xf32, #tpu.memory_space<hbm>> -> memref<32xf32, #tpu.memory_space<hbm>>
    tpu.enqueue_dma source(%dma_start3A_1094 : memref<32xf32, #tpu.memory_space<hbm>>) target(%dma_start3A_1091 : memref<32xf32, #tpu.memory_space<vmem>>) target_semaphore(%arg12 : memref<!tpu.dma_semaphore, #tpu.memory_space<semaphore_mem>>)
    %dma_start3A_1095 = arith.constant 23 : i32
    %dma_start3A_1096 = arith.constant 0 : i32
    %dma_start3A_1097 = tpu.memref_slice %arg11[%dma_start3A_1095, %dma_start3A_1096] : memref<32x32xf32, #tpu.memory_space<vmem>> -> memref<1x32xf32, #tpu.memory_space<vmem>>
    %dma_start3A_1098 = tpu.memref_squeeze %dma_start3A_1097 : memref<1x32xf32, #tpu.memory_space<vmem>> -> memref<32xf32, #tpu.memory_space<vmem>>
    %dma_start3A_1099 = arith.constant 0 : i32
    %dma_start3A_1100 = tpu.memref_slice %arg4[%reduce_sum3A_1081, %dma_start3A_1099] : memref<100000x32xf32, #tpu.memory_space<hbm>> -> memref<1x32xf32, #tpu.memory_space<hbm>>
    %dma_start3A_1101 = tpu.memref_squeeze %dma_start3A_1100 : memref<1x32xf32, #tpu.memory_space<hbm>> -> memref<32xf32, #tpu.memory_space<hbm>>
    %dma_start3A_1102 = arith.constant 0 : i32
    %dma_start3A_1103 = tpu.memref_slice %arg11[%dma_start3A_1095, %dma_start3A_1102] : memref<32x32xf32, #tpu.memory_space<vmem>> -> memref<1x32xf32, #tpu.memory_space<vmem>>
    %dma_start3A_1104 = tpu.memref_squeeze %dma_start3A_1103 : memref<1x32xf32, #tpu.memory_space<vmem>> -> memref<32xf32, #tpu.memory_space<vmem>>
    %dma_start3A_1105 = arith.constant 0 : i32
    %dma_start3A_1106 = tpu.memref_slice %arg4[%reduce_sum3A_1081, %dma_start3A_1105] : memref<100000x32xf32, #tpu.memory_space<hbm>> -> memref<1x32xf32, #tpu.memory_space<hbm>>
    %dma_start3A_1107 = tpu.memref_squeeze %dma_start3A_1106 : memref<1x32xf32, #tpu.memory_space<hbm>> -> memref<32xf32, #tpu.memory_space<hbm>>
    tpu.enqueue_dma source(%dma_start3A_1107 : memref<32xf32, #tpu.memory_space<hbm>>) target(%dma_start3A_1104 : memref<32xf32, #tpu.memory_space<vmem>>) target_semaphore(%arg13 : memref<!tpu.dma_semaphore, #tpu.memory_space<semaphore_mem>>)
    %eq3A_1108 = arith.constant 8 : i32
    %eq3A_1109 = vector.broadcast %eq3A_1108 : i32 to vector<16xi32>
    %eq3A_1110 = arith.cmpi eq, %iota3A, %eq3A_1109 : vector<16xi32>
    %jit3A_1111 = arith.constant 0 : i32
    %broadcast_in_dim3A_1112 = vector.broadcast %jit3A_1111 : i32 to vector<16xi32>
    %select_n3A_1113 = arith.select %eq3A_1110, %get3A_737, %broadcast_in_dim3A_1112 : vector<16xi1>, vector<16xi32>
    %reduce_sum3A_1114 = arith.constant true
    %reduce_sum3A_1115 = vector.broadcast %reduce_sum3A_1114 : i1 to vector<16xi1>
    %reduce_sum3A_1116 = tpu.scan <sum>, %select_n3A_1113 masked %reduce_sum3A_1115 : vector<16xi32>, vector<16xi1> -> vector<16xi32>
    %reduce_sum3A_1117 = vector.extract %reduce_sum3A_1116[15] : i32 from vector<16xi32>
    %eq3A_1118 = arith.constant 8 : i32
    %eq3A_1119 = vector.broadcast %eq3A_1118 : i32 to vector<16xi32>
    %eq3A_1120 = arith.cmpi eq, %iota3A, %eq3A_1119 : vector<16xi32>
    %jit3A_1121 = arith.constant 0 : i32
    %broadcast_in_dim3A_1122 = vector.broadcast %jit3A_1121 : i32 to vector<16xi32>
    %select_n3A_1123 = arith.select %eq3A_1120, %get3A_739, %broadcast_in_dim3A_1122 : vector<16xi1>, vector<16xi32>
    %reduce_sum3A_1124 = arith.constant true
    %reduce_sum3A_1125 = vector.broadcast %reduce_sum3A_1124 : i1 to vector<16xi1>
    %reduce_sum3A_1126 = tpu.scan <sum>, %select_n3A_1123 masked %reduce_sum3A_1125 : vector<16xi32>, vector<16xi1> -> vector<16xi32>
    %reduce_sum3A_1127 = vector.extract %reduce_sum3A_1126[15] : i32 from vector<16xi32>
    %dma_start3A_1128 = arith.constant 24 : i32
    %dma_start3A_1129 = arith.constant 0 : i32
    %dma_start3A_1130 = tpu.memref_slice %arg9[%dma_start3A_1128, %dma_start3A_1129] : memref<32x32xf32, #tpu.memory_space<vmem>> -> memref<1x32xf32, #tpu.memory_space<vmem>>
    %dma_start3A_1131 = tpu.memref_squeeze %dma_start3A_1130 : memref<1x32xf32, #tpu.memory_space<vmem>> -> memref<32xf32, #tpu.memory_space<vmem>>
    %dma_start3A_1132 = arith.constant 0 : i32
    %dma_start3A_1133 = tpu.memref_slice %arg2[%reduce_sum3A_1117, %dma_start3A_1132] : memref<1000000x32xf32, #tpu.memory_space<hbm>> -> memref<1x32xf32, #tpu.memory_space<hbm>>
    %dma_start3A_1134 = tpu.memref_squeeze %dma_start3A_1133 : memref<1x32xf32, #tpu.memory_space<hbm>> -> memref<32xf32, #tpu.memory_space<hbm>>
    %dma_start3A_1135 = arith.constant 0 : i32
    %dma_start3A_1136 = tpu.memref_slice %arg9[%dma_start3A_1128, %dma_start3A_1135] : memref<32x32xf32, #tpu.memory_space<vmem>> -> memref<1x32xf32, #tpu.memory_space<vmem>>
    %dma_start3A_1137 = tpu.memref_squeeze %dma_start3A_1136 : memref<1x32xf32, #tpu.memory_space<vmem>> -> memref<32xf32, #tpu.memory_space<vmem>>
    %dma_start3A_1138 = arith.constant 0 : i32
    %dma_start3A_1139 = tpu.memref_slice %arg2[%reduce_sum3A_1117, %dma_start3A_1138] : memref<1000000x32xf32, #tpu.memory_space<hbm>> -> memref<1x32xf32, #tpu.memory_space<hbm>>
    %dma_start3A_1140 = tpu.memref_squeeze %dma_start3A_1139 : memref<1x32xf32, #tpu.memory_space<hbm>> -> memref<32xf32, #tpu.memory_space<hbm>>
    tpu.enqueue_dma source(%dma_start3A_1140 : memref<32xf32, #tpu.memory_space<hbm>>) target(%dma_start3A_1137 : memref<32xf32, #tpu.memory_space<vmem>>) target_semaphore(%arg12 : memref<!tpu.dma_semaphore, #tpu.memory_space<semaphore_mem>>)
    %dma_start3A_1141 = arith.constant 24 : i32
    %dma_start3A_1142 = arith.constant 0 : i32
    %dma_start3A_1143 = tpu.memref_slice %arg11[%dma_start3A_1141, %dma_start3A_1142] : memref<32x32xf32, #tpu.memory_space<vmem>> -> memref<1x32xf32, #tpu.memory_space<vmem>>
    %dma_start3A_1144 = tpu.memref_squeeze %dma_start3A_1143 : memref<1x32xf32, #tpu.memory_space<vmem>> -> memref<32xf32, #tpu.memory_space<vmem>>
    %dma_start3A_1145 = arith.constant 0 : i32
    %dma_start3A_1146 = tpu.memref_slice %arg4[%reduce_sum3A_1127, %dma_start3A_1145] : memref<100000x32xf32, #tpu.memory_space<hbm>> -> memref<1x32xf32, #tpu.memory_space<hbm>>
    %dma_start3A_1147 = tpu.memref_squeeze %dma_start3A_1146 : memref<1x32xf32, #tpu.memory_space<hbm>> -> memref<32xf32, #tpu.memory_space<hbm>>
    %dma_start3A_1148 = arith.constant 0 : i32
    %dma_start3A_1149 = tpu.memref_slice %arg11[%dma_start3A_1141, %dma_start3A_1148] : memref<32x32xf32, #tpu.memory_space<vmem>> -> memref<1x32xf32, #tpu.memory_space<vmem>>
    %dma_start3A_1150 = tpu.memref_squeeze %dma_start3A_1149 : memref<1x32xf32, #tpu.memory_space<vmem>> -> memref<32xf32, #tpu.memory_space<vmem>>
    %dma_start3A_1151 = arith.constant 0 : i32
    %dma_start3A_1152 = tpu.memref_slice %arg4[%reduce_sum3A_1127, %dma_start3A_1151] : memref<100000x32xf32, #tpu.memory_space<hbm>> -> memref<1x32xf32, #tpu.memory_space<hbm>>
    %dma_start3A_1153 = tpu.memref_squeeze %dma_start3A_1152 : memref<1x32xf32, #tpu.memory_space<hbm>> -> memref<32xf32, #tpu.memory_space<hbm>>
    tpu.enqueue_dma source(%dma_start3A_1153 : memref<32xf32, #tpu.memory_space<hbm>>) target(%dma_start3A_1150 : memref<32xf32, #tpu.memory_space<vmem>>) target_semaphore(%arg13 : memref<!tpu.dma_semaphore, #tpu.memory_space<semaphore_mem>>)
    %eq3A_1154 = arith.constant 9 : i32
    %eq3A_1155 = vector.broadcast %eq3A_1154 : i32 to vector<16xi32>
    %eq3A_1156 = arith.cmpi eq, %iota3A, %eq3A_1155 : vector<16xi32>
    %jit3A_1157 = arith.constant 0 : i32
    %broadcast_in_dim3A_1158 = vector.broadcast %jit3A_1157 : i32 to vector<16xi32>
    %select_n3A_1159 = arith.select %eq3A_1156, %get3A_737, %broadcast_in_dim3A_1158 : vector<16xi1>, vector<16xi32>
    %reduce_sum3A_1160 = arith.constant true
    %reduce_sum3A_1161 = vector.broadcast %reduce_sum3A_1160 : i1 to vector<16xi1>
    %reduce_sum3A_1162 = tpu.scan <sum>, %select_n3A_1159 masked %reduce_sum3A_1161 : vector<16xi32>, vector<16xi1> -> vector<16xi32>
    %reduce_sum3A_1163 = vector.extract %reduce_sum3A_1162[15] : i32 from vector<16xi32>
    %eq3A_1164 = arith.constant 9 : i32
    %eq3A_1165 = vector.broadcast %eq3A_1164 : i32 to vector<16xi32>
    %eq3A_1166 = arith.cmpi eq, %iota3A, %eq3A_1165 : vector<16xi32>
    %jit3A_1167 = arith.constant 0 : i32
    %broadcast_in_dim3A_1168 = vector.broadcast %jit3A_1167 : i32 to vector<16xi32>
    %select_n3A_1169 = arith.select %eq3A_1166, %get3A_739, %broadcast_in_dim3A_1168 : vector<16xi1>, vector<16xi32>
    %reduce_sum3A_1170 = arith.constant true
    %reduce_sum3A_1171 = vector.broadcast %reduce_sum3A_1170 : i1 to vector<16xi1>
    %reduce_sum3A_1172 = tpu.scan <sum>, %select_n3A_1169 masked %reduce_sum3A_1171 : vector<16xi32>, vector<16xi1> -> vector<16xi32>
    %reduce_sum3A_1173 = vector.extract %reduce_sum3A_1172[15] : i32 from vector<16xi32>
    %dma_start3A_1174 = arith.constant 25 : i32
    %dma_start3A_1175 = arith.constant 0 : i32
    %dma_start3A_1176 = tpu.memref_slice %arg9[%dma_start3A_1174, %dma_start3A_1175] : memref<32x32xf32, #tpu.memory_space<vmem>> -> memref<1x32xf32, #tpu.memory_space<vmem>>
    %dma_start3A_1177 = tpu.memref_squeeze %dma_start3A_1176 : memref<1x32xf32, #tpu.memory_space<vmem>> -> memref<32xf32, #tpu.memory_space<vmem>>
    %dma_start3A_1178 = arith.constant 0 : i32
    %dma_start3A_1179 = tpu.memref_slice %arg2[%reduce_sum3A_1163, %dma_start3A_1178] : memref<1000000x32xf32, #tpu.memory_space<hbm>> -> memref<1x32xf32, #tpu.memory_space<hbm>>
    %dma_start3A_1180 = tpu.memref_squeeze %dma_start3A_1179 : memref<1x32xf32, #tpu.memory_space<hbm>> -> memref<32xf32, #tpu.memory_space<hbm>>
    %dma_start3A_1181 = arith.constant 0 : i32
    %dma_start3A_1182 = tpu.memref_slice %arg9[%dma_start3A_1174, %dma_start3A_1181] : memref<32x32xf32, #tpu.memory_space<vmem>> -> memref<1x32xf32, #tpu.memory_space<vmem>>
    %dma_start3A_1183 = tpu.memref_squeeze %dma_start3A_1182 : memref<1x32xf32, #tpu.memory_space<vmem>> -> memref<32xf32, #tpu.memory_space<vmem>>
    %dma_start3A_1184 = arith.constant 0 : i32
    %dma_start3A_1185 = tpu.memref_slice %arg2[%reduce_sum3A_1163, %dma_start3A_1184] : memref<1000000x32xf32, #tpu.memory_space<hbm>> -> memref<1x32xf32, #tpu.memory_space<hbm>>
    %dma_start3A_1186 = tpu.memref_squeeze %dma_start3A_1185 : memref<1x32xf32, #tpu.memory_space<hbm>> -> memref<32xf32, #tpu.memory_space<hbm>>
    tpu.enqueue_dma source(%dma_start3A_1186 : memref<32xf32, #tpu.memory_space<hbm>>) target(%dma_start3A_1183 : memref<32xf32, #tpu.memory_space<vmem>>) target_semaphore(%arg12 : memref<!tpu.dma_semaphore, #tpu.memory_space<semaphore_mem>>)
    %dma_start3A_1187 = arith.constant 25 : i32
    %dma_start3A_1188 = arith.constant 0 : i32
    %dma_start3A_1189 = tpu.memref_slice %arg11[%dma_start3A_1187, %dma_start3A_1188] : memref<32x32xf32, #tpu.memory_space<vmem>> -> memref<1x32xf32, #tpu.memory_space<vmem>>
    %dma_start3A_1190 = tpu.memref_squeeze %dma_start3A_1189 : memref<1x32xf32, #tpu.memory_space<vmem>> -> memref<32xf32, #tpu.memory_space<vmem>>
    %dma_start3A_1191 = arith.constant 0 : i32
    %dma_start3A_1192 = tpu.memref_slice %arg4[%reduce_sum3A_1173, %dma_start3A_1191] : memref<100000x32xf32, #tpu.memory_space<hbm>> -> memref<1x32xf32, #tpu.memory_space<hbm>>
    %dma_start3A_1193 = tpu.memref_squeeze %dma_start3A_1192 : memref<1x32xf32, #tpu.memory_space<hbm>> -> memref<32xf32, #tpu.memory_space<hbm>>
    %dma_start3A_1194 = arith.constant 0 : i32
    %dma_start3A_1195 = tpu.memref_slice %arg11[%dma_start3A_1187, %dma_start3A_1194] : memref<32x32xf32, #tpu.memory_space<vmem>> -> memref<1x32xf32, #tpu.memory_space<vmem>>
    %dma_start3A_1196 = tpu.memref_squeeze %dma_start3A_1195 : memref<1x32xf32, #tpu.memory_space<vmem>> -> memref<32xf32, #tpu.memory_space<vmem>>
    %dma_start3A_1197 = arith.constant 0 : i32
    %dma_start3A_1198 = tpu.memref_slice %arg4[%reduce_sum3A_1173, %dma_start3A_1197] : memref<100000x32xf32, #tpu.memory_space<hbm>> -> memref<1x32xf32, #tpu.memory_space<hbm>>
    %dma_start3A_1199 = tpu.memref_squeeze %dma_start3A_1198 : memref<1x32xf32, #tpu.memory_space<hbm>> -> memref<32xf32, #tpu.memory_space<hbm>>
    tpu.enqueue_dma source(%dma_start3A_1199 : memref<32xf32, #tpu.memory_space<hbm>>) target(%dma_start3A_1196 : memref<32xf32, #tpu.memory_space<vmem>>) target_semaphore(%arg13 : memref<!tpu.dma_semaphore, #tpu.memory_space<semaphore_mem>>)
    %eq3A_1200 = arith.constant 10 : i32
    %eq3A_1201 = vector.broadcast %eq3A_1200 : i32 to vector<16xi32>
    %eq3A_1202 = arith.cmpi eq, %iota3A, %eq3A_1201 : vector<16xi32>
    %jit3A_1203 = arith.constant 0 : i32
    %broadcast_in_dim3A_1204 = vector.broadcast %jit3A_1203 : i32 to vector<16xi32>
    %select_n3A_1205 = arith.select %eq3A_1202, %get3A_737, %broadcast_in_dim3A_1204 : vector<16xi1>, vector<16xi32>
    %reduce_sum3A_1206 = arith.constant true
    %reduce_sum3A_1207 = vector.broadcast %reduce_sum3A_1206 : i1 to vector<16xi1>
    %reduce_sum3A_1208 = tpu.scan <sum>, %select_n3A_1205 masked %reduce_sum3A_1207 : vector<16xi32>, vector<16xi1> -> vector<16xi32>
    %reduce_sum3A_1209 = vector.extract %reduce_sum3A_1208[15] : i32 from vector<16xi32>
    %eq3A_1210 = arith.constant 10 : i32
    %eq3A_1211 = vector.broadcast %eq3A_1210 : i32 to vector<16xi32>
    %eq3A_1212 = arith.cmpi eq, %iota3A, %eq3A_1211 : vector<16xi32>
    %jit3A_1213 = arith.constant 0 : i32
    %broadcast_in_dim3A_1214 = vector.broadcast %jit3A_1213 : i32 to vector<16xi32>
    %select_n3A_1215 = arith.select %eq3A_1212, %get3A_739, %broadcast_in_dim3A_1214 : vector<16xi1>, vector<16xi32>
    %reduce_sum3A_1216 = arith.constant true
    %reduce_sum3A_1217 = vector.broadcast %reduce_sum3A_1216 : i1 to vector<16xi1>
    %reduce_sum3A_1218 = tpu.scan <sum>, %select_n3A_1215 masked %reduce_sum3A_1217 : vector<16xi32>, vector<16xi1> -> vector<16xi32>
    %reduce_sum3A_1219 = vector.extract %reduce_sum3A_1218[15] : i32 from vector<16xi32>
    %dma_start3A_1220 = arith.constant 26 : i32
    %dma_start3A_1221 = arith.constant 0 : i32
    %dma_start3A_1222 = tpu.memref_slice %arg9[%dma_start3A_1220, %dma_start3A_1221] : memref<32x32xf32, #tpu.memory_space<vmem>> -> memref<1x32xf32, #tpu.memory_space<vmem>>
    %dma_start3A_1223 = tpu.memref_squeeze %dma_start3A_1222 : memref<1x32xf32, #tpu.memory_space<vmem>> -> memref<32xf32, #tpu.memory_space<vmem>>
    %dma_start3A_1224 = arith.constant 0 : i32
    %dma_start3A_1225 = tpu.memref_slice %arg2[%reduce_sum3A_1209, %dma_start3A_1224] : memref<1000000x32xf32, #tpu.memory_space<hbm>> -> memref<1x32xf32, #tpu.memory_space<hbm>>
    %dma_start3A_1226 = tpu.memref_squeeze %dma_start3A_1225 : memref<1x32xf32, #tpu.memory_space<hbm>> -> memref<32xf32, #tpu.memory_space<hbm>>
    %dma_start3A_1227 = arith.constant 0 : i32
    %dma_start3A_1228 = tpu.memref_slice %arg9[%dma_start3A_1220, %dma_start3A_1227] : memref<32x32xf32, #tpu.memory_space<vmem>> -> memref<1x32xf32, #tpu.memory_space<vmem>>
    %dma_start3A_1229 = tpu.memref_squeeze %dma_start3A_1228 : memref<1x32xf32, #tpu.memory_space<vmem>> -> memref<32xf32, #tpu.memory_space<vmem>>
    %dma_start3A_1230 = arith.constant 0 : i32
    %dma_start3A_1231 = tpu.memref_slice %arg2[%reduce_sum3A_1209, %dma_start3A_1230] : memref<1000000x32xf32, #tpu.memory_space<hbm>> -> memref<1x32xf32, #tpu.memory_space<hbm>>
    %dma_start3A_1232 = tpu.memref_squeeze %dma_start3A_1231 : memref<1x32xf32, #tpu.memory_space<hbm>> -> memref<32xf32, #tpu.memory_space<hbm>>
    tpu.enqueue_dma source(%dma_start3A_1232 : memref<32xf32, #tpu.memory_space<hbm>>) target(%dma_start3A_1229 : memref<32xf32, #tpu.memory_space<vmem>>) target_semaphore(%arg12 : memref<!tpu.dma_semaphore, #tpu.memory_space<semaphore_mem>>)
    %dma_start3A_1233 = arith.constant 26 : i32
    %dma_start3A_1234 = arith.constant 0 : i32
    %dma_start3A_1235 = tpu.memref_slice %arg11[%dma_start3A_1233, %dma_start3A_1234] : memref<32x32xf32, #tpu.memory_space<vmem>> -> memref<1x32xf32, #tpu.memory_space<vmem>>
    %dma_start3A_1236 = tpu.memref_squeeze %dma_start3A_1235 : memref<1x32xf32, #tpu.memory_space<vmem>> -> memref<32xf32, #tpu.memory_space<vmem>>
    %dma_start3A_1237 = arith.constant 0 : i32
    %dma_start3A_1238 = tpu.memref_slice %arg4[%reduce_sum3A_1219, %dma_start3A_1237] : memref<100000x32xf32, #tpu.memory_space<hbm>> -> memref<1x32xf32, #tpu.memory_space<hbm>>
    %dma_start3A_1239 = tpu.memref_squeeze %dma_start3A_1238 : memref<1x32xf32, #tpu.memory_space<hbm>> -> memref<32xf32, #tpu.memory_space<hbm>>
    %dma_start3A_1240 = arith.constant 0 : i32
    %dma_start3A_1241 = tpu.memref_slice %arg11[%dma_start3A_1233, %dma_start3A_1240] : memref<32x32xf32, #tpu.memory_space<vmem>> -> memref<1x32xf32, #tpu.memory_space<vmem>>
    %dma_start3A_1242 = tpu.memref_squeeze %dma_start3A_1241 : memref<1x32xf32, #tpu.memory_space<vmem>> -> memref<32xf32, #tpu.memory_space<vmem>>
    %dma_start3A_1243 = arith.constant 0 : i32
    %dma_start3A_1244 = tpu.memref_slice %arg4[%reduce_sum3A_1219, %dma_start3A_1243] : memref<100000x32xf32, #tpu.memory_space<hbm>> -> memref<1x32xf32, #tpu.memory_space<hbm>>
    %dma_start3A_1245 = tpu.memref_squeeze %dma_start3A_1244 : memref<1x32xf32, #tpu.memory_space<hbm>> -> memref<32xf32, #tpu.memory_space<hbm>>
    tpu.enqueue_dma source(%dma_start3A_1245 : memref<32xf32, #tpu.memory_space<hbm>>) target(%dma_start3A_1242 : memref<32xf32, #tpu.memory_space<vmem>>) target_semaphore(%arg13 : memref<!tpu.dma_semaphore, #tpu.memory_space<semaphore_mem>>)
    %eq3A_1246 = arith.constant 11 : i32
    %eq3A_1247 = vector.broadcast %eq3A_1246 : i32 to vector<16xi32>
    %eq3A_1248 = arith.cmpi eq, %iota3A, %eq3A_1247 : vector<16xi32>
    %jit3A_1249 = arith.constant 0 : i32
    %broadcast_in_dim3A_1250 = vector.broadcast %jit3A_1249 : i32 to vector<16xi32>
    %select_n3A_1251 = arith.select %eq3A_1248, %get3A_737, %broadcast_in_dim3A_1250 : vector<16xi1>, vector<16xi32>
    %reduce_sum3A_1252 = arith.constant true
    %reduce_sum3A_1253 = vector.broadcast %reduce_sum3A_1252 : i1 to vector<16xi1>
    %reduce_sum3A_1254 = tpu.scan <sum>, %select_n3A_1251 masked %reduce_sum3A_1253 : vector<16xi32>, vector<16xi1> -> vector<16xi32>
    %reduce_sum3A_1255 = vector.extract %reduce_sum3A_1254[15] : i32 from vector<16xi32>
    %eq3A_1256 = arith.constant 11 : i32
    %eq3A_1257 = vector.broadcast %eq3A_1256 : i32 to vector<16xi32>
    %eq3A_1258 = arith.cmpi eq, %iota3A, %eq3A_1257 : vector<16xi32>
    %jit3A_1259 = arith.constant 0 : i32
    %broadcast_in_dim3A_1260 = vector.broadcast %jit3A_1259 : i32 to vector<16xi32>
    %select_n3A_1261 = arith.select %eq3A_1258, %get3A_739, %broadcast_in_dim3A_1260 : vector<16xi1>, vector<16xi32>
    %reduce_sum3A_1262 = arith.constant true
    %reduce_sum3A_1263 = vector.broadcast %reduce_sum3A_1262 : i1 to vector<16xi1>
    %reduce_sum3A_1264 = tpu.scan <sum>, %select_n3A_1261 masked %reduce_sum3A_1263 : vector<16xi32>, vector<16xi1> -> vector<16xi32>
    %reduce_sum3A_1265 = vector.extract %reduce_sum3A_1264[15] : i32 from vector<16xi32>
    %dma_start3A_1266 = arith.constant 27 : i32
    %dma_start3A_1267 = arith.constant 0 : i32
    %dma_start3A_1268 = tpu.memref_slice %arg9[%dma_start3A_1266, %dma_start3A_1267] : memref<32x32xf32, #tpu.memory_space<vmem>> -> memref<1x32xf32, #tpu.memory_space<vmem>>
    %dma_start3A_1269 = tpu.memref_squeeze %dma_start3A_1268 : memref<1x32xf32, #tpu.memory_space<vmem>> -> memref<32xf32, #tpu.memory_space<vmem>>
    %dma_start3A_1270 = arith.constant 0 : i32
    %dma_start3A_1271 = tpu.memref_slice %arg2[%reduce_sum3A_1255, %dma_start3A_1270] : memref<1000000x32xf32, #tpu.memory_space<hbm>> -> memref<1x32xf32, #tpu.memory_space<hbm>>
    %dma_start3A_1272 = tpu.memref_squeeze %dma_start3A_1271 : memref<1x32xf32, #tpu.memory_space<hbm>> -> memref<32xf32, #tpu.memory_space<hbm>>
    %dma_start3A_1273 = arith.constant 0 : i32
    %dma_start3A_1274 = tpu.memref_slice %arg9[%dma_start3A_1266, %dma_start3A_1273] : memref<32x32xf32, #tpu.memory_space<vmem>> -> memref<1x32xf32, #tpu.memory_space<vmem>>
    %dma_start3A_1275 = tpu.memref_squeeze %dma_start3A_1274 : memref<1x32xf32, #tpu.memory_space<vmem>> -> memref<32xf32, #tpu.memory_space<vmem>>
    %dma_start3A_1276 = arith.constant 0 : i32
    %dma_start3A_1277 = tpu.memref_slice %arg2[%reduce_sum3A_1255, %dma_start3A_1276] : memref<1000000x32xf32, #tpu.memory_space<hbm>> -> memref<1x32xf32, #tpu.memory_space<hbm>>
    %dma_start3A_1278 = tpu.memref_squeeze %dma_start3A_1277 : memref<1x32xf32, #tpu.memory_space<hbm>> -> memref<32xf32, #tpu.memory_space<hbm>>
    tpu.enqueue_dma source(%dma_start3A_1278 : memref<32xf32, #tpu.memory_space<hbm>>) target(%dma_start3A_1275 : memref<32xf32, #tpu.memory_space<vmem>>) target_semaphore(%arg12 : memref<!tpu.dma_semaphore, #tpu.memory_space<semaphore_mem>>)
    %dma_start3A_1279 = arith.constant 27 : i32
    %dma_start3A_1280 = arith.constant 0 : i32
    %dma_start3A_1281 = tpu.memref_slice %arg11[%dma_start3A_1279, %dma_start3A_1280] : memref<32x32xf32, #tpu.memory_space<vmem>> -> memref<1x32xf32, #tpu.memory_space<vmem>>
    %dma_start3A_1282 = tpu.memref_squeeze %dma_start3A_1281 : memref<1x32xf32, #tpu.memory_space<vmem>> -> memref<32xf32, #tpu.memory_space<vmem>>
    %dma_start3A_1283 = arith.constant 0 : i32
    %dma_start3A_1284 = tpu.memref_slice %arg4[%reduce_sum3A_1265, %dma_start3A_1283] : memref<100000x32xf32, #tpu.memory_space<hbm>> -> memref<1x32xf32, #tpu.memory_space<hbm>>
    %dma_start3A_1285 = tpu.memref_squeeze %dma_start3A_1284 : memref<1x32xf32, #tpu.memory_space<hbm>> -> memref<32xf32, #tpu.memory_space<hbm>>
    %dma_start3A_1286 = arith.constant 0 : i32
    %dma_start3A_1287 = tpu.memref_slice %arg11[%dma_start3A_1279, %dma_start3A_1286] : memref<32x32xf32, #tpu.memory_space<vmem>> -> memref<1x32xf32, #tpu.memory_space<vmem>>
    %dma_start3A_1288 = tpu.memref_squeeze %dma_start3A_1287 : memref<1x32xf32, #tpu.memory_space<vmem>> -> memref<32xf32, #tpu.memory_space<vmem>>
    %dma_start3A_1289 = arith.constant 0 : i32
    %dma_start3A_1290 = tpu.memref_slice %arg4[%reduce_sum3A_1265, %dma_start3A_1289] : memref<100000x32xf32, #tpu.memory_space<hbm>> -> memref<1x32xf32, #tpu.memory_space<hbm>>
    %dma_start3A_1291 = tpu.memref_squeeze %dma_start3A_1290 : memref<1x32xf32, #tpu.memory_space<hbm>> -> memref<32xf32, #tpu.memory_space<hbm>>
    tpu.enqueue_dma source(%dma_start3A_1291 : memref<32xf32, #tpu.memory_space<hbm>>) target(%dma_start3A_1288 : memref<32xf32, #tpu.memory_space<vmem>>) target_semaphore(%arg13 : memref<!tpu.dma_semaphore, #tpu.memory_space<semaphore_mem>>)
    %eq3A_1292 = arith.constant 12 : i32
    %eq3A_1293 = vector.broadcast %eq3A_1292 : i32 to vector<16xi32>
    %eq3A_1294 = arith.cmpi eq, %iota3A, %eq3A_1293 : vector<16xi32>
    %jit3A_1295 = arith.constant 0 : i32
    %broadcast_in_dim3A_1296 = vector.broadcast %jit3A_1295 : i32 to vector<16xi32>
    %select_n3A_1297 = arith.select %eq3A_1294, %get3A_737, %broadcast_in_dim3A_1296 : vector<16xi1>, vector<16xi32>
    %reduce_sum3A_1298 = arith.constant true
    %reduce_sum3A_1299 = vector.broadcast %reduce_sum3A_1298 : i1 to vector<16xi1>
    %reduce_sum3A_1300 = tpu.scan <sum>, %select_n3A_1297 masked %reduce_sum3A_1299 : vector<16xi32>, vector<16xi1> -> vector<16xi32>
    %reduce_sum3A_1301 = vector.extract %reduce_sum3A_1300[15] : i32 from vector<16xi32>
    %eq3A_1302 = arith.constant 12 : i32
    %eq3A_1303 = vector.broadcast %eq3A_1302 : i32 to vector<16xi32>
    %eq3A_1304 = arith.cmpi eq, %iota3A, %eq3A_1303 : vector<16xi32>
    %jit3A_1305 = arith.constant 0 : i32
    %broadcast_in_dim3A_1306 = vector.broadcast %jit3A_1305 : i32 to vector<16xi32>
    %select_n3A_1307 = arith.select %eq3A_1304, %get3A_739, %broadcast_in_dim3A_1306 : vector<16xi1>, vector<16xi32>
    %reduce_sum3A_1308 = arith.constant true
    %reduce_sum3A_1309 = vector.broadcast %reduce_sum3A_1308 : i1 to vector<16xi1>
    %reduce_sum3A_1310 = tpu.scan <sum>, %select_n3A_1307 masked %reduce_sum3A_1309 : vector<16xi32>, vector<16xi1> -> vector<16xi32>
    %reduce_sum3A_1311 = vector.extract %reduce_sum3A_1310[15] : i32 from vector<16xi32>
    %dma_start3A_1312 = arith.constant 28 : i32
    %dma_start3A_1313 = arith.constant 0 : i32
    %dma_start3A_1314 = tpu.memref_slice %arg9[%dma_start3A_1312, %dma_start3A_1313] : memref<32x32xf32, #tpu.memory_space<vmem>> -> memref<1x32xf32, #tpu.memory_space<vmem>>
    %dma_start3A_1315 = tpu.memref_squeeze %dma_start3A_1314 : memref<1x32xf32, #tpu.memory_space<vmem>> -> memref<32xf32, #tpu.memory_space<vmem>>
    %dma_start3A_1316 = arith.constant 0 : i32
    %dma_start3A_1317 = tpu.memref_slice %arg2[%reduce_sum3A_1301, %dma_start3A_1316] : memref<1000000x32xf32, #tpu.memory_space<hbm>> -> memref<1x32xf32, #tpu.memory_space<hbm>>
    %dma_start3A_1318 = tpu.memref_squeeze %dma_start3A_1317 : memref<1x32xf32, #tpu.memory_space<hbm>> -> memref<32xf32, #tpu.memory_space<hbm>>
    %dma_start3A_1319 = arith.constant 0 : i32
    %dma_start3A_1320 = tpu.memref_slice %arg9[%dma_start3A_1312, %dma_start3A_1319] : memref<32x32xf32, #tpu.memory_space<vmem>> -> memref<1x32xf32, #tpu.memory_space<vmem>>
    %dma_start3A_1321 = tpu.memref_squeeze %dma_start3A_1320 : memref<1x32xf32, #tpu.memory_space<vmem>> -> memref<32xf32, #tpu.memory_space<vmem>>
    %dma_start3A_1322 = arith.constant 0 : i32
    %dma_start3A_1323 = tpu.memref_slice %arg2[%reduce_sum3A_1301, %dma_start3A_1322] : memref<1000000x32xf32, #tpu.memory_space<hbm>> -> memref<1x32xf32, #tpu.memory_space<hbm>>
    %dma_start3A_1324 = tpu.memref_squeeze %dma_start3A_1323 : memref<1x32xf32, #tpu.memory_space<hbm>> -> memref<32xf32, #tpu.memory_space<hbm>>
    tpu.enqueue_dma source(%dma_start3A_1324 : memref<32xf32, #tpu.memory_space<hbm>>) target(%dma_start3A_1321 : memref<32xf32, #tpu.memory_space<vmem>>) target_semaphore(%arg12 : memref<!tpu.dma_semaphore, #tpu.memory_space<semaphore_mem>>)
    %dma_start3A_1325 = arith.constant 28 : i32
    %dma_start3A_1326 = arith.constant 0 : i32
    %dma_start3A_1327 = tpu.memref_slice %arg11[%dma_start3A_1325, %dma_start3A_1326] : memref<32x32xf32, #tpu.memory_space<vmem>> -> memref<1x32xf32, #tpu.memory_space<vmem>>
    %dma_start3A_1328 = tpu.memref_squeeze %dma_start3A_1327 : memref<1x32xf32, #tpu.memory_space<vmem>> -> memref<32xf32, #tpu.memory_space<vmem>>
    %dma_start3A_1329 = arith.constant 0 : i32
    %dma_start3A_1330 = tpu.memref_slice %arg4[%reduce_sum3A_1311, %dma_start3A_1329] : memref<100000x32xf32, #tpu.memory_space<hbm>> -> memref<1x32xf32, #tpu.memory_space<hbm>>
    %dma_start3A_1331 = tpu.memref_squeeze %dma_start3A_1330 : memref<1x32xf32, #tpu.memory_space<hbm>> -> memref<32xf32, #tpu.memory_space<hbm>>
    %dma_start3A_1332 = arith.constant 0 : i32
    %dma_start3A_1333 = tpu.memref_slice %arg11[%dma_start3A_1325, %dma_start3A_1332] : memref<32x32xf32, #tpu.memory_space<vmem>> -> memref<1x32xf32, #tpu.memory_space<vmem>>
    %dma_start3A_1334 = tpu.memref_squeeze %dma_start3A_1333 : memref<1x32xf32, #tpu.memory_space<vmem>> -> memref<32xf32, #tpu.memory_space<vmem>>
    %dma_start3A_1335 = arith.constant 0 : i32
    %dma_start3A_1336 = tpu.memref_slice %arg4[%reduce_sum3A_1311, %dma_start3A_1335] : memref<100000x32xf32, #tpu.memory_space<hbm>> -> memref<1x32xf32, #tpu.memory_space<hbm>>
    %dma_start3A_1337 = tpu.memref_squeeze %dma_start3A_1336 : memref<1x32xf32, #tpu.memory_space<hbm>> -> memref<32xf32, #tpu.memory_space<hbm>>
    tpu.enqueue_dma source(%dma_start3A_1337 : memref<32xf32, #tpu.memory_space<hbm>>) target(%dma_start3A_1334 : memref<32xf32, #tpu.memory_space<vmem>>) target_semaphore(%arg13 : memref<!tpu.dma_semaphore, #tpu.memory_space<semaphore_mem>>)
    %eq3A_1338 = arith.constant 13 : i32
    %eq3A_1339 = vector.broadcast %eq3A_1338 : i32 to vector<16xi32>
    %eq3A_1340 = arith.cmpi eq, %iota3A, %eq3A_1339 : vector<16xi32>
    %jit3A_1341 = arith.constant 0 : i32
    %broadcast_in_dim3A_1342 = vector.broadcast %jit3A_1341 : i32 to vector<16xi32>
    %select_n3A_1343 = arith.select %eq3A_1340, %get3A_737, %broadcast_in_dim3A_1342 : vector<16xi1>, vector<16xi32>
    %reduce_sum3A_1344 = arith.constant true
    %reduce_sum3A_1345 = vector.broadcast %reduce_sum3A_1344 : i1 to vector<16xi1>
    %reduce_sum3A_1346 = tpu.scan <sum>, %select_n3A_1343 masked %reduce_sum3A_1345 : vector<16xi32>, vector<16xi1> -> vector<16xi32>
    %reduce_sum3A_1347 = vector.extract %reduce_sum3A_1346[15] : i32 from vector<16xi32>
    %eq3A_1348 = arith.constant 13 : i32
    %eq3A_1349 = vector.broadcast %eq3A_1348 : i32 to vector<16xi32>
    %eq3A_1350 = arith.cmpi eq, %iota3A, %eq3A_1349 : vector<16xi32>
    %jit3A_1351 = arith.constant 0 : i32
    %broadcast_in_dim3A_1352 = vector.broadcast %jit3A_1351 : i32 to vector<16xi32>
    %select_n3A_1353 = arith.select %eq3A_1350, %get3A_739, %broadcast_in_dim3A_1352 : vector<16xi1>, vector<16xi32>
    %reduce_sum3A_1354 = arith.constant true
    %reduce_sum3A_1355 = vector.broadcast %reduce_sum3A_1354 : i1 to vector<16xi1>
    %reduce_sum3A_1356 = tpu.scan <sum>, %select_n3A_1353 masked %reduce_sum3A_1355 : vector<16xi32>, vector<16xi1> -> vector<16xi32>
    %reduce_sum3A_1357 = vector.extract %reduce_sum3A_1356[15] : i32 from vector<16xi32>
    %dma_start3A_1358 = arith.constant 29 : i32
    %dma_start3A_1359 = arith.constant 0 : i32
    %dma_start3A_1360 = tpu.memref_slice %arg9[%dma_start3A_1358, %dma_start3A_1359] : memref<32x32xf32, #tpu.memory_space<vmem>> -> memref<1x32xf32, #tpu.memory_space<vmem>>
    %dma_start3A_1361 = tpu.memref_squeeze %dma_start3A_1360 : memref<1x32xf32, #tpu.memory_space<vmem>> -> memref<32xf32, #tpu.memory_space<vmem>>
    %dma_start3A_1362 = arith.constant 0 : i32
    %dma_start3A_1363 = tpu.memref_slice %arg2[%reduce_sum3A_1347, %dma_start3A_1362] : memref<1000000x32xf32, #tpu.memory_space<hbm>> -> memref<1x32xf32, #tpu.memory_space<hbm>>
    %dma_start3A_1364 = tpu.memref_squeeze %dma_start3A_1363 : memref<1x32xf32, #tpu.memory_space<hbm>> -> memref<32xf32, #tpu.memory_space<hbm>>
    %dma_start3A_1365 = arith.constant 0 : i32
    %dma_start3A_1366 = tpu.memref_slice %arg9[%dma_start3A_1358, %dma_start3A_1365] : memref<32x32xf32, #tpu.memory_space<vmem>> -> memref<1x32xf32, #tpu.memory_space<vmem>>
    %dma_start3A_1367 = tpu.memref_squeeze %dma_start3A_1366 : memref<1x32xf32, #tpu.memory_space<vmem>> -> memref<32xf32, #tpu.memory_space<vmem>>
    %dma_start3A_1368 = arith.constant 0 : i32
    %dma_start3A_1369 = tpu.memref_slice %arg2[%reduce_sum3A_1347, %dma_start3A_1368] : memref<1000000x32xf32, #tpu.memory_space<hbm>> -> memref<1x32xf32, #tpu.memory_space<hbm>>
    %dma_start3A_1370 = tpu.memref_squeeze %dma_start3A_1369 : memref<1x32xf32, #tpu.memory_space<hbm>> -> memref<32xf32, #tpu.memory_space<hbm>>
    tpu.enqueue_dma source(%dma_start3A_1370 : memref<32xf32, #tpu.memory_space<hbm>>) target(%dma_start3A_1367 : memref<32xf32, #tpu.memory_space<vmem>>) target_semaphore(%arg12 : memref<!tpu.dma_semaphore, #tpu.memory_space<semaphore_mem>>)
    %dma_start3A_1371 = arith.constant 29 : i32
    %dma_start3A_1372 = arith.constant 0 : i32
    %dma_start3A_1373 = tpu.memref_slice %arg11[%dma_start3A_1371, %dma_start3A_1372] : memref<32x32xf32, #tpu.memory_space<vmem>> -> memref<1x32xf32, #tpu.memory_space<vmem>>
    %dma_start3A_1374 = tpu.memref_squeeze %dma_start3A_1373 : memref<1x32xf32, #tpu.memory_space<vmem>> -> memref<32xf32, #tpu.memory_space<vmem>>
    %dma_start3A_1375 = arith.constant 0 : i32
    %dma_start3A_1376 = tpu.memref_slice %arg4[%reduce_sum3A_1357, %dma_start3A_1375] : memref<100000x32xf32, #tpu.memory_space<hbm>> -> memref<1x32xf32, #tpu.memory_space<hbm>>
    %dma_start3A_1377 = tpu.memref_squeeze %dma_start3A_1376 : memref<1x32xf32, #tpu.memory_space<hbm>> -> memref<32xf32, #tpu.memory_space<hbm>>
    %dma_start3A_1378 = arith.constant 0 : i32
    %dma_start3A_1379 = tpu.memref_slice %arg11[%dma_start3A_1371, %dma_start3A_1378] : memref<32x32xf32, #tpu.memory_space<vmem>> -> memref<1x32xf32, #tpu.memory_space<vmem>>
    %dma_start3A_1380 = tpu.memref_squeeze %dma_start3A_1379 : memref<1x32xf32, #tpu.memory_space<vmem>> -> memref<32xf32, #tpu.memory_space<vmem>>
    %dma_start3A_1381 = arith.constant 0 : i32
    %dma_start3A_1382 = tpu.memref_slice %arg4[%reduce_sum3A_1357, %dma_start3A_1381] : memref<100000x32xf32, #tpu.memory_space<hbm>> -> memref<1x32xf32, #tpu.memory_space<hbm>>
    %dma_start3A_1383 = tpu.memref_squeeze %dma_start3A_1382 : memref<1x32xf32, #tpu.memory_space<hbm>> -> memref<32xf32, #tpu.memory_space<hbm>>
    tpu.enqueue_dma source(%dma_start3A_1383 : memref<32xf32, #tpu.memory_space<hbm>>) target(%dma_start3A_1380 : memref<32xf32, #tpu.memory_space<vmem>>) target_semaphore(%arg13 : memref<!tpu.dma_semaphore, #tpu.memory_space<semaphore_mem>>)
    %eq3A_1384 = arith.constant 14 : i32
    %eq3A_1385 = vector.broadcast %eq3A_1384 : i32 to vector<16xi32>
    %eq3A_1386 = arith.cmpi eq, %iota3A, %eq3A_1385 : vector<16xi32>
    %jit3A_1387 = arith.constant 0 : i32
    %broadcast_in_dim3A_1388 = vector.broadcast %jit3A_1387 : i32 to vector<16xi32>
    %select_n3A_1389 = arith.select %eq3A_1386, %get3A_737, %broadcast_in_dim3A_1388 : vector<16xi1>, vector<16xi32>
    %reduce_sum3A_1390 = arith.constant true
    %reduce_sum3A_1391 = vector.broadcast %reduce_sum3A_1390 : i1 to vector<16xi1>
    %reduce_sum3A_1392 = tpu.scan <sum>, %select_n3A_1389 masked %reduce_sum3A_1391 : vector<16xi32>, vector<16xi1> -> vector<16xi32>
    %reduce_sum3A_1393 = vector.extract %reduce_sum3A_1392[15] : i32 from vector<16xi32>
    %eq3A_1394 = arith.constant 14 : i32
    %eq3A_1395 = vector.broadcast %eq3A_1394 : i32 to vector<16xi32>
    %eq3A_1396 = arith.cmpi eq, %iota3A, %eq3A_1395 : vector<16xi32>
    %jit3A_1397 = arith.constant 0 : i32
    %broadcast_in_dim3A_1398 = vector.broadcast %jit3A_1397 : i32 to vector<16xi32>
    %select_n3A_1399 = arith.select %eq3A_1396, %get3A_739, %broadcast_in_dim3A_1398 : vector<16xi1>, vector<16xi32>
    %reduce_sum3A_1400 = arith.constant true
    %reduce_sum3A_1401 = vector.broadcast %reduce_sum3A_1400 : i1 to vector<16xi1>
    %reduce_sum3A_1402 = tpu.scan <sum>, %select_n3A_1399 masked %reduce_sum3A_1401 : vector<16xi32>, vector<16xi1> -> vector<16xi32>
    %reduce_sum3A_1403 = vector.extract %reduce_sum3A_1402[15] : i32 from vector<16xi32>
    %dma_start3A_1404 = arith.constant 30 : i32
    %dma_start3A_1405 = arith.constant 0 : i32
    %dma_start3A_1406 = tpu.memref_slice %arg9[%dma_start3A_1404, %dma_start3A_1405] : memref<32x32xf32, #tpu.memory_space<vmem>> -> memref<1x32xf32, #tpu.memory_space<vmem>>
    %dma_start3A_1407 = tpu.memref_squeeze %dma_start3A_1406 : memref<1x32xf32, #tpu.memory_space<vmem>> -> memref<32xf32, #tpu.memory_space<vmem>>
    %dma_start3A_1408 = arith.constant 0 : i32
    %dma_start3A_1409 = tpu.memref_slice %arg2[%reduce_sum3A_1393, %dma_start3A_1408] : memref<1000000x32xf32, #tpu.memory_space<hbm>> -> memref<1x32xf32, #tpu.memory_space<hbm>>
    %dma_start3A_1410 = tpu.memref_squeeze %dma_start3A_1409 : memref<1x32xf32, #tpu.memory_space<hbm>> -> memref<32xf32, #tpu.memory_space<hbm>>
    %dma_start3A_1411 = arith.constant 0 : i32
    %dma_start3A_1412 = tpu.memref_slice %arg9[%dma_start3A_1404, %dma_start3A_1411] : memref<32x32xf32, #tpu.memory_space<vmem>> -> memref<1x32xf32, #tpu.memory_space<vmem>>
    %dma_start3A_1413 = tpu.memref_squeeze %dma_start3A_1412 : memref<1x32xf32, #tpu.memory_space<vmem>> -> memref<32xf32, #tpu.memory_space<vmem>>
    %dma_start3A_1414 = arith.constant 0 : i32
    %dma_start3A_1415 = tpu.memref_slice %arg2[%reduce_sum3A_1393, %dma_start3A_1414] : memref<1000000x32xf32, #tpu.memory_space<hbm>> -> memref<1x32xf32, #tpu.memory_space<hbm>>
    %dma_start3A_1416 = tpu.memref_squeeze %dma_start3A_1415 : memref<1x32xf32, #tpu.memory_space<hbm>> -> memref<32xf32, #tpu.memory_space<hbm>>
    tpu.enqueue_dma source(%dma_start3A_1416 : memref<32xf32, #tpu.memory_space<hbm>>) target(%dma_start3A_1413 : memref<32xf32, #tpu.memory_space<vmem>>) target_semaphore(%arg12 : memref<!tpu.dma_semaphore, #tpu.memory_space<semaphore_mem>>)
    %dma_start3A_1417 = arith.constant 30 : i32
    %dma_start3A_1418 = arith.constant 0 : i32
    %dma_start3A_1419 = tpu.memref_slice %arg11[%dma_start3A_1417, %dma_start3A_1418] : memref<32x32xf32, #tpu.memory_space<vmem>> -> memref<1x32xf32, #tpu.memory_space<vmem>>
    %dma_start3A_1420 = tpu.memref_squeeze %dma_start3A_1419 : memref<1x32xf32, #tpu.memory_space<vmem>> -> memref<32xf32, #tpu.memory_space<vmem>>
    %dma_start3A_1421 = arith.constant 0 : i32
    %dma_start3A_1422 = tpu.memref_slice %arg4[%reduce_sum3A_1403, %dma_start3A_1421] : memref<100000x32xf32, #tpu.memory_space<hbm>> -> memref<1x32xf32, #tpu.memory_space<hbm>>
    %dma_start3A_1423 = tpu.memref_squeeze %dma_start3A_1422 : memref<1x32xf32, #tpu.memory_space<hbm>> -> memref<32xf32, #tpu.memory_space<hbm>>
    %dma_start3A_1424 = arith.constant 0 : i32
    %dma_start3A_1425 = tpu.memref_slice %arg11[%dma_start3A_1417, %dma_start3A_1424] : memref<32x32xf32, #tpu.memory_space<vmem>> -> memref<1x32xf32, #tpu.memory_space<vmem>>
    %dma_start3A_1426 = tpu.memref_squeeze %dma_start3A_1425 : memref<1x32xf32, #tpu.memory_space<vmem>> -> memref<32xf32, #tpu.memory_space<vmem>>
    %dma_start3A_1427 = arith.constant 0 : i32
    %dma_start3A_1428 = tpu.memref_slice %arg4[%reduce_sum3A_1403, %dma_start3A_1427] : memref<100000x32xf32, #tpu.memory_space<hbm>> -> memref<1x32xf32, #tpu.memory_space<hbm>>
    %dma_start3A_1429 = tpu.memref_squeeze %dma_start3A_1428 : memref<1x32xf32, #tpu.memory_space<hbm>> -> memref<32xf32, #tpu.memory_space<hbm>>
    tpu.enqueue_dma source(%dma_start3A_1429 : memref<32xf32, #tpu.memory_space<hbm>>) target(%dma_start3A_1426 : memref<32xf32, #tpu.memory_space<vmem>>) target_semaphore(%arg13 : memref<!tpu.dma_semaphore, #tpu.memory_space<semaphore_mem>>)
    %eq3A_1430 = arith.constant 15 : i32
    %eq3A_1431 = vector.broadcast %eq3A_1430 : i32 to vector<16xi32>
    %eq3A_1432 = arith.cmpi eq, %iota3A, %eq3A_1431 : vector<16xi32>
    %jit3A_1433 = arith.constant 0 : i32
    %broadcast_in_dim3A_1434 = vector.broadcast %jit3A_1433 : i32 to vector<16xi32>
    %select_n3A_1435 = arith.select %eq3A_1432, %get3A_737, %broadcast_in_dim3A_1434 : vector<16xi1>, vector<16xi32>
    %reduce_sum3A_1436 = arith.constant true
    %reduce_sum3A_1437 = vector.broadcast %reduce_sum3A_1436 : i1 to vector<16xi1>
    %reduce_sum3A_1438 = tpu.scan <sum>, %select_n3A_1435 masked %reduce_sum3A_1437 : vector<16xi32>, vector<16xi1> -> vector<16xi32>
    %reduce_sum3A_1439 = vector.extract %reduce_sum3A_1438[15] : i32 from vector<16xi32>
    %eq3A_1440 = arith.constant 15 : i32
    %eq3A_1441 = vector.broadcast %eq3A_1440 : i32 to vector<16xi32>
    %eq3A_1442 = arith.cmpi eq, %iota3A, %eq3A_1441 : vector<16xi32>
    %jit3A_1443 = arith.constant 0 : i32
    %broadcast_in_dim3A_1444 = vector.broadcast %jit3A_1443 : i32 to vector<16xi32>
    %select_n3A_1445 = arith.select %eq3A_1442, %get3A_739, %broadcast_in_dim3A_1444 : vector<16xi1>, vector<16xi32>
    %reduce_sum3A_1446 = arith.constant true
    %reduce_sum3A_1447 = vector.broadcast %reduce_sum3A_1446 : i1 to vector<16xi1>
    %reduce_sum3A_1448 = tpu.scan <sum>, %select_n3A_1445 masked %reduce_sum3A_1447 : vector<16xi32>, vector<16xi1> -> vector<16xi32>
    %reduce_sum3A_1449 = vector.extract %reduce_sum3A_1448[15] : i32 from vector<16xi32>
    %dma_start3A_1450 = arith.constant 31 : i32
    %dma_start3A_1451 = arith.constant 0 : i32
    %dma_start3A_1452 = tpu.memref_slice %arg9[%dma_start3A_1450, %dma_start3A_1451] : memref<32x32xf32, #tpu.memory_space<vmem>> -> memref<1x32xf32, #tpu.memory_space<vmem>>
    %dma_start3A_1453 = tpu.memref_squeeze %dma_start3A_1452 : memref<1x32xf32, #tpu.memory_space<vmem>> -> memref<32xf32, #tpu.memory_space<vmem>>
    %dma_start3A_1454 = arith.constant 0 : i32
    %dma_start3A_1455 = tpu.memref_slice %arg2[%reduce_sum3A_1439, %dma_start3A_1454] : memref<1000000x32xf32, #tpu.memory_space<hbm>> -> memref<1x32xf32, #tpu.memory_space<hbm>>
    %dma_start3A_1456 = tpu.memref_squeeze %dma_start3A_1455 : memref<1x32xf32, #tpu.memory_space<hbm>> -> memref<32xf32, #tpu.memory_space<hbm>>
    %dma_start3A_1457 = arith.constant 0 : i32
    %dma_start3A_1458 = tpu.memref_slice %arg9[%dma_start3A_1450, %dma_start3A_1457] : memref<32x32xf32, #tpu.memory_space<vmem>> -> memref<1x32xf32, #tpu.memory_space<vmem>>
    %dma_start3A_1459 = tpu.memref_squeeze %dma_start3A_1458 : memref<1x32xf32, #tpu.memory_space<vmem>> -> memref<32xf32, #tpu.memory_space<vmem>>
    %dma_start3A_1460 = arith.constant 0 : i32
    %dma_start3A_1461 = tpu.memref_slice %arg2[%reduce_sum3A_1439, %dma_start3A_1460] : memref<1000000x32xf32, #tpu.memory_space<hbm>> -> memref<1x32xf32, #tpu.memory_space<hbm>>
    %dma_start3A_1462 = tpu.memref_squeeze %dma_start3A_1461 : memref<1x32xf32, #tpu.memory_space<hbm>> -> memref<32xf32, #tpu.memory_space<hbm>>
    tpu.enqueue_dma source(%dma_start3A_1462 : memref<32xf32, #tpu.memory_space<hbm>>) target(%dma_start3A_1459 : memref<32xf32, #tpu.memory_space<vmem>>) target_semaphore(%arg12 : memref<!tpu.dma_semaphore, #tpu.memory_space<semaphore_mem>>)
    %dma_start3A_1463 = arith.constant 31 : i32
    %dma_start3A_1464 = arith.constant 0 : i32
    %dma_start3A_1465 = tpu.memref_slice %arg11[%dma_start3A_1463, %dma_start3A_1464] : memref<32x32xf32, #tpu.memory_space<vmem>> -> memref<1x32xf32, #tpu.memory_space<vmem>>
    %dma_start3A_1466 = tpu.memref_squeeze %dma_start3A_1465 : memref<1x32xf32, #tpu.memory_space<vmem>> -> memref<32xf32, #tpu.memory_space<vmem>>
    %dma_start3A_1467 = arith.constant 0 : i32
    %dma_start3A_1468 = tpu.memref_slice %arg4[%reduce_sum3A_1449, %dma_start3A_1467] : memref<100000x32xf32, #tpu.memory_space<hbm>> -> memref<1x32xf32, #tpu.memory_space<hbm>>
    %dma_start3A_1469 = tpu.memref_squeeze %dma_start3A_1468 : memref<1x32xf32, #tpu.memory_space<hbm>> -> memref<32xf32, #tpu.memory_space<hbm>>
    %dma_start3A_1470 = arith.constant 0 : i32
    %dma_start3A_1471 = tpu.memref_slice %arg11[%dma_start3A_1463, %dma_start3A_1470] : memref<32x32xf32, #tpu.memory_space<vmem>> -> memref<1x32xf32, #tpu.memory_space<vmem>>
    %dma_start3A_1472 = tpu.memref_squeeze %dma_start3A_1471 : memref<1x32xf32, #tpu.memory_space<vmem>> -> memref<32xf32, #tpu.memory_space<vmem>>
    %dma_start3A_1473 = arith.constant 0 : i32
    %dma_start3A_1474 = tpu.memref_slice %arg4[%reduce_sum3A_1449, %dma_start3A_1473] : memref<100000x32xf32, #tpu.memory_space<hbm>> -> memref<1x32xf32, #tpu.memory_space<hbm>>
    %dma_start3A_1475 = tpu.memref_squeeze %dma_start3A_1474 : memref<1x32xf32, #tpu.memory_space<hbm>> -> memref<32xf32, #tpu.memory_space<hbm>>
    tpu.enqueue_dma source(%dma_start3A_1475 : memref<32xf32, #tpu.memory_space<hbm>>) target(%dma_start3A_1472 : memref<32xf32, #tpu.memory_space<vmem>>) target_semaphore(%arg13 : memref<!tpu.dma_semaphore, #tpu.memory_space<semaphore_mem>>)
    %dma_wait3A = arith.constant 0 : i32
    %dma_wait3A_1476 = arith.constant 0 : i32
    %dma_wait3A_1477 = tpu.memref_slice %arg9[%dma_wait3A, %dma_wait3A_1476] : memref<32x32xf32, #tpu.memory_space<vmem>> -> memref<1x32xf32, #tpu.memory_space<vmem>>
    %dma_wait3A_1478 = tpu.memref_squeeze %dma_wait3A_1477 : memref<1x32xf32, #tpu.memory_space<vmem>> -> memref<32xf32, #tpu.memory_space<vmem>>
    %dma_wait3A_1479 = arith.constant 0 : i32
    %dma_wait3A_1480 = tpu.memref_slice %arg2[%reduce_sum3A_10, %dma_wait3A_1479] : memref<1000000x32xf32, #tpu.memory_space<hbm>> -> memref<1x32xf32, #tpu.memory_space<hbm>>
    %dma_wait3A_1481 = tpu.memref_squeeze %dma_wait3A_1480 : memref<1x32xf32, #tpu.memory_space<hbm>> -> memref<32xf32, #tpu.memory_space<hbm>>
    %dma_wait3A_1482 = arith.constant 0 : i32
    %dma_wait3A_1483 = tpu.memref_slice %arg9[%dma_wait3A, %dma_wait3A_1482] : memref<32x32xf32, #tpu.memory_space<vmem>> -> memref<1x32xf32, #tpu.memory_space<vmem>>
    %dma_wait3A_1484 = tpu.memref_squeeze %dma_wait3A_1483 : memref<1x32xf32, #tpu.memory_space<vmem>> -> memref<32xf32, #tpu.memory_space<vmem>>
    %dma_wait3A_1485 = arith.constant 0 : i32
    %dma_wait3A_1486 = tpu.memref_slice %arg2[%reduce_sum3A_10, %dma_wait3A_1485] : memref<1000000x32xf32, #tpu.memory_space<hbm>> -> memref<1x32xf32, #tpu.memory_space<hbm>>
    %dma_wait3A_1487 = tpu.memref_squeeze %dma_wait3A_1486 : memref<1x32xf32, #tpu.memory_space<hbm>> -> memref<32xf32, #tpu.memory_space<hbm>>
    tpu.wait_dma2 semaphore(%arg12 : memref<!tpu.dma_semaphore, #tpu.memory_space<semaphore_mem>>) src(%dma_wait3A_1487 : memref<32xf32, #tpu.memory_space<hbm>>) dst(%dma_wait3A_1484 : memref<32xf32, #tpu.memory_space<vmem>>)
    %dma_wait3A_1488 = arith.constant 0 : i32
    %dma_wait3A_1489 = arith.constant 0 : i32
    %dma_wait3A_1490 = tpu.memref_slice %arg11[%dma_wait3A_1488, %dma_wait3A_1489] : memref<32x32xf32, #tpu.memory_space<vmem>> -> memref<1x32xf32, #tpu.memory_space<vmem>>
    %dma_wait3A_1491 = tpu.memref_squeeze %dma_wait3A_1490 : memref<1x32xf32, #tpu.memory_space<vmem>> -> memref<32xf32, #tpu.memory_space<vmem>>
    %dma_wait3A_1492 = arith.constant 0 : i32
    %dma_wait3A_1493 = tpu.memref_slice %arg4[%reduce_sum3A_20, %dma_wait3A_1492] : memref<100000x32xf32, #tpu.memory_space<hbm>> -> memref<1x32xf32, #tpu.memory_space<hbm>>
    %dma_wait3A_1494 = tpu.memref_squeeze %dma_wait3A_1493 : memref<1x32xf32, #tpu.memory_space<hbm>> -> memref<32xf32, #tpu.memory_space<hbm>>
    %dma_wait3A_1495 = arith.constant 0 : i32
    %dma_wait3A_1496 = tpu.memref_slice %arg11[%dma_wait3A_1488, %dma_wait3A_1495] : memref<32x32xf32, #tpu.memory_space<vmem>> -> memref<1x32xf32, #tpu.memory_space<vmem>>
    %dma_wait3A_1497 = tpu.memref_squeeze %dma_wait3A_1496 : memref<1x32xf32, #tpu.memory_space<vmem>> -> memref<32xf32, #tpu.memory_space<vmem>>
    %dma_wait3A_1498 = arith.constant 0 : i32
    %dma_wait3A_1499 = tpu.memref_slice %arg4[%reduce_sum3A_20, %dma_wait3A_1498] : memref<100000x32xf32, #tpu.memory_space<hbm>> -> memref<1x32xf32, #tpu.memory_space<hbm>>
    %dma_wait3A_1500 = tpu.memref_squeeze %dma_wait3A_1499 : memref<1x32xf32, #tpu.memory_space<hbm>> -> memref<32xf32, #tpu.memory_space<hbm>>
    tpu.wait_dma2 semaphore(%arg13 : memref<!tpu.dma_semaphore, #tpu.memory_space<semaphore_mem>>) src(%dma_wait3A_1500 : memref<32xf32, #tpu.memory_space<hbm>>) dst(%dma_wait3A_1497 : memref<32xf32, #tpu.memory_space<vmem>>)
    %dma_wait3A_1501 = arith.constant 1 : i32
    %dma_wait3A_1502 = arith.constant 0 : i32
    %dma_wait3A_1503 = tpu.memref_slice %arg9[%dma_wait3A_1501, %dma_wait3A_1502] : memref<32x32xf32, #tpu.memory_space<vmem>> -> memref<1x32xf32, #tpu.memory_space<vmem>>
    %dma_wait3A_1504 = tpu.memref_squeeze %dma_wait3A_1503 : memref<1x32xf32, #tpu.memory_space<vmem>> -> memref<32xf32, #tpu.memory_space<vmem>>
    %dma_wait3A_1505 = arith.constant 0 : i32
    %dma_wait3A_1506 = tpu.memref_slice %arg2[%reduce_sum3A_55, %dma_wait3A_1505] : memref<1000000x32xf32, #tpu.memory_space<hbm>> -> memref<1x32xf32, #tpu.memory_space<hbm>>
    %dma_wait3A_1507 = tpu.memref_squeeze %dma_wait3A_1506 : memref<1x32xf32, #tpu.memory_space<hbm>> -> memref<32xf32, #tpu.memory_space<hbm>>
    %dma_wait3A_1508 = arith.constant 0 : i32
    %dma_wait3A_1509 = tpu.memref_slice %arg9[%dma_wait3A_1501, %dma_wait3A_1508] : memref<32x32xf32, #tpu.memory_space<vmem>> -> memref<1x32xf32, #tpu.memory_space<vmem>>
    %dma_wait3A_1510 = tpu.memref_squeeze %dma_wait3A_1509 : memref<1x32xf32, #tpu.memory_space<vmem>> -> memref<32xf32, #tpu.memory_space<vmem>>
    %dma_wait3A_1511 = arith.constant 0 : i32
    %dma_wait3A_1512 = tpu.memref_slice %arg2[%reduce_sum3A_55, %dma_wait3A_1511] : memref<1000000x32xf32, #tpu.memory_space<hbm>> -> memref<1x32xf32, #tpu.memory_space<hbm>>
    %dma_wait3A_1513 = tpu.memref_squeeze %dma_wait3A_1512 : memref<1x32xf32, #tpu.memory_space<hbm>> -> memref<32xf32, #tpu.memory_space<hbm>>
    tpu.wait_dma2 semaphore(%arg12 : memref<!tpu.dma_semaphore, #tpu.memory_space<semaphore_mem>>) src(%dma_wait3A_1513 : memref<32xf32, #tpu.memory_space<hbm>>) dst(%dma_wait3A_1510 : memref<32xf32, #tpu.memory_space<vmem>>)
    %dma_wait3A_1514 = arith.constant 1 : i32
    %dma_wait3A_1515 = arith.constant 0 : i32
    %dma_wait3A_1516 = tpu.memref_slice %arg11[%dma_wait3A_1514, %dma_wait3A_1515] : memref<32x32xf32, #tpu.memory_space<vmem>> -> memref<1x32xf32, #tpu.memory_space<vmem>>
    %dma_wait3A_1517 = tpu.memref_squeeze %dma_wait3A_1516 : memref<1x32xf32, #tpu.memory_space<vmem>> -> memref<32xf32, #tpu.memory_space<vmem>>
    %dma_wait3A_1518 = arith.constant 0 : i32
    %dma_wait3A_1519 = tpu.memref_slice %arg4[%reduce_sum3A_65, %dma_wait3A_1518] : memref<100000x32xf32, #tpu.memory_space<hbm>> -> memref<1x32xf32, #tpu.memory_space<hbm>>
    %dma_wait3A_1520 = tpu.memref_squeeze %dma_wait3A_1519 : memref<1x32xf32, #tpu.memory_space<hbm>> -> memref<32xf32, #tpu.memory_space<hbm>>
    %dma_wait3A_1521 = arith.constant 0 : i32
    %dma_wait3A_1522 = tpu.memref_slice %arg11[%dma_wait3A_1514, %dma_wait3A_1521] : memref<32x32xf32, #tpu.memory_space<vmem>> -> memref<1x32xf32, #tpu.memory_space<vmem>>
    %dma_wait3A_1523 = tpu.memref_squeeze %dma_wait3A_1522 : memref<1x32xf32, #tpu.memory_space<vmem>> -> memref<32xf32, #tpu.memory_space<vmem>>
    %dma_wait3A_1524 = arith.constant 0 : i32
    %dma_wait3A_1525 = tpu.memref_slice %arg4[%reduce_sum3A_65, %dma_wait3A_1524] : memref<100000x32xf32, #tpu.memory_space<hbm>> -> memref<1x32xf32, #tpu.memory_space<hbm>>
    %dma_wait3A_1526 = tpu.memref_squeeze %dma_wait3A_1525 : memref<1x32xf32, #tpu.memory_space<hbm>> -> memref<32xf32, #tpu.memory_space<hbm>>
    tpu.wait_dma2 semaphore(%arg13 : memref<!tpu.dma_semaphore, #tpu.memory_space<semaphore_mem>>) src(%dma_wait3A_1526 : memref<32xf32, #tpu.memory_space<hbm>>) dst(%dma_wait3A_1523 : memref<32xf32, #tpu.memory_space<vmem>>)
    %dma_wait3A_1527 = arith.constant 2 : i32
    %dma_wait3A_1528 = arith.constant 0 : i32
    %dma_wait3A_1529 = tpu.memref_slice %arg9[%dma_wait3A_1527, %dma_wait3A_1528] : memref<32x32xf32, #tpu.memory_space<vmem>> -> memref<1x32xf32, #tpu.memory_space<vmem>>
    %dma_wait3A_1530 = tpu.memref_squeeze %dma_wait3A_1529 : memref<1x32xf32, #tpu.memory_space<vmem>> -> memref<32xf32, #tpu.memory_space<vmem>>
    %dma_wait3A_1531 = arith.constant 0 : i32
    %dma_wait3A_1532 = tpu.memref_slice %arg2[%reduce_sum3A_101, %dma_wait3A_1531] : memref<1000000x32xf32, #tpu.memory_space<hbm>> -> memref<1x32xf32, #tpu.memory_space<hbm>>
    %dma_wait3A_1533 = tpu.memref_squeeze %dma_wait3A_1532 : memref<1x32xf32, #tpu.memory_space<hbm>> -> memref<32xf32, #tpu.memory_space<hbm>>
    %dma_wait3A_1534 = arith.constant 0 : i32
    %dma_wait3A_1535 = tpu.memref_slice %arg9[%dma_wait3A_1527, %dma_wait3A_1534] : memref<32x32xf32, #tpu.memory_space<vmem>> -> memref<1x32xf32, #tpu.memory_space<vmem>>
    %dma_wait3A_1536 = tpu.memref_squeeze %dma_wait3A_1535 : memref<1x32xf32, #tpu.memory_space<vmem>> -> memref<32xf32, #tpu.memory_space<vmem>>
    %dma_wait3A_1537 = arith.constant 0 : i32
    %dma_wait3A_1538 = tpu.memref_slice %arg2[%reduce_sum3A_101, %dma_wait3A_1537] : memref<1000000x32xf32, #tpu.memory_space<hbm>> -> memref<1x32xf32, #tpu.memory_space<hbm>>
    %dma_wait3A_1539 = tpu.memref_squeeze %dma_wait3A_1538 : memref<1x32xf32, #tpu.memory_space<hbm>> -> memref<32xf32, #tpu.memory_space<hbm>>
    tpu.wait_dma2 semaphore(%arg12 : memref<!tpu.dma_semaphore, #tpu.memory_space<semaphore_mem>>) src(%dma_wait3A_1539 : memref<32xf32, #tpu.memory_space<hbm>>) dst(%dma_wait3A_1536 : memref<32xf32, #tpu.memory_space<vmem>>)
    %dma_wait3A_1540 = arith.constant 2 : i32
    %dma_wait3A_1541 = arith.constant 0 : i32
    %dma_wait3A_1542 = tpu.memref_slice %arg11[%dma_wait3A_1540, %dma_wait3A_1541] : memref<32x32xf32, #tpu.memory_space<vmem>> -> memref<1x32xf32, #tpu.memory_space<vmem>>
    %dma_wait3A_1543 = tpu.memref_squeeze %dma_wait3A_1542 : memref<1x32xf32, #tpu.memory_space<vmem>> -> memref<32xf32, #tpu.memory_space<vmem>>
    %dma_wait3A_1544 = arith.constant 0 : i32
    %dma_wait3A_1545 = tpu.memref_slice %arg4[%reduce_sum3A_111, %dma_wait3A_1544] : memref<100000x32xf32, #tpu.memory_space<hbm>> -> memref<1x32xf32, #tpu.memory_space<hbm>>
    %dma_wait3A_1546 = tpu.memref_squeeze %dma_wait3A_1545 : memref<1x32xf32, #tpu.memory_space<hbm>> -> memref<32xf32, #tpu.memory_space<hbm>>
    %dma_wait3A_1547 = arith.constant 0 : i32
    %dma_wait3A_1548 = tpu.memref_slice %arg11[%dma_wait3A_1540, %dma_wait3A_1547] : memref<32x32xf32, #tpu.memory_space<vmem>> -> memref<1x32xf32, #tpu.memory_space<vmem>>
    %dma_wait3A_1549 = tpu.memref_squeeze %dma_wait3A_1548 : memref<1x32xf32, #tpu.memory_space<vmem>> -> memref<32xf32, #tpu.memory_space<vmem>>
    %dma_wait3A_1550 = arith.constant 0 : i32
    %dma_wait3A_1551 = tpu.memref_slice %arg4[%reduce_sum3A_111, %dma_wait3A_1550] : memref<100000x32xf32, #tpu.memory_space<hbm>> -> memref<1x32xf32, #tpu.memory_space<hbm>>
    %dma_wait3A_1552 = tpu.memref_squeeze %dma_wait3A_1551 : memref<1x32xf32, #tpu.memory_space<hbm>> -> memref<32xf32, #tpu.memory_space<hbm>>
    tpu.wait_dma2 semaphore(%arg13 : memref<!tpu.dma_semaphore, #tpu.memory_space<semaphore_mem>>) src(%dma_wait3A_1552 : memref<32xf32, #tpu.memory_space<hbm>>) dst(%dma_wait3A_1549 : memref<32xf32, #tpu.memory_space<vmem>>)
    %dma_wait3A_1553 = arith.constant 3 : i32
    %dma_wait3A_1554 = arith.constant 0 : i32
    %dma_wait3A_1555 = tpu.memref_slice %arg9[%dma_wait3A_1553, %dma_wait3A_1554] : memref<32x32xf32, #tpu.memory_space<vmem>> -> memref<1x32xf32, #tpu.memory_space<vmem>>
    %dma_wait3A_1556 = tpu.memref_squeeze %dma_wait3A_1555 : memref<1x32xf32, #tpu.memory_space<vmem>> -> memref<32xf32, #tpu.memory_space<vmem>>
    %dma_wait3A_1557 = arith.constant 0 : i32
    %dma_wait3A_1558 = tpu.memref_slice %arg2[%reduce_sum3A_147, %dma_wait3A_1557] : memref<1000000x32xf32, #tpu.memory_space<hbm>> -> memref<1x32xf32, #tpu.memory_space<hbm>>
    %dma_wait3A_1559 = tpu.memref_squeeze %dma_wait3A_1558 : memref<1x32xf32, #tpu.memory_space<hbm>> -> memref<32xf32, #tpu.memory_space<hbm>>
    %dma_wait3A_1560 = arith.constant 0 : i32
    %dma_wait3A_1561 = tpu.memref_slice %arg9[%dma_wait3A_1553, %dma_wait3A_1560] : memref<32x32xf32, #tpu.memory_space<vmem>> -> memref<1x32xf32, #tpu.memory_space<vmem>>
    %dma_wait3A_1562 = tpu.memref_squeeze %dma_wait3A_1561 : memref<1x32xf32, #tpu.memory_space<vmem>> -> memref<32xf32, #tpu.memory_space<vmem>>
    %dma_wait3A_1563 = arith.constant 0 : i32
    %dma_wait3A_1564 = tpu.memref_slice %arg2[%reduce_sum3A_147, %dma_wait3A_1563] : memref<1000000x32xf32, #tpu.memory_space<hbm>> -> memref<1x32xf32, #tpu.memory_space<hbm>>
    %dma_wait3A_1565 = tpu.memref_squeeze %dma_wait3A_1564 : memref<1x32xf32, #tpu.memory_space<hbm>> -> memref<32xf32, #tpu.memory_space<hbm>>
    tpu.wait_dma2 semaphore(%arg12 : memref<!tpu.dma_semaphore, #tpu.memory_space<semaphore_mem>>) src(%dma_wait3A_1565 : memref<32xf32, #tpu.memory_space<hbm>>) dst(%dma_wait3A_1562 : memref<32xf32, #tpu.memory_space<vmem>>)
    %dma_wait3A_1566 = arith.constant 3 : i32
    %dma_wait3A_1567 = arith.constant 0 : i32
    %dma_wait3A_1568 = tpu.memref_slice %arg11[%dma_wait3A_1566, %dma_wait3A_1567] : memref<32x32xf32, #tpu.memory_space<vmem>> -> memref<1x32xf32, #tpu.memory_space<vmem>>
    %dma_wait3A_1569 = tpu.memref_squeeze %dma_wait3A_1568 : memref<1x32xf32, #tpu.memory_space<vmem>> -> memref<32xf32, #tpu.memory_space<vmem>>
    %dma_wait3A_1570 = arith.constant 0 : i32
    %dma_wait3A_1571 = tpu.memref_slice %arg4[%reduce_sum3A_157, %dma_wait3A_1570] : memref<100000x32xf32, #tpu.memory_space<hbm>> -> memref<1x32xf32, #tpu.memory_space<hbm>>
    %dma_wait3A_1572 = tpu.memref_squeeze %dma_wait3A_1571 : memref<1x32xf32, #tpu.memory_space<hbm>> -> memref<32xf32, #tpu.memory_space<hbm>>
    %dma_wait3A_1573 = arith.constant 0 : i32
    %dma_wait3A_1574 = tpu.memref_slice %arg11[%dma_wait3A_1566, %dma_wait3A_1573] : memref<32x32xf32, #tpu.memory_space<vmem>> -> memref<1x32xf32, #tpu.memory_space<vmem>>
    %dma_wait3A_1575 = tpu.memref_squeeze %dma_wait3A_1574 : memref<1x32xf32, #tpu.memory_space<vmem>> -> memref<32xf32, #tpu.memory_space<vmem>>
    %dma_wait3A_1576 = arith.constant 0 : i32
    %dma_wait3A_1577 = tpu.memref_slice %arg4[%reduce_sum3A_157, %dma_wait3A_1576] : memref<100000x32xf32, #tpu.memory_space<hbm>> -> memref<1x32xf32, #tpu.memory_space<hbm>>
    %dma_wait3A_1578 = tpu.memref_squeeze %dma_wait3A_1577 : memref<1x32xf32, #tpu.memory_space<hbm>> -> memref<32xf32, #tpu.memory_space<hbm>>
    tpu.wait_dma2 semaphore(%arg13 : memref<!tpu.dma_semaphore, #tpu.memory_space<semaphore_mem>>) src(%dma_wait3A_1578 : memref<32xf32, #tpu.memory_space<hbm>>) dst(%dma_wait3A_1575 : memref<32xf32, #tpu.memory_space<vmem>>)
    %dma_wait3A_1579 = arith.constant 4 : i32
    %dma_wait3A_1580 = arith.constant 0 : i32
    %dma_wait3A_1581 = tpu.memref_slice %arg9[%dma_wait3A_1579, %dma_wait3A_1580] : memref<32x32xf32, #tpu.memory_space<vmem>> -> memref<1x32xf32, #tpu.memory_space<vmem>>
    %dma_wait3A_1582 = tpu.memref_squeeze %dma_wait3A_1581 : memref<1x32xf32, #tpu.memory_space<vmem>> -> memref<32xf32, #tpu.memory_space<vmem>>
    %dma_wait3A_1583 = arith.constant 0 : i32
    %dma_wait3A_1584 = tpu.memref_slice %arg2[%reduce_sum3A_193, %dma_wait3A_1583] : memref<1000000x32xf32, #tpu.memory_space<hbm>> -> memref<1x32xf32, #tpu.memory_space<hbm>>
    %dma_wait3A_1585 = tpu.memref_squeeze %dma_wait3A_1584 : memref<1x32xf32, #tpu.memory_space<hbm>> -> memref<32xf32, #tpu.memory_space<hbm>>
    %dma_wait3A_1586 = arith.constant 0 : i32
    %dma_wait3A_1587 = tpu.memref_slice %arg9[%dma_wait3A_1579, %dma_wait3A_1586] : memref<32x32xf32, #tpu.memory_space<vmem>> -> memref<1x32xf32, #tpu.memory_space<vmem>>
    %dma_wait3A_1588 = tpu.memref_squeeze %dma_wait3A_1587 : memref<1x32xf32, #tpu.memory_space<vmem>> -> memref<32xf32, #tpu.memory_space<vmem>>
    %dma_wait3A_1589 = arith.constant 0 : i32
    %dma_wait3A_1590 = tpu.memref_slice %arg2[%reduce_sum3A_193, %dma_wait3A_1589] : memref<1000000x32xf32, #tpu.memory_space<hbm>> -> memref<1x32xf32, #tpu.memory_space<hbm>>
    %dma_wait3A_1591 = tpu.memref_squeeze %dma_wait3A_1590 : memref<1x32xf32, #tpu.memory_space<hbm>> -> memref<32xf32, #tpu.memory_space<hbm>>
    tpu.wait_dma2 semaphore(%arg12 : memref<!tpu.dma_semaphore, #tpu.memory_space<semaphore_mem>>) src(%dma_wait3A_1591 : memref<32xf32, #tpu.memory_space<hbm>>) dst(%dma_wait3A_1588 : memref<32xf32, #tpu.memory_space<vmem>>)
    %dma_wait3A_1592 = arith.constant 4 : i32
    %dma_wait3A_1593 = arith.constant 0 : i32
    %dma_wait3A_1594 = tpu.memref_slice %arg11[%dma_wait3A_1592, %dma_wait3A_1593] : memref<32x32xf32, #tpu.memory_space<vmem>> -> memref<1x32xf32, #tpu.memory_space<vmem>>
    %dma_wait3A_1595 = tpu.memref_squeeze %dma_wait3A_1594 : memref<1x32xf32, #tpu.memory_space<vmem>> -> memref<32xf32, #tpu.memory_space<vmem>>
    %dma_wait3A_1596 = arith.constant 0 : i32
    %dma_wait3A_1597 = tpu.memref_slice %arg4[%reduce_sum3A_203, %dma_wait3A_1596] : memref<100000x32xf32, #tpu.memory_space<hbm>> -> memref<1x32xf32, #tpu.memory_space<hbm>>
    %dma_wait3A_1598 = tpu.memref_squeeze %dma_wait3A_1597 : memref<1x32xf32, #tpu.memory_space<hbm>> -> memref<32xf32, #tpu.memory_space<hbm>>
    %dma_wait3A_1599 = arith.constant 0 : i32
    %dma_wait3A_1600 = tpu.memref_slice %arg11[%dma_wait3A_1592, %dma_wait3A_1599] : memref<32x32xf32, #tpu.memory_space<vmem>> -> memref<1x32xf32, #tpu.memory_space<vmem>>
    %dma_wait3A_1601 = tpu.memref_squeeze %dma_wait3A_1600 : memref<1x32xf32, #tpu.memory_space<vmem>> -> memref<32xf32, #tpu.memory_space<vmem>>
    %dma_wait3A_1602 = arith.constant 0 : i32
    %dma_wait3A_1603 = tpu.memref_slice %arg4[%reduce_sum3A_203, %dma_wait3A_1602] : memref<100000x32xf32, #tpu.memory_space<hbm>> -> memref<1x32xf32, #tpu.memory_space<hbm>>
    %dma_wait3A_1604 = tpu.memref_squeeze %dma_wait3A_1603 : memref<1x32xf32, #tpu.memory_space<hbm>> -> memref<32xf32, #tpu.memory_space<hbm>>
    tpu.wait_dma2 semaphore(%arg13 : memref<!tpu.dma_semaphore, #tpu.memory_space<semaphore_mem>>) src(%dma_wait3A_1604 : memref<32xf32, #tpu.memory_space<hbm>>) dst(%dma_wait3A_1601 : memref<32xf32, #tpu.memory_space<vmem>>)
    %dma_wait3A_1605 = arith.constant 5 : i32
    %dma_wait3A_1606 = arith.constant 0 : i32
    %dma_wait3A_1607 = tpu.memref_slice %arg9[%dma_wait3A_1605, %dma_wait3A_1606] : memref<32x32xf32, #tpu.memory_space<vmem>> -> memref<1x32xf32, #tpu.memory_space<vmem>>
    %dma_wait3A_1608 = tpu.memref_squeeze %dma_wait3A_1607 : memref<1x32xf32, #tpu.memory_space<vmem>> -> memref<32xf32, #tpu.memory_space<vmem>>
    %dma_wait3A_1609 = arith.constant 0 : i32
    %dma_wait3A_1610 = tpu.memref_slice %arg2[%reduce_sum3A_239, %dma_wait3A_1609] : memref<1000000x32xf32, #tpu.memory_space<hbm>> -> memref<1x32xf32, #tpu.memory_space<hbm>>
    %dma_wait3A_1611 = tpu.memref_squeeze %dma_wait3A_1610 : memref<1x32xf32, #tpu.memory_space<hbm>> -> memref<32xf32, #tpu.memory_space<hbm>>
    %dma_wait3A_1612 = arith.constant 0 : i32
    %dma_wait3A_1613 = tpu.memref_slice %arg9[%dma_wait3A_1605, %dma_wait3A_1612] : memref<32x32xf32, #tpu.memory_space<vmem>> -> memref<1x32xf32, #tpu.memory_space<vmem>>
    %dma_wait3A_1614 = tpu.memref_squeeze %dma_wait3A_1613 : memref<1x32xf32, #tpu.memory_space<vmem>> -> memref<32xf32, #tpu.memory_space<vmem>>
    %dma_wait3A_1615 = arith.constant 0 : i32
    %dma_wait3A_1616 = tpu.memref_slice %arg2[%reduce_sum3A_239, %dma_wait3A_1615] : memref<1000000x32xf32, #tpu.memory_space<hbm>> -> memref<1x32xf32, #tpu.memory_space<hbm>>
    %dma_wait3A_1617 = tpu.memref_squeeze %dma_wait3A_1616 : memref<1x32xf32, #tpu.memory_space<hbm>> -> memref<32xf32, #tpu.memory_space<hbm>>
    tpu.wait_dma2 semaphore(%arg12 : memref<!tpu.dma_semaphore, #tpu.memory_space<semaphore_mem>>) src(%dma_wait3A_1617 : memref<32xf32, #tpu.memory_space<hbm>>) dst(%dma_wait3A_1614 : memref<32xf32, #tpu.memory_space<vmem>>)
    %dma_wait3A_1618 = arith.constant 5 : i32
    %dma_wait3A_1619 = arith.constant 0 : i32
    %dma_wait3A_1620 = tpu.memref_slice %arg11[%dma_wait3A_1618, %dma_wait3A_1619] : memref<32x32xf32, #tpu.memory_space<vmem>> -> memref<1x32xf32, #tpu.memory_space<vmem>>
    %dma_wait3A_1621 = tpu.memref_squeeze %dma_wait3A_1620 : memref<1x32xf32, #tpu.memory_space<vmem>> -> memref<32xf32, #tpu.memory_space<vmem>>
    %dma_wait3A_1622 = arith.constant 0 : i32
    %dma_wait3A_1623 = tpu.memref_slice %arg4[%reduce_sum3A_249, %dma_wait3A_1622] : memref<100000x32xf32, #tpu.memory_space<hbm>> -> memref<1x32xf32, #tpu.memory_space<hbm>>
    %dma_wait3A_1624 = tpu.memref_squeeze %dma_wait3A_1623 : memref<1x32xf32, #tpu.memory_space<hbm>> -> memref<32xf32, #tpu.memory_space<hbm>>
    %dma_wait3A_1625 = arith.constant 0 : i32
    %dma_wait3A_1626 = tpu.memref_slice %arg11[%dma_wait3A_1618, %dma_wait3A_1625] : memref<32x32xf32, #tpu.memory_space<vmem>> -> memref<1x32xf32, #tpu.memory_space<vmem>>
    %dma_wait3A_1627 = tpu.memref_squeeze %dma_wait3A_1626 : memref<1x32xf32, #tpu.memory_space<vmem>> -> memref<32xf32, #tpu.memory_space<vmem>>
    %dma_wait3A_1628 = arith.constant 0 : i32
    %dma_wait3A_1629 = tpu.memref_slice %arg4[%reduce_sum3A_249, %dma_wait3A_1628] : memref<100000x32xf32, #tpu.memory_space<hbm>> -> memref<1x32xf32, #tpu.memory_space<hbm>>
    %dma_wait3A_1630 = tpu.memref_squeeze %dma_wait3A_1629 : memref<1x32xf32, #tpu.memory_space<hbm>> -> memref<32xf32, #tpu.memory_space<hbm>>
    tpu.wait_dma2 semaphore(%arg13 : memref<!tpu.dma_semaphore, #tpu.memory_space<semaphore_mem>>) src(%dma_wait3A_1630 : memref<32xf32, #tpu.memory_space<hbm>>) dst(%dma_wait3A_1627 : memref<32xf32, #tpu.memory_space<vmem>>)
    %dma_wait3A_1631 = arith.constant 6 : i32
    %dma_wait3A_1632 = arith.constant 0 : i32
    %dma_wait3A_1633 = tpu.memref_slice %arg9[%dma_wait3A_1631, %dma_wait3A_1632] : memref<32x32xf32, #tpu.memory_space<vmem>> -> memref<1x32xf32, #tpu.memory_space<vmem>>
    %dma_wait3A_1634 = tpu.memref_squeeze %dma_wait3A_1633 : memref<1x32xf32, #tpu.memory_space<vmem>> -> memref<32xf32, #tpu.memory_space<vmem>>
    %dma_wait3A_1635 = arith.constant 0 : i32
    %dma_wait3A_1636 = tpu.memref_slice %arg2[%reduce_sum3A_285, %dma_wait3A_1635] : memref<1000000x32xf32, #tpu.memory_space<hbm>> -> memref<1x32xf32, #tpu.memory_space<hbm>>
    %dma_wait3A_1637 = tpu.memref_squeeze %dma_wait3A_1636 : memref<1x32xf32, #tpu.memory_space<hbm>> -> memref<32xf32, #tpu.memory_space<hbm>>
    %dma_wait3A_1638 = arith.constant 0 : i32
    %dma_wait3A_1639 = tpu.memref_slice %arg9[%dma_wait3A_1631, %dma_wait3A_1638] : memref<32x32xf32, #tpu.memory_space<vmem>> -> memref<1x32xf32, #tpu.memory_space<vmem>>
    %dma_wait3A_1640 = tpu.memref_squeeze %dma_wait3A_1639 : memref<1x32xf32, #tpu.memory_space<vmem>> -> memref<32xf32, #tpu.memory_space<vmem>>
    %dma_wait3A_1641 = arith.constant 0 : i32
    %dma_wait3A_1642 = tpu.memref_slice %arg2[%reduce_sum3A_285, %dma_wait3A_1641] : memref<1000000x32xf32, #tpu.memory_space<hbm>> -> memref<1x32xf32, #tpu.memory_space<hbm>>
    %dma_wait3A_1643 = tpu.memref_squeeze %dma_wait3A_1642 : memref<1x32xf32, #tpu.memory_space<hbm>> -> memref<32xf32, #tpu.memory_space<hbm>>
    tpu.wait_dma2 semaphore(%arg12 : memref<!tpu.dma_semaphore, #tpu.memory_space<semaphore_mem>>) src(%dma_wait3A_1643 : memref<32xf32, #tpu.memory_space<hbm>>) dst(%dma_wait3A_1640 : memref<32xf32, #tpu.memory_space<vmem>>)
    %dma_wait3A_1644 = arith.constant 6 : i32
    %dma_wait3A_1645 = arith.constant 0 : i32
    %dma_wait3A_1646 = tpu.memref_slice %arg11[%dma_wait3A_1644, %dma_wait3A_1645] : memref<32x32xf32, #tpu.memory_space<vmem>> -> memref<1x32xf32, #tpu.memory_space<vmem>>
    %dma_wait3A_1647 = tpu.memref_squeeze %dma_wait3A_1646 : memref<1x32xf32, #tpu.memory_space<vmem>> -> memref<32xf32, #tpu.memory_space<vmem>>
    %dma_wait3A_1648 = arith.constant 0 : i32
    %dma_wait3A_1649 = tpu.memref_slice %arg4[%reduce_sum3A_295, %dma_wait3A_1648] : memref<100000x32xf32, #tpu.memory_space<hbm>> -> memref<1x32xf32, #tpu.memory_space<hbm>>
    %dma_wait3A_1650 = tpu.memref_squeeze %dma_wait3A_1649 : memref<1x32xf32, #tpu.memory_space<hbm>> -> memref<32xf32, #tpu.memory_space<hbm>>
    %dma_wait3A_1651 = arith.constant 0 : i32
    %dma_wait3A_1652 = tpu.memref_slice %arg11[%dma_wait3A_1644, %dma_wait3A_1651] : memref<32x32xf32, #tpu.memory_space<vmem>> -> memref<1x32xf32, #tpu.memory_space<vmem>>
    %dma_wait3A_1653 = tpu.memref_squeeze %dma_wait3A_1652 : memref<1x32xf32, #tpu.memory_space<vmem>> -> memref<32xf32, #tpu.memory_space<vmem>>
    %dma_wait3A_1654 = arith.constant 0 : i32
    %dma_wait3A_1655 = tpu.memref_slice %arg4[%reduce_sum3A_295, %dma_wait3A_1654] : memref<100000x32xf32, #tpu.memory_space<hbm>> -> memref<1x32xf32, #tpu.memory_space<hbm>>
    %dma_wait3A_1656 = tpu.memref_squeeze %dma_wait3A_1655 : memref<1x32xf32, #tpu.memory_space<hbm>> -> memref<32xf32, #tpu.memory_space<hbm>>
    tpu.wait_dma2 semaphore(%arg13 : memref<!tpu.dma_semaphore, #tpu.memory_space<semaphore_mem>>) src(%dma_wait3A_1656 : memref<32xf32, #tpu.memory_space<hbm>>) dst(%dma_wait3A_1653 : memref<32xf32, #tpu.memory_space<vmem>>)
    %dma_wait3A_1657 = arith.constant 7 : i32
    %dma_wait3A_1658 = arith.constant 0 : i32
    %dma_wait3A_1659 = tpu.memref_slice %arg9[%dma_wait3A_1657, %dma_wait3A_1658] : memref<32x32xf32, #tpu.memory_space<vmem>> -> memref<1x32xf32, #tpu.memory_space<vmem>>
    %dma_wait3A_1660 = tpu.memref_squeeze %dma_wait3A_1659 : memref<1x32xf32, #tpu.memory_space<vmem>> -> memref<32xf32, #tpu.memory_space<vmem>>
    %dma_wait3A_1661 = arith.constant 0 : i32
    %dma_wait3A_1662 = tpu.memref_slice %arg2[%reduce_sum3A_331, %dma_wait3A_1661] : memref<1000000x32xf32, #tpu.memory_space<hbm>> -> memref<1x32xf32, #tpu.memory_space<hbm>>
    %dma_wait3A_1663 = tpu.memref_squeeze %dma_wait3A_1662 : memref<1x32xf32, #tpu.memory_space<hbm>> -> memref<32xf32, #tpu.memory_space<hbm>>
    %dma_wait3A_1664 = arith.constant 0 : i32
    %dma_wait3A_1665 = tpu.memref_slice %arg9[%dma_wait3A_1657, %dma_wait3A_1664] : memref<32x32xf32, #tpu.memory_space<vmem>> -> memref<1x32xf32, #tpu.memory_space<vmem>>
    %dma_wait3A_1666 = tpu.memref_squeeze %dma_wait3A_1665 : memref<1x32xf32, #tpu.memory_space<vmem>> -> memref<32xf32, #tpu.memory_space<vmem>>
    %dma_wait3A_1667 = arith.constant 0 : i32
    %dma_wait3A_1668 = tpu.memref_slice %arg2[%reduce_sum3A_331, %dma_wait3A_1667] : memref<1000000x32xf32, #tpu.memory_space<hbm>> -> memref<1x32xf32, #tpu.memory_space<hbm>>
    %dma_wait3A_1669 = tpu.memref_squeeze %dma_wait3A_1668 : memref<1x32xf32, #tpu.memory_space<hbm>> -> memref<32xf32, #tpu.memory_space<hbm>>
    tpu.wait_dma2 semaphore(%arg12 : memref<!tpu.dma_semaphore, #tpu.memory_space<semaphore_mem>>) src(%dma_wait3A_1669 : memref<32xf32, #tpu.memory_space<hbm>>) dst(%dma_wait3A_1666 : memref<32xf32, #tpu.memory_space<vmem>>)
    %dma_wait3A_1670 = arith.constant 7 : i32
    %dma_wait3A_1671 = arith.constant 0 : i32
    %dma_wait3A_1672 = tpu.memref_slice %arg11[%dma_wait3A_1670, %dma_wait3A_1671] : memref<32x32xf32, #tpu.memory_space<vmem>> -> memref<1x32xf32, #tpu.memory_space<vmem>>
    %dma_wait3A_1673 = tpu.memref_squeeze %dma_wait3A_1672 : memref<1x32xf32, #tpu.memory_space<vmem>> -> memref<32xf32, #tpu.memory_space<vmem>>
    %dma_wait3A_1674 = arith.constant 0 : i32
    %dma_wait3A_1675 = tpu.memref_slice %arg4[%reduce_sum3A_341, %dma_wait3A_1674] : memref<100000x32xf32, #tpu.memory_space<hbm>> -> memref<1x32xf32, #tpu.memory_space<hbm>>
    %dma_wait3A_1676 = tpu.memref_squeeze %dma_wait3A_1675 : memref<1x32xf32, #tpu.memory_space<hbm>> -> memref<32xf32, #tpu.memory_space<hbm>>
    %dma_wait3A_1677 = arith.constant 0 : i32
    %dma_wait3A_1678 = tpu.memref_slice %arg11[%dma_wait3A_1670, %dma_wait3A_1677] : memref<32x32xf32, #tpu.memory_space<vmem>> -> memref<1x32xf32, #tpu.memory_space<vmem>>
    %dma_wait3A_1679 = tpu.memref_squeeze %dma_wait3A_1678 : memref<1x32xf32, #tpu.memory_space<vmem>> -> memref<32xf32, #tpu.memory_space<vmem>>
    %dma_wait3A_1680 = arith.constant 0 : i32
    %dma_wait3A_1681 = tpu.memref_slice %arg4[%reduce_sum3A_341, %dma_wait3A_1680] : memref<100000x32xf32, #tpu.memory_space<hbm>> -> memref<1x32xf32, #tpu.memory_space<hbm>>
    %dma_wait3A_1682 = tpu.memref_squeeze %dma_wait3A_1681 : memref<1x32xf32, #tpu.memory_space<hbm>> -> memref<32xf32, #tpu.memory_space<hbm>>
    tpu.wait_dma2 semaphore(%arg13 : memref<!tpu.dma_semaphore, #tpu.memory_space<semaphore_mem>>) src(%dma_wait3A_1682 : memref<32xf32, #tpu.memory_space<hbm>>) dst(%dma_wait3A_1679 : memref<32xf32, #tpu.memory_space<vmem>>)
    %dma_wait3A_1683 = arith.constant 8 : i32
    %dma_wait3A_1684 = arith.constant 0 : i32
    %dma_wait3A_1685 = tpu.memref_slice %arg9[%dma_wait3A_1683, %dma_wait3A_1684] : memref<32x32xf32, #tpu.memory_space<vmem>> -> memref<1x32xf32, #tpu.memory_space<vmem>>
    %dma_wait3A_1686 = tpu.memref_squeeze %dma_wait3A_1685 : memref<1x32xf32, #tpu.memory_space<vmem>> -> memref<32xf32, #tpu.memory_space<vmem>>
    %dma_wait3A_1687 = arith.constant 0 : i32
    %dma_wait3A_1688 = tpu.memref_slice %arg2[%reduce_sum3A_377, %dma_wait3A_1687] : memref<1000000x32xf32, #tpu.memory_space<hbm>> -> memref<1x32xf32, #tpu.memory_space<hbm>>
    %dma_wait3A_1689 = tpu.memref_squeeze %dma_wait3A_1688 : memref<1x32xf32, #tpu.memory_space<hbm>> -> memref<32xf32, #tpu.memory_space<hbm>>
    %dma_wait3A_1690 = arith.constant 0 : i32
    %dma_wait3A_1691 = tpu.memref_slice %arg9[%dma_wait3A_1683, %dma_wait3A_1690] : memref<32x32xf32, #tpu.memory_space<vmem>> -> memref<1x32xf32, #tpu.memory_space<vmem>>
    %dma_wait3A_1692 = tpu.memref_squeeze %dma_wait3A_1691 : memref<1x32xf32, #tpu.memory_space<vmem>> -> memref<32xf32, #tpu.memory_space<vmem>>
    %dma_wait3A_1693 = arith.constant 0 : i32
    %dma_wait3A_1694 = tpu.memref_slice %arg2[%reduce_sum3A_377, %dma_wait3A_1693] : memref<1000000x32xf32, #tpu.memory_space<hbm>> -> memref<1x32xf32, #tpu.memory_space<hbm>>
    %dma_wait3A_1695 = tpu.memref_squeeze %dma_wait3A_1694 : memref<1x32xf32, #tpu.memory_space<hbm>> -> memref<32xf32, #tpu.memory_space<hbm>>
    tpu.wait_dma2 semaphore(%arg12 : memref<!tpu.dma_semaphore, #tpu.memory_space<semaphore_mem>>) src(%dma_wait3A_1695 : memref<32xf32, #tpu.memory_space<hbm>>) dst(%dma_wait3A_1692 : memref<32xf32, #tpu.memory_space<vmem>>)
    %dma_wait3A_1696 = arith.constant 8 : i32
    %dma_wait3A_1697 = arith.constant 0 : i32
    %dma_wait3A_1698 = tpu.memref_slice %arg11[%dma_wait3A_1696, %dma_wait3A_1697] : memref<32x32xf32, #tpu.memory_space<vmem>> -> memref<1x32xf32, #tpu.memory_space<vmem>>
    %dma_wait3A_1699 = tpu.memref_squeeze %dma_wait3A_1698 : memref<1x32xf32, #tpu.memory_space<vmem>> -> memref<32xf32, #tpu.memory_space<vmem>>
    %dma_wait3A_1700 = arith.constant 0 : i32
    %dma_wait3A_1701 = tpu.memref_slice %arg4[%reduce_sum3A_387, %dma_wait3A_1700] : memref<100000x32xf32, #tpu.memory_space<hbm>> -> memref<1x32xf32, #tpu.memory_space<hbm>>
    %dma_wait3A_1702 = tpu.memref_squeeze %dma_wait3A_1701 : memref<1x32xf32, #tpu.memory_space<hbm>> -> memref<32xf32, #tpu.memory_space<hbm>>
    %dma_wait3A_1703 = arith.constant 0 : i32
    %dma_wait3A_1704 = tpu.memref_slice %arg11[%dma_wait3A_1696, %dma_wait3A_1703] : memref<32x32xf32, #tpu.memory_space<vmem>> -> memref<1x32xf32, #tpu.memory_space<vmem>>
    %dma_wait3A_1705 = tpu.memref_squeeze %dma_wait3A_1704 : memref<1x32xf32, #tpu.memory_space<vmem>> -> memref<32xf32, #tpu.memory_space<vmem>>
    %dma_wait3A_1706 = arith.constant 0 : i32
    %dma_wait3A_1707 = tpu.memref_slice %arg4[%reduce_sum3A_387, %dma_wait3A_1706] : memref<100000x32xf32, #tpu.memory_space<hbm>> -> memref<1x32xf32, #tpu.memory_space<hbm>>
    %dma_wait3A_1708 = tpu.memref_squeeze %dma_wait3A_1707 : memref<1x32xf32, #tpu.memory_space<hbm>> -> memref<32xf32, #tpu.memory_space<hbm>>
    tpu.wait_dma2 semaphore(%arg13 : memref<!tpu.dma_semaphore, #tpu.memory_space<semaphore_mem>>) src(%dma_wait3A_1708 : memref<32xf32, #tpu.memory_space<hbm>>) dst(%dma_wait3A_1705 : memref<32xf32, #tpu.memory_space<vmem>>)
    %dma_wait3A_1709 = arith.constant 9 : i32
    %dma_wait3A_1710 = arith.constant 0 : i32
    %dma_wait3A_1711 = tpu.memref_slice %arg9[%dma_wait3A_1709, %dma_wait3A_1710] : memref<32x32xf32, #tpu.memory_space<vmem>> -> memref<1x32xf32, #tpu.memory_space<vmem>>
    %dma_wait3A_1712 = tpu.memref_squeeze %dma_wait3A_1711 : memref<1x32xf32, #tpu.memory_space<vmem>> -> memref<32xf32, #tpu.memory_space<vmem>>
    %dma_wait3A_1713 = arith.constant 0 : i32
    %dma_wait3A_1714 = tpu.memref_slice %arg2[%reduce_sum3A_423, %dma_wait3A_1713] : memref<1000000x32xf32, #tpu.memory_space<hbm>> -> memref<1x32xf32, #tpu.memory_space<hbm>>
    %dma_wait3A_1715 = tpu.memref_squeeze %dma_wait3A_1714 : memref<1x32xf32, #tpu.memory_space<hbm>> -> memref<32xf32, #tpu.memory_space<hbm>>
    %dma_wait3A_1716 = arith.constant 0 : i32
    %dma_wait3A_1717 = tpu.memref_slice %arg9[%dma_wait3A_1709, %dma_wait3A_1716] : memref<32x32xf32, #tpu.memory_space<vmem>> -> memref<1x32xf32, #tpu.memory_space<vmem>>
    %dma_wait3A_1718 = tpu.memref_squeeze %dma_wait3A_1717 : memref<1x32xf32, #tpu.memory_space<vmem>> -> memref<32xf32, #tpu.memory_space<vmem>>
    %dma_wait3A_1719 = arith.constant 0 : i32
    %dma_wait3A_1720 = tpu.memref_slice %arg2[%reduce_sum3A_423, %dma_wait3A_1719] : memref<1000000x32xf32, #tpu.memory_space<hbm>> -> memref<1x32xf32, #tpu.memory_space<hbm>>
    %dma_wait3A_1721 = tpu.memref_squeeze %dma_wait3A_1720 : memref<1x32xf32, #tpu.memory_space<hbm>> -> memref<32xf32, #tpu.memory_space<hbm>>
    tpu.wait_dma2 semaphore(%arg12 : memref<!tpu.dma_semaphore, #tpu.memory_space<semaphore_mem>>) src(%dma_wait3A_1721 : memref<32xf32, #tpu.memory_space<hbm>>) dst(%dma_wait3A_1718 : memref<32xf32, #tpu.memory_space<vmem>>)
    %dma_wait3A_1722 = arith.constant 9 : i32
    %dma_wait3A_1723 = arith.constant 0 : i32
    %dma_wait3A_1724 = tpu.memref_slice %arg11[%dma_wait3A_1722, %dma_wait3A_1723] : memref<32x32xf32, #tpu.memory_space<vmem>> -> memref<1x32xf32, #tpu.memory_space<vmem>>
    %dma_wait3A_1725 = tpu.memref_squeeze %dma_wait3A_1724 : memref<1x32xf32, #tpu.memory_space<vmem>> -> memref<32xf32, #tpu.memory_space<vmem>>
    %dma_wait3A_1726 = arith.constant 0 : i32
    %dma_wait3A_1727 = tpu.memref_slice %arg4[%reduce_sum3A_433, %dma_wait3A_1726] : memref<100000x32xf32, #tpu.memory_space<hbm>> -> memref<1x32xf32, #tpu.memory_space<hbm>>
    %dma_wait3A_1728 = tpu.memref_squeeze %dma_wait3A_1727 : memref<1x32xf32, #tpu.memory_space<hbm>> -> memref<32xf32, #tpu.memory_space<hbm>>
    %dma_wait3A_1729 = arith.constant 0 : i32
    %dma_wait3A_1730 = tpu.memref_slice %arg11[%dma_wait3A_1722, %dma_wait3A_1729] : memref<32x32xf32, #tpu.memory_space<vmem>> -> memref<1x32xf32, #tpu.memory_space<vmem>>
    %dma_wait3A_1731 = tpu.memref_squeeze %dma_wait3A_1730 : memref<1x32xf32, #tpu.memory_space<vmem>> -> memref<32xf32, #tpu.memory_space<vmem>>
    %dma_wait3A_1732 = arith.constant 0 : i32
    %dma_wait3A_1733 = tpu.memref_slice %arg4[%reduce_sum3A_433, %dma_wait3A_1732] : memref<100000x32xf32, #tpu.memory_space<hbm>> -> memref<1x32xf32, #tpu.memory_space<hbm>>
    %dma_wait3A_1734 = tpu.memref_squeeze %dma_wait3A_1733 : memref<1x32xf32, #tpu.memory_space<hbm>> -> memref<32xf32, #tpu.memory_space<hbm>>
    tpu.wait_dma2 semaphore(%arg13 : memref<!tpu.dma_semaphore, #tpu.memory_space<semaphore_mem>>) src(%dma_wait3A_1734 : memref<32xf32, #tpu.memory_space<hbm>>) dst(%dma_wait3A_1731 : memref<32xf32, #tpu.memory_space<vmem>>)
    %dma_wait3A_1735 = arith.constant 10 : i32
    %dma_wait3A_1736 = arith.constant 0 : i32
    %dma_wait3A_1737 = tpu.memref_slice %arg9[%dma_wait3A_1735, %dma_wait3A_1736] : memref<32x32xf32, #tpu.memory_space<vmem>> -> memref<1x32xf32, #tpu.memory_space<vmem>>
    %dma_wait3A_1738 = tpu.memref_squeeze %dma_wait3A_1737 : memref<1x32xf32, #tpu.memory_space<vmem>> -> memref<32xf32, #tpu.memory_space<vmem>>
    %dma_wait3A_1739 = arith.constant 0 : i32
    %dma_wait3A_1740 = tpu.memref_slice %arg2[%reduce_sum3A_469, %dma_wait3A_1739] : memref<1000000x32xf32, #tpu.memory_space<hbm>> -> memref<1x32xf32, #tpu.memory_space<hbm>>
    %dma_wait3A_1741 = tpu.memref_squeeze %dma_wait3A_1740 : memref<1x32xf32, #tpu.memory_space<hbm>> -> memref<32xf32, #tpu.memory_space<hbm>>
    %dma_wait3A_1742 = arith.constant 0 : i32
    %dma_wait3A_1743 = tpu.memref_slice %arg9[%dma_wait3A_1735, %dma_wait3A_1742] : memref<32x32xf32, #tpu.memory_space<vmem>> -> memref<1x32xf32, #tpu.memory_space<vmem>>
    %dma_wait3A_1744 = tpu.memref_squeeze %dma_wait3A_1743 : memref<1x32xf32, #tpu.memory_space<vmem>> -> memref<32xf32, #tpu.memory_space<vmem>>
    %dma_wait3A_1745 = arith.constant 0 : i32
    %dma_wait3A_1746 = tpu.memref_slice %arg2[%reduce_sum3A_469, %dma_wait3A_1745] : memref<1000000x32xf32, #tpu.memory_space<hbm>> -> memref<1x32xf32, #tpu.memory_space<hbm>>
    %dma_wait3A_1747 = tpu.memref_squeeze %dma_wait3A_1746 : memref<1x32xf32, #tpu.memory_space<hbm>> -> memref<32xf32, #tpu.memory_space<hbm>>
    tpu.wait_dma2 semaphore(%arg12 : memref<!tpu.dma_semaphore, #tpu.memory_space<semaphore_mem>>) src(%dma_wait3A_1747 : memref<32xf32, #tpu.memory_space<hbm>>) dst(%dma_wait3A_1744 : memref<32xf32, #tpu.memory_space<vmem>>)
    %dma_wait3A_1748 = arith.constant 10 : i32
    %dma_wait3A_1749 = arith.constant 0 : i32
    %dma_wait3A_1750 = tpu.memref_slice %arg11[%dma_wait3A_1748, %dma_wait3A_1749] : memref<32x32xf32, #tpu.memory_space<vmem>> -> memref<1x32xf32, #tpu.memory_space<vmem>>
    %dma_wait3A_1751 = tpu.memref_squeeze %dma_wait3A_1750 : memref<1x32xf32, #tpu.memory_space<vmem>> -> memref<32xf32, #tpu.memory_space<vmem>>
    %dma_wait3A_1752 = arith.constant 0 : i32
    %dma_wait3A_1753 = tpu.memref_slice %arg4[%reduce_sum3A_479, %dma_wait3A_1752] : memref<100000x32xf32, #tpu.memory_space<hbm>> -> memref<1x32xf32, #tpu.memory_space<hbm>>
    %dma_wait3A_1754 = tpu.memref_squeeze %dma_wait3A_1753 : memref<1x32xf32, #tpu.memory_space<hbm>> -> memref<32xf32, #tpu.memory_space<hbm>>
    %dma_wait3A_1755 = arith.constant 0 : i32
    %dma_wait3A_1756 = tpu.memref_slice %arg11[%dma_wait3A_1748, %dma_wait3A_1755] : memref<32x32xf32, #tpu.memory_space<vmem>> -> memref<1x32xf32, #tpu.memory_space<vmem>>
    %dma_wait3A_1757 = tpu.memref_squeeze %dma_wait3A_1756 : memref<1x32xf32, #tpu.memory_space<vmem>> -> memref<32xf32, #tpu.memory_space<vmem>>
    %dma_wait3A_1758 = arith.constant 0 : i32
    %dma_wait3A_1759 = tpu.memref_slice %arg4[%reduce_sum3A_479, %dma_wait3A_1758] : memref<100000x32xf32, #tpu.memory_space<hbm>> -> memref<1x32xf32, #tpu.memory_space<hbm>>
    %dma_wait3A_1760 = tpu.memref_squeeze %dma_wait3A_1759 : memref<1x32xf32, #tpu.memory_space<hbm>> -> memref<32xf32, #tpu.memory_space<hbm>>
    tpu.wait_dma2 semaphore(%arg13 : memref<!tpu.dma_semaphore, #tpu.memory_space<semaphore_mem>>) src(%dma_wait3A_1760 : memref<32xf32, #tpu.memory_space<hbm>>) dst(%dma_wait3A_1757 : memref<32xf32, #tpu.memory_space<vmem>>)
    %dma_wait3A_1761 = arith.constant 11 : i32
    %dma_wait3A_1762 = arith.constant 0 : i32
    %dma_wait3A_1763 = tpu.memref_slice %arg9[%dma_wait3A_1761, %dma_wait3A_1762] : memref<32x32xf32, #tpu.memory_space<vmem>> -> memref<1x32xf32, #tpu.memory_space<vmem>>
    %dma_wait3A_1764 = tpu.memref_squeeze %dma_wait3A_1763 : memref<1x32xf32, #tpu.memory_space<vmem>> -> memref<32xf32, #tpu.memory_space<vmem>>
    %dma_wait3A_1765 = arith.constant 0 : i32
    %dma_wait3A_1766 = tpu.memref_slice %arg2[%reduce_sum3A_515, %dma_wait3A_1765] : memref<1000000x32xf32, #tpu.memory_space<hbm>> -> memref<1x32xf32, #tpu.memory_space<hbm>>
    %dma_wait3A_1767 = tpu.memref_squeeze %dma_wait3A_1766 : memref<1x32xf32, #tpu.memory_space<hbm>> -> memref<32xf32, #tpu.memory_space<hbm>>
    %dma_wait3A_1768 = arith.constant 0 : i32
    %dma_wait3A_1769 = tpu.memref_slice %arg9[%dma_wait3A_1761, %dma_wait3A_1768] : memref<32x32xf32, #tpu.memory_space<vmem>> -> memref<1x32xf32, #tpu.memory_space<vmem>>
    %dma_wait3A_1770 = tpu.memref_squeeze %dma_wait3A_1769 : memref<1x32xf32, #tpu.memory_space<vmem>> -> memref<32xf32, #tpu.memory_space<vmem>>
    %dma_wait3A_1771 = arith.constant 0 : i32
    %dma_wait3A_1772 = tpu.memref_slice %arg2[%reduce_sum3A_515, %dma_wait3A_1771] : memref<1000000x32xf32, #tpu.memory_space<hbm>> -> memref<1x32xf32, #tpu.memory_space<hbm>>
    %dma_wait3A_1773 = tpu.memref_squeeze %dma_wait3A_1772 : memref<1x32xf32, #tpu.memory_space<hbm>> -> memref<32xf32, #tpu.memory_space<hbm>>
    tpu.wait_dma2 semaphore(%arg12 : memref<!tpu.dma_semaphore, #tpu.memory_space<semaphore_mem>>) src(%dma_wait3A_1773 : memref<32xf32, #tpu.memory_space<hbm>>) dst(%dma_wait3A_1770 : memref<32xf32, #tpu.memory_space<vmem>>)
    %dma_wait3A_1774 = arith.constant 11 : i32
    %dma_wait3A_1775 = arith.constant 0 : i32
    %dma_wait3A_1776 = tpu.memref_slice %arg11[%dma_wait3A_1774, %dma_wait3A_1775] : memref<32x32xf32, #tpu.memory_space<vmem>> -> memref<1x32xf32, #tpu.memory_space<vmem>>
    %dma_wait3A_1777 = tpu.memref_squeeze %dma_wait3A_1776 : memref<1x32xf32, #tpu.memory_space<vmem>> -> memref<32xf32, #tpu.memory_space<vmem>>
    %dma_wait3A_1778 = arith.constant 0 : i32
    %dma_wait3A_1779 = tpu.memref_slice %arg4[%reduce_sum3A_525, %dma_wait3A_1778] : memref<100000x32xf32, #tpu.memory_space<hbm>> -> memref<1x32xf32, #tpu.memory_space<hbm>>
    %dma_wait3A_1780 = tpu.memref_squeeze %dma_wait3A_1779 : memref<1x32xf32, #tpu.memory_space<hbm>> -> memref<32xf32, #tpu.memory_space<hbm>>
    %dma_wait3A_1781 = arith.constant 0 : i32
    %dma_wait3A_1782 = tpu.memref_slice %arg11[%dma_wait3A_1774, %dma_wait3A_1781] : memref<32x32xf32, #tpu.memory_space<vmem>> -> memref<1x32xf32, #tpu.memory_space<vmem>>
    %dma_wait3A_1783 = tpu.memref_squeeze %dma_wait3A_1782 : memref<1x32xf32, #tpu.memory_space<vmem>> -> memref<32xf32, #tpu.memory_space<vmem>>
    %dma_wait3A_1784 = arith.constant 0 : i32
    %dma_wait3A_1785 = tpu.memref_slice %arg4[%reduce_sum3A_525, %dma_wait3A_1784] : memref<100000x32xf32, #tpu.memory_space<hbm>> -> memref<1x32xf32, #tpu.memory_space<hbm>>
    %dma_wait3A_1786 = tpu.memref_squeeze %dma_wait3A_1785 : memref<1x32xf32, #tpu.memory_space<hbm>> -> memref<32xf32, #tpu.memory_space<hbm>>
    tpu.wait_dma2 semaphore(%arg13 : memref<!tpu.dma_semaphore, #tpu.memory_space<semaphore_mem>>) src(%dma_wait3A_1786 : memref<32xf32, #tpu.memory_space<hbm>>) dst(%dma_wait3A_1783 : memref<32xf32, #tpu.memory_space<vmem>>)
    %dma_wait3A_1787 = arith.constant 12 : i32
    %dma_wait3A_1788 = arith.constant 0 : i32
    %dma_wait3A_1789 = tpu.memref_slice %arg9[%dma_wait3A_1787, %dma_wait3A_1788] : memref<32x32xf32, #tpu.memory_space<vmem>> -> memref<1x32xf32, #tpu.memory_space<vmem>>
    %dma_wait3A_1790 = tpu.memref_squeeze %dma_wait3A_1789 : memref<1x32xf32, #tpu.memory_space<vmem>> -> memref<32xf32, #tpu.memory_space<vmem>>
    %dma_wait3A_1791 = arith.constant 0 : i32
    %dma_wait3A_1792 = tpu.memref_slice %arg2[%reduce_sum3A_561, %dma_wait3A_1791] : memref<1000000x32xf32, #tpu.memory_space<hbm>> -> memref<1x32xf32, #tpu.memory_space<hbm>>
    %dma_wait3A_1793 = tpu.memref_squeeze %dma_wait3A_1792 : memref<1x32xf32, #tpu.memory_space<hbm>> -> memref<32xf32, #tpu.memory_space<hbm>>
    %dma_wait3A_1794 = arith.constant 0 : i32
    %dma_wait3A_1795 = tpu.memref_slice %arg9[%dma_wait3A_1787, %dma_wait3A_1794] : memref<32x32xf32, #tpu.memory_space<vmem>> -> memref<1x32xf32, #tpu.memory_space<vmem>>
    %dma_wait3A_1796 = tpu.memref_squeeze %dma_wait3A_1795 : memref<1x32xf32, #tpu.memory_space<vmem>> -> memref<32xf32, #tpu.memory_space<vmem>>
    %dma_wait3A_1797 = arith.constant 0 : i32
    %dma_wait3A_1798 = tpu.memref_slice %arg2[%reduce_sum3A_561, %dma_wait3A_1797] : memref<1000000x32xf32, #tpu.memory_space<hbm>> -> memref<1x32xf32, #tpu.memory_space<hbm>>
    %dma_wait3A_1799 = tpu.memref_squeeze %dma_wait3A_1798 : memref<1x32xf32, #tpu.memory_space<hbm>> -> memref<32xf32, #tpu.memory_space<hbm>>
    tpu.wait_dma2 semaphore(%arg12 : memref<!tpu.dma_semaphore, #tpu.memory_space<semaphore_mem>>) src(%dma_wait3A_1799 : memref<32xf32, #tpu.memory_space<hbm>>) dst(%dma_wait3A_1796 : memref<32xf32, #tpu.memory_space<vmem>>)
    %dma_wait3A_1800 = arith.constant 12 : i32
    %dma_wait3A_1801 = arith.constant 0 : i32
    %dma_wait3A_1802 = tpu.memref_slice %arg11[%dma_wait3A_1800, %dma_wait3A_1801] : memref<32x32xf32, #tpu.memory_space<vmem>> -> memref<1x32xf32, #tpu.memory_space<vmem>>
    %dma_wait3A_1803 = tpu.memref_squeeze %dma_wait3A_1802 : memref<1x32xf32, #tpu.memory_space<vmem>> -> memref<32xf32, #tpu.memory_space<vmem>>
    %dma_wait3A_1804 = arith.constant 0 : i32
    %dma_wait3A_1805 = tpu.memref_slice %arg4[%reduce_sum3A_571, %dma_wait3A_1804] : memref<100000x32xf32, #tpu.memory_space<hbm>> -> memref<1x32xf32, #tpu.memory_space<hbm>>
    %dma_wait3A_1806 = tpu.memref_squeeze %dma_wait3A_1805 : memref<1x32xf32, #tpu.memory_space<hbm>> -> memref<32xf32, #tpu.memory_space<hbm>>
    %dma_wait3A_1807 = arith.constant 0 : i32
    %dma_wait3A_1808 = tpu.memref_slice %arg11[%dma_wait3A_1800, %dma_wait3A_1807] : memref<32x32xf32, #tpu.memory_space<vmem>> -> memref<1x32xf32, #tpu.memory_space<vmem>>
    %dma_wait3A_1809 = tpu.memref_squeeze %dma_wait3A_1808 : memref<1x32xf32, #tpu.memory_space<vmem>> -> memref<32xf32, #tpu.memory_space<vmem>>
    %dma_wait3A_1810 = arith.constant 0 : i32
    %dma_wait3A_1811 = tpu.memref_slice %arg4[%reduce_sum3A_571, %dma_wait3A_1810] : memref<100000x32xf32, #tpu.memory_space<hbm>> -> memref<1x32xf32, #tpu.memory_space<hbm>>
    %dma_wait3A_1812 = tpu.memref_squeeze %dma_wait3A_1811 : memref<1x32xf32, #tpu.memory_space<hbm>> -> memref<32xf32, #tpu.memory_space<hbm>>
    tpu.wait_dma2 semaphore(%arg13 : memref<!tpu.dma_semaphore, #tpu.memory_space<semaphore_mem>>) src(%dma_wait3A_1812 : memref<32xf32, #tpu.memory_space<hbm>>) dst(%dma_wait3A_1809 : memref<32xf32, #tpu.memory_space<vmem>>)
    %dma_wait3A_1813 = arith.constant 13 : i32
    %dma_wait3A_1814 = arith.constant 0 : i32
    %dma_wait3A_1815 = tpu.memref_slice %arg9[%dma_wait3A_1813, %dma_wait3A_1814] : memref<32x32xf32, #tpu.memory_space<vmem>> -> memref<1x32xf32, #tpu.memory_space<vmem>>
    %dma_wait3A_1816 = tpu.memref_squeeze %dma_wait3A_1815 : memref<1x32xf32, #tpu.memory_space<vmem>> -> memref<32xf32, #tpu.memory_space<vmem>>
    %dma_wait3A_1817 = arith.constant 0 : i32
    %dma_wait3A_1818 = tpu.memref_slice %arg2[%reduce_sum3A_607, %dma_wait3A_1817] : memref<1000000x32xf32, #tpu.memory_space<hbm>> -> memref<1x32xf32, #tpu.memory_space<hbm>>
    %dma_wait3A_1819 = tpu.memref_squeeze %dma_wait3A_1818 : memref<1x32xf32, #tpu.memory_space<hbm>> -> memref<32xf32, #tpu.memory_space<hbm>>
    %dma_wait3A_1820 = arith.constant 0 : i32
    %dma_wait3A_1821 = tpu.memref_slice %arg9[%dma_wait3A_1813, %dma_wait3A_1820] : memref<32x32xf32, #tpu.memory_space<vmem>> -> memref<1x32xf32, #tpu.memory_space<vmem>>
    %dma_wait3A_1822 = tpu.memref_squeeze %dma_wait3A_1821 : memref<1x32xf32, #tpu.memory_space<vmem>> -> memref<32xf32, #tpu.memory_space<vmem>>
    %dma_wait3A_1823 = arith.constant 0 : i32
    %dma_wait3A_1824 = tpu.memref_slice %arg2[%reduce_sum3A_607, %dma_wait3A_1823] : memref<1000000x32xf32, #tpu.memory_space<hbm>> -> memref<1x32xf32, #tpu.memory_space<hbm>>
    %dma_wait3A_1825 = tpu.memref_squeeze %dma_wait3A_1824 : memref<1x32xf32, #tpu.memory_space<hbm>> -> memref<32xf32, #tpu.memory_space<hbm>>
    tpu.wait_dma2 semaphore(%arg12 : memref<!tpu.dma_semaphore, #tpu.memory_space<semaphore_mem>>) src(%dma_wait3A_1825 : memref<32xf32, #tpu.memory_space<hbm>>) dst(%dma_wait3A_1822 : memref<32xf32, #tpu.memory_space<vmem>>)
    %dma_wait3A_1826 = arith.constant 13 : i32
    %dma_wait3A_1827 = arith.constant 0 : i32
    %dma_wait3A_1828 = tpu.memref_slice %arg11[%dma_wait3A_1826, %dma_wait3A_1827] : memref<32x32xf32, #tpu.memory_space<vmem>> -> memref<1x32xf32, #tpu.memory_space<vmem>>
    %dma_wait3A_1829 = tpu.memref_squeeze %dma_wait3A_1828 : memref<1x32xf32, #tpu.memory_space<vmem>> -> memref<32xf32, #tpu.memory_space<vmem>>
    %dma_wait3A_1830 = arith.constant 0 : i32
    %dma_wait3A_1831 = tpu.memref_slice %arg4[%reduce_sum3A_617, %dma_wait3A_1830] : memref<100000x32xf32, #tpu.memory_space<hbm>> -> memref<1x32xf32, #tpu.memory_space<hbm>>
    %dma_wait3A_1832 = tpu.memref_squeeze %dma_wait3A_1831 : memref<1x32xf32, #tpu.memory_space<hbm>> -> memref<32xf32, #tpu.memory_space<hbm>>
    %dma_wait3A_1833 = arith.constant 0 : i32
    %dma_wait3A_1834 = tpu.memref_slice %arg11[%dma_wait3A_1826, %dma_wait3A_1833] : memref<32x32xf32, #tpu.memory_space<vmem>> -> memref<1x32xf32, #tpu.memory_space<vmem>>
    %dma_wait3A_1835 = tpu.memref_squeeze %dma_wait3A_1834 : memref<1x32xf32, #tpu.memory_space<vmem>> -> memref<32xf32, #tpu.memory_space<vmem>>
    %dma_wait3A_1836 = arith.constant 0 : i32
    %dma_wait3A_1837 = tpu.memref_slice %arg4[%reduce_sum3A_617, %dma_wait3A_1836] : memref<100000x32xf32, #tpu.memory_space<hbm>> -> memref<1x32xf32, #tpu.memory_space<hbm>>
    %dma_wait3A_1838 = tpu.memref_squeeze %dma_wait3A_1837 : memref<1x32xf32, #tpu.memory_space<hbm>> -> memref<32xf32, #tpu.memory_space<hbm>>
    tpu.wait_dma2 semaphore(%arg13 : memref<!tpu.dma_semaphore, #tpu.memory_space<semaphore_mem>>) src(%dma_wait3A_1838 : memref<32xf32, #tpu.memory_space<hbm>>) dst(%dma_wait3A_1835 : memref<32xf32, #tpu.memory_space<vmem>>)
    %dma_wait3A_1839 = arith.constant 14 : i32
    %dma_wait3A_1840 = arith.constant 0 : i32
    %dma_wait3A_1841 = tpu.memref_slice %arg9[%dma_wait3A_1839, %dma_wait3A_1840] : memref<32x32xf32, #tpu.memory_space<vmem>> -> memref<1x32xf32, #tpu.memory_space<vmem>>
    %dma_wait3A_1842 = tpu.memref_squeeze %dma_wait3A_1841 : memref<1x32xf32, #tpu.memory_space<vmem>> -> memref<32xf32, #tpu.memory_space<vmem>>
    %dma_wait3A_1843 = arith.constant 0 : i32
    %dma_wait3A_1844 = tpu.memref_slice %arg2[%reduce_sum3A_653, %dma_wait3A_1843] : memref<1000000x32xf32, #tpu.memory_space<hbm>> -> memref<1x32xf32, #tpu.memory_space<hbm>>
    %dma_wait3A_1845 = tpu.memref_squeeze %dma_wait3A_1844 : memref<1x32xf32, #tpu.memory_space<hbm>> -> memref<32xf32, #tpu.memory_space<hbm>>
    %dma_wait3A_1846 = arith.constant 0 : i32
    %dma_wait3A_1847 = tpu.memref_slice %arg9[%dma_wait3A_1839, %dma_wait3A_1846] : memref<32x32xf32, #tpu.memory_space<vmem>> -> memref<1x32xf32, #tpu.memory_space<vmem>>
    %dma_wait3A_1848 = tpu.memref_squeeze %dma_wait3A_1847 : memref<1x32xf32, #tpu.memory_space<vmem>> -> memref<32xf32, #tpu.memory_space<vmem>>
    %dma_wait3A_1849 = arith.constant 0 : i32
    %dma_wait3A_1850 = tpu.memref_slice %arg2[%reduce_sum3A_653, %dma_wait3A_1849] : memref<1000000x32xf32, #tpu.memory_space<hbm>> -> memref<1x32xf32, #tpu.memory_space<hbm>>
    %dma_wait3A_1851 = tpu.memref_squeeze %dma_wait3A_1850 : memref<1x32xf32, #tpu.memory_space<hbm>> -> memref<32xf32, #tpu.memory_space<hbm>>
    tpu.wait_dma2 semaphore(%arg12 : memref<!tpu.dma_semaphore, #tpu.memory_space<semaphore_mem>>) src(%dma_wait3A_1851 : memref<32xf32, #tpu.memory_space<hbm>>) dst(%dma_wait3A_1848 : memref<32xf32, #tpu.memory_space<vmem>>)
    %dma_wait3A_1852 = arith.constant 14 : i32
    %dma_wait3A_1853 = arith.constant 0 : i32
    %dma_wait3A_1854 = tpu.memref_slice %arg11[%dma_wait3A_1852, %dma_wait3A_1853] : memref<32x32xf32, #tpu.memory_space<vmem>> -> memref<1x32xf32, #tpu.memory_space<vmem>>
    %dma_wait3A_1855 = tpu.memref_squeeze %dma_wait3A_1854 : memref<1x32xf32, #tpu.memory_space<vmem>> -> memref<32xf32, #tpu.memory_space<vmem>>
    %dma_wait3A_1856 = arith.constant 0 : i32
    %dma_wait3A_1857 = tpu.memref_slice %arg4[%reduce_sum3A_663, %dma_wait3A_1856] : memref<100000x32xf32, #tpu.memory_space<hbm>> -> memref<1x32xf32, #tpu.memory_space<hbm>>
    %dma_wait3A_1858 = tpu.memref_squeeze %dma_wait3A_1857 : memref<1x32xf32, #tpu.memory_space<hbm>> -> memref<32xf32, #tpu.memory_space<hbm>>
    %dma_wait3A_1859 = arith.constant 0 : i32
    %dma_wait3A_1860 = tpu.memref_slice %arg11[%dma_wait3A_1852, %dma_wait3A_1859] : memref<32x32xf32, #tpu.memory_space<vmem>> -> memref<1x32xf32, #tpu.memory_space<vmem>>
    %dma_wait3A_1861 = tpu.memref_squeeze %dma_wait3A_1860 : memref<1x32xf32, #tpu.memory_space<vmem>> -> memref<32xf32, #tpu.memory_space<vmem>>
    %dma_wait3A_1862 = arith.constant 0 : i32
    %dma_wait3A_1863 = tpu.memref_slice %arg4[%reduce_sum3A_663, %dma_wait3A_1862] : memref<100000x32xf32, #tpu.memory_space<hbm>> -> memref<1x32xf32, #tpu.memory_space<hbm>>
    %dma_wait3A_1864 = tpu.memref_squeeze %dma_wait3A_1863 : memref<1x32xf32, #tpu.memory_space<hbm>> -> memref<32xf32, #tpu.memory_space<hbm>>
    tpu.wait_dma2 semaphore(%arg13 : memref<!tpu.dma_semaphore, #tpu.memory_space<semaphore_mem>>) src(%dma_wait3A_1864 : memref<32xf32, #tpu.memory_space<hbm>>) dst(%dma_wait3A_1861 : memref<32xf32, #tpu.memory_space<vmem>>)
    %dma_wait3A_1865 = arith.constant 15 : i32
    %dma_wait3A_1866 = arith.constant 0 : i32
    %dma_wait3A_1867 = tpu.memref_slice %arg9[%dma_wait3A_1865, %dma_wait3A_1866] : memref<32x32xf32, #tpu.memory_space<vmem>> -> memref<1x32xf32, #tpu.memory_space<vmem>>
    %dma_wait3A_1868 = tpu.memref_squeeze %dma_wait3A_1867 : memref<1x32xf32, #tpu.memory_space<vmem>> -> memref<32xf32, #tpu.memory_space<vmem>>
    %dma_wait3A_1869 = arith.constant 0 : i32
    %dma_wait3A_1870 = tpu.memref_slice %arg2[%reduce_sum3A_699, %dma_wait3A_1869] : memref<1000000x32xf32, #tpu.memory_space<hbm>> -> memref<1x32xf32, #tpu.memory_space<hbm>>
    %dma_wait3A_1871 = tpu.memref_squeeze %dma_wait3A_1870 : memref<1x32xf32, #tpu.memory_space<hbm>> -> memref<32xf32, #tpu.memory_space<hbm>>
    %dma_wait3A_1872 = arith.constant 0 : i32
    %dma_wait3A_1873 = tpu.memref_slice %arg9[%dma_wait3A_1865, %dma_wait3A_1872] : memref<32x32xf32, #tpu.memory_space<vmem>> -> memref<1x32xf32, #tpu.memory_space<vmem>>
    %dma_wait3A_1874 = tpu.memref_squeeze %dma_wait3A_1873 : memref<1x32xf32, #tpu.memory_space<vmem>> -> memref<32xf32, #tpu.memory_space<vmem>>
    %dma_wait3A_1875 = arith.constant 0 : i32
    %dma_wait3A_1876 = tpu.memref_slice %arg2[%reduce_sum3A_699, %dma_wait3A_1875] : memref<1000000x32xf32, #tpu.memory_space<hbm>> -> memref<1x32xf32, #tpu.memory_space<hbm>>
    %dma_wait3A_1877 = tpu.memref_squeeze %dma_wait3A_1876 : memref<1x32xf32, #tpu.memory_space<hbm>> -> memref<32xf32, #tpu.memory_space<hbm>>
    tpu.wait_dma2 semaphore(%arg12 : memref<!tpu.dma_semaphore, #tpu.memory_space<semaphore_mem>>) src(%dma_wait3A_1877 : memref<32xf32, #tpu.memory_space<hbm>>) dst(%dma_wait3A_1874 : memref<32xf32, #tpu.memory_space<vmem>>)
    %dma_wait3A_1878 = arith.constant 15 : i32
    %dma_wait3A_1879 = arith.constant 0 : i32
    %dma_wait3A_1880 = tpu.memref_slice %arg11[%dma_wait3A_1878, %dma_wait3A_1879] : memref<32x32xf32, #tpu.memory_space<vmem>> -> memref<1x32xf32, #tpu.memory_space<vmem>>
    %dma_wait3A_1881 = tpu.memref_squeeze %dma_wait3A_1880 : memref<1x32xf32, #tpu.memory_space<vmem>> -> memref<32xf32, #tpu.memory_space<vmem>>
    %dma_wait3A_1882 = arith.constant 0 : i32
    %dma_wait3A_1883 = tpu.memref_slice %arg4[%reduce_sum3A_709, %dma_wait3A_1882] : memref<100000x32xf32, #tpu.memory_space<hbm>> -> memref<1x32xf32, #tpu.memory_space<hbm>>
    %dma_wait3A_1884 = tpu.memref_squeeze %dma_wait3A_1883 : memref<1x32xf32, #tpu.memory_space<hbm>> -> memref<32xf32, #tpu.memory_space<hbm>>
    %dma_wait3A_1885 = arith.constant 0 : i32
    %dma_wait3A_1886 = tpu.memref_slice %arg11[%dma_wait3A_1878, %dma_wait3A_1885] : memref<32x32xf32, #tpu.memory_space<vmem>> -> memref<1x32xf32, #tpu.memory_space<vmem>>
    %dma_wait3A_1887 = tpu.memref_squeeze %dma_wait3A_1886 : memref<1x32xf32, #tpu.memory_space<vmem>> -> memref<32xf32, #tpu.memory_space<vmem>>
    %dma_wait3A_1888 = arith.constant 0 : i32
    %dma_wait3A_1889 = tpu.memref_slice %arg4[%reduce_sum3A_709, %dma_wait3A_1888] : memref<100000x32xf32, #tpu.memory_space<hbm>> -> memref<1x32xf32, #tpu.memory_space<hbm>>
    %dma_wait3A_1890 = tpu.memref_squeeze %dma_wait3A_1889 : memref<1x32xf32, #tpu.memory_space<hbm>> -> memref<32xf32, #tpu.memory_space<hbm>>
    tpu.wait_dma2 semaphore(%arg13 : memref<!tpu.dma_semaphore, #tpu.memory_space<semaphore_mem>>) src(%dma_wait3A_1890 : memref<32xf32, #tpu.memory_space<hbm>>) dst(%dma_wait3A_1887 : memref<32xf32, #tpu.memory_space<vmem>>)
    %dma_wait3A_1891 = arith.constant 16 : i32
    %dma_wait3A_1892 = arith.constant 0 : i32
    %dma_wait3A_1893 = tpu.memref_slice %arg9[%dma_wait3A_1891, %dma_wait3A_1892] : memref<32x32xf32, #tpu.memory_space<vmem>> -> memref<1x32xf32, #tpu.memory_space<vmem>>
    %dma_wait3A_1894 = tpu.memref_squeeze %dma_wait3A_1893 : memref<1x32xf32, #tpu.memory_space<vmem>> -> memref<32xf32, #tpu.memory_space<vmem>>
    %dma_wait3A_1895 = arith.constant 0 : i32
    %dma_wait3A_1896 = tpu.memref_slice %arg2[%reduce_sum3A_749, %dma_wait3A_1895] : memref<1000000x32xf32, #tpu.memory_space<hbm>> -> memref<1x32xf32, #tpu.memory_space<hbm>>
    %dma_wait3A_1897 = tpu.memref_squeeze %dma_wait3A_1896 : memref<1x32xf32, #tpu.memory_space<hbm>> -> memref<32xf32, #tpu.memory_space<hbm>>
    %dma_wait3A_1898 = arith.constant 0 : i32
    %dma_wait3A_1899 = tpu.memref_slice %arg9[%dma_wait3A_1891, %dma_wait3A_1898] : memref<32x32xf32, #tpu.memory_space<vmem>> -> memref<1x32xf32, #tpu.memory_space<vmem>>
    %dma_wait3A_1900 = tpu.memref_squeeze %dma_wait3A_1899 : memref<1x32xf32, #tpu.memory_space<vmem>> -> memref<32xf32, #tpu.memory_space<vmem>>
    %dma_wait3A_1901 = arith.constant 0 : i32
    %dma_wait3A_1902 = tpu.memref_slice %arg2[%reduce_sum3A_749, %dma_wait3A_1901] : memref<1000000x32xf32, #tpu.memory_space<hbm>> -> memref<1x32xf32, #tpu.memory_space<hbm>>
    %dma_wait3A_1903 = tpu.memref_squeeze %dma_wait3A_1902 : memref<1x32xf32, #tpu.memory_space<hbm>> -> memref<32xf32, #tpu.memory_space<hbm>>
    tpu.wait_dma2 semaphore(%arg12 : memref<!tpu.dma_semaphore, #tpu.memory_space<semaphore_mem>>) src(%dma_wait3A_1903 : memref<32xf32, #tpu.memory_space<hbm>>) dst(%dma_wait3A_1900 : memref<32xf32, #tpu.memory_space<vmem>>)
    %dma_wait3A_1904 = arith.constant 16 : i32
    %dma_wait3A_1905 = arith.constant 0 : i32
    %dma_wait3A_1906 = tpu.memref_slice %arg11[%dma_wait3A_1904, %dma_wait3A_1905] : memref<32x32xf32, #tpu.memory_space<vmem>> -> memref<1x32xf32, #tpu.memory_space<vmem>>
    %dma_wait3A_1907 = tpu.memref_squeeze %dma_wait3A_1906 : memref<1x32xf32, #tpu.memory_space<vmem>> -> memref<32xf32, #tpu.memory_space<vmem>>
    %dma_wait3A_1908 = arith.constant 0 : i32
    %dma_wait3A_1909 = tpu.memref_slice %arg4[%reduce_sum3A_759, %dma_wait3A_1908] : memref<100000x32xf32, #tpu.memory_space<hbm>> -> memref<1x32xf32, #tpu.memory_space<hbm>>
    %dma_wait3A_1910 = tpu.memref_squeeze %dma_wait3A_1909 : memref<1x32xf32, #tpu.memory_space<hbm>> -> memref<32xf32, #tpu.memory_space<hbm>>
    %dma_wait3A_1911 = arith.constant 0 : i32
    %dma_wait3A_1912 = tpu.memref_slice %arg11[%dma_wait3A_1904, %dma_wait3A_1911] : memref<32x32xf32, #tpu.memory_space<vmem>> -> memref<1x32xf32, #tpu.memory_space<vmem>>
    %dma_wait3A_1913 = tpu.memref_squeeze %dma_wait3A_1912 : memref<1x32xf32, #tpu.memory_space<vmem>> -> memref<32xf32, #tpu.memory_space<vmem>>
    %dma_wait3A_1914 = arith.constant 0 : i32
    %dma_wait3A_1915 = tpu.memref_slice %arg4[%reduce_sum3A_759, %dma_wait3A_1914] : memref<100000x32xf32, #tpu.memory_space<hbm>> -> memref<1x32xf32, #tpu.memory_space<hbm>>
    %dma_wait3A_1916 = tpu.memref_squeeze %dma_wait3A_1915 : memref<1x32xf32, #tpu.memory_space<hbm>> -> memref<32xf32, #tpu.memory_space<hbm>>
    tpu.wait_dma2 semaphore(%arg13 : memref<!tpu.dma_semaphore, #tpu.memory_space<semaphore_mem>>) src(%dma_wait3A_1916 : memref<32xf32, #tpu.memory_space<hbm>>) dst(%dma_wait3A_1913 : memref<32xf32, #tpu.memory_space<vmem>>)
    %dma_wait3A_1917 = arith.constant 17 : i32
    %dma_wait3A_1918 = arith.constant 0 : i32
    %dma_wait3A_1919 = tpu.memref_slice %arg9[%dma_wait3A_1917, %dma_wait3A_1918] : memref<32x32xf32, #tpu.memory_space<vmem>> -> memref<1x32xf32, #tpu.memory_space<vmem>>
    %dma_wait3A_1920 = tpu.memref_squeeze %dma_wait3A_1919 : memref<1x32xf32, #tpu.memory_space<vmem>> -> memref<32xf32, #tpu.memory_space<vmem>>
    %dma_wait3A_1921 = arith.constant 0 : i32
    %dma_wait3A_1922 = tpu.memref_slice %arg2[%reduce_sum3A_795, %dma_wait3A_1921] : memref<1000000x32xf32, #tpu.memory_space<hbm>> -> memref<1x32xf32, #tpu.memory_space<hbm>>
    %dma_wait3A_1923 = tpu.memref_squeeze %dma_wait3A_1922 : memref<1x32xf32, #tpu.memory_space<hbm>> -> memref<32xf32, #tpu.memory_space<hbm>>
    %dma_wait3A_1924 = arith.constant 0 : i32
    %dma_wait3A_1925 = tpu.memref_slice %arg9[%dma_wait3A_1917, %dma_wait3A_1924] : memref<32x32xf32, #tpu.memory_space<vmem>> -> memref<1x32xf32, #tpu.memory_space<vmem>>
    %dma_wait3A_1926 = tpu.memref_squeeze %dma_wait3A_1925 : memref<1x32xf32, #tpu.memory_space<vmem>> -> memref<32xf32, #tpu.memory_space<vmem>>
    %dma_wait3A_1927 = arith.constant 0 : i32
    %dma_wait3A_1928 = tpu.memref_slice %arg2[%reduce_sum3A_795, %dma_wait3A_1927] : memref<1000000x32xf32, #tpu.memory_space<hbm>> -> memref<1x32xf32, #tpu.memory_space<hbm>>
    %dma_wait3A_1929 = tpu.memref_squeeze %dma_wait3A_1928 : memref<1x32xf32, #tpu.memory_space<hbm>> -> memref<32xf32, #tpu.memory_space<hbm>>
    tpu.wait_dma2 semaphore(%arg12 : memref<!tpu.dma_semaphore, #tpu.memory_space<semaphore_mem>>) src(%dma_wait3A_1929 : memref<32xf32, #tpu.memory_space<hbm>>) dst(%dma_wait3A_1926 : memref<32xf32, #tpu.memory_space<vmem>>)
    %dma_wait3A_1930 = arith.constant 17 : i32
    %dma_wait3A_1931 = arith.constant 0 : i32
    %dma_wait3A_1932 = tpu.memref_slice %arg11[%dma_wait3A_1930, %dma_wait3A_1931] : memref<32x32xf32, #tpu.memory_space<vmem>> -> memref<1x32xf32, #tpu.memory_space<vmem>>
    %dma_wait3A_1933 = tpu.memref_squeeze %dma_wait3A_1932 : memref<1x32xf32, #tpu.memory_space<vmem>> -> memref<32xf32, #tpu.memory_space<vmem>>
    %dma_wait3A_1934 = arith.constant 0 : i32
    %dma_wait3A_1935 = tpu.memref_slice %arg4[%reduce_sum3A_805, %dma_wait3A_1934] : memref<100000x32xf32, #tpu.memory_space<hbm>> -> memref<1x32xf32, #tpu.memory_space<hbm>>
    %dma_wait3A_1936 = tpu.memref_squeeze %dma_wait3A_1935 : memref<1x32xf32, #tpu.memory_space<hbm>> -> memref<32xf32, #tpu.memory_space<hbm>>
    %dma_wait3A_1937 = arith.constant 0 : i32
    %dma_wait3A_1938 = tpu.memref_slice %arg11[%dma_wait3A_1930, %dma_wait3A_1937] : memref<32x32xf32, #tpu.memory_space<vmem>> -> memref<1x32xf32, #tpu.memory_space<vmem>>
    %dma_wait3A_1939 = tpu.memref_squeeze %dma_wait3A_1938 : memref<1x32xf32, #tpu.memory_space<vmem>> -> memref<32xf32, #tpu.memory_space<vmem>>
    %dma_wait3A_1940 = arith.constant 0 : i32
    %dma_wait3A_1941 = tpu.memref_slice %arg4[%reduce_sum3A_805, %dma_wait3A_1940] : memref<100000x32xf32, #tpu.memory_space<hbm>> -> memref<1x32xf32, #tpu.memory_space<hbm>>
    %dma_wait3A_1942 = tpu.memref_squeeze %dma_wait3A_1941 : memref<1x32xf32, #tpu.memory_space<hbm>> -> memref<32xf32, #tpu.memory_space<hbm>>
    tpu.wait_dma2 semaphore(%arg13 : memref<!tpu.dma_semaphore, #tpu.memory_space<semaphore_mem>>) src(%dma_wait3A_1942 : memref<32xf32, #tpu.memory_space<hbm>>) dst(%dma_wait3A_1939 : memref<32xf32, #tpu.memory_space<vmem>>)
    %dma_wait3A_1943 = arith.constant 18 : i32
    %dma_wait3A_1944 = arith.constant 0 : i32
    %dma_wait3A_1945 = tpu.memref_slice %arg9[%dma_wait3A_1943, %dma_wait3A_1944] : memref<32x32xf32, #tpu.memory_space<vmem>> -> memref<1x32xf32, #tpu.memory_space<vmem>>
    %dma_wait3A_1946 = tpu.memref_squeeze %dma_wait3A_1945 : memref<1x32xf32, #tpu.memory_space<vmem>> -> memref<32xf32, #tpu.memory_space<vmem>>
    %dma_wait3A_1947 = arith.constant 0 : i32
    %dma_wait3A_1948 = tpu.memref_slice %arg2[%reduce_sum3A_841, %dma_wait3A_1947] : memref<1000000x32xf32, #tpu.memory_space<hbm>> -> memref<1x32xf32, #tpu.memory_space<hbm>>
    %dma_wait3A_1949 = tpu.memref_squeeze %dma_wait3A_1948 : memref<1x32xf32, #tpu.memory_space<hbm>> -> memref<32xf32, #tpu.memory_space<hbm>>
    %dma_wait3A_1950 = arith.constant 0 : i32
    %dma_wait3A_1951 = tpu.memref_slice %arg9[%dma_wait3A_1943, %dma_wait3A_1950] : memref<32x32xf32, #tpu.memory_space<vmem>> -> memref<1x32xf32, #tpu.memory_space<vmem>>
    %dma_wait3A_1952 = tpu.memref_squeeze %dma_wait3A_1951 : memref<1x32xf32, #tpu.memory_space<vmem>> -> memref<32xf32, #tpu.memory_space<vmem>>
    %dma_wait3A_1953 = arith.constant 0 : i32
    %dma_wait3A_1954 = tpu.memref_slice %arg2[%reduce_sum3A_841, %dma_wait3A_1953] : memref<1000000x32xf32, #tpu.memory_space<hbm>> -> memref<1x32xf32, #tpu.memory_space<hbm>>
    %dma_wait3A_1955 = tpu.memref_squeeze %dma_wait3A_1954 : memref<1x32xf32, #tpu.memory_space<hbm>> -> memref<32xf32, #tpu.memory_space<hbm>>
    tpu.wait_dma2 semaphore(%arg12 : memref<!tpu.dma_semaphore, #tpu.memory_space<semaphore_mem>>) src(%dma_wait3A_1955 : memref<32xf32, #tpu.memory_space<hbm>>) dst(%dma_wait3A_1952 : memref<32xf32, #tpu.memory_space<vmem>>)
    %dma_wait3A_1956 = arith.constant 18 : i32
    %dma_wait3A_1957 = arith.constant 0 : i32
    %dma_wait3A_1958 = tpu.memref_slice %arg11[%dma_wait3A_1956, %dma_wait3A_1957] : memref<32x32xf32, #tpu.memory_space<vmem>> -> memref<1x32xf32, #tpu.memory_space<vmem>>
    %dma_wait3A_1959 = tpu.memref_squeeze %dma_wait3A_1958 : memref<1x32xf32, #tpu.memory_space<vmem>> -> memref<32xf32, #tpu.memory_space<vmem>>
    %dma_wait3A_1960 = arith.constant 0 : i32
    %dma_wait3A_1961 = tpu.memref_slice %arg4[%reduce_sum3A_851, %dma_wait3A_1960] : memref<100000x32xf32, #tpu.memory_space<hbm>> -> memref<1x32xf32, #tpu.memory_space<hbm>>
    %dma_wait3A_1962 = tpu.memref_squeeze %dma_wait3A_1961 : memref<1x32xf32, #tpu.memory_space<hbm>> -> memref<32xf32, #tpu.memory_space<hbm>>
    %dma_wait3A_1963 = arith.constant 0 : i32
    %dma_wait3A_1964 = tpu.memref_slice %arg11[%dma_wait3A_1956, %dma_wait3A_1963] : memref<32x32xf32, #tpu.memory_space<vmem>> -> memref<1x32xf32, #tpu.memory_space<vmem>>
    %dma_wait3A_1965 = tpu.memref_squeeze %dma_wait3A_1964 : memref<1x32xf32, #tpu.memory_space<vmem>> -> memref<32xf32, #tpu.memory_space<vmem>>
    %dma_wait3A_1966 = arith.constant 0 : i32
    %dma_wait3A_1967 = tpu.memref_slice %arg4[%reduce_sum3A_851, %dma_wait3A_1966] : memref<100000x32xf32, #tpu.memory_space<hbm>> -> memref<1x32xf32, #tpu.memory_space<hbm>>
    %dma_wait3A_1968 = tpu.memref_squeeze %dma_wait3A_1967 : memref<1x32xf32, #tpu.memory_space<hbm>> -> memref<32xf32, #tpu.memory_space<hbm>>
    tpu.wait_dma2 semaphore(%arg13 : memref<!tpu.dma_semaphore, #tpu.memory_space<semaphore_mem>>) src(%dma_wait3A_1968 : memref<32xf32, #tpu.memory_space<hbm>>) dst(%dma_wait3A_1965 : memref<32xf32, #tpu.memory_space<vmem>>)
    %dma_wait3A_1969 = arith.constant 19 : i32
    %dma_wait3A_1970 = arith.constant 0 : i32
    %dma_wait3A_1971 = tpu.memref_slice %arg9[%dma_wait3A_1969, %dma_wait3A_1970] : memref<32x32xf32, #tpu.memory_space<vmem>> -> memref<1x32xf32, #tpu.memory_space<vmem>>
    %dma_wait3A_1972 = tpu.memref_squeeze %dma_wait3A_1971 : memref<1x32xf32, #tpu.memory_space<vmem>> -> memref<32xf32, #tpu.memory_space<vmem>>
    %dma_wait3A_1973 = arith.constant 0 : i32
    %dma_wait3A_1974 = tpu.memref_slice %arg2[%reduce_sum3A_887, %dma_wait3A_1973] : memref<1000000x32xf32, #tpu.memory_space<hbm>> -> memref<1x32xf32, #tpu.memory_space<hbm>>
    %dma_wait3A_1975 = tpu.memref_squeeze %dma_wait3A_1974 : memref<1x32xf32, #tpu.memory_space<hbm>> -> memref<32xf32, #tpu.memory_space<hbm>>
    %dma_wait3A_1976 = arith.constant 0 : i32
    %dma_wait3A_1977 = tpu.memref_slice %arg9[%dma_wait3A_1969, %dma_wait3A_1976] : memref<32x32xf32, #tpu.memory_space<vmem>> -> memref<1x32xf32, #tpu.memory_space<vmem>>
    %dma_wait3A_1978 = tpu.memref_squeeze %dma_wait3A_1977 : memref<1x32xf32, #tpu.memory_space<vmem>> -> memref<32xf32, #tpu.memory_space<vmem>>
    %dma_wait3A_1979 = arith.constant 0 : i32
    %dma_wait3A_1980 = tpu.memref_slice %arg2[%reduce_sum3A_887, %dma_wait3A_1979] : memref<1000000x32xf32, #tpu.memory_space<hbm>> -> memref<1x32xf32, #tpu.memory_space<hbm>>
    %dma_wait3A_1981 = tpu.memref_squeeze %dma_wait3A_1980 : memref<1x32xf32, #tpu.memory_space<hbm>> -> memref<32xf32, #tpu.memory_space<hbm>>
    tpu.wait_dma2 semaphore(%arg12 : memref<!tpu.dma_semaphore, #tpu.memory_space<semaphore_mem>>) src(%dma_wait3A_1981 : memref<32xf32, #tpu.memory_space<hbm>>) dst(%dma_wait3A_1978 : memref<32xf32, #tpu.memory_space<vmem>>)
    %dma_wait3A_1982 = arith.constant 19 : i32
    %dma_wait3A_1983 = arith.constant 0 : i32
    %dma_wait3A_1984 = tpu.memref_slice %arg11[%dma_wait3A_1982, %dma_wait3A_1983] : memref<32x32xf32, #tpu.memory_space<vmem>> -> memref<1x32xf32, #tpu.memory_space<vmem>>
    %dma_wait3A_1985 = tpu.memref_squeeze %dma_wait3A_1984 : memref<1x32xf32, #tpu.memory_space<vmem>> -> memref<32xf32, #tpu.memory_space<vmem>>
    %dma_wait3A_1986 = arith.constant 0 : i32
    %dma_wait3A_1987 = tpu.memref_slice %arg4[%reduce_sum3A_897, %dma_wait3A_1986] : memref<100000x32xf32, #tpu.memory_space<hbm>> -> memref<1x32xf32, #tpu.memory_space<hbm>>
    %dma_wait3A_1988 = tpu.memref_squeeze %dma_wait3A_1987 : memref<1x32xf32, #tpu.memory_space<hbm>> -> memref<32xf32, #tpu.memory_space<hbm>>
    %dma_wait3A_1989 = arith.constant 0 : i32
    %dma_wait3A_1990 = tpu.memref_slice %arg11[%dma_wait3A_1982, %dma_wait3A_1989] : memref<32x32xf32, #tpu.memory_space<vmem>> -> memref<1x32xf32, #tpu.memory_space<vmem>>
    %dma_wait3A_1991 = tpu.memref_squeeze %dma_wait3A_1990 : memref<1x32xf32, #tpu.memory_space<vmem>> -> memref<32xf32, #tpu.memory_space<vmem>>
    %dma_wait3A_1992 = arith.constant 0 : i32
    %dma_wait3A_1993 = tpu.memref_slice %arg4[%reduce_sum3A_897, %dma_wait3A_1992] : memref<100000x32xf32, #tpu.memory_space<hbm>> -> memref<1x32xf32, #tpu.memory_space<hbm>>
    %dma_wait3A_1994 = tpu.memref_squeeze %dma_wait3A_1993 : memref<1x32xf32, #tpu.memory_space<hbm>> -> memref<32xf32, #tpu.memory_space<hbm>>
    tpu.wait_dma2 semaphore(%arg13 : memref<!tpu.dma_semaphore, #tpu.memory_space<semaphore_mem>>) src(%dma_wait3A_1994 : memref<32xf32, #tpu.memory_space<hbm>>) dst(%dma_wait3A_1991 : memref<32xf32, #tpu.memory_space<vmem>>)
    %dma_wait3A_1995 = arith.constant 20 : i32
    %dma_wait3A_1996 = arith.constant 0 : i32
    %dma_wait3A_1997 = tpu.memref_slice %arg9[%dma_wait3A_1995, %dma_wait3A_1996] : memref<32x32xf32, #tpu.memory_space<vmem>> -> memref<1x32xf32, #tpu.memory_space<vmem>>
    %dma_wait3A_1998 = tpu.memref_squeeze %dma_wait3A_1997 : memref<1x32xf32, #tpu.memory_space<vmem>> -> memref<32xf32, #tpu.memory_space<vmem>>
    %dma_wait3A_1999 = arith.constant 0 : i32
    %dma_wait3A_2000 = tpu.memref_slice %arg2[%reduce_sum3A_933, %dma_wait3A_1999] : memref<1000000x32xf32, #tpu.memory_space<hbm>> -> memref<1x32xf32, #tpu.memory_space<hbm>>
    %dma_wait3A_2001 = tpu.memref_squeeze %dma_wait3A_2000 : memref<1x32xf32, #tpu.memory_space<hbm>> -> memref<32xf32, #tpu.memory_space<hbm>>
    %dma_wait3A_2002 = arith.constant 0 : i32
    %dma_wait3A_2003 = tpu.memref_slice %arg9[%dma_wait3A_1995, %dma_wait3A_2002] : memref<32x32xf32, #tpu.memory_space<vmem>> -> memref<1x32xf32, #tpu.memory_space<vmem>>
    %dma_wait3A_2004 = tpu.memref_squeeze %dma_wait3A_2003 : memref<1x32xf32, #tpu.memory_space<vmem>> -> memref<32xf32, #tpu.memory_space<vmem>>
    %dma_wait3A_2005 = arith.constant 0 : i32
    %dma_wait3A_2006 = tpu.memref_slice %arg2[%reduce_sum3A_933, %dma_wait3A_2005] : memref<1000000x32xf32, #tpu.memory_space<hbm>> -> memref<1x32xf32, #tpu.memory_space<hbm>>
    %dma_wait3A_2007 = tpu.memref_squeeze %dma_wait3A_2006 : memref<1x32xf32, #tpu.memory_space<hbm>> -> memref<32xf32, #tpu.memory_space<hbm>>
    tpu.wait_dma2 semaphore(%arg12 : memref<!tpu.dma_semaphore, #tpu.memory_space<semaphore_mem>>) src(%dma_wait3A_2007 : memref<32xf32, #tpu.memory_space<hbm>>) dst(%dma_wait3A_2004 : memref<32xf32, #tpu.memory_space<vmem>>)
    %dma_wait3A_2008 = arith.constant 20 : i32
    %dma_wait3A_2009 = arith.constant 0 : i32
    %dma_wait3A_2010 = tpu.memref_slice %arg11[%dma_wait3A_2008, %dma_wait3A_2009] : memref<32x32xf32, #tpu.memory_space<vmem>> -> memref<1x32xf32, #tpu.memory_space<vmem>>
    %dma_wait3A_2011 = tpu.memref_squeeze %dma_wait3A_2010 : memref<1x32xf32, #tpu.memory_space<vmem>> -> memref<32xf32, #tpu.memory_space<vmem>>
    %dma_wait3A_2012 = arith.constant 0 : i32
    %dma_wait3A_2013 = tpu.memref_slice %arg4[%reduce_sum3A_943, %dma_wait3A_2012] : memref<100000x32xf32, #tpu.memory_space<hbm>> -> memref<1x32xf32, #tpu.memory_space<hbm>>
    %dma_wait3A_2014 = tpu.memref_squeeze %dma_wait3A_2013 : memref<1x32xf32, #tpu.memory_space<hbm>> -> memref<32xf32, #tpu.memory_space<hbm>>
    %dma_wait3A_2015 = arith.constant 0 : i32
    %dma_wait3A_2016 = tpu.memref_slice %arg11[%dma_wait3A_2008, %dma_wait3A_2015] : memref<32x32xf32, #tpu.memory_space<vmem>> -> memref<1x32xf32, #tpu.memory_space<vmem>>
    %dma_wait3A_2017 = tpu.memref_squeeze %dma_wait3A_2016 : memref<1x32xf32, #tpu.memory_space<vmem>> -> memref<32xf32, #tpu.memory_space<vmem>>
    %dma_wait3A_2018 = arith.constant 0 : i32
    %dma_wait3A_2019 = tpu.memref_slice %arg4[%reduce_sum3A_943, %dma_wait3A_2018] : memref<100000x32xf32, #tpu.memory_space<hbm>> -> memref<1x32xf32, #tpu.memory_space<hbm>>
    %dma_wait3A_2020 = tpu.memref_squeeze %dma_wait3A_2019 : memref<1x32xf32, #tpu.memory_space<hbm>> -> memref<32xf32, #tpu.memory_space<hbm>>
    tpu.wait_dma2 semaphore(%arg13 : memref<!tpu.dma_semaphore, #tpu.memory_space<semaphore_mem>>) src(%dma_wait3A_2020 : memref<32xf32, #tpu.memory_space<hbm>>) dst(%dma_wait3A_2017 : memref<32xf32, #tpu.memory_space<vmem>>)
    %dma_wait3A_2021 = arith.constant 21 : i32
    %dma_wait3A_2022 = arith.constant 0 : i32
    %dma_wait3A_2023 = tpu.memref_slice %arg9[%dma_wait3A_2021, %dma_wait3A_2022] : memref<32x32xf32, #tpu.memory_space<vmem>> -> memref<1x32xf32, #tpu.memory_space<vmem>>
    %dma_wait3A_2024 = tpu.memref_squeeze %dma_wait3A_2023 : memref<1x32xf32, #tpu.memory_space<vmem>> -> memref<32xf32, #tpu.memory_space<vmem>>
    %dma_wait3A_2025 = arith.constant 0 : i32
    %dma_wait3A_2026 = tpu.memref_slice %arg2[%reduce_sum3A_979, %dma_wait3A_2025] : memref<1000000x32xf32, #tpu.memory_space<hbm>> -> memref<1x32xf32, #tpu.memory_space<hbm>>
    %dma_wait3A_2027 = tpu.memref_squeeze %dma_wait3A_2026 : memref<1x32xf32, #tpu.memory_space<hbm>> -> memref<32xf32, #tpu.memory_space<hbm>>
    %dma_wait3A_2028 = arith.constant 0 : i32
    %dma_wait3A_2029 = tpu.memref_slice %arg9[%dma_wait3A_2021, %dma_wait3A_2028] : memref<32x32xf32, #tpu.memory_space<vmem>> -> memref<1x32xf32, #tpu.memory_space<vmem>>
    %dma_wait3A_2030 = tpu.memref_squeeze %dma_wait3A_2029 : memref<1x32xf32, #tpu.memory_space<vmem>> -> memref<32xf32, #tpu.memory_space<vmem>>
    %dma_wait3A_2031 = arith.constant 0 : i32
    %dma_wait3A_2032 = tpu.memref_slice %arg2[%reduce_sum3A_979, %dma_wait3A_2031] : memref<1000000x32xf32, #tpu.memory_space<hbm>> -> memref<1x32xf32, #tpu.memory_space<hbm>>
    %dma_wait3A_2033 = tpu.memref_squeeze %dma_wait3A_2032 : memref<1x32xf32, #tpu.memory_space<hbm>> -> memref<32xf32, #tpu.memory_space<hbm>>
    tpu.wait_dma2 semaphore(%arg12 : memref<!tpu.dma_semaphore, #tpu.memory_space<semaphore_mem>>) src(%dma_wait3A_2033 : memref<32xf32, #tpu.memory_space<hbm>>) dst(%dma_wait3A_2030 : memref<32xf32, #tpu.memory_space<vmem>>)
    %dma_wait3A_2034 = arith.constant 21 : i32
    %dma_wait3A_2035 = arith.constant 0 : i32
    %dma_wait3A_2036 = tpu.memref_slice %arg11[%dma_wait3A_2034, %dma_wait3A_2035] : memref<32x32xf32, #tpu.memory_space<vmem>> -> memref<1x32xf32, #tpu.memory_space<vmem>>
    %dma_wait3A_2037 = tpu.memref_squeeze %dma_wait3A_2036 : memref<1x32xf32, #tpu.memory_space<vmem>> -> memref<32xf32, #tpu.memory_space<vmem>>
    %dma_wait3A_2038 = arith.constant 0 : i32
    %dma_wait3A_2039 = tpu.memref_slice %arg4[%reduce_sum3A_989, %dma_wait3A_2038] : memref<100000x32xf32, #tpu.memory_space<hbm>> -> memref<1x32xf32, #tpu.memory_space<hbm>>
    %dma_wait3A_2040 = tpu.memref_squeeze %dma_wait3A_2039 : memref<1x32xf32, #tpu.memory_space<hbm>> -> memref<32xf32, #tpu.memory_space<hbm>>
    %dma_wait3A_2041 = arith.constant 0 : i32
    %dma_wait3A_2042 = tpu.memref_slice %arg11[%dma_wait3A_2034, %dma_wait3A_2041] : memref<32x32xf32, #tpu.memory_space<vmem>> -> memref<1x32xf32, #tpu.memory_space<vmem>>
    %dma_wait3A_2043 = tpu.memref_squeeze %dma_wait3A_2042 : memref<1x32xf32, #tpu.memory_space<vmem>> -> memref<32xf32, #tpu.memory_space<vmem>>
    %dma_wait3A_2044 = arith.constant 0 : i32
    %dma_wait3A_2045 = tpu.memref_slice %arg4[%reduce_sum3A_989, %dma_wait3A_2044] : memref<100000x32xf32, #tpu.memory_space<hbm>> -> memref<1x32xf32, #tpu.memory_space<hbm>>
    %dma_wait3A_2046 = tpu.memref_squeeze %dma_wait3A_2045 : memref<1x32xf32, #tpu.memory_space<hbm>> -> memref<32xf32, #tpu.memory_space<hbm>>
    tpu.wait_dma2 semaphore(%arg13 : memref<!tpu.dma_semaphore, #tpu.memory_space<semaphore_mem>>) src(%dma_wait3A_2046 : memref<32xf32, #tpu.memory_space<hbm>>) dst(%dma_wait3A_2043 : memref<32xf32, #tpu.memory_space<vmem>>)
    %dma_wait3A_2047 = arith.constant 22 : i32
    %dma_wait3A_2048 = arith.constant 0 : i32
    %dma_wait3A_2049 = tpu.memref_slice %arg9[%dma_wait3A_2047, %dma_wait3A_2048] : memref<32x32xf32, #tpu.memory_space<vmem>> -> memref<1x32xf32, #tpu.memory_space<vmem>>
    %dma_wait3A_2050 = tpu.memref_squeeze %dma_wait3A_2049 : memref<1x32xf32, #tpu.memory_space<vmem>> -> memref<32xf32, #tpu.memory_space<vmem>>
    %dma_wait3A_2051 = arith.constant 0 : i32
    %dma_wait3A_2052 = tpu.memref_slice %arg2[%reduce_sum3A_1025, %dma_wait3A_2051] : memref<1000000x32xf32, #tpu.memory_space<hbm>> -> memref<1x32xf32, #tpu.memory_space<hbm>>
    %dma_wait3A_2053 = tpu.memref_squeeze %dma_wait3A_2052 : memref<1x32xf32, #tpu.memory_space<hbm>> -> memref<32xf32, #tpu.memory_space<hbm>>
    %dma_wait3A_2054 = arith.constant 0 : i32
    %dma_wait3A_2055 = tpu.memref_slice %arg9[%dma_wait3A_2047, %dma_wait3A_2054] : memref<32x32xf32, #tpu.memory_space<vmem>> -> memref<1x32xf32, #tpu.memory_space<vmem>>
    %dma_wait3A_2056 = tpu.memref_squeeze %dma_wait3A_2055 : memref<1x32xf32, #tpu.memory_space<vmem>> -> memref<32xf32, #tpu.memory_space<vmem>>
    %dma_wait3A_2057 = arith.constant 0 : i32
    %dma_wait3A_2058 = tpu.memref_slice %arg2[%reduce_sum3A_1025, %dma_wait3A_2057] : memref<1000000x32xf32, #tpu.memory_space<hbm>> -> memref<1x32xf32, #tpu.memory_space<hbm>>
    %dma_wait3A_2059 = tpu.memref_squeeze %dma_wait3A_2058 : memref<1x32xf32, #tpu.memory_space<hbm>> -> memref<32xf32, #tpu.memory_space<hbm>>
    tpu.wait_dma2 semaphore(%arg12 : memref<!tpu.dma_semaphore, #tpu.memory_space<semaphore_mem>>) src(%dma_wait3A_2059 : memref<32xf32, #tpu.memory_space<hbm>>) dst(%dma_wait3A_2056 : memref<32xf32, #tpu.memory_space<vmem>>)
    %dma_wait3A_2060 = arith.constant 22 : i32
    %dma_wait3A_2061 = arith.constant 0 : i32
    %dma_wait3A_2062 = tpu.memref_slice %arg11[%dma_wait3A_2060, %dma_wait3A_2061] : memref<32x32xf32, #tpu.memory_space<vmem>> -> memref<1x32xf32, #tpu.memory_space<vmem>>
    %dma_wait3A_2063 = tpu.memref_squeeze %dma_wait3A_2062 : memref<1x32xf32, #tpu.memory_space<vmem>> -> memref<32xf32, #tpu.memory_space<vmem>>
    %dma_wait3A_2064 = arith.constant 0 : i32
    %dma_wait3A_2065 = tpu.memref_slice %arg4[%reduce_sum3A_1035, %dma_wait3A_2064] : memref<100000x32xf32, #tpu.memory_space<hbm>> -> memref<1x32xf32, #tpu.memory_space<hbm>>
    %dma_wait3A_2066 = tpu.memref_squeeze %dma_wait3A_2065 : memref<1x32xf32, #tpu.memory_space<hbm>> -> memref<32xf32, #tpu.memory_space<hbm>>
    %dma_wait3A_2067 = arith.constant 0 : i32
    %dma_wait3A_2068 = tpu.memref_slice %arg11[%dma_wait3A_2060, %dma_wait3A_2067] : memref<32x32xf32, #tpu.memory_space<vmem>> -> memref<1x32xf32, #tpu.memory_space<vmem>>
    %dma_wait3A_2069 = tpu.memref_squeeze %dma_wait3A_2068 : memref<1x32xf32, #tpu.memory_space<vmem>> -> memref<32xf32, #tpu.memory_space<vmem>>
    %dma_wait3A_2070 = arith.constant 0 : i32
    %dma_wait3A_2071 = tpu.memref_slice %arg4[%reduce_sum3A_1035, %dma_wait3A_2070] : memref<100000x32xf32, #tpu.memory_space<hbm>> -> memref<1x32xf32, #tpu.memory_space<hbm>>
    %dma_wait3A_2072 = tpu.memref_squeeze %dma_wait3A_2071 : memref<1x32xf32, #tpu.memory_space<hbm>> -> memref<32xf32, #tpu.memory_space<hbm>>
    tpu.wait_dma2 semaphore(%arg13 : memref<!tpu.dma_semaphore, #tpu.memory_space<semaphore_mem>>) src(%dma_wait3A_2072 : memref<32xf32, #tpu.memory_space<hbm>>) dst(%dma_wait3A_2069 : memref<32xf32, #tpu.memory_space<vmem>>)
    %dma_wait3A_2073 = arith.constant 23 : i32
    %dma_wait3A_2074 = arith.constant 0 : i32
    %dma_wait3A_2075 = tpu.memref_slice %arg9[%dma_wait3A_2073, %dma_wait3A_2074] : memref<32x32xf32, #tpu.memory_space<vmem>> -> memref<1x32xf32, #tpu.memory_space<vmem>>
    %dma_wait3A_2076 = tpu.memref_squeeze %dma_wait3A_2075 : memref<1x32xf32, #tpu.memory_space<vmem>> -> memref<32xf32, #tpu.memory_space<vmem>>
    %dma_wait3A_2077 = arith.constant 0 : i32
    %dma_wait3A_2078 = tpu.memref_slice %arg2[%reduce_sum3A_1071, %dma_wait3A_2077] : memref<1000000x32xf32, #tpu.memory_space<hbm>> -> memref<1x32xf32, #tpu.memory_space<hbm>>
    %dma_wait3A_2079 = tpu.memref_squeeze %dma_wait3A_2078 : memref<1x32xf32, #tpu.memory_space<hbm>> -> memref<32xf32, #tpu.memory_space<hbm>>
    %dma_wait3A_2080 = arith.constant 0 : i32
    %dma_wait3A_2081 = tpu.memref_slice %arg9[%dma_wait3A_2073, %dma_wait3A_2080] : memref<32x32xf32, #tpu.memory_space<vmem>> -> memref<1x32xf32, #tpu.memory_space<vmem>>
    %dma_wait3A_2082 = tpu.memref_squeeze %dma_wait3A_2081 : memref<1x32xf32, #tpu.memory_space<vmem>> -> memref<32xf32, #tpu.memory_space<vmem>>
    %dma_wait3A_2083 = arith.constant 0 : i32
    %dma_wait3A_2084 = tpu.memref_slice %arg2[%reduce_sum3A_1071, %dma_wait3A_2083] : memref<1000000x32xf32, #tpu.memory_space<hbm>> -> memref<1x32xf32, #tpu.memory_space<hbm>>
    %dma_wait3A_2085 = tpu.memref_squeeze %dma_wait3A_2084 : memref<1x32xf32, #tpu.memory_space<hbm>> -> memref<32xf32, #tpu.memory_space<hbm>>
    tpu.wait_dma2 semaphore(%arg12 : memref<!tpu.dma_semaphore, #tpu.memory_space<semaphore_mem>>) src(%dma_wait3A_2085 : memref<32xf32, #tpu.memory_space<hbm>>) dst(%dma_wait3A_2082 : memref<32xf32, #tpu.memory_space<vmem>>)
    %dma_wait3A_2086 = arith.constant 23 : i32
    %dma_wait3A_2087 = arith.constant 0 : i32
    %dma_wait3A_2088 = tpu.memref_slice %arg11[%dma_wait3A_2086, %dma_wait3A_2087] : memref<32x32xf32, #tpu.memory_space<vmem>> -> memref<1x32xf32, #tpu.memory_space<vmem>>
    %dma_wait3A_2089 = tpu.memref_squeeze %dma_wait3A_2088 : memref<1x32xf32, #tpu.memory_space<vmem>> -> memref<32xf32, #tpu.memory_space<vmem>>
    %dma_wait3A_2090 = arith.constant 0 : i32
    %dma_wait3A_2091 = tpu.memref_slice %arg4[%reduce_sum3A_1081, %dma_wait3A_2090] : memref<100000x32xf32, #tpu.memory_space<hbm>> -> memref<1x32xf32, #tpu.memory_space<hbm>>
    %dma_wait3A_2092 = tpu.memref_squeeze %dma_wait3A_2091 : memref<1x32xf32, #tpu.memory_space<hbm>> -> memref<32xf32, #tpu.memory_space<hbm>>
    %dma_wait3A_2093 = arith.constant 0 : i32
    %dma_wait3A_2094 = tpu.memref_slice %arg11[%dma_wait3A_2086, %dma_wait3A_2093] : memref<32x32xf32, #tpu.memory_space<vmem>> -> memref<1x32xf32, #tpu.memory_space<vmem>>
    %dma_wait3A_2095 = tpu.memref_squeeze %dma_wait3A_2094 : memref<1x32xf32, #tpu.memory_space<vmem>> -> memref<32xf32, #tpu.memory_space<vmem>>
    %dma_wait3A_2096 = arith.constant 0 : i32
    %dma_wait3A_2097 = tpu.memref_slice %arg4[%reduce_sum3A_1081, %dma_wait3A_2096] : memref<100000x32xf32, #tpu.memory_space<hbm>> -> memref<1x32xf32, #tpu.memory_space<hbm>>
    %dma_wait3A_2098 = tpu.memref_squeeze %dma_wait3A_2097 : memref<1x32xf32, #tpu.memory_space<hbm>> -> memref<32xf32, #tpu.memory_space<hbm>>
    tpu.wait_dma2 semaphore(%arg13 : memref<!tpu.dma_semaphore, #tpu.memory_space<semaphore_mem>>) src(%dma_wait3A_2098 : memref<32xf32, #tpu.memory_space<hbm>>) dst(%dma_wait3A_2095 : memref<32xf32, #tpu.memory_space<vmem>>)
    %dma_wait3A_2099 = arith.constant 24 : i32
    %dma_wait3A_2100 = arith.constant 0 : i32
    %dma_wait3A_2101 = tpu.memref_slice %arg9[%dma_wait3A_2099, %dma_wait3A_2100] : memref<32x32xf32, #tpu.memory_space<vmem>> -> memref<1x32xf32, #tpu.memory_space<vmem>>
    %dma_wait3A_2102 = tpu.memref_squeeze %dma_wait3A_2101 : memref<1x32xf32, #tpu.memory_space<vmem>> -> memref<32xf32, #tpu.memory_space<vmem>>
    %dma_wait3A_2103 = arith.constant 0 : i32
    %dma_wait3A_2104 = tpu.memref_slice %arg2[%reduce_sum3A_1117, %dma_wait3A_2103] : memref<1000000x32xf32, #tpu.memory_space<hbm>> -> memref<1x32xf32, #tpu.memory_space<hbm>>
    %dma_wait3A_2105 = tpu.memref_squeeze %dma_wait3A_2104 : memref<1x32xf32, #tpu.memory_space<hbm>> -> memref<32xf32, #tpu.memory_space<hbm>>
    %dma_wait3A_2106 = arith.constant 0 : i32
    %dma_wait3A_2107 = tpu.memref_slice %arg9[%dma_wait3A_2099, %dma_wait3A_2106] : memref<32x32xf32, #tpu.memory_space<vmem>> -> memref<1x32xf32, #tpu.memory_space<vmem>>
    %dma_wait3A_2108 = tpu.memref_squeeze %dma_wait3A_2107 : memref<1x32xf32, #tpu.memory_space<vmem>> -> memref<32xf32, #tpu.memory_space<vmem>>
    %dma_wait3A_2109 = arith.constant 0 : i32
    %dma_wait3A_2110 = tpu.memref_slice %arg2[%reduce_sum3A_1117, %dma_wait3A_2109] : memref<1000000x32xf32, #tpu.memory_space<hbm>> -> memref<1x32xf32, #tpu.memory_space<hbm>>
    %dma_wait3A_2111 = tpu.memref_squeeze %dma_wait3A_2110 : memref<1x32xf32, #tpu.memory_space<hbm>> -> memref<32xf32, #tpu.memory_space<hbm>>
    tpu.wait_dma2 semaphore(%arg12 : memref<!tpu.dma_semaphore, #tpu.memory_space<semaphore_mem>>) src(%dma_wait3A_2111 : memref<32xf32, #tpu.memory_space<hbm>>) dst(%dma_wait3A_2108 : memref<32xf32, #tpu.memory_space<vmem>>)
    %dma_wait3A_2112 = arith.constant 24 : i32
    %dma_wait3A_2113 = arith.constant 0 : i32
    %dma_wait3A_2114 = tpu.memref_slice %arg11[%dma_wait3A_2112, %dma_wait3A_2113] : memref<32x32xf32, #tpu.memory_space<vmem>> -> memref<1x32xf32, #tpu.memory_space<vmem>>
    %dma_wait3A_2115 = tpu.memref_squeeze %dma_wait3A_2114 : memref<1x32xf32, #tpu.memory_space<vmem>> -> memref<32xf32, #tpu.memory_space<vmem>>
    %dma_wait3A_2116 = arith.constant 0 : i32
    %dma_wait3A_2117 = tpu.memref_slice %arg4[%reduce_sum3A_1127, %dma_wait3A_2116] : memref<100000x32xf32, #tpu.memory_space<hbm>> -> memref<1x32xf32, #tpu.memory_space<hbm>>
    %dma_wait3A_2118 = tpu.memref_squeeze %dma_wait3A_2117 : memref<1x32xf32, #tpu.memory_space<hbm>> -> memref<32xf32, #tpu.memory_space<hbm>>
    %dma_wait3A_2119 = arith.constant 0 : i32
    %dma_wait3A_2120 = tpu.memref_slice %arg11[%dma_wait3A_2112, %dma_wait3A_2119] : memref<32x32xf32, #tpu.memory_space<vmem>> -> memref<1x32xf32, #tpu.memory_space<vmem>>
    %dma_wait3A_2121 = tpu.memref_squeeze %dma_wait3A_2120 : memref<1x32xf32, #tpu.memory_space<vmem>> -> memref<32xf32, #tpu.memory_space<vmem>>
    %dma_wait3A_2122 = arith.constant 0 : i32
    %dma_wait3A_2123 = tpu.memref_slice %arg4[%reduce_sum3A_1127, %dma_wait3A_2122] : memref<100000x32xf32, #tpu.memory_space<hbm>> -> memref<1x32xf32, #tpu.memory_space<hbm>>
    %dma_wait3A_2124 = tpu.memref_squeeze %dma_wait3A_2123 : memref<1x32xf32, #tpu.memory_space<hbm>> -> memref<32xf32, #tpu.memory_space<hbm>>
    tpu.wait_dma2 semaphore(%arg13 : memref<!tpu.dma_semaphore, #tpu.memory_space<semaphore_mem>>) src(%dma_wait3A_2124 : memref<32xf32, #tpu.memory_space<hbm>>) dst(%dma_wait3A_2121 : memref<32xf32, #tpu.memory_space<vmem>>)
    %dma_wait3A_2125 = arith.constant 25 : i32
    %dma_wait3A_2126 = arith.constant 0 : i32
    %dma_wait3A_2127 = tpu.memref_slice %arg9[%dma_wait3A_2125, %dma_wait3A_2126] : memref<32x32xf32, #tpu.memory_space<vmem>> -> memref<1x32xf32, #tpu.memory_space<vmem>>
    %dma_wait3A_2128 = tpu.memref_squeeze %dma_wait3A_2127 : memref<1x32xf32, #tpu.memory_space<vmem>> -> memref<32xf32, #tpu.memory_space<vmem>>
    %dma_wait3A_2129 = arith.constant 0 : i32
    %dma_wait3A_2130 = tpu.memref_slice %arg2[%reduce_sum3A_1163, %dma_wait3A_2129] : memref<1000000x32xf32, #tpu.memory_space<hbm>> -> memref<1x32xf32, #tpu.memory_space<hbm>>
    %dma_wait3A_2131 = tpu.memref_squeeze %dma_wait3A_2130 : memref<1x32xf32, #tpu.memory_space<hbm>> -> memref<32xf32, #tpu.memory_space<hbm>>
    %dma_wait3A_2132 = arith.constant 0 : i32
    %dma_wait3A_2133 = tpu.memref_slice %arg9[%dma_wait3A_2125, %dma_wait3A_2132] : memref<32x32xf32, #tpu.memory_space<vmem>> -> memref<1x32xf32, #tpu.memory_space<vmem>>
    %dma_wait3A_2134 = tpu.memref_squeeze %dma_wait3A_2133 : memref<1x32xf32, #tpu.memory_space<vmem>> -> memref<32xf32, #tpu.memory_space<vmem>>
    %dma_wait3A_2135 = arith.constant 0 : i32
    %dma_wait3A_2136 = tpu.memref_slice %arg2[%reduce_sum3A_1163, %dma_wait3A_2135] : memref<1000000x32xf32, #tpu.memory_space<hbm>> -> memref<1x32xf32, #tpu.memory_space<hbm>>
    %dma_wait3A_2137 = tpu.memref_squeeze %dma_wait3A_2136 : memref<1x32xf32, #tpu.memory_space<hbm>> -> memref<32xf32, #tpu.memory_space<hbm>>
    tpu.wait_dma2 semaphore(%arg12 : memref<!tpu.dma_semaphore, #tpu.memory_space<semaphore_mem>>) src(%dma_wait3A_2137 : memref<32xf32, #tpu.memory_space<hbm>>) dst(%dma_wait3A_2134 : memref<32xf32, #tpu.memory_space<vmem>>)
    %dma_wait3A_2138 = arith.constant 25 : i32
    %dma_wait3A_2139 = arith.constant 0 : i32
    %dma_wait3A_2140 = tpu.memref_slice %arg11[%dma_wait3A_2138, %dma_wait3A_2139] : memref<32x32xf32, #tpu.memory_space<vmem>> -> memref<1x32xf32, #tpu.memory_space<vmem>>
    %dma_wait3A_2141 = tpu.memref_squeeze %dma_wait3A_2140 : memref<1x32xf32, #tpu.memory_space<vmem>> -> memref<32xf32, #tpu.memory_space<vmem>>
    %dma_wait3A_2142 = arith.constant 0 : i32
    %dma_wait3A_2143 = tpu.memref_slice %arg4[%reduce_sum3A_1173, %dma_wait3A_2142] : memref<100000x32xf32, #tpu.memory_space<hbm>> -> memref<1x32xf32, #tpu.memory_space<hbm>>
    %dma_wait3A_2144 = tpu.memref_squeeze %dma_wait3A_2143 : memref<1x32xf32, #tpu.memory_space<hbm>> -> memref<32xf32, #tpu.memory_space<hbm>>
    %dma_wait3A_2145 = arith.constant 0 : i32
    %dma_wait3A_2146 = tpu.memref_slice %arg11[%dma_wait3A_2138, %dma_wait3A_2145] : memref<32x32xf32, #tpu.memory_space<vmem>> -> memref<1x32xf32, #tpu.memory_space<vmem>>
    %dma_wait3A_2147 = tpu.memref_squeeze %dma_wait3A_2146 : memref<1x32xf32, #tpu.memory_space<vmem>> -> memref<32xf32, #tpu.memory_space<vmem>>
    %dma_wait3A_2148 = arith.constant 0 : i32
    %dma_wait3A_2149 = tpu.memref_slice %arg4[%reduce_sum3A_1173, %dma_wait3A_2148] : memref<100000x32xf32, #tpu.memory_space<hbm>> -> memref<1x32xf32, #tpu.memory_space<hbm>>
    %dma_wait3A_2150 = tpu.memref_squeeze %dma_wait3A_2149 : memref<1x32xf32, #tpu.memory_space<hbm>> -> memref<32xf32, #tpu.memory_space<hbm>>
    tpu.wait_dma2 semaphore(%arg13 : memref<!tpu.dma_semaphore, #tpu.memory_space<semaphore_mem>>) src(%dma_wait3A_2150 : memref<32xf32, #tpu.memory_space<hbm>>) dst(%dma_wait3A_2147 : memref<32xf32, #tpu.memory_space<vmem>>)
    %dma_wait3A_2151 = arith.constant 26 : i32
    %dma_wait3A_2152 = arith.constant 0 : i32
    %dma_wait3A_2153 = tpu.memref_slice %arg9[%dma_wait3A_2151, %dma_wait3A_2152] : memref<32x32xf32, #tpu.memory_space<vmem>> -> memref<1x32xf32, #tpu.memory_space<vmem>>
    %dma_wait3A_2154 = tpu.memref_squeeze %dma_wait3A_2153 : memref<1x32xf32, #tpu.memory_space<vmem>> -> memref<32xf32, #tpu.memory_space<vmem>>
    %dma_wait3A_2155 = arith.constant 0 : i32
    %dma_wait3A_2156 = tpu.memref_slice %arg2[%reduce_sum3A_1209, %dma_wait3A_2155] : memref<1000000x32xf32, #tpu.memory_space<hbm>> -> memref<1x32xf32, #tpu.memory_space<hbm>>
    %dma_wait3A_2157 = tpu.memref_squeeze %dma_wait3A_2156 : memref<1x32xf32, #tpu.memory_space<hbm>> -> memref<32xf32, #tpu.memory_space<hbm>>
    %dma_wait3A_2158 = arith.constant 0 : i32
    %dma_wait3A_2159 = tpu.memref_slice %arg9[%dma_wait3A_2151, %dma_wait3A_2158] : memref<32x32xf32, #tpu.memory_space<vmem>> -> memref<1x32xf32, #tpu.memory_space<vmem>>
    %dma_wait3A_2160 = tpu.memref_squeeze %dma_wait3A_2159 : memref<1x32xf32, #tpu.memory_space<vmem>> -> memref<32xf32, #tpu.memory_space<vmem>>
    %dma_wait3A_2161 = arith.constant 0 : i32
    %dma_wait3A_2162 = tpu.memref_slice %arg2[%reduce_sum3A_1209, %dma_wait3A_2161] : memref<1000000x32xf32, #tpu.memory_space<hbm>> -> memref<1x32xf32, #tpu.memory_space<hbm>>
    %dma_wait3A_2163 = tpu.memref_squeeze %dma_wait3A_2162 : memref<1x32xf32, #tpu.memory_space<hbm>> -> memref<32xf32, #tpu.memory_space<hbm>>
    tpu.wait_dma2 semaphore(%arg12 : memref<!tpu.dma_semaphore, #tpu.memory_space<semaphore_mem>>) src(%dma_wait3A_2163 : memref<32xf32, #tpu.memory_space<hbm>>) dst(%dma_wait3A_2160 : memref<32xf32, #tpu.memory_space<vmem>>)
    %dma_wait3A_2164 = arith.constant 26 : i32
    %dma_wait3A_2165 = arith.constant 0 : i32
    %dma_wait3A_2166 = tpu.memref_slice %arg11[%dma_wait3A_2164, %dma_wait3A_2165] : memref<32x32xf32, #tpu.memory_space<vmem>> -> memref<1x32xf32, #tpu.memory_space<vmem>>
    %dma_wait3A_2167 = tpu.memref_squeeze %dma_wait3A_2166 : memref<1x32xf32, #tpu.memory_space<vmem>> -> memref<32xf32, #tpu.memory_space<vmem>>
    %dma_wait3A_2168 = arith.constant 0 : i32
    %dma_wait3A_2169 = tpu.memref_slice %arg4[%reduce_sum3A_1219, %dma_wait3A_2168] : memref<100000x32xf32, #tpu.memory_space<hbm>> -> memref<1x32xf32, #tpu.memory_space<hbm>>
    %dma_wait3A_2170 = tpu.memref_squeeze %dma_wait3A_2169 : memref<1x32xf32, #tpu.memory_space<hbm>> -> memref<32xf32, #tpu.memory_space<hbm>>
    %dma_wait3A_2171 = arith.constant 0 : i32
    %dma_wait3A_2172 = tpu.memref_slice %arg11[%dma_wait3A_2164, %dma_wait3A_2171] : memref<32x32xf32, #tpu.memory_space<vmem>> -> memref<1x32xf32, #tpu.memory_space<vmem>>
    %dma_wait3A_2173 = tpu.memref_squeeze %dma_wait3A_2172 : memref<1x32xf32, #tpu.memory_space<vmem>> -> memref<32xf32, #tpu.memory_space<vmem>>
    %dma_wait3A_2174 = arith.constant 0 : i32
    %dma_wait3A_2175 = tpu.memref_slice %arg4[%reduce_sum3A_1219, %dma_wait3A_2174] : memref<100000x32xf32, #tpu.memory_space<hbm>> -> memref<1x32xf32, #tpu.memory_space<hbm>>
    %dma_wait3A_2176 = tpu.memref_squeeze %dma_wait3A_2175 : memref<1x32xf32, #tpu.memory_space<hbm>> -> memref<32xf32, #tpu.memory_space<hbm>>
    tpu.wait_dma2 semaphore(%arg13 : memref<!tpu.dma_semaphore, #tpu.memory_space<semaphore_mem>>) src(%dma_wait3A_2176 : memref<32xf32, #tpu.memory_space<hbm>>) dst(%dma_wait3A_2173 : memref<32xf32, #tpu.memory_space<vmem>>)
    %dma_wait3A_2177 = arith.constant 27 : i32
    %dma_wait3A_2178 = arith.constant 0 : i32
    %dma_wait3A_2179 = tpu.memref_slice %arg9[%dma_wait3A_2177, %dma_wait3A_2178] : memref<32x32xf32, #tpu.memory_space<vmem>> -> memref<1x32xf32, #tpu.memory_space<vmem>>
    %dma_wait3A_2180 = tpu.memref_squeeze %dma_wait3A_2179 : memref<1x32xf32, #tpu.memory_space<vmem>> -> memref<32xf32, #tpu.memory_space<vmem>>
    %dma_wait3A_2181 = arith.constant 0 : i32
    %dma_wait3A_2182 = tpu.memref_slice %arg2[%reduce_sum3A_1255, %dma_wait3A_2181] : memref<1000000x32xf32, #tpu.memory_space<hbm>> -> memref<1x32xf32, #tpu.memory_space<hbm>>
    %dma_wait3A_2183 = tpu.memref_squeeze %dma_wait3A_2182 : memref<1x32xf32, #tpu.memory_space<hbm>> -> memref<32xf32, #tpu.memory_space<hbm>>
    %dma_wait3A_2184 = arith.constant 0 : i32
    %dma_wait3A_2185 = tpu.memref_slice %arg9[%dma_wait3A_2177, %dma_wait3A_2184] : memref<32x32xf32, #tpu.memory_space<vmem>> -> memref<1x32xf32, #tpu.memory_space<vmem>>
    %dma_wait3A_2186 = tpu.memref_squeeze %dma_wait3A_2185 : memref<1x32xf32, #tpu.memory_space<vmem>> -> memref<32xf32, #tpu.memory_space<vmem>>
    %dma_wait3A_2187 = arith.constant 0 : i32
    %dma_wait3A_2188 = tpu.memref_slice %arg2[%reduce_sum3A_1255, %dma_wait3A_2187] : memref<1000000x32xf32, #tpu.memory_space<hbm>> -> memref<1x32xf32, #tpu.memory_space<hbm>>
    %dma_wait3A_2189 = tpu.memref_squeeze %dma_wait3A_2188 : memref<1x32xf32, #tpu.memory_space<hbm>> -> memref<32xf32, #tpu.memory_space<hbm>>
    tpu.wait_dma2 semaphore(%arg12 : memref<!tpu.dma_semaphore, #tpu.memory_space<semaphore_mem>>) src(%dma_wait3A_2189 : memref<32xf32, #tpu.memory_space<hbm>>) dst(%dma_wait3A_2186 : memref<32xf32, #tpu.memory_space<vmem>>)
    %dma_wait3A_2190 = arith.constant 27 : i32
    %dma_wait3A_2191 = arith.constant 0 : i32
    %dma_wait3A_2192 = tpu.memref_slice %arg11[%dma_wait3A_2190, %dma_wait3A_2191] : memref<32x32xf32, #tpu.memory_space<vmem>> -> memref<1x32xf32, #tpu.memory_space<vmem>>
    %dma_wait3A_2193 = tpu.memref_squeeze %dma_wait3A_2192 : memref<1x32xf32, #tpu.memory_space<vmem>> -> memref<32xf32, #tpu.memory_space<vmem>>
    %dma_wait3A_2194 = arith.constant 0 : i32
    %dma_wait3A_2195 = tpu.memref_slice %arg4[%reduce_sum3A_1265, %dma_wait3A_2194] : memref<100000x32xf32, #tpu.memory_space<hbm>> -> memref<1x32xf32, #tpu.memory_space<hbm>>
    %dma_wait3A_2196 = tpu.memref_squeeze %dma_wait3A_2195 : memref<1x32xf32, #tpu.memory_space<hbm>> -> memref<32xf32, #tpu.memory_space<hbm>>
    %dma_wait3A_2197 = arith.constant 0 : i32
    %dma_wait3A_2198 = tpu.memref_slice %arg11[%dma_wait3A_2190, %dma_wait3A_2197] : memref<32x32xf32, #tpu.memory_space<vmem>> -> memref<1x32xf32, #tpu.memory_space<vmem>>
    %dma_wait3A_2199 = tpu.memref_squeeze %dma_wait3A_2198 : memref<1x32xf32, #tpu.memory_space<vmem>> -> memref<32xf32, #tpu.memory_space<vmem>>
    %dma_wait3A_2200 = arith.constant 0 : i32
    %dma_wait3A_2201 = tpu.memref_slice %arg4[%reduce_sum3A_1265, %dma_wait3A_2200] : memref<100000x32xf32, #tpu.memory_space<hbm>> -> memref<1x32xf32, #tpu.memory_space<hbm>>
    %dma_wait3A_2202 = tpu.memref_squeeze %dma_wait3A_2201 : memref<1x32xf32, #tpu.memory_space<hbm>> -> memref<32xf32, #tpu.memory_space<hbm>>
    tpu.wait_dma2 semaphore(%arg13 : memref<!tpu.dma_semaphore, #tpu.memory_space<semaphore_mem>>) src(%dma_wait3A_2202 : memref<32xf32, #tpu.memory_space<hbm>>) dst(%dma_wait3A_2199 : memref<32xf32, #tpu.memory_space<vmem>>)
    %dma_wait3A_2203 = arith.constant 28 : i32
    %dma_wait3A_2204 = arith.constant 0 : i32
    %dma_wait3A_2205 = tpu.memref_slice %arg9[%dma_wait3A_2203, %dma_wait3A_2204] : memref<32x32xf32, #tpu.memory_space<vmem>> -> memref<1x32xf32, #tpu.memory_space<vmem>>
    %dma_wait3A_2206 = tpu.memref_squeeze %dma_wait3A_2205 : memref<1x32xf32, #tpu.memory_space<vmem>> -> memref<32xf32, #tpu.memory_space<vmem>>
    %dma_wait3A_2207 = arith.constant 0 : i32
    %dma_wait3A_2208 = tpu.memref_slice %arg2[%reduce_sum3A_1301, %dma_wait3A_2207] : memref<1000000x32xf32, #tpu.memory_space<hbm>> -> memref<1x32xf32, #tpu.memory_space<hbm>>
    %dma_wait3A_2209 = tpu.memref_squeeze %dma_wait3A_2208 : memref<1x32xf32, #tpu.memory_space<hbm>> -> memref<32xf32, #tpu.memory_space<hbm>>
    %dma_wait3A_2210 = arith.constant 0 : i32
    %dma_wait3A_2211 = tpu.memref_slice %arg9[%dma_wait3A_2203, %dma_wait3A_2210] : memref<32x32xf32, #tpu.memory_space<vmem>> -> memref<1x32xf32, #tpu.memory_space<vmem>>
    %dma_wait3A_2212 = tpu.memref_squeeze %dma_wait3A_2211 : memref<1x32xf32, #tpu.memory_space<vmem>> -> memref<32xf32, #tpu.memory_space<vmem>>
    %dma_wait3A_2213 = arith.constant 0 : i32
    %dma_wait3A_2214 = tpu.memref_slice %arg2[%reduce_sum3A_1301, %dma_wait3A_2213] : memref<1000000x32xf32, #tpu.memory_space<hbm>> -> memref<1x32xf32, #tpu.memory_space<hbm>>
    %dma_wait3A_2215 = tpu.memref_squeeze %dma_wait3A_2214 : memref<1x32xf32, #tpu.memory_space<hbm>> -> memref<32xf32, #tpu.memory_space<hbm>>
    tpu.wait_dma2 semaphore(%arg12 : memref<!tpu.dma_semaphore, #tpu.memory_space<semaphore_mem>>) src(%dma_wait3A_2215 : memref<32xf32, #tpu.memory_space<hbm>>) dst(%dma_wait3A_2212 : memref<32xf32, #tpu.memory_space<vmem>>)
    %dma_wait3A_2216 = arith.constant 28 : i32
    %dma_wait3A_2217 = arith.constant 0 : i32
    %dma_wait3A_2218 = tpu.memref_slice %arg11[%dma_wait3A_2216, %dma_wait3A_2217] : memref<32x32xf32, #tpu.memory_space<vmem>> -> memref<1x32xf32, #tpu.memory_space<vmem>>
    %dma_wait3A_2219 = tpu.memref_squeeze %dma_wait3A_2218 : memref<1x32xf32, #tpu.memory_space<vmem>> -> memref<32xf32, #tpu.memory_space<vmem>>
    %dma_wait3A_2220 = arith.constant 0 : i32
    %dma_wait3A_2221 = tpu.memref_slice %arg4[%reduce_sum3A_1311, %dma_wait3A_2220] : memref<100000x32xf32, #tpu.memory_space<hbm>> -> memref<1x32xf32, #tpu.memory_space<hbm>>
    %dma_wait3A_2222 = tpu.memref_squeeze %dma_wait3A_2221 : memref<1x32xf32, #tpu.memory_space<hbm>> -> memref<32xf32, #tpu.memory_space<hbm>>
    %dma_wait3A_2223 = arith.constant 0 : i32
    %dma_wait3A_2224 = tpu.memref_slice %arg11[%dma_wait3A_2216, %dma_wait3A_2223] : memref<32x32xf32, #tpu.memory_space<vmem>> -> memref<1x32xf32, #tpu.memory_space<vmem>>
    %dma_wait3A_2225 = tpu.memref_squeeze %dma_wait3A_2224 : memref<1x32xf32, #tpu.memory_space<vmem>> -> memref<32xf32, #tpu.memory_space<vmem>>
    %dma_wait3A_2226 = arith.constant 0 : i32
    %dma_wait3A_2227 = tpu.memref_slice %arg4[%reduce_sum3A_1311, %dma_wait3A_2226] : memref<100000x32xf32, #tpu.memory_space<hbm>> -> memref<1x32xf32, #tpu.memory_space<hbm>>
    %dma_wait3A_2228 = tpu.memref_squeeze %dma_wait3A_2227 : memref<1x32xf32, #tpu.memory_space<hbm>> -> memref<32xf32, #tpu.memory_space<hbm>>
    tpu.wait_dma2 semaphore(%arg13 : memref<!tpu.dma_semaphore, #tpu.memory_space<semaphore_mem>>) src(%dma_wait3A_2228 : memref<32xf32, #tpu.memory_space<hbm>>) dst(%dma_wait3A_2225 : memref<32xf32, #tpu.memory_space<vmem>>)
    %dma_wait3A_2229 = arith.constant 29 : i32
    %dma_wait3A_2230 = arith.constant 0 : i32
    %dma_wait3A_2231 = tpu.memref_slice %arg9[%dma_wait3A_2229, %dma_wait3A_2230] : memref<32x32xf32, #tpu.memory_space<vmem>> -> memref<1x32xf32, #tpu.memory_space<vmem>>
    %dma_wait3A_2232 = tpu.memref_squeeze %dma_wait3A_2231 : memref<1x32xf32, #tpu.memory_space<vmem>> -> memref<32xf32, #tpu.memory_space<vmem>>
    %dma_wait3A_2233 = arith.constant 0 : i32
    %dma_wait3A_2234 = tpu.memref_slice %arg2[%reduce_sum3A_1347, %dma_wait3A_2233] : memref<1000000x32xf32, #tpu.memory_space<hbm>> -> memref<1x32xf32, #tpu.memory_space<hbm>>
    %dma_wait3A_2235 = tpu.memref_squeeze %dma_wait3A_2234 : memref<1x32xf32, #tpu.memory_space<hbm>> -> memref<32xf32, #tpu.memory_space<hbm>>
    %dma_wait3A_2236 = arith.constant 0 : i32
    %dma_wait3A_2237 = tpu.memref_slice %arg9[%dma_wait3A_2229, %dma_wait3A_2236] : memref<32x32xf32, #tpu.memory_space<vmem>> -> memref<1x32xf32, #tpu.memory_space<vmem>>
    %dma_wait3A_2238 = tpu.memref_squeeze %dma_wait3A_2237 : memref<1x32xf32, #tpu.memory_space<vmem>> -> memref<32xf32, #tpu.memory_space<vmem>>
    %dma_wait3A_2239 = arith.constant 0 : i32
    %dma_wait3A_2240 = tpu.memref_slice %arg2[%reduce_sum3A_1347, %dma_wait3A_2239] : memref<1000000x32xf32, #tpu.memory_space<hbm>> -> memref<1x32xf32, #tpu.memory_space<hbm>>
    %dma_wait3A_2241 = tpu.memref_squeeze %dma_wait3A_2240 : memref<1x32xf32, #tpu.memory_space<hbm>> -> memref<32xf32, #tpu.memory_space<hbm>>
    tpu.wait_dma2 semaphore(%arg12 : memref<!tpu.dma_semaphore, #tpu.memory_space<semaphore_mem>>) src(%dma_wait3A_2241 : memref<32xf32, #tpu.memory_space<hbm>>) dst(%dma_wait3A_2238 : memref<32xf32, #tpu.memory_space<vmem>>)
    %dma_wait3A_2242 = arith.constant 29 : i32
    %dma_wait3A_2243 = arith.constant 0 : i32
    %dma_wait3A_2244 = tpu.memref_slice %arg11[%dma_wait3A_2242, %dma_wait3A_2243] : memref<32x32xf32, #tpu.memory_space<vmem>> -> memref<1x32xf32, #tpu.memory_space<vmem>>
    %dma_wait3A_2245 = tpu.memref_squeeze %dma_wait3A_2244 : memref<1x32xf32, #tpu.memory_space<vmem>> -> memref<32xf32, #tpu.memory_space<vmem>>
    %dma_wait3A_2246 = arith.constant 0 : i32
    %dma_wait3A_2247 = tpu.memref_slice %arg4[%reduce_sum3A_1357, %dma_wait3A_2246] : memref<100000x32xf32, #tpu.memory_space<hbm>> -> memref<1x32xf32, #tpu.memory_space<hbm>>
    %dma_wait3A_2248 = tpu.memref_squeeze %dma_wait3A_2247 : memref<1x32xf32, #tpu.memory_space<hbm>> -> memref<32xf32, #tpu.memory_space<hbm>>
    %dma_wait3A_2249 = arith.constant 0 : i32
    %dma_wait3A_2250 = tpu.memref_slice %arg11[%dma_wait3A_2242, %dma_wait3A_2249] : memref<32x32xf32, #tpu.memory_space<vmem>> -> memref<1x32xf32, #tpu.memory_space<vmem>>
    %dma_wait3A_2251 = tpu.memref_squeeze %dma_wait3A_2250 : memref<1x32xf32, #tpu.memory_space<vmem>> -> memref<32xf32, #tpu.memory_space<vmem>>
    %dma_wait3A_2252 = arith.constant 0 : i32
    %dma_wait3A_2253 = tpu.memref_slice %arg4[%reduce_sum3A_1357, %dma_wait3A_2252] : memref<100000x32xf32, #tpu.memory_space<hbm>> -> memref<1x32xf32, #tpu.memory_space<hbm>>
    %dma_wait3A_2254 = tpu.memref_squeeze %dma_wait3A_2253 : memref<1x32xf32, #tpu.memory_space<hbm>> -> memref<32xf32, #tpu.memory_space<hbm>>
    tpu.wait_dma2 semaphore(%arg13 : memref<!tpu.dma_semaphore, #tpu.memory_space<semaphore_mem>>) src(%dma_wait3A_2254 : memref<32xf32, #tpu.memory_space<hbm>>) dst(%dma_wait3A_2251 : memref<32xf32, #tpu.memory_space<vmem>>)
    %dma_wait3A_2255 = arith.constant 30 : i32
    %dma_wait3A_2256 = arith.constant 0 : i32
    %dma_wait3A_2257 = tpu.memref_slice %arg9[%dma_wait3A_2255, %dma_wait3A_2256] : memref<32x32xf32, #tpu.memory_space<vmem>> -> memref<1x32xf32, #tpu.memory_space<vmem>>
    %dma_wait3A_2258 = tpu.memref_squeeze %dma_wait3A_2257 : memref<1x32xf32, #tpu.memory_space<vmem>> -> memref<32xf32, #tpu.memory_space<vmem>>
    %dma_wait3A_2259 = arith.constant 0 : i32
    %dma_wait3A_2260 = tpu.memref_slice %arg2[%reduce_sum3A_1393, %dma_wait3A_2259] : memref<1000000x32xf32, #tpu.memory_space<hbm>> -> memref<1x32xf32, #tpu.memory_space<hbm>>
    %dma_wait3A_2261 = tpu.memref_squeeze %dma_wait3A_2260 : memref<1x32xf32, #tpu.memory_space<hbm>> -> memref<32xf32, #tpu.memory_space<hbm>>
    %dma_wait3A_2262 = arith.constant 0 : i32
    %dma_wait3A_2263 = tpu.memref_slice %arg9[%dma_wait3A_2255, %dma_wait3A_2262] : memref<32x32xf32, #tpu.memory_space<vmem>> -> memref<1x32xf32, #tpu.memory_space<vmem>>
    %dma_wait3A_2264 = tpu.memref_squeeze %dma_wait3A_2263 : memref<1x32xf32, #tpu.memory_space<vmem>> -> memref<32xf32, #tpu.memory_space<vmem>>
    %dma_wait3A_2265 = arith.constant 0 : i32
    %dma_wait3A_2266 = tpu.memref_slice %arg2[%reduce_sum3A_1393, %dma_wait3A_2265] : memref<1000000x32xf32, #tpu.memory_space<hbm>> -> memref<1x32xf32, #tpu.memory_space<hbm>>
    %dma_wait3A_2267 = tpu.memref_squeeze %dma_wait3A_2266 : memref<1x32xf32, #tpu.memory_space<hbm>> -> memref<32xf32, #tpu.memory_space<hbm>>
    tpu.wait_dma2 semaphore(%arg12 : memref<!tpu.dma_semaphore, #tpu.memory_space<semaphore_mem>>) src(%dma_wait3A_2267 : memref<32xf32, #tpu.memory_space<hbm>>) dst(%dma_wait3A_2264 : memref<32xf32, #tpu.memory_space<vmem>>)
    %dma_wait3A_2268 = arith.constant 30 : i32
    %dma_wait3A_2269 = arith.constant 0 : i32
    %dma_wait3A_2270 = tpu.memref_slice %arg11[%dma_wait3A_2268, %dma_wait3A_2269] : memref<32x32xf32, #tpu.memory_space<vmem>> -> memref<1x32xf32, #tpu.memory_space<vmem>>
    %dma_wait3A_2271 = tpu.memref_squeeze %dma_wait3A_2270 : memref<1x32xf32, #tpu.memory_space<vmem>> -> memref<32xf32, #tpu.memory_space<vmem>>
    %dma_wait3A_2272 = arith.constant 0 : i32
    %dma_wait3A_2273 = tpu.memref_slice %arg4[%reduce_sum3A_1403, %dma_wait3A_2272] : memref<100000x32xf32, #tpu.memory_space<hbm>> -> memref<1x32xf32, #tpu.memory_space<hbm>>
    %dma_wait3A_2274 = tpu.memref_squeeze %dma_wait3A_2273 : memref<1x32xf32, #tpu.memory_space<hbm>> -> memref<32xf32, #tpu.memory_space<hbm>>
    %dma_wait3A_2275 = arith.constant 0 : i32
    %dma_wait3A_2276 = tpu.memref_slice %arg11[%dma_wait3A_2268, %dma_wait3A_2275] : memref<32x32xf32, #tpu.memory_space<vmem>> -> memref<1x32xf32, #tpu.memory_space<vmem>>
    %dma_wait3A_2277 = tpu.memref_squeeze %dma_wait3A_2276 : memref<1x32xf32, #tpu.memory_space<vmem>> -> memref<32xf32, #tpu.memory_space<vmem>>
    %dma_wait3A_2278 = arith.constant 0 : i32
    %dma_wait3A_2279 = tpu.memref_slice %arg4[%reduce_sum3A_1403, %dma_wait3A_2278] : memref<100000x32xf32, #tpu.memory_space<hbm>> -> memref<1x32xf32, #tpu.memory_space<hbm>>
    %dma_wait3A_2280 = tpu.memref_squeeze %dma_wait3A_2279 : memref<1x32xf32, #tpu.memory_space<hbm>> -> memref<32xf32, #tpu.memory_space<hbm>>
    tpu.wait_dma2 semaphore(%arg13 : memref<!tpu.dma_semaphore, #tpu.memory_space<semaphore_mem>>) src(%dma_wait3A_2280 : memref<32xf32, #tpu.memory_space<hbm>>) dst(%dma_wait3A_2277 : memref<32xf32, #tpu.memory_space<vmem>>)
    %dma_wait3A_2281 = arith.constant 31 : i32
    %dma_wait3A_2282 = arith.constant 0 : i32
    %dma_wait3A_2283 = tpu.memref_slice %arg9[%dma_wait3A_2281, %dma_wait3A_2282] : memref<32x32xf32, #tpu.memory_space<vmem>> -> memref<1x32xf32, #tpu.memory_space<vmem>>
    %dma_wait3A_2284 = tpu.memref_squeeze %dma_wait3A_2283 : memref<1x32xf32, #tpu.memory_space<vmem>> -> memref<32xf32, #tpu.memory_space<vmem>>
    %dma_wait3A_2285 = arith.constant 0 : i32
    %dma_wait3A_2286 = tpu.memref_slice %arg2[%reduce_sum3A_1439, %dma_wait3A_2285] : memref<1000000x32xf32, #tpu.memory_space<hbm>> -> memref<1x32xf32, #tpu.memory_space<hbm>>
    %dma_wait3A_2287 = tpu.memref_squeeze %dma_wait3A_2286 : memref<1x32xf32, #tpu.memory_space<hbm>> -> memref<32xf32, #tpu.memory_space<hbm>>
    %dma_wait3A_2288 = arith.constant 0 : i32
    %dma_wait3A_2289 = tpu.memref_slice %arg9[%dma_wait3A_2281, %dma_wait3A_2288] : memref<32x32xf32, #tpu.memory_space<vmem>> -> memref<1x32xf32, #tpu.memory_space<vmem>>
    %dma_wait3A_2290 = tpu.memref_squeeze %dma_wait3A_2289 : memref<1x32xf32, #tpu.memory_space<vmem>> -> memref<32xf32, #tpu.memory_space<vmem>>
    %dma_wait3A_2291 = arith.constant 0 : i32
    %dma_wait3A_2292 = tpu.memref_slice %arg2[%reduce_sum3A_1439, %dma_wait3A_2291] : memref<1000000x32xf32, #tpu.memory_space<hbm>> -> memref<1x32xf32, #tpu.memory_space<hbm>>
    %dma_wait3A_2293 = tpu.memref_squeeze %dma_wait3A_2292 : memref<1x32xf32, #tpu.memory_space<hbm>> -> memref<32xf32, #tpu.memory_space<hbm>>
    tpu.wait_dma2 semaphore(%arg12 : memref<!tpu.dma_semaphore, #tpu.memory_space<semaphore_mem>>) src(%dma_wait3A_2293 : memref<32xf32, #tpu.memory_space<hbm>>) dst(%dma_wait3A_2290 : memref<32xf32, #tpu.memory_space<vmem>>)
    %dma_wait3A_2294 = arith.constant 31 : i32
    %dma_wait3A_2295 = arith.constant 0 : i32
    %dma_wait3A_2296 = tpu.memref_slice %arg11[%dma_wait3A_2294, %dma_wait3A_2295] : memref<32x32xf32, #tpu.memory_space<vmem>> -> memref<1x32xf32, #tpu.memory_space<vmem>>
    %dma_wait3A_2297 = tpu.memref_squeeze %dma_wait3A_2296 : memref<1x32xf32, #tpu.memory_space<vmem>> -> memref<32xf32, #tpu.memory_space<vmem>>
    %dma_wait3A_2298 = arith.constant 0 : i32
    %dma_wait3A_2299 = tpu.memref_slice %arg4[%reduce_sum3A_1449, %dma_wait3A_2298] : memref<100000x32xf32, #tpu.memory_space<hbm>> -> memref<1x32xf32, #tpu.memory_space<hbm>>
    %dma_wait3A_2300 = tpu.memref_squeeze %dma_wait3A_2299 : memref<1x32xf32, #tpu.memory_space<hbm>> -> memref<32xf32, #tpu.memory_space<hbm>>
    %dma_wait3A_2301 = arith.constant 0 : i32
    %dma_wait3A_2302 = tpu.memref_slice %arg11[%dma_wait3A_2294, %dma_wait3A_2301] : memref<32x32xf32, #tpu.memory_space<vmem>> -> memref<1x32xf32, #tpu.memory_space<vmem>>
    %dma_wait3A_2303 = tpu.memref_squeeze %dma_wait3A_2302 : memref<1x32xf32, #tpu.memory_space<vmem>> -> memref<32xf32, #tpu.memory_space<vmem>>
    %dma_wait3A_2304 = arith.constant 0 : i32
    %dma_wait3A_2305 = tpu.memref_slice %arg4[%reduce_sum3A_1449, %dma_wait3A_2304] : memref<100000x32xf32, #tpu.memory_space<hbm>> -> memref<1x32xf32, #tpu.memory_space<hbm>>
    %dma_wait3A_2306 = tpu.memref_squeeze %dma_wait3A_2305 : memref<1x32xf32, #tpu.memory_space<hbm>> -> memref<32xf32, #tpu.memory_space<hbm>>
    tpu.wait_dma2 semaphore(%arg13 : memref<!tpu.dma_semaphore, #tpu.memory_space<semaphore_mem>>) src(%dma_wait3A_2306 : memref<32xf32, #tpu.memory_space<hbm>>) dst(%dma_wait3A_2303 : memref<32xf32, #tpu.memory_space<vmem>>)
    "tpu.region"() ({
      %run_scoped3A = tpu.sem_alloc : memref<!tpu.dma_semaphore, #tpu.memory_space<semaphore_mem>>
      %dma_start3A_2307 = arith.constant 0 : i32
      %dma_start3A_2308 = tpu.memref_slice %arg6[%mul3A_2, %dma_start3A_2307] : memref<1024x32xf32, #tpu.memory_space<hbm>> -> memref<32x32xf32, #tpu.memory_space<hbm>>
      %dma_start3A_2309 = arith.constant 0 : i32
      %dma_start3A_2310 = tpu.memref_slice %arg6[%mul3A_2, %dma_start3A_2309] : memref<1024x32xf32, #tpu.memory_space<hbm>> -> memref<32x32xf32, #tpu.memory_space<hbm>>
      tpu.enqueue_dma source(%arg9 : memref<32x32xf32, #tpu.memory_space<vmem>>) target(%dma_start3A_2310 : memref<32x32xf32, #tpu.memory_space<hbm>>) target_semaphore(%run_scoped3A : memref<!tpu.dma_semaphore, #tpu.memory_space<semaphore_mem>>)
      %dma_wait3A_2311 = arith.constant 0 : i32
      %dma_wait3A_2312 = tpu.memref_slice %arg6[%mul3A_2, %dma_wait3A_2311] : memref<1024x32xf32, #tpu.memory_space<hbm>> -> memref<32x32xf32, #tpu.memory_space<hbm>>
      %dma_wait3A_2313 = arith.constant 0 : i32
      %dma_wait3A_2314 = tpu.memref_slice %arg6[%mul3A_2, %dma_wait3A_2313] : memref<1024x32xf32, #tpu.memory_space<hbm>> -> memref<32x32xf32, #tpu.memory_space<hbm>>
      tpu.wait_dma2 semaphore(%run_scoped3A : memref<!tpu.dma_semaphore, #tpu.memory_space<semaphore_mem>>) src(%arg9 : memref<32x32xf32, #tpu.memory_space<vmem>>) dst(%dma_wait3A_2314 : memref<32x32xf32, #tpu.memory_space<hbm>>)
      tpu.yield
    }) : () -> ()
    "tpu.region"() ({
      %run_scoped3A = tpu.sem_alloc : memref<!tpu.dma_semaphore, #tpu.memory_space<semaphore_mem>>
      %dma_start3A_2307 = arith.constant 0 : i32
      %dma_start3A_2308 = tpu.memref_slice %arg7[%mul3A_2, %dma_start3A_2307] : memref<1024x32xf32, #tpu.memory_space<hbm>> -> memref<32x32xf32, #tpu.memory_space<hbm>>
      %dma_start3A_2309 = arith.constant 0 : i32
      %dma_start3A_2310 = tpu.memref_slice %arg7[%mul3A_2, %dma_start3A_2309] : memref<1024x32xf32, #tpu.memory_space<hbm>> -> memref<32x32xf32, #tpu.memory_space<hbm>>
      tpu.enqueue_dma source(%arg11 : memref<32x32xf32, #tpu.memory_space<vmem>>) target(%dma_start3A_2310 : memref<32x32xf32, #tpu.memory_space<hbm>>) target_semaphore(%run_scoped3A : memref<!tpu.dma_semaphore, #tpu.memory_space<semaphore_mem>>)
      %dma_wait3A_2311 = arith.constant 0 : i32
      %dma_wait3A_2312 = tpu.memref_slice %arg7[%mul3A_2, %dma_wait3A_2311] : memref<1024x32xf32, #tpu.memory_space<hbm>> -> memref<32x32xf32, #tpu.memory_space<hbm>>
      %dma_wait3A_2313 = arith.constant 0 : i32
      %dma_wait3A_2314 = tpu.memref_slice %arg7[%mul3A_2, %dma_wait3A_2313] : memref<1024x32xf32, #tpu.memory_space<hbm>> -> memref<32x32xf32, #tpu.memory_space<hbm>>
      tpu.wait_dma2 semaphore(%run_scoped3A : memref<!tpu.dma_semaphore, #tpu.memory_space<semaphore_mem>>) src(%arg11 : memref<32x32xf32, #tpu.memory_space<vmem>>) dst(%dma_wait3A_2314 : memref<32x32xf32, #tpu.memory_space<hbm>>)
      tpu.yield
    }) : () -> ()
    return
  }
}

module attributes {stable_mosaic.version = 14 : i64} {
  func.func @_stats_body(%arg0: i32, %arg1: memref<1024x32xf32, #tpu.memory_space<vmem>>, %arg2: memref<1024x32xf32, #tpu.memory_space<vmem>>, %arg3: memref<64x64xf32, #tpu.memory_space<vmem>>, %arg4: memref<1x64xf32, #tpu.memory_space<vmem>>, %arg5: memref<64x32xf32, #tpu.memory_space<vmem>>, %arg6: memref<1x32xf32, #tpu.memory_space<vmem>>, %arg7: memref<32x2048xf32, #tpu.memory_space<vmem>>, %arg8: memref<2048x1xf32, #tpu.memory_space<vmem>>, %arg9: memref<1024x32xf32, #tpu.memory_space<vmem>>, %arg10: memref<1x1024xf32, #tpu.memory_space<vmem>>, %arg11: memref<1x1024xf32, #tpu.memory_space<vmem>>) attributes {dimension_semantics = [#tpu.dimension_semantics<arbitrary>], iteration_bounds = array<i64: 49>, scalar_prefetch = 0 : i64, scratch_operands = 0 : i64, tpu.core_type = #tpu.core_type<tc>, window_params = [{pipeline_mode = #tpu.pipeline_mode<synchronous>, transform_indices = @transform_0, window_bounds = array<i64: 1024, 32>}, {pipeline_mode = #tpu.pipeline_mode<synchronous>, transform_indices = @transform_1, window_bounds = array<i64: 1024, 32>}, {pipeline_mode = #tpu.pipeline_mode<synchronous>, transform_indices = @transform_2, window_bounds = array<i64: 64, 64>}, {pipeline_mode = #tpu.pipeline_mode<synchronous>, transform_indices = @transform_3, window_bounds = array<i64: 1, 64>}, {pipeline_mode = #tpu.pipeline_mode<synchronous>, transform_indices = @transform_4, window_bounds = array<i64: 64, 32>}, {pipeline_mode = #tpu.pipeline_mode<synchronous>, transform_indices = @transform_5, window_bounds = array<i64: 1, 32>}, {transform_indices = @transform_6, window_bounds = array<i64: 32, 2048>}, {transform_indices = @transform_7, window_bounds = array<i64: 2048, 1>}, {pipeline_mode = #tpu.pipeline_mode<synchronous>, transform_indices = @transform_8, window_bounds = array<i64: 1024, 32>}, {pipeline_mode = #tpu.pipeline_mode<synchronous>, transform_indices = @transform_9, window_bounds = array<i64: 1, 1024>}, {pipeline_mode = #tpu.pipeline_mode<synchronous>, transform_indices = @transform_10, window_bounds = array<i64: 1, 1024>}]} {
    %eq3A = arith.constant 0 : i32
    %eq3A_0 = arith.cmpi eq, %arg0, %eq3A : i32
    %convert_element_type3A = arith.extui %eq3A_0 : i1 to i32
    %cond3A = arith.constant 0 : i32
    %cond3A_1 = arith.cmpi ne, %convert_element_type3A, %cond3A : i32
    scf.if %cond3A_1 {
      %get3A_42 = arith.constant 0 : index
      %get3A_43 = arith.constant 0 : index
      %get3A_44 = vector.load %arg1[%get3A_42, %get3A_43] : memref<1024x32xf32, #tpu.memory_space<vmem>>, vector<1024x32xf32>
      %get3A_45 = arith.constant 0 : index
      %get3A_46 = arith.constant 0 : index
      %get3A_47 = vector.load %arg3[%get3A_45, %get3A_46] : memref<64x64xf32, #tpu.memory_space<vmem>>, vector<32x64xf32>
      %dot_general3A_48 = arith.constant dense<0.000000e+00> : vector<1024x64xf32>
      %dot_general3A_49 = tpu.matmul %get3A_44, %get3A_47, %dot_general3A_48 {dimension_numbers = #tpu.dot_dimension_numbers<[1], [0], [0], [1], [0, 0, 1, 1], [], []>, transpose_lhs_hint = false} : vector<1024x32xf32>, vector<32x64xf32>, vector<1024x64xf32> -> vector<1024x64xf32>
      %get3A_50 = arith.constant 0 : index
      %get3A_51 = arith.constant 0 : index
      %get3A_52 = vector.load %arg2[%get3A_50, %get3A_51] : memref<1024x32xf32, #tpu.memory_space<vmem>>, vector<1024x32xf32>
      %get3A_53 = arith.constant 32 : index
      %get3A_54 = arith.constant 0 : index
      %get3A_55 = vector.load %arg3[%get3A_53, %get3A_54] : memref<64x64xf32, #tpu.memory_space<vmem>>, vector<32x64xf32>
      %dot_general3A_56 = arith.constant dense<0.000000e+00> : vector<1024x64xf32>
      %dot_general3A_57 = tpu.matmul %get3A_52, %get3A_55, %dot_general3A_56 {dimension_numbers = #tpu.dot_dimension_numbers<[1], [0], [0], [1], [0, 0, 1, 1], [], []>, transpose_lhs_hint = false} : vector<1024x32xf32>, vector<32x64xf32>, vector<1024x64xf32> -> vector<1024x64xf32>
      %add3A_58 = arith.addf %dot_general3A_49, %dot_general3A_57 : vector<1024x64xf32>
      %get3A_59 = arith.constant 0 : index
      %get3A_60 = arith.constant 0 : index
      %get3A_61 = vector.load %arg4[%get3A_59, %get3A_60] : memref<1x64xf32, #tpu.memory_space<vmem>>, vector<1x64xf32>
      %add3A_62 = vector.broadcast %get3A_61 : vector<1x64xf32> to vector<1024x64xf32>
      %add3A_63 = arith.addf %add3A_58, %add3A_62 : vector<1024x64xf32>
      %max3A_64 = arith.constant 0.000000e+00 : f32
      %max3A_65 = vector.broadcast %max3A_64 : f32 to vector<1024x64xf32>
      %max3A_66 = arith.maximumf %add3A_63, %max3A_65 : vector<1024x64xf32>
      %get3A_67 = arith.constant 0 : index
      %get3A_68 = arith.constant 0 : index
      %get3A_69 = vector.load %arg5[%get3A_67, %get3A_68] : memref<64x32xf32, #tpu.memory_space<vmem>>, vector<64x32xf32>
      %dot_general3A_70 = arith.constant dense<0.000000e+00> : vector<1024x32xf32>
      %dot_general3A_71 = tpu.matmul %max3A_66, %get3A_69, %dot_general3A_70 {dimension_numbers = #tpu.dot_dimension_numbers<[1], [0], [0], [1], [0, 0, 1, 1], [], []>, transpose_lhs_hint = false} : vector<1024x64xf32>, vector<64x32xf32>, vector<1024x32xf32> -> vector<1024x32xf32>
      %get3A_72 = arith.constant 0 : index
      %get3A_73 = arith.constant 0 : index
      %get3A_74 = vector.load %arg6[%get3A_72, %get3A_73] : memref<1x32xf32, #tpu.memory_space<vmem>>, vector<1x32xf32>
      %add3A_75 = vector.broadcast %get3A_74 : vector<1x32xf32> to vector<1024x32xf32>
      %add3A_76 = arith.addf %dot_general3A_71, %add3A_75 : vector<1024x32xf32>
      %max3A_77 = arith.constant 0.000000e+00 : f32
      %max3A_78 = vector.broadcast %max3A_77 : f32 to vector<1024x32xf32>
      %max3A_79 = arith.maximumf %add3A_76, %max3A_78 : vector<1024x32xf32>
      %swap3A_80 = arith.constant 0 : index
      %swap3A_81 = arith.constant 0 : index
      %swap3A_82 = vector.load %arg9[%swap3A_80, %swap3A_81] : memref<1024x32xf32, #tpu.memory_space<vmem>>, vector<1024x32xf32>
      tpu.vector_store %arg9[%swap3A_80, %swap3A_81], %max3A_79 {strides = array<i32>} : memref<1024x32xf32, #tpu.memory_space<vmem>>, vector<1024x32xf32>,
      %broadcast_in_dim3A_83 = arith.constant 0xFF800000 : f32
      %broadcast_in_dim3A_84 = vector.broadcast %broadcast_in_dim3A_83 : f32 to vector<1x1024xf32>
      %swap3A_85 = arith.constant 0 : index
      %swap3A_86 = arith.constant 0 : index
      %swap3A_87 = vector.load %arg10[%swap3A_85, %swap3A_86] : memref<1x1024xf32, #tpu.memory_space<vmem>>, vector<1x1024xf32>
      tpu.vector_store %arg10[%swap3A_85, %swap3A_86], %broadcast_in_dim3A_84 {strides = array<i32>} : memref<1x1024xf32, #tpu.memory_space<vmem>>, vector<1x1024xf32>,
      %broadcast_in_dim3A_88 = arith.constant 0.000000e+00 : f32
      %broadcast_in_dim3A_89 = vector.broadcast %broadcast_in_dim3A_88 : f32 to vector<1x1024xf32>
      %swap3A_90 = arith.constant 0 : index
      %swap3A_91 = arith.constant 0 : index
      %swap3A_92 = vector.load %arg11[%swap3A_90, %swap3A_91] : memref<1x1024xf32, #tpu.memory_space<vmem>>, vector<1x1024xf32>
      tpu.vector_store %arg11[%swap3A_90, %swap3A_91], %broadcast_in_dim3A_89 {strides = array<i32>} : memref<1x1024xf32, #tpu.memory_space<vmem>>, vector<1x1024xf32>,
    } else {
    }
    %get3A = arith.constant 0 : index
    %get3A_2 = arith.constant 0 : index
    %get3A_3 = vector.load %arg7[%get3A, %get3A_2] : memref<32x2048xf32, #tpu.memory_space<vmem>>, vector<32x2048xf32>
    %get3A_4 = arith.constant 0 : index
    %get3A_5 = arith.constant 0 : index
    %get3A_6 = vector.load %arg9[%get3A_4, %get3A_5] : memref<1024x32xf32, #tpu.memory_space<vmem>>, vector<1024x32xf32>
    %dot_general3A = arith.constant dense<0.000000e+00> : vector<2048x1024xf32>
    %dot_general3A_7 = tpu.matmul %get3A_3, %get3A_6, %dot_general3A {dimension_numbers = #tpu.dot_dimension_numbers<[0], [1], [1], [0], [0, 1, 1, 0], [], []>, transpose_lhs_hint = false} : vector<32x2048xf32>, vector<1024x32xf32>, vector<2048x1024xf32> -> vector<2048x1024xf32>
    %get3A_8 = arith.constant 0 : index
    %get3A_9 = arith.constant 0 : index
    %get3A_10 = vector.load %arg8[%get3A_8, %get3A_9] : memref<2048x1xf32, #tpu.memory_space<vmem>>, vector<2048x1xf32>
    %add3A = vector.broadcast %get3A_10 : vector<2048x1xf32> to vector<2048x1024xf32>
    %add3A_11 = arith.addf %dot_general3A_7, %add3A : vector<2048x1024xf32>
    %mul3A = arith.constant 2048 : i32
    %mul3A_12 = arith.muli %arg0, %mul3A : i32
    %iota3A = tpu.iota {dimensions = array<i32: 0>} : vector<2048x1024xi32>
    %add3A_13 = vector.broadcast %mul3A_12 : i32 to vector<2048x1024xi32>
    %add3A_14 = arith.addi %add3A_13, %iota3A : vector<2048x1024xi32>
    %lt3A = arith.constant 100000 : i32
    %lt3A_15 = vector.broadcast %lt3A : i32 to vector<2048x1024xi32>
    %lt3A_16 = arith.cmpi slt, %add3A_14, %lt3A_15 : vector<2048x1024xi32>
    %jit3A = arith.constant 0xFF800000 : f32
    %broadcast_in_dim3A = vector.broadcast %jit3A : f32 to vector<2048x1024xf32>
    %select_n3A = arith.select %lt3A_16, %add3A_11, %broadcast_in_dim3A : vector<2048x1024xi1>, vector<2048x1024xf32>
    %get3A_17 = arith.constant 0 : index
    %get3A_18 = arith.constant 0 : index
    %get3A_19 = vector.load %arg10[%get3A_17, %get3A_18] : memref<1x1024xf32, #tpu.memory_space<vmem>>, vector<1x1024xf32>
    %reduce_max3A = arith.constant dense<0xFF800000> : vector<1024xf32>
    %reduce_max3A_20 = vector.multi_reduction <maximumf>, %select_n3A, %reduce_max3A [0] : vector<2048x1024xf32> to vector<1024xf32>
    %broadcast_in_dim3A_21 = vector.shape_cast %reduce_max3A_20 : vector<1024xf32> to vector<1x1024xf32>
    %max3A = arith.maximumf %get3A_19, %broadcast_in_dim3A_21 : vector<1x1024xf32>
    %get3A_22 = arith.constant 0 : index
    %get3A_23 = arith.constant 0 : index
    %get3A_24 = vector.load %arg11[%get3A_22, %get3A_23] : memref<1x1024xf32, #tpu.memory_space<vmem>>, vector<1x1024xf32>
    %sub3A = arith.subf %get3A_19, %max3A : vector<1x1024xf32>
    %exp3A = math.exp %sub3A : vector<1x1024xf32>
    %mul3A_25 = arith.mulf %get3A_24, %exp3A : vector<1x1024xf32>
    %sub3A_26 = vector.broadcast %max3A : vector<1x1024xf32> to vector<2048x1024xf32>
    %sub3A_27 = arith.subf %select_n3A, %sub3A_26 : vector<2048x1024xf32>
    %exp3A_28 = math.exp %sub3A_27 : vector<2048x1024xf32>
    %reduce_sum3A = arith.constant dense<0.000000e+00> : vector<1024xf32>
    %reduce_sum3A_29 = vector.multi_reduction <add>, %exp3A_28, %reduce_sum3A [0] : vector<2048x1024xf32> to vector<1024xf32>
    %broadcast_in_dim3A_30 = vector.shape_cast %reduce_sum3A_29 : vector<1024xf32> to vector<1x1024xf32>
    %add3A_31 = arith.addf %mul3A_25, %broadcast_in_dim3A_30 : vector<1x1024xf32>
    %swap3A = arith.constant 0 : index
    %swap3A_32 = arith.constant 0 : index
    %swap3A_33 = vector.load %arg11[%swap3A, %swap3A_32] : memref<1x1024xf32, #tpu.memory_space<vmem>>, vector<1x1024xf32>
    tpu.vector_store %arg11[%swap3A, %swap3A_32], %add3A_31 {strides = array<i32>} : memref<1x1024xf32, #tpu.memory_space<vmem>>, vector<1x1024xf32>,
    %swap3A_34 = arith.constant 0 : index
    %swap3A_35 = arith.constant 0 : index
    %swap3A_36 = vector.load %arg10[%swap3A_34, %swap3A_35] : memref<1x1024xf32, #tpu.memory_space<vmem>>, vector<1x1024xf32>
    tpu.vector_store %arg10[%swap3A_34, %swap3A_35], %max3A {strides = array<i32>} : memref<1x1024xf32, #tpu.memory_space<vmem>>, vector<1x1024xf32>,
    %eq3A_37 = arith.constant 48 : i32
    %eq3A_38 = arith.cmpi eq, %arg0, %eq3A_37 : i32
    %convert_element_type3A_39 = arith.extui %eq3A_38 : i1 to i32
    %cond3A_40 = arith.constant 0 : i32
    %cond3A_41 = arith.cmpi ne, %convert_element_type3A_39, %cond3A_40 : i32
    scf.if %cond3A_41 {
      %get3A_42 = arith.constant 0 : index
      %get3A_43 = arith.constant 0 : index
      %get3A_44 = vector.load %arg11[%get3A_42, %get3A_43] : memref<1x1024xf32, #tpu.memory_space<vmem>>, vector<1x1024xf32>
      %div3A = arith.constant 1.000000e+00 : f32
      %div3A_45 = vector.broadcast %div3A : f32 to vector<1x1024xf32>
      %div3A_46 = arith.divf %div3A_45, %get3A_44 : vector<1x1024xf32>
      %swap3A_47 = arith.constant 0 : index
      %swap3A_48 = arith.constant 0 : index
      %swap3A_49 = vector.load %arg11[%swap3A_47, %swap3A_48] : memref<1x1024xf32, #tpu.memory_space<vmem>>, vector<1x1024xf32>
      tpu.vector_store %arg11[%swap3A_47, %swap3A_48], %div3A_46 {strides = array<i32>} : memref<1x1024xf32, #tpu.memory_space<vmem>>, vector<1x1024xf32>,
    } else {
    }
    return
  }
  func.func @transform_0(%arg0: i32) -> (i32, i32) {
    %c0_i32 = arith.constant 0 : i32
    %c0_i32_0 = arith.constant 0 : i32
    %c0_i32_1 = arith.constant 0 : i32
    return %c0_i32, %c0_i32_0 : i32, i32
  }
  func.func @transform_1(%arg0: i32) -> (i32, i32) {
    %c0_i32 = arith.constant 0 : i32
    %c0_i32_0 = arith.constant 0 : i32
    %c0_i32_1 = arith.constant 0 : i32
    return %c0_i32, %c0_i32_0 : i32, i32
  }
  func.func @transform_2(%arg0: i32) -> (i32, i32) {
    %c0_i32 = arith.constant 0 : i32
    %c0_i32_0 = arith.constant 0 : i32
    %c0_i32_1 = arith.constant 0 : i32
    return %c0_i32, %c0_i32_0 : i32, i32
  }
  func.func @transform_3(%arg0: i32) -> (i32, i32) {
    %c0_i32 = arith.constant 0 : i32
    %c0_i32_0 = arith.constant 0 : i32
    %c0_i32_1 = arith.constant 0 : i32
    return %c0_i32, %c0_i32_0 : i32, i32
  }
  func.func @transform_4(%arg0: i32) -> (i32, i32) {
    %c0_i32 = arith.constant 0 : i32
    %c0_i32_0 = arith.constant 0 : i32
    %c0_i32_1 = arith.constant 0 : i32
    return %c0_i32, %c0_i32_0 : i32, i32
  }
  func.func @transform_5(%arg0: i32) -> (i32, i32) {
    %c0_i32 = arith.constant 0 : i32
    %c0_i32_0 = arith.constant 0 : i32
    %c0_i32_1 = arith.constant 0 : i32
    return %c0_i32, %c0_i32_0 : i32, i32
  }
  func.func @transform_6(%arg0: i32) -> (i32, i32) {
    %c0_i32 = arith.constant 0 : i32
    %c0_i32_0 = arith.constant 0 : i32
    return %c0_i32, %arg0 : i32, i32
  }
  func.func @transform_7(%arg0: i32) -> (i32, i32) {
    %c0_i32 = arith.constant 0 : i32
    %c0_i32_0 = arith.constant 0 : i32
    return %arg0, %c0_i32 : i32, i32
  }
  func.func @transform_8(%arg0: i32) -> (i32, i32) {
    %c0_i32 = arith.constant 0 : i32
    %c0_i32_0 = arith.constant 0 : i32
    %c0_i32_1 = arith.constant 0 : i32
    return %c0_i32, %c0_i32_0 : i32, i32
  }
  func.func @transform_9(%arg0: i32) -> (i32, i32) {
    %c0_i32 = arith.constant 0 : i32
    %c0_i32_0 = arith.constant 0 : i32
    %c0_i32_1 = arith.constant 0 : i32
    return %c0_i32, %c0_i32_0 : i32, i32
  }
  func.func @transform_10(%arg0: i32) -> (i32, i32) {
    %c0_i32 = arith.constant 0 : i32
    %c0_i32_0 = arith.constant 0 : i32
    %c0_i32_1 = arith.constant 0 : i32
    return %c0_i32, %c0_i32_0 : i32, i32
  }
}

module attributes {stable_mosaic.version = 14 : i64} {
  func.func @_write_body(%arg0: i32, %arg1: memref<1024x32xf32, #tpu.memory_space<vmem>>, %arg2: memref<1x1024xf32, #tpu.memory_space<vmem>>, %arg3: memref<1x1024xf32, #tpu.memory_space<vmem>>, %arg4: memref<32x2048xf32, #tpu.memory_space<vmem>>, %arg5: memref<2048x1xf32, #tpu.memory_space<vmem>>, %arg6: memref<2048x1024xf32, #tpu.memory_space<vmem>>) attributes {dimension_semantics = [#tpu.dimension_semantics<arbitrary>], iteration_bounds = array<i64: 49>, scalar_prefetch = 0 : i64, scratch_operands = 0 : i64, tpu.core_type = #tpu.core_type<tc>, window_params = [{pipeline_mode = #tpu.pipeline_mode<synchronous>, transform_indices = @transform_0, window_bounds = array<i64: 1024, 32>}, {pipeline_mode = #tpu.pipeline_mode<synchronous>, transform_indices = @transform_1, window_bounds = array<i64: 1, 1024>}, {pipeline_mode = #tpu.pipeline_mode<synchronous>, transform_indices = @transform_2, window_bounds = array<i64: 1, 1024>}, {transform_indices = @transform_3, window_bounds = array<i64: 32, 2048>}, {transform_indices = @transform_4, window_bounds = array<i64: 2048, 1>}, {transform_indices = @transform_5, window_bounds = array<i64: 2048, 1024>}]} {
    %get3A = arith.constant 0 : index
    %get3A_0 = arith.constant 0 : index
    %get3A_1 = vector.load %arg4[%get3A, %get3A_0] : memref<32x2048xf32, #tpu.memory_space<vmem>>, vector<32x2048xf32>
    %get3A_2 = arith.constant 0 : index
    %get3A_3 = arith.constant 0 : index
    %get3A_4 = vector.load %arg1[%get3A_2, %get3A_3] : memref<1024x32xf32, #tpu.memory_space<vmem>>, vector<1024x32xf32>
    %dot_general3A = arith.constant dense<0.000000e+00> : vector<2048x1024xf32>
    %dot_general3A_5 = tpu.matmul %get3A_1, %get3A_4, %dot_general3A {dimension_numbers = #tpu.dot_dimension_numbers<[0], [1], [1], [0], [0, 1, 1, 0], [], []>, transpose_lhs_hint = false} : vector<32x2048xf32>, vector<1024x32xf32>, vector<2048x1024xf32> -> vector<2048x1024xf32>
    %get3A_6 = arith.constant 0 : index
    %get3A_7 = arith.constant 0 : index
    %get3A_8 = vector.load %arg5[%get3A_6, %get3A_7] : memref<2048x1xf32, #tpu.memory_space<vmem>>, vector<2048x1xf32>
    %add3A = vector.broadcast %get3A_8 : vector<2048x1xf32> to vector<2048x1024xf32>
    %add3A_9 = arith.addf %dot_general3A_5, %add3A : vector<2048x1024xf32>
    %get3A_10 = arith.constant 0 : index
    %get3A_11 = arith.constant 0 : index
    %get3A_12 = vector.load %arg2[%get3A_10, %get3A_11] : memref<1x1024xf32, #tpu.memory_space<vmem>>, vector<1x1024xf32>
    %sub3A = vector.broadcast %get3A_12 : vector<1x1024xf32> to vector<2048x1024xf32>
    %sub3A_13 = arith.subf %add3A_9, %sub3A : vector<2048x1024xf32>
    %exp3A = math.exp %sub3A_13 : vector<2048x1024xf32>
    %get3A_14 = arith.constant 0 : index
    %get3A_15 = arith.constant 0 : index
    %get3A_16 = vector.load %arg3[%get3A_14, %get3A_15] : memref<1x1024xf32, #tpu.memory_space<vmem>>, vector<1x1024xf32>
    %mul3A = vector.broadcast %get3A_16 : vector<1x1024xf32> to vector<2048x1024xf32>
    %mul3A_17 = arith.mulf %exp3A, %mul3A : vector<2048x1024xf32>
    %swap3A = arith.constant 0 : index
    %swap3A_18 = arith.constant 0 : index
    %swap3A_19 = vector.load %arg6[%swap3A, %swap3A_18] : memref<2048x1024xf32, #tpu.memory_space<vmem>>, vector<2048x1024xf32>
    tpu.vector_store %arg6[%swap3A, %swap3A_18], %mul3A_17 {strides = array<i32>} : memref<2048x1024xf32, #tpu.memory_space<vmem>>, vector<2048x1024xf32>,
    return
  }
  func.func @transform_0(%arg0: i32) -> (i32, i32) {
    %c0_i32 = arith.constant 0 : i32
    %c0_i32_0 = arith.constant 0 : i32
    %c0_i32_1 = arith.constant 0 : i32
    return %c0_i32, %c0_i32_0 : i32, i32
  }
  func.func @transform_1(%arg0: i32) -> (i32, i32) {
    %c0_i32 = arith.constant 0 : i32
    %c0_i32_0 = arith.constant 0 : i32
    %c0_i32_1 = arith.constant 0 : i32
    return %c0_i32, %c0_i32_0 : i32, i32
  }
  func.func @transform_2(%arg0: i32) -> (i32, i32) {
    %c0_i32 = arith.constant 0 : i32
    %c0_i32_0 = arith.constant 0 : i32
    %c0_i32_1 = arith.constant 0 : i32
    return %c0_i32, %c0_i32_0 : i32, i32
  }
  func.func @transform_3(%arg0: i32) -> (i32, i32) {
    %c0_i32 = arith.constant 0 : i32
    %c0_i32_0 = arith.constant 0 : i32
    return %c0_i32, %arg0 : i32, i32
  }
  func.func @transform_4(%arg0: i32) -> (i32, i32) {
    %c0_i32 = arith.constant 0 : i32
    %c0_i32_0 = arith.constant 0 : i32
    return %arg0, %c0_i32 : i32, i32
  }
  func.func @transform_5(%arg0: i32) -> (i32, i32) {
    %c0_i32 = arith.constant 0 : i32
    %c0_i32_0 = arith.constant 0 : i32
    return %arg0, %c0_i32 : i32, i32
  }
}

</mosaic_0001>

<sc_bundles>
// kernel: kernel.5.cloned.1.call-start
scs
__scs_entry_jumppad:
0x0: {  	(pc) =	sbr.rel $0x88, $3  }
0x1: {  	(tag) =	ssettag $0x0;
	lr =	simm.s32 $0x1  }
0x2: {  	[smem:$0x3F97] =	sst lr;
	_ =	strace $0xD0000000  }
0x3: {  	_ = 	snop  }
0x4: {  	_ = 	snop  }
0x5: {  	_ = 	snop  }
0x6: {  	_ = 	snop  }
0x7: {  	_ = 	snop  }
__scs_overlays_trampoline_lowered:
0x8: {  	[smem:$0x3FA6] =	sst s0  }
0x9: {  	[smem:$0x3FA7] =	sst s1  }
0xa: {  	[smem:$0x3FA8] =	sst s2  }
0xb: {  	[smem:$0x3FA9] =	sst s3  }
0xc: {  	[smem:$0x3FAA] =	sst s4  }
0xd: {  	[smem:$0x3FAB] =	sst s5  }
0xe: {  	[smem:$0x3FAC] =	sst s6  }
0xf: {  	[smem:$0x3FAD] =	sst s7  }
0x10: {  	[smem:$0x3FAE] =	sst s8  }
0x11: {  	[smem:$0x3FAF] =	sst s9;
	s0 =	simm.s32 @!p0 $0x0  }
0x12: {  	s1 =	sld [smem:$0x3F95];
	s0 =	simm.s32 @p0 $0x1  }
0x13: {  	[smem:$0x3FB0] =	sst s0;
	s0 =	simm.s32 @!p1 $0x0  }
0x14: {  	s2 =	sld [smem:$0x3F94];
	s0 =	simm.s32 @p1 $0x1  }
0x15: {  	[smem:$0x3FB1] =	sst s0;
	s0 =	simm.s32 @!p2 $0x0  }
0x16: {  	s3 =	sld [smem:$0x3FDB];
	s0 =	simm.s32 @p2 $0x1  }
0x17: {  	s4 =	simm.s32 $0x1BF5;
	[smem:$0x3FB3] =	sst s0  }
0x18: {  	s0 =	sld [smem:$0x3F96];
	_ =	swait.ge [sflag:s4], $0x0  }
0x19: {  	s7 =	sld [smem:$0x3F97]  }
0x1a: {  	s8 =	sadd.s32 $0xFFFFE003, lr  }
0x1b: {  	s9 =	sadd.s32 $0xFFFFFEF7, lr;
	s5 =	simm.s32 $0xFFFFFFFF;
	p2 =	slt.u32 s8, $0xFFFFF086  }
0x1c: {  	p1 =	slt.u32 s9, $0xF7A;
	s5 =	simm.s32 @!p2 $0x0  }
0x1d: {  	s5 =	simm.s32 @p1 $0x1;
	p0 =	seq.s32 s7, s2  }
0x1e: {  	s7 =	smul.u32 @!p0 $0xF7A, s2;
	p2 =	seq.s32 @!p0 s5, $0x0  }
0x1f: {  	s9 =	smul.u32 $0xF7A, s1;
	s8 =	simm.s32 @!p0 $0x1BF5;
	p2 =	por !p2, p0  }
0x20: {  	[sflag:s8] =	ssyncset.s32 @!p0 $0xFFFFF086;
	s6 =	sadd.s32 @!p0 s3, s7;
	s7 =	simm.s32 @!p0 $0x108  }
0x21: {  	s3 =	sadd.s32 s3, s9;
	s6 =	sadd.s32 @!p0 $0x88, s6;
	s7 =	simm.s32 @p2 $0x1082  }
0x22: {  	[simem:s7], [sflag:s8] =	dma.local @!p0 [hbm:s6], $0xF7A  }
0x23: {  	s9 =	sor.u32 $0xD0000000, s2;
	s6 =	simm.s32 $0x108;
	_ =	swait.ge @!p0 [sflag:s8], $0x0  }
0x24: {  	s3 =	sadd.s32 $0x88, s3;
	s6 =	simm.s32 @!p1 $0x1082;
	[sflag:s4] =	ssyncset.s32 $0xFFFFF086  }
0x25: {  	[simem:s6], [sflag:s4] =	dma.local [hbm:s3], $0xF7A  }
0x26: {  	[smem:$0x3F97] =	sst s1;
	(tag) =	ssettag s2;
	_ =	strace s9  }
0x27: {  	s1 =	sld [smem:$0x3FA7]  }
0x28: {  	s2 =	sld [smem:$0x3FA8]  }
0x29: {  	s4 =	sld [smem:$0x3FAA]  }
0x2a: {  	p0 =	seq.s32 s5, $0x0;
	s5 =	sld [smem:$0x3FAB]  }
0x2b: {  	s6 =	sld [smem:$0x3FAC]  }
0x2c: {  	s7 =	sld [smem:$0x3FAD]  }
0x2d: {  	s3 =	simm.s32 $0x108;
	s8 =	sld [smem:$0x3FAE]  }
0x2e: {  	s3 =	simm.s32 @!p0 $0x1082;
	s9 =	sld [smem:$0x3FAF]  }
0x2f: {  	lr =	sadd.s32 s0, s3;
	s0 =	sld [smem:$0x3FA6]  }
0x30: {  	s3 =	sld [smem:$0x3FA9]  }
0x31: {  	[smem:$0x3FB2] =	sst s10  }
0x32: {  	s10 =	sld [smem:$0x3FB0];
	_ =	sdelay $0x3  }
0x33: {  	p0 =	seq.s32 s10, $0x1;
	s10 =	sld [smem:$0x3FB2];
	_ =	sdelay $0x3  }
0x34: {  	[smem:$0x3FB2] =	sst s10  }
0x35: {  	s10 =	sld [smem:$0x3FB1];
	_ =	sdelay $0x3  }
0x36: {  	p1 =	seq.s32 s10, $0x1;
	s10 =	sld [smem:$0x3FB2];
	_ =	sdelay $0x3  }
0x37: {  	[smem:$0x3FB2] =	sst s10  }
0x38: {  	s10 =	sld [smem:$0x3FB3]  }
0x39: {  	_ = 	snop;
	(pc) =	sbr.ind lr, $3  }
0x3a: {  	_ = 	snop  }
0x3b: {  	_ = 	snop  }
0x3c: {  	p2 =	seq.s32 s10, $0x1;
	s10 =	sld [smem:$0x3FB2]  }
0x3d: {  	_ =	shalt  }
0x3e: {  	_ =	shalt  }
0x3f: {  	_ =	shalt  }
0x40: {  	_ =	shalt  }
0x41: {  	_ =	shalt  }
0x42: {  	_ =	shalt  }
0x43: {  	_ =	shalt  }
0x44: {  	_ =	shalt  }
0x45: {  	_ =	shalt  }
0x46: {  	_ =	shalt  }
0x47: {  	_ =	shalt  }
0x48: {  	_ =	shalt  }
0x49: {  	_ =	shalt  }
0x4a: {  	_ =	shalt  }
0x4b: {  	_ =	shalt  }
0x4c: {  	_ =	shalt  }
0x4d: {  	_ =	shalt  }
0x4e: {  	_ =	shalt  }
0x4f: {  	_ =	shalt  }
0x50: {  	_ =	shalt  }
0x51: {  	_ =	shalt  }
0x52: {  	_ =	shalt  }
0x53: {  	_ =	shalt  }
0x54: {  	_ =	shalt  }
0x55: {  	_ =	shalt  }
0x56: {  	_ =	shalt  }
0x57: {  	_ =	shalt  }
0x58: {  	_ =	shalt  }
0x59: {  	_ =	shalt  }
0x5a: {  	_ =	shalt  }
0x5b: {  	_ =	shalt  }
0x5c: {  	_ =	shalt  }
0x5d: {  	_ =	shalt  }
0x5e: {  	_ =	shalt  }
0x5f: {  	_ =	shalt  }
0x60: {  	_ =	shalt  }
0x61: {  	_ =	shalt  }
0x62: {  	_ =	shalt  }
0x63: {  	_ =	shalt  }
0x64: {  	_ =	shalt  }
0x65: {  	_ =	shalt  }
0x66: {  	_ =	shalt  }
0x67: {  	_ =	shalt  }
0x68: {  	_ =	shalt  }
0x69: {  	_ =	shalt  }
0x6a: {  	_ =	shalt  }
0x6b: {  	_ =	shalt  }
0x6c: {  	_ =	shalt  }
0x6d: {  	_ =	shalt  }
0x6e: {  	_ =	shalt  }
0x6f: {  	_ =	shalt  }
0x70: {  	_ =	shalt  }
0x71: {  	_ =	shalt  }
0x72: {  	_ =	shalt  }
0x73: {  	_ =	shalt  }
0x74: {  	_ =	shalt  }
0x75: {  	_ =	shalt  }
0x76: {  	_ =	shalt  }
0x77: {  	_ =	shalt  }
0x78: {  	_ =	shalt  }
0x79: {  	_ =	shalt  }
0x7a: {  	_ =	shalt  }
0x7b: {  	_ =	shalt  }
0x7c: {  	_ =	shalt  }
0x7d: {  	_ =	shalt  }
0x7e: {  	_ =	shalt  }
0x7f: {  	_ =	shalt  }
0x80: {  	_ =	shalt  }
0x81: {  	_ =	shalt  }
0x82: {  	_ =	shalt  }
0x83: {  	_ =	shalt  }
0x84: {  	_ =	shalt  }
0x85: {  	_ =	shalt  }
0x86: {  	_ =	shalt  }
0x87: {  	_ =	shalt  }
.Lfunc_end0:
.L_simem_size_0:
called_computation_lowered:
.L_overlay_start_0:
0x88: {  	s2 =	sld [smem:$0x3FD9]  }
0x89: {  	s3 =	sld [smem:$0x3FFE];
	_ =	sdelay $0x1  }
0x8a: {  	s1 =	srdreg.scid  }
0x8b: {  	s0 =	sand.u32 $0x1, s1  }
0x8c: {  	s17 =	sshll.u32 s0, $0xA;
	s2 =	sadd.s32 s3, s2  }
0x8d: {  	s2 =	sadd.s32 s2, s17  }
0x8e: {  	[smem:$0x3FBE] =	sst s2  }
0x8f: {  	_ = 	snop  }
0x90: {  	s2 =	sld [smem:$0x3FC9]  }
0x91: {  	s18 =	sld [smem:$0x3FC8]  }
0x92: {  	s4 =	sld [smem:$0x3FD0];
	(tm) =	ssettm $0x1  }
0x93: {  	s5 =	sld [smem:$0x3FFB];
	_ =	sdelay $0x3  }
0x94: {  	_ =	strace s5  }
0x95: {  	s5 =	sld [smem:$0x3FFC];
	_ =	sdelay $0x3  }
0x96: {  	_ =	strace s5  }
0x97: {  	s5 =	sld [smem:$0x3FFD];
	_ =	sdelay $0x3  }
0x98: {  	_ =	strace s5  }
0x99: {  	_ =	strace $0x8FFFFFFF  }
0x9a: {  	s19 =	sld [smem:$0x3FDB];
	_ =	sdelay $0x1  }
0x9b: {  	s6 =	simm.s32 $_scs_section_size  }
0x9c: {  	s7 =	simm.s32 $_size__tile_overlayer_lowered;
	s8 =	simm.s32 $_tile_overlayer_lowered  }
0x9d: {  	s22 =	simm.s32 $0x1BFF;
	s21 =	sshll.u32 s8, $0x1;
	s5 =	sadd.s32 s6, s19  }
0x9e: {  	s9 =	simm.s32 $0x0;
	s20 =	sshll.u32 s7, $0x1;
	s7 =	sadd.s32 s21, s5  }
0x9f: {  	[timem:s9], [sflag:s22] =	dma.local [hbm:s7], s20  }
0xa0: {  	_ =	swait.ge [sflag:s22], s20  }
0xa1: {  	s6 =	ssub.s32 $0x0, s20;
	[sflag:s22] =	ssyncset.done $0x0  }
0xa2: {  	[sflag:s22] =	ssyncadd.s32 s6;
	_ =	sdelay $0x1  }
0xa3: {  	s23 =	simm.s32 $0x1B8B  }
0xa4: {  	_ =	swait.ge [sflag:s23], $0x1  }
0xa5: {  	[sflag:s23] =	ssyncset.done $0x0  }
0xa6: {  	s25 =	simm.s32 $0x1B8E;
	s24 =	sld [smem:$0x3FFE];
	[sflag:s23] =	ssyncadd.s32 $0xFFFFFFFF  }
0xa7: {  	s26 =	simm.s32 $execute0_lowered;
	[smem:$0x3FD2] =	sst s25  }
0xa8: {  	s7 =	sshll.u32 s26, $0x1;
	_ =	strace $0x80000046;
	[dreg:$0x1] =	wrdreg $0xFFFFFFFF  }
0xa9: {  	s28 =	simm.s32 $_size_execute0_lowered;
	s5 =	sadd.s32 s5, s7;
	[dreg:$0x0] =	wrdreg $0x0  }
0xaa: {  	s7 =	sshll.u32 s28, $0x1;
	[dreg:$0x2] =	wrdreg s5  }
0xab: {  	[dreg:$0x3] =	wrdreg s7  }
0xac: {  	[dreg:$0x4] =	wrdreg $0xC0  }
0xad: {  	_ =	task [dreg:s9], $0x5FFFF  }
0xae: {  	[dreg:$0x1] =	wrdreg $0xFFFFFFFF  }
0xaf: {  	[dreg:$0x0] =	wrdreg $0x60  }
0xb0: {  	[dreg:$0x2] =	wrdreg s24  }
0xb1: {  	[dreg:$0x3] =	wrdreg s2  }
0xb2: {  	[dreg:$0x4] =	wrdreg s4  }
0xb3: {  	[dreg:$0x5] =	wrdreg s18  }
0xb4: {  	[dreg:$0x6] =	wrdreg $0x9  }
0xb5: {  	_ =	task.clear_ibuf [dreg:s9], $0x7FFFF;
	_ =	strace $0x90000046  }
0xb6: {  	s29 =	simm.s32 $0x9;
	_ =	strace $0x80000048  }
0xb7: {  	_ =	swait.ge [sflag:s29], $0x1  }
0xb8: {  	[sflag:s29] =	ssyncadd.s32 $0xFFFFFFFF  }
0xb9: {  	_ =	strace $0x90000048  }
0xba: {  	_ =	sfence  }
0xbb: {  	s30 =	sld [smem:$0x0];
	_ =	sdelay $0x2  }
0xbc: {  	s31 =	sshll.u32 s1, $0xD;
	s1 =	sshrl.u32 s1, $0x2  }
0xbd: {  	s3 =	sand.u32 $0x4000, s31;
	s1 =	sadd.s32 s1, s30  }
0xbe: {  	s0 =	sor.u32 s3, s0;
	s1 =	sshll.u32 s1, $0x11  }
0xbf: {  	s0 =	sor.u32 s1, s0  }
0xc0: {  	s0 =	sadd.s32 $0x8F2B, s0  }
0xc1: {  	[sflag:s0] =	ssyncadd.remote.s32 $0x1  }
0xc2: {  	_ =	sfence.sel $0xFFFF  }
0xc3: {  	[dreg:$0x0] =	wrdreg $0xFFFFFFFF;
	(pc) =	sbr.abs _section_cstart, $3  }
0xc4: {  	[dreg:$0x1] =	wrdreg $0xFFFFFFFF  }
0xc5: {  	_ =	task.clear_ibuf [dreg:s9], $0x2FFFF;
	_ =	strace $0x9FFFFFFF  }
0xc6: {  	(tm) =	ssettm $0x7FFFFFFF  }
0xc7: {  	_ =	shalt  }
tec
execute0_lowered:
.L_overlay_start_1:
0x0: {  	(tag) =	ssettag $0x1  }
0x1: {  	s4 =	rddreg [dreg:$0x0]  }
0x2: {  	s6 =	rddreg [dreg:$0x1]  }
0x3: {  	s2 =	rddreg [dreg:$0x2]  }
0x4: {  	s1 =	srdreg.scid;
	s7 =	rddreg [dreg:$0x3]  }
0x5: {  	s3 =	simm.s32 $0x0;
	s5 =	sand.u32 $0x1, s1;
	s1 =	rddreg [dreg:$0x4]  }
0x6: {  	s15 =	simm.s32 $0x1080;
	[smem:$0x7FF] =	sst s3  }
0x7: {  	s16 =	simm.s32 $0x100;
	_ =	strace $0x80000047;
	[dreg:$0x9] =	wrdreg s15  }
0x8: {  	s17 =	simm.s32 $0x1180;
	[dreg:$0xa] =	wrdreg s16  }
0x9: {  	s18 =	simm.s32 $0x180;
	[dreg:$0xb] =	wrdreg s17  }
0xa: {  	s19 =	simm.s32 $0x1200;
	[dreg:$0xc] =	wrdreg s18  }
0xb: {  	s20 =	simm.s32 $0x200;
	[dreg:$0xd] =	wrdreg s19  }
0xc: {  	s21 =	simm.s32 $0x1280;
	[dreg:$0xe] =	wrdreg s20  }
0xd: {  	s22 =	simm.s32 $0x280;
	[dreg:$0xf] =	wrdreg s21  }
0xe: {  	s23 =	simm.s32 $0x1300;
	[dreg:$0x10] =	wrdreg s22  }
0xf: {  	s24 =	simm.s32 $0x300;
	[dreg:$0x11] =	wrdreg s23  }
0x10: {  	s25 =	simm.s32 $0x1380;
	[dreg:$0x12] =	wrdreg s24  }
0x11: {  	s26 =	simm.s32 $0x380;
	[dreg:$0x13] =	wrdreg s25  }
0x12: {  	s28 =	simm.s32 $0x1400;
	[dreg:$0x14] =	wrdreg s26  }
0x13: {  	s29 =	simm.s32 $0x400;
	[dreg:$0x15] =	wrdreg s28  }
0x14: {  	s30 =	simm.s32 $0x1480;
	[dreg:$0x16] =	wrdreg s29  }
0x15: {  	s31 =	simm.s32 $0x480;
	[dreg:$0x17] =	wrdreg s30  }
0x16: {  	s10 =	simm.s32 $0x580;
	[dreg:$0x18] =	wrdreg s31  }
0x17: {  	s11 =	simm.s32 $0x1600;
	[dreg:$0x1c] =	wrdreg s10  }
0x18: {  	[dreg:$0x1d] =	wrdreg s11;
	s15 =	simm.s32 $0x1700  }
0x19: {  	s16 =	simm.s32 $0x700;
	[smem:$0x7D7] =	sst s15  }
0x1a: {  	s17 =	simm.s32 $0x1780;
	[smem:$0x7D8] =	sst s16  }
0x1b: {  	s18 =	simm.s32 $0x780;
	[smem:$0x7D9] =	sst s17  }
0x1c: {  	s19 =	simm.s32 $0x1800;
	[smem:$0x7DA] =	sst s18  }
0x1d: {  	s20 =	simm.s32 $0x800;
	[smem:$0x7DB] =	sst s19  }
0x1e: {  	s21 =	simm.s32 $0x1880;
	[smem:$0x7DC] =	sst s20  }
0x1f: {  	s22 =	simm.s32 $0x880;
	[smem:$0x7DD] =	sst s21  }
0x20: {  	s23 =	simm.s32 $0x1900;
	[smem:$0x7DE] =	sst s22  }
0x21: {  	s24 =	simm.s32 $0x900;
	[smem:$0x7DF] =	sst s23  }
0x22: {  	s25 =	simm.s32 $0x1980;
	[smem:$0x7E0] =	sst s24  }
0x23: {  	s26 =	simm.s32 $0x980;
	[smem:$0x7E1] =	sst s25  }
0x24: {  	s28 =	simm.s32 $0x1A00;
	[smem:$0x7E2] =	sst s26  }
0x25: {  	s29 =	simm.s32 $0xA00;
	[smem:$0x7E3] =	sst s28  }
0x26: {  	s30 =	simm.s32 $0x1A80;
	[smem:$0x7E4] =	sst s29  }
0x27: {  	s31 =	simm.s32 $0xA80;
	[smem:$0x7E5] =	sst s30  }
0x28: {  	s10 =	simm.s32 $0xB80;
	[smem:$0x7E6] =	sst s31  }
0x29: {  	s11 =	simm.s32 $0x1C00;
	[smem:$0x7EA] =	sst s10  }
0x2a: {  	[smem:$0x7EB] =	sst s11;
	s15 =	simm.s32 $0x1D00  }
0x2b: {  	s16 =	simm.s32 $0xD00;
	[smem:$0x7EF] =	sst s15  }
0x2c: {  	s17 =	simm.s32 $0x1D80;
	[smem:$0x7F0] =	sst s16  }
0x2d: {  	s18 =	simm.s32 $0xD80;
	[smem:$0x7F1] =	sst s17  }
0x2e: {  	s19 =	simm.s32 $0x1E00;
	[smem:$0x7F2] =	sst s18  }
0x2f: {  	s20 =	simm.s32 $0xE00;
	[smem:$0x7F3] =	sst s19  }
0x30: {  	s21 =	simm.s32 $0x1E80;
	[smem:$0x7F4] =	sst s20  }
0x31: {  	s22 =	simm.s32 $0xE80;
	[smem:$0x7F5] =	sst s21  }
0x32: {  	s23 =	simm.s32 $0x1F00;
	[smem:$0x7F6] =	sst s22  }
0x33: {  	s25 =	simm.s32 $0xF00;
	[smem:$0x7F7] =	sst s23  }
0x34: {  	s0 =	stileid.u32;
	s26 =	simm.s32 $0x1F80;
	[smem:$0x7F8] =	sst s25  }
0x35: {  	s8 =	sshll.u32 s0, $0x6;
	s28 =	simm.s32 $0xF80;
	[smem:$0x7F9] =	sst s26  }
0x36: {  	s9 =	sshll.u32 s5, $0x5;
	s29 =	simm.s32 $0x2000;
	[smem:$0x7FA] =	sst s28  }
0x37: {  	s8 =	sor.u32 s9, s8;
	s30 =	simm.s32 $0x1000;
	[smem:$0x7FB] =	sst s29  }
0x38: {  	s31 =	simm.s32 $0x2080;
	s9 =	sshrl.u32 s8, $0x3;
	[smem:$0x7FC] =	sst s30  }
0x39: {  	[smem:$0x7FD] =	sst s31;
	s6 =	sadd.s32 s6, s9  }
0x3a: {  	s12 =	sadd.s32 s7, s9;
	[dreg:$0x5] =	wrdreg s6  }
0x3b: {  	s8 =	sshll.u32 s8, $0x4;
	s7 =	simm.s32 $0x1500;
	[dreg:$0x6] =	wrdreg s12  }
0x3c: {  	s8 =	sadd.s32 s8, s4;
	s9 =	simm.s32 $0x1580;
	[dreg:$0x19] =	wrdreg s7  }
0x3d: {  	s13 =	sadd.s32 $0xF44000, s8;
	[dreg:$0x1b] =	wrdreg s9  }
0x3e: {  	s14 =	sadd.s32 $0xF48000, s8;
	[dreg:$0x7] =	wrdreg s13  }
0x3f: {  	s8 =	simm.s32 $0x500;
	[dreg:$0x8] =	wrdreg s14  }
0x40: {  	s12 =	simm.s32 $0x600;
	[dreg:$0x1a] =	wrdreg s8  }
0x41: {  	s5 =	ssub.s32 $0x2, s5;
	s7 =	simm.s32 $0x1B00;
	[dreg:$0x1e] =	wrdreg s12  }
0x42: {  	s24 =	sshrl.u32 s5, $0x1;
	s9 =	simm.s32 $0x1B80;
	[smem:$0x7E7] =	sst s7  }
0x43: {  	s10 =	simm.s32 $0x2;
	s13 =	simm.s32 $0x1680;
	[smem:$0x7E9] =	sst s9  }
0x44: {  	vm0 =	vmmov $0x1;
	s5 =	ssub.s32 s5, s24;
	s14 =	simm.s32 $0x680;
	[dreg:$0x1f] =	wrdreg s13  }
0x45: {  	vm1 =	vcmask $0x308;
	vm2 =	vcmask $0x70C;
	vm3 =	vcmask $0xB10;
	s4 =	sadd.s32 $0x1C00, s4;
	s8 =	simm.s32 $0xB00;
	[smem:$0x7D6] =	sst s14  }
0x46: {  	vm4 =	vcmask $0xF14;
	vm5 =	vcmask $0x1318;
	vm6 =	vcmask $0x171C;
	s5 =	smax.u32 s5, $0x1;
	s12 =	simm.s32 $0xC00;
	[smem:$0x7E8] =	sst s8  }
0x47: {  	vm7 =	vcmask $0x1B20;
	vm8 =	vcmask $0x1F24;
	vm9 =	vcmask $0x2328;
	s6 =	simm.s32 $0x3;
	[smem:$0x7EC] =	sst s12;
	s13 =	simm.s32 $0x1C80  }
0x48: {  	vm10 =	vcmask $0x272C;
	vm11 =	vcmask $0x2B30;
	vm12 =	vcmask $0x2F34;
	s7 =	simm.s32 $0x80;
	s14 =	simm.s32 $0xC80;
	[smem:$0x7ED] =	sst s13  }
0x49: {  	vm13 =	vcmask $0x3338;
	vm14 =	vcmask $0x373C;
	vm15 =	vmmov $0x7fff;
	s9 =	simm.s32 $0x1;
	s8 =	simm.s32 $0x1100;
	[smem:$0x7EE] =	sst s14  }
.LBB2_1:
0x4a: {  	s11 =	rddreg [dreg:$0x5]  }
0x4b: {  	[tilespmem:s3], [sflag:$0x3] =	stream.linear.gather [hbm4b:s11+s3], $0x20, $0x38;
	[tilespmem:$0x2100] =	vst v63  }
0x4c: {  	_ =	swait.ge [sflag:s6], $0x20  }
0x4d: {  	s31 =	rddreg [dreg:$0x6];
	[sflag:s6] =	ssyncset.done $0x0  }
0x4e: {  	s12 =	rddreg [dreg:$0x9];
	[sflag:s6] =	ssyncadd.s32 $0xFFFFFFE0  }
0x4f: {  	[tilespmem:s12], [sflag:$0x3] =	stream.linear.gather [hbm4b:s31+s3], $0x20, $0x38;
	[tilespmem:$0x2100] =	vst v63  }
0x50: {  	_ =	swait.ge [sflag:s6], $0x20  }
0x51: {  	[sflag:s6] =	ssyncset.done $0x0  }
0x52: {  	[sflag:s6] =	ssyncadd.s32 $0xFFFFFFE0  }
0x53: {  	v1 =	vld [tilespmem:$0x0];
	_ =	sdelay $0x4  }
0x54: {  	v0 =	vld [tilespmem:$0x1080];
	v2 =	vnsel vm0, $0x0, v1  }
0x55: {  	(xrf0) =	vadd.scan.msk.s32 $0xffff, v2;
	_ =	sdelay $0x3  }
0x56: {  	v60 =	vnsel vm0, $0x0, v0  }
0x57: {  	(xrf0) =	vadd.scan.msk.s32 $0xffff, v60  }
0x58: {  	v61, _, _ =	vpop (xrf0)  }
0x59: {  	(v2sf) =	vpush v61, $0xF  }
0x5a: {  	v62 =	vsel vm1, $0x0, v1  }
0x5b: {  	(xrf0) =	vadd.scan.msk.s32 $0xffff, v62;
	_ =	sdelay $0x1  }
0x5c: {  	v63, _, _ =	vpop (xrf0)  }
0x5d: {  	(v2sf) =	vpush v63, $0xF;
	_ =	sdelay $0x1  }
0x5e: {  	v4 =	vsel vm1, $0x0, v0  }
0x5f: {  	(xrf0) =	vadd.scan.msk.s32 $0xffff, v4;
	v5, _, _ =	vpop (xrf0)  }
0x60: {  	(v2sf) =	vpush v5, $0xF;
	_ =	sdelay $0x4  }
0x61: {  	v6, _, _ =	vpop (xrf0)  }
0x62: {  	s12 =	spop (v2sf);
	(v2sf) =	vpush v6, $0xF;
	_ =	sdelay $0x2  }
0x63: {  	s11 =	sshll.u32 s12, $0x4  }
0x64: {  	s11 =	sand.u32 $0x1FFFFFF0, s11  }
0x65: {  	s13 =	spop (v2sf);
	s11 =	sadd.s32 s4, s11  }
0x66: {  	[tilespmem:s7], [sflag:$0x1] =	stream.linear.gather [hbm4b:s11+s3], $0x80, $0x38;
	[tilespmem:$0x2100] =	vst v63  }
0x67: {  	s11 =	sshll.u32 s13, $0x4  }
0x68: {  	s11 =	sand.u32 $0x1FFFFFF0, s11  }
0x69: {  	s11 =	sadd.s32 s2, s11;
	s14 =	spop (v2sf)  }
0x6a: {  	[tilespmem:s8], [sflag:$0x2] =	stream.linear.gather [hbm4b:s11+s3], $0x80, $0x38;
	[tilespmem:$0x2100] =	vst v63  }
0x6b: {  	s11 =	sshll.u32 s14, $0x4  }
0x6c: {  	s11 =	sand.u32 $0x1FFFFFF0, s11  }
0x6d: {  	s15 =	rddreg [dreg:$0xa];
	s11 =	sadd.s32 s4, s11  }
0x6e: {  	[tilespmem:s15], [sflag:$0x1] =	stream.linear.gather [hbm4b:s11+s3], $0x80, $0x38;
	[tilespmem:$0x2100] =	vst v63  }
0x6f: {  	v7 =	vsel vm2, $0x0, v1;
	s16 =	spop (v2sf)  }
0x70: {  	s12 =	rddreg [dreg:$0xb];
	(xrf0) =	vadd.scan.msk.s32 $0xffff, v7;
	_ =	sdelay $0x3  }
0x71: {  	v8 =	vsel vm2, $0x0, v0  }
0x72: {  	(xrf0) =	vadd.scan.msk.s32 $0xffff, v8  }
0x73: {  	v9, _, _ =	vpop (xrf0)  }
0x74: {  	(v2sf) =	vpush v9, $0xF  }
0x75: {  	v10 =	vsel vm3, $0x0, v1  }
0x76: {  	(xrf0) =	vadd.scan.msk.s32 $0xffff, v10;
	_ =	sdelay $0x1  }
0x77: {  	v11, _, _ =	vpop (xrf0)  }
0x78: {  	(v2sf) =	vpush v11, $0xF;
	_ =	sdelay $0x1  }
0x79: {  	v12 =	vsel vm3, $0x0, v0  }
0x7a: {  	(xrf0) =	vadd.scan.msk.s32 $0xffff, v12;
	v13, _, _ =	vpop (xrf0)  }
0x7b: {  	(v2sf) =	vpush v13, $0xF;
	_ =	sdelay $0x2  }
0x7c: {  	v14 =	vsel vm4, $0x0, v1  }
0x7d: {  	(xrf0) =	vadd.scan.msk.s32 $0xffff, v14  }
0x7e: {  	v15, _, _ =	vpop (xrf0)  }
0x7f: {  	s17 =	spop (v2sf);
	(v2sf) =	vpush v15, $0xF  }
0x80: {  	v16 =	vsel vm4, $0x0, v0  }
0x81: {  	(xrf0) =	vadd.scan.msk.s32 $0xffff, v16;
	_ =	sdelay $0x1  }
0x82: {  	v17, _, _ =	vpop (xrf0)  }
0x83: {  	s19 =	spop (v2sf);
	(v2sf) =	vpush v17, $0xF;
	_ =	sdelay $0x1  }
0x84: {  	v18 =	vsel vm5, $0x0, v1  }
0x85: {  	(xrf0) =	vadd.scan.msk.s32 $0xffff, v18;
	v19, _, _ =	vpop (xrf0)  }
0x86: {  	s21 =	spop (v2sf);
	(v2sf) =	vpush v19, $0xF;
	_ =	sdelay $0x2  }
0x87: {  	v20 =	vsel vm5, $0x0, v0  }
0x88: {  	(xrf0) =	vadd.scan.msk.s32 $0xffff, v20  }
0x89: {  	v21, _, _ =	vpop (xrf0)  }
0x8a: {  	s23 =	spop (v2sf);
	(v2sf) =	vpush v21, $0xF  }
0x8b: {  	v22 =	vsel vm6, $0x0, v1;
	s11 =	sshll.u32 s16, $0x4  }
0x8c: {  	s11 =	sand.u32 $0x1FFFFFF0, s11;
	(xrf0) =	vadd.scan.msk.s32 $0xffff, v22  }
0x8d: {  	s11 =	sadd.s32 s2, s11  }
0x8e: {  	[tilespmem:s12], [sflag:$0x2] =	stream.linear.gather [hbm4b:s11+s3], $0x80, $0x38;
	v23, _, _ =	vpop (xrf0);
	[tilespmem:$0x2100] =	vst v63  }
0x8f: {  	s11 =	sshll.u32 s17, $0x4;
	s25 =	spop (v2sf);
	(v2sf) =	vpush v23, $0xF  }
0x90: {  	v24 =	vsel vm6, $0x0, v0;
	s11 =	sand.u32 $0x1FFFFFF0, s11  }
0x91: {  	s18 =	rddreg [dreg:$0xc];
	s11 =	sadd.s32 s4, s11;
	(xrf0) =	vadd.scan.msk.s32 $0xffff, v24  }
0x92: {  	[tilespmem:s18], [sflag:$0x1] =	stream.linear.gather [hbm4b:s11+s3], $0x80, $0x38;
	v25, _, _ =	vpop (xrf0);
	[tilespmem:$0x2100] =	vst v63  }
0x93: {  	s11 =	sshll.u32 s19, $0x4;
	s28 =	spop (v2sf);
	(v2sf) =	vpush v25, $0xF  }
0x94: {  	s11 =	sand.u32 $0x1FFFFFF0, s11  }
0x95: {  	s20 =	rddreg [dreg:$0xd];
	s11 =	sadd.s32 s2, s11  }
0x96: {  	v26 =	vsel vm7, $0x0, v1;
	[tilespmem:s20], [sflag:$0x2] =	stream.linear.gather [hbm4b:s11+s3], $0x80, $0x38;
	[tilespmem:$0x2100] =	vst v63  }
0x97: {  	(xrf0) =	vadd.scan.msk.s32 $0xffff, v26  }
0x98: {  	s11 =	sshll.u32 s21, $0x4;
	v27, _, _ =	vpop (xrf0)  }
0x99: {  	v28 =	vsel vm7, $0x0, v0;
	s11 =	sand.u32 $0x1FFFFFF0, s11;
	s30 =	spop (v2sf);
	(v2sf) =	vpush v27, $0xF  }
0x9a: {  	s22 =	rddreg [dreg:$0xe];
	s11 =	sadd.s32 s4, s11;
	(xrf0) =	vadd.scan.msk.s32 $0xffff, v28  }
0x9b: {  	[tilespmem:s22], [sflag:$0x1] =	stream.linear.gather [hbm4b:s11+s3], $0x80, $0x38;
	[tilespmem:$0x2100] =	vst v63  }
0x9c: {  	s11 =	sshll.u32 s23, $0x4  }
0x9d: {  	v29, _, _ =	vpop (xrf0);
	s11 =	sand.u32 $0x1FFFFFF0, s11  }
0x9e: {  	s24 =	rddreg [dreg:$0xf];
	s11 =	sadd.s32 s2, s11;
	s13 =	spop (v2sf);
	(v2sf) =	vpush v29, $0xF  }
0x9f: {  	[tilespmem:s24], [sflag:$0x2] =	stream.linear.gather [hbm4b:s11+s3], $0x80, $0x38;
	[tilespmem:$0x2100] =	vst v63  }
0xa0: {  	v30 =	vsel vm8, $0x0, v1;
	s11 =	sshll.u32 s25, $0x4  }
0xa1: {  	(xrf0) =	vadd.scan.msk.s32 $0xffff, v30;
	v31, _, _ =	vpop (xrf0);
	s11 =	sand.u32 $0x1FFFFFF0, s11  }
0xa2: {  	s26 =	rddreg [dreg:$0x10];
	s11 =	sadd.s32 s4, s11;
	s15 =	spop (v2sf);
	(v2sf) =	vpush v31, $0xF  }
0xa3: {  	[tilespmem:s26], [sflag:$0x1] =	stream.linear.gather [hbm4b:s11+s3], $0x80, $0x38;
	[tilespmem:$0x2100] =	vst v63  }
0xa4: {  	s11 =	sshll.u32 s28, $0x4  }
0xa5: {  	v32 =	vsel vm8, $0x0, v0;
	s11 =	sand.u32 $0x1FFFFFF0, s11  }
0xa6: {  	s29 =	rddreg [dreg:$0x11];
	(xrf0) =	vadd.scan.msk.s32 $0xffff, v32;
	s11 =	sadd.s32 s2, s11  }
0xa7: {  	v33, _, _ =	vpop (xrf0);
	[tilespmem:s29], [sflag:$0x2] =	stream.linear.gather [hbm4b:s11+s3], $0x80, $0x38;
	[tilespmem:$0x2100] =	vst v63  }
0xa8: {  	s17 =	spop (v2sf);
	(v2sf) =	vpush v33, $0xF  }
0xa9: {  	v34 =	vsel vm9, $0x0, v1;
	s11 =	sshll.u32 s30, $0x4  }
0xaa: {  	(xrf0) =	vadd.scan.msk.s32 $0xffff, v34;
	s11 =	sand.u32 $0x1FFFFFF0, s11  }
0xab: {  	s31 =	rddreg [dreg:$0x12];
	s11 =	sadd.s32 s4, s11  }
0xac: {  	v35, _, _ =	vpop (xrf0);
	[tilespmem:s31], [sflag:$0x1] =	stream.linear.gather [hbm4b:s11+s3], $0x80, $0x38;
	[tilespmem:$0x2100] =	vst v63  }
0xad: {  	s11 =	sshll.u32 s13, $0x4;
	s19 =	spop (v2sf);
	(v2sf) =	vpush v35, $0xF  }
0xae: {  	v36 =	vsel vm9, $0x0, v0;
	s11 =	sand.u32 $0x1FFFFFF0, s11  }
0xaf: {  	s14 =	rddreg [dreg:$0x13];
	(xrf0) =	vadd.scan.msk.s32 $0xffff, v36;
	s11 =	sadd.s32 s2, s11  }
0xb0: {  	v37, _, _ =	vpop (xrf0);
	[tilespmem:s14], [sflag:$0x2] =	stream.linear.gather [hbm4b:s11+s3], $0x80, $0x38;
	[tilespmem:$0x2100] =	vst v63  }
0xb1: {  	s21 =	spop (v2sf);
	(v2sf) =	vpush v37, $0xF  }
0xb2: {  	s11 =	sshll.u32 s15, $0x4  }
0xb3: {  	v38 =	vsel vm10, $0x0, v1;
	s11 =	sand.u32 $0x1FFFFFF0, s11  }
0xb4: {  	s16 =	rddreg [dreg:$0x14];
	(xrf0) =	vadd.scan.msk.s32 $0xffff, v38;
	s11 =	sadd.s32 s4, s11  }
0xb5: {  	[tilespmem:s16], [sflag:$0x1] =	stream.linear.gather [hbm4b:s11+s3], $0x80, $0x38;
	[tilespmem:$0x2100] =	vst v63  }
0xb6: {  	v39, _, _ =	vpop (xrf0);
	s11 =	sshll.u32 s17, $0x4  }
0xb7: {  	v40 =	vsel vm10, $0x0, v0;
	s11 =	sand.u32 $0x1FFFFFF0, s11;
	s23 =	spop (v2sf);
	(v2sf) =	vpush v39, $0xF  }
0xb8: {  	s18 =	rddreg [dreg:$0x15];
	(xrf0) =	vadd.scan.msk.s32 $0xffff, v40;
	s11 =	sadd.s32 s2, s11  }
0xb9: {  	[tilespmem:s18], [sflag:$0x2] =	stream.linear.gather [hbm4b:s11+s3], $0x80, $0x38;
	[tilespmem:$0x2100] =	vst v63  }
0xba: {  	s11 =	sshll.u32 s19, $0x4  }
0xbb: {  	v41, _, _ =	vpop (xrf0);
	s11 =	sand.u32 $0x1FFFFFF0, s11  }
0xbc: {  	s20 =	rddreg [dreg:$0x16];
	s11 =	sadd.s32 s4, s11;
	s25 =	spop (v2sf);
	(v2sf) =	vpush v41, $0xF  }
0xbd: {  	[tilespmem:s20], [sflag:$0x1] =	stream.linear.gather [hbm4b:s11+s3], $0x80, $0x38;
	[tilespmem:$0x2100] =	vst v63  }
0xbe: {  	v42 =	vsel vm11, $0x0, v1;
	s11 =	sshll.u32 s21, $0x4  }
0xbf: {  	(xrf0) =	vadd.scan.msk.s32 $0xffff, v42;
	v43, _, _ =	vpop (xrf0);
	s11 =	sand.u32 $0x1FFFFFF0, s11  }
0xc0: {  	s22 =	rddreg [dreg:$0x17];
	s11 =	sadd.s32 s2, s11;
	s28 =	spop (v2sf);
	(v2sf) =	vpush v43, $0xF  }
0xc1: {  	[tilespmem:s22], [sflag:$0x2] =	stream.linear.gather [hbm4b:s11+s3], $0x80, $0x38;
	[tilespmem:$0x2100] =	vst v63  }
0xc2: {  	s11 =	sshll.u32 s23, $0x4  }
0xc3: {  	v44 =	vsel vm11, $0x0, v0;
	s11 =	sand.u32 $0x1FFFFFF0, s11  }
0xc4: {  	s24 =	rddreg [dreg:$0x18];
	(xrf0) =	vadd.scan.msk.s32 $0xffff, v44;
	s11 =	sadd.s32 s4, s11  }
0xc5: {  	v45, _, _ =	vpop (xrf0);
	[tilespmem:s24], [sflag:$0x1] =	stream.linear.gather [hbm4b:s11+s3], $0x80, $0x38;
	[tilespmem:$0x2100] =	vst v63  }
0xc6: {  	s30 =	spop (v2sf);
	(v2sf) =	vpush v45, $0xF  }
0xc7: {  	v46 =	vsel vm12, $0x0, v1;
	s11 =	sshll.u32 s25, $0x4  }
0xc8: {  	(xrf0) =	vadd.scan.msk.s32 $0xffff, v46;
	s11 =	sand.u32 $0x1FFFFFF0, s11  }
0xc9: {  	s26 =	rddreg [dreg:$0x19];
	s11 =	sadd.s32 s2, s11  }
0xca: {  	v47, _, _ =	vpop (xrf0);
	[tilespmem:s26], [sflag:$0x2] =	stream.linear.gather [hbm4b:s11+s3], $0x80, $0x38;
	[tilespmem:$0x2100] =	vst v63  }
0xcb: {  	s11 =	sshll.u32 s28, $0x4;
	s13 =	spop (v2sf);
	(v2sf) =	vpush v47, $0xF  }
0xcc: {  	v48 =	vsel vm12, $0x0, v0;
	s11 =	sand.u32 $0x1FFFFFF0, s11  }
0xcd: {  	s29 =	rddreg [dreg:$0x1a];
	(xrf0) =	vadd.scan.msk.s32 $0xffff, v48;
	s11 =	sadd.s32 s4, s11  }
0xce: {  	v49, _, _ =	vpop (xrf0);
	[tilespmem:s29], [sflag:$0x1] =	stream.linear.gather [hbm4b:s11+s3], $0x80, $0x38;
	[tilespmem:$0x2100] =	vst v63  }
0xcf: {  	s15 =	spop (v2sf);
	(v2sf) =	vpush v49, $0xF  }
0xd0: {  	s11 =	sshll.u32 s30, $0x4  }
0xd1: {  	v50 =	vsel vm13, $0x0, v1;
	s11 =	sand.u32 $0x1FFFFFF0, s11  }
0xd2: {  	s31 =	rddreg [dreg:$0x1b];
	(xrf0) =	vadd.scan.msk.s32 $0xffff, v50;
	s11 =	sadd.s32 s2, s11  }
0xd3: {  	[tilespmem:s31], [sflag:$0x2] =	stream.linear.gather [hbm4b:s11+s3], $0x80, $0x38;
	[tilespmem:$0x2100] =	vst v63  }
0xd4: {  	v51, _, _ =	vpop (xrf0);
	s11 =	sshll.u32 s13, $0x4  }
0xd5: {  	v52 =	vsel vm13, $0x0, v0;
	s11 =	sand.u32 $0x1FFFFFF0, s11;
	s17 =	spop (v2sf);
	(v2sf) =	vpush v51, $0xF  }
0xd6: {  	s14 =	rddreg [dreg:$0x1c];
	(xrf0) =	vadd.scan.msk.s32 $0xffff, v52;
	s11 =	sadd.s32 s4, s11  }
0xd7: {  	[tilespmem:s14], [sflag:$0x1] =	stream.linear.gather [hbm4b:s11+s3], $0x80, $0x38;
	[tilespmem:$0x2100] =	vst v63  }
0xd8: {  	s11 =	sshll.u32 s15, $0x4  }
0xd9: {  	v53, _, _ =	vpop (xrf0);
	s11 =	sand.u32 $0x1FFFFFF0, s11  }
0xda: {  	s16 =	rddreg [dreg:$0x1d];
	s11 =	sadd.s32 s2, s11;
	s19 =	spop (v2sf);
	(v2sf) =	vpush v53, $0xF  }
0xdb: {  	[tilespmem:s16], [sflag:$0x2] =	stream.linear.gather [hbm4b:s11+s3], $0x80, $0x38;
	[tilespmem:$0x2100] =	vst v63  }
0xdc: {  	v54 =	vsel vm14, $0x0, v1;
	s11 =	sshll.u32 s17, $0x4  }
0xdd: {  	(xrf0) =	vadd.scan.msk.s32 $0xffff, v54;
	v55, _, _ =	vpop (xrf0);
	s11 =	sand.u32 $0x1FFFFFF0, s11  }
0xde: {  	s18 =	rddreg [dreg:$0x1e];
	s11 =	sadd.s32 s4, s11;
	s21 =	spop (v2sf);
	(v2sf) =	vpush v55, $0xF  }
0xdf: {  	[tilespmem:s18], [sflag:$0x1] =	stream.linear.gather [hbm4b:s11+s3], $0x80, $0x38;
	[tilespmem:$0x2100] =	vst v63  }
0xe0: {  	s11 =	sshll.u32 s19, $0x4  }
0xe1: {  	v56 =	vsel vm14, $0x0, v0;
	s11 =	sand.u32 $0x1FFFFFF0, s11  }
0xe2: {  	(xrf0) =	vadd.scan.msk.s32 $0xffff, v56;
	s20 =	rddreg [dreg:$0x1f];
	s11 =	sadd.s32 s2, s11  }
0xe3: {  	v57, _, _ =	vpop (xrf0);
	[tilespmem:s20], [sflag:$0x2] =	stream.linear.gather [hbm4b:s11+s3], $0x80, $0x38;
	[tilespmem:$0x2100] =	vst v63  }
0xe4: {  	s23 =	spop (v2sf);
	(v2sf) =	vpush v57, $0xF  }
0xe5: {  	v1 =	vsel vm15, $0x0, v1;
	s22 =	sld [smem:$0x7D6];
	s11 =	sshll.u32 s21, $0x4  }
0xe6: {  	(xrf0) =	vadd.scan.msk.s32 $0xffff, v1;
	s11 =	sand.u32 $0x1FFFFFF0, s11  }
0xe7: {  	s11 =	sadd.s32 s4, s11  }
0xe8: {  	v58, _, _ =	vpop (xrf0);
	[tilespmem:s22], [sflag:$0x1] =	stream.linear.gather [hbm4b:s11+s3], $0x80, $0x38;
	[tilespmem:$0x2100] =	vst v63  }
0xe9: {  	s24 =	sld [smem:$0x7D7];
	s11 =	sshll.u32 s23, $0x4;
	s25 =	spop (v2sf);
	(v2sf) =	vpush v58, $0xF  }
0xea: {  	v0 =	vsel vm15, $0x0, v0;
	s11 =	sand.u32 $0x1FFFFFF0, s11  }
0xeb: {  	(xrf0) =	vadd.scan.msk.s32 $0xffff, v0;
	s11 =	sadd.s32 s2, s11  }
0xec: {  	v59, _, _ =	vpop (xrf0);
	[tilespmem:s24], [sflag:$0x2] =	stream.linear.gather [hbm4b:s11+s3], $0x80, $0x38;
	[tilespmem:$0x2100] =	vst v63  }
0xed: {  	s28 =	spop (v2sf);
	(v2sf) =	vpush v59, $0xF  }
0xee: {  	s26 =	sld [smem:$0x7D8];
	s11 =	sshll.u32 s25, $0x4  }
0xef: {  	s11 =	sand.u32 $0x1FFFFFF0, s11  }
0xf0: {  	s11 =	sadd.s32 s4, s11  }
0xf1: {  	[tilespmem:s26], [sflag:$0x1] =	stream.linear.gather [hbm4b:s11+s3], $0x80, $0x38;
	[tilespmem:$0x2100] =	vst v63  }
0xf2: {  	v60, _, _ =	vpop (xrf0);
	s29 =	sld [smem:$0x7D9];
	s11 =	sshll.u32 s28, $0x4  }
0xf3: {  	s11 =	sand.u32 $0x1FFFFFF0, s11;
	s30 =	spop (v2sf);
	(v2sf) =	vpush v60, $0xF  }
0xf4: {  	s11 =	sadd.s32 s2, s11  }
0xf5: {  	[tilespmem:s29], [sflag:$0x2] =	stream.linear.gather [hbm4b:s11+s3], $0x80, $0x38;
	[tilespmem:$0x2100] =	vst v63  }
0xf6: {  	s31 =	sld [smem:$0x7DA];
	s11 =	sshll.u32 s30, $0x4  }
0xf7: {  	s11 =	sand.u32 $0x1FFFFFF0, s11  }
0xf8: {  	s13 =	spop (v2sf);
	s11 =	sadd.s32 s4, s11  }
0xf9: {  	[tilespmem:s31], [sflag:$0x1] =	stream.linear.gather [hbm4b:s11+s3], $0x80, $0x38;
	[tilespmem:$0x2100] =	vst v63  }
0xfa: {  	s14 =	sld [smem:$0x7DB];
	s11 =	sshll.u32 s13, $0x4  }
0xfb: {  	s11 =	sand.u32 $0x1FFFFFF0, s11  }
0xfc: {  	s11 =	sadd.s32 s2, s11;
	s15 =	spop (v2sf)  }
0xfd: {  	[tilespmem:s14], [sflag:$0x2] =	stream.linear.gather [hbm4b:s11+s3], $0x80, $0x38;
	[tilespmem:$0x2100] =	vst v63  }
0xfe: {  	s16 =	sld [smem:$0x7DC];
	s11 =	sshll.u32 s15, $0x4  }
0xff: {  	s11 =	sand.u32 $0x1FFFFFF0, s11  }
0x100: {  	s11 =	sadd.s32 s4, s11  }
0x101: {  	[tilespmem:s16], [sflag:$0x1] =	stream.linear.gather [hbm4b:s11+s3], $0x80, $0x38;
	[tilespmem:$0x2100] =	vst v63  }
0x102: {  	s17 =	spop (v2sf)  }
0x103: {  	s18 =	sld [smem:$0x7DD];
	s11 =	sshll.u32 s17, $0x4  }
0x104: {  	s11 =	sand.u32 $0x1FFFFFF0, s11  }
0x105: {  	s11 =	sadd.s32 s2, s11  }
0x106: {  	[tilespmem:s18], [sflag:$0x2] =	stream.linear.gather [hbm4b:s11+s3], $0x80, $0x38;
	[tilespmem:$0x2100] =	vst v63  }
0x107: {  	v61 =	vld [tilespmem:$0x10];
	_ =	sdelay $0x2  }
0x108: {  	v0 =	vld [tilespmem:$0x1090];
	_ =	sdelay $0x1  }
0x109: {  	v62 =	vnsel vm0, $0x0, v61  }
0x10a: {  	(xrf0) =	vadd.scan.msk.s32 $0xffff, v62;
	_ =	sdelay $0x1  }
0x10b: {  	v63 =	vnsel vm0, $0x0, v0  }
0x10c: {  	(xrf0) =	vadd.scan.msk.s32 $0xffff, v63;
	_ =	sdelay $0x2  }
0x10d: {  	v4, _, _ =	vpop (xrf0)  }
0x10e: {  	(v2sf) =	vpush v4, $0xF  }
0x10f: {  	v5 =	vsel vm1, $0x0, v61  }
0x110: {  	(xrf0) =	vadd.scan.msk.s32 $0xffff, v5;
	v6, _, _ =	vpop (xrf0)  }
0x111: {  	(v2sf) =	vpush v6, $0xF;
	_ =	sdelay $0x3  }
0x112: {  	v7 =	vsel vm1, $0x0, v0  }
0x113: {  	(xrf0) =	vadd.scan.msk.s32 $0xffff, v7;
	v8, _, _ =	vpop (xrf0)  }
0x114: {  	(v2sf) =	vpush v8, $0xF  }
0x115: {  	v9 =	vsel vm2, $0x0, v61  }
0x116: {  	(xrf0) =	vadd.scan.msk.s32 $0xffff, v9;
	_ =	sdelay $0x2  }
0x117: {  	v10, _, _ =	vpop (xrf0)  }
0x118: {  	s19 =	spop (v2sf);
	(v2sf) =	vpush v10, $0xF  }
0x119: {  	v11 =	vsel vm2, $0x0, v0  }
0x11a: {  	(xrf0) =	vadd.scan.msk.s32 $0xffff, v11;
	v12, _, _ =	vpop (xrf0)  }
0x11b: {  	s21 =	spop (v2sf);
	(v2sf) =	vpush v12, $0xF;
	_ =	sdelay $0x3  }
0x11c: {  	v13 =	vsel vm3, $0x0, v61  }
0x11d: {  	(xrf0) =	vadd.scan.msk.s32 $0xffff, v13;
	v14, _, _ =	vpop (xrf0)  }
0x11e: {  	s23 =	spop (v2sf);
	(v2sf) =	vpush v14, $0xF  }
0x11f: {  	v15 =	vsel vm3, $0x0, v0  }
0x120: {  	(xrf0) =	vadd.scan.msk.s32 $0xffff, v15;
	_ =	sdelay $0x2  }
0x121: {  	v16, _, _ =	vpop (xrf0)  }
0x122: {  	s25 =	spop (v2sf);
	(v2sf) =	vpush v16, $0xF  }
0x123: {  	v17 =	vsel vm4, $0x0, v61  }
0x124: {  	(xrf0) =	vadd.scan.msk.s32 $0xffff, v17;
	v18, _, _ =	vpop (xrf0)  }
0x125: {  	s28 =	spop (v2sf);
	(v2sf) =	vpush v18, $0xF;
	_ =	sdelay $0x3  }
0x126: {  	s20 =	sld [smem:$0x7DE];
	v19 =	vsel vm4, $0x0, v0;
	s11 =	sshll.u32 s19, $0x4  }
0x127: {  	s11 =	sand.u32 $0x1FFFFFF0, s11;
	(xrf0) =	vadd.scan.msk.s32 $0xffff, v19;
	v20, _, _ =	vpop (xrf0)  }
0x128: {  	s11 =	sadd.s32 s4, s11;
	s30 =	spop (v2sf);
	(v2sf) =	vpush v20, $0xF  }
0x129: {  	v21 =	vsel vm5, $0x0, v61;
	[tilespmem:s20], [sflag:$0x1] =	stream.linear.gather [hbm4b:s11+s3], $0x80, $0x38;
	[tilespmem:$0x2100] =	vst v63  }
0x12a: {  	s22 =	sld [smem:$0x7DF];
	s11 =	sshll.u32 s21, $0x4;
	(xrf0) =	vadd.scan.msk.s32 $0xffff, v21  }
0x12b: {  	s11 =	sand.u32 $0x1FFFFFF0, s11  }
0x12c: {  	s11 =	sadd.s32 s2, s11  }
0x12d: {  	[tilespmem:s22], [sflag:$0x2] =	stream.linear.gather [hbm4b:s11+s3], $0x80, $0x38;
	v22, _, _ =	vpop (xrf0);
	[tilespmem:$0x2100] =	vst v63  }
0x12e: {  	s13 =	spop (v2sf);
	(v2sf) =	vpush v22, $0xF  }
0x12f: {  	s24 =	sld [smem:$0x7E0];
	v23 =	vsel vm5, $0x0, v0;
	s11 =	sshll.u32 s23, $0x4  }
0x130: {  	s11 =	sand.u32 $0x1FFFFFF0, s11;
	(xrf0) =	vadd.scan.msk.s32 $0xffff, v23;
	v24, _, _ =	vpop (xrf0)  }
0x131: {  	s11 =	sadd.s32 s4, s11;
	s15 =	spop (v2sf);
	(v2sf) =	vpush v24, $0xF  }
0x132: {  	[tilespmem:s24], [sflag:$0x1] =	stream.linear.gather [hbm4b:s11+s3], $0x80, $0x38;
	[tilespmem:$0x2100] =	vst v63  }
0x133: {  	s26 =	sld [smem:$0x7E1];
	s11 =	sshll.u32 s25, $0x4  }
0x134: {  	v25 =	vsel vm6, $0x0, v61;
	s11 =	sand.u32 $0x1FFFFFF0, s11  }
0x135: {  	(xrf0) =	vadd.scan.msk.s32 $0xffff, v25;
	s11 =	sadd.s32 s2, s11  }
0x136: {  	v26, _, _ =	vpop (xrf0);
	[tilespmem:s26], [sflag:$0x2] =	stream.linear.gather [hbm4b:s11+s3], $0x80, $0x38;
	[tilespmem:$0x2100] =	vst v63  }
0x137: {  	s17 =	spop (v2sf);
	(v2sf) =	vpush v26, $0xF  }
0x138: {  	s29 =	sld [smem:$0x7E2];
	v27 =	vsel vm6, $0x0, v0;
	s11 =	sshll.u32 s28, $0x4  }
0x139: {  	(xrf0) =	vadd.scan.msk.s32 $0xffff, v27;
	s11 =	sand.u32 $0x1FFFFFF0, s11  }
0x13a: {  	s11 =	sadd.s32 s4, s11  }
0x13b: {  	[tilespmem:s29], [sflag:$0x1] =	stream.linear.gather [hbm4b:s11+s3], $0x80, $0x38;
	[tilespmem:$0x2100] =	vst v63  }
0x13c: {  	s31 =	sld [smem:$0x7E3];
	v28, _, _ =	vpop (xrf0);
	s11 =	sshll.u32 s30, $0x4  }
0x13d: {  	v29 =	vsel vm7, $0x0, v61;
	s11 =	sand.u32 $0x1FFFFFF0, s11;
	s19 =	spop (v2sf);
	(v2sf) =	vpush v28, $0xF  }
0x13e: {  	(xrf0) =	vadd.scan.msk.s32 $0xffff, v29;
	s11 =	sadd.s32 s2, s11  }
0x13f: {  	v30, _, _ =	vpop (xrf0);
	[tilespmem:s31], [sflag:$0x2] =	stream.linear.gather [hbm4b:s11+s3], $0x80, $0x38;
	[tilespmem:$0x2100] =	vst v63  }
0x140: {  	s14 =	sld [smem:$0x7E4];
	s11 =	sshll.u32 s13, $0x4;
	s21 =	spop (v2sf);
	(v2sf) =	vpush v30, $0xF  }
0x141: {  	s11 =	sand.u32 $0x1FFFFFF0, s11  }
0x142: {  	s11 =	sadd.s32 s4, s11  }
0x143: {  	[tilespmem:s14], [sflag:$0x1] =	stream.linear.gather [hbm4b:s11+s3], $0x80, $0x38;
	[tilespmem:$0x2100] =	vst v63  }
0x144: {  	s16 =	sld [smem:$0x7E5];
	v31 =	vsel vm7, $0x0, v0;
	s11 =	sshll.u32 s15, $0x4  }
0x145: {  	(xrf0) =	vadd.scan.msk.s32 $0xffff, v31;
	v32, _, _ =	vpop (xrf0);
	s11 =	sand.u32 $0x1FFFFFF0, s11  }
0x146: {  	s11 =	sadd.s32 s2, s11;
	s23 =	spop (v2sf);
	(v2sf) =	vpush v32, $0xF  }
0x147: {  	v33 =	vsel vm8, $0x0, v61;
	[tilespmem:s16], [sflag:$0x2] =	stream.linear.gather [hbm4b:s11+s3], $0x80, $0x38;
	[tilespmem:$0x2100] =	vst v63  }
0x148: {  	s18 =	sld [smem:$0x7E6];
	(xrf0) =	vadd.scan.msk.s32 $0xffff, v33;
	s11 =	sshll.u32 s17, $0x4  }
0x149: {  	s11 =	sand.u32 $0x1FFFFFF0, s11  }
0x14a: {  	s11 =	sadd.s32 s4, s11  }
0x14b: {  	v34, _, _ =	vpop (xrf0);
	[tilespmem:s18], [sflag:$0x1] =	stream.linear.gather [hbm4b:s11+s3], $0x80, $0x38;
	[tilespmem:$0x2100] =	vst v63  }
0x14c: {  	s25 =	spop (v2sf);
	(v2sf) =	vpush v34, $0xF  }
0x14d: {  	v35 =	vsel vm8, $0x0, v0;
	s20 =	sld [smem:$0x7E7];
	s11 =	sshll.u32 s19, $0x4  }
0x14e: {  	(xrf0) =	vadd.scan.msk.s32 $0xffff, v35;
	v36, _, _ =	vpop (xrf0);
	s11 =	sand.u32 $0x1FFFFFF0, s11  }
0x14f: {  	s11 =	sadd.s32 s2, s11;
	s28 =	spop (v2sf);
	(v2sf) =	vpush v36, $0xF  }
0x150: {  	[tilespmem:s20], [sflag:$0x2] =	stream.linear.gather [hbm4b:s11+s3], $0x80, $0x38;
	[tilespmem:$0x2100] =	vst v63  }
0x151: {  	s22 =	sld [smem:$0x7E8];
	s11 =	sshll.u32 s21, $0x4  }
0x152: {  	v37 =	vsel vm9, $0x0, v61;
	s11 =	sand.u32 $0x1FFFFFF0, s11  }
0x153: {  	(xrf0) =	vadd.scan.msk.s32 $0xffff, v37;
	s11 =	sadd.s32 s4, s11  }
0x154: {  	v38, _, _ =	vpop (xrf0);
	[tilespmem:s22], [sflag:$0x1] =	stream.linear.gather [hbm4b:s11+s3], $0x80, $0x38;
	[tilespmem:$0x2100] =	vst v63  }
0x155: {  	s30 =	spop (v2sf);
	(v2sf) =	vpush v38, $0xF  }
0x156: {  	v39 =	vsel vm9, $0x0, v0;
	s24 =	sld [smem:$0x7E9];
	s11 =	sshll.u32 s23, $0x4  }
0x157: {  	(xrf0) =	vadd.scan.msk.s32 $0xffff, v39;
	s11 =	sand.u32 $0x1FFFFFF0, s11  }
0x158: {  	s11 =	sadd.s32 s2, s11  }
0x159: {  	[tilespmem:s24], [sflag:$0x2] =	stream.linear.gather [hbm4b:s11+s3], $0x80, $0x38;
	[tilespmem:$0x2100] =	vst v63  }
0x15a: {  	s26 =	sld [smem:$0x7EA];
	v40, _, _ =	vpop (xrf0);
	s11 =	sshll.u32 s25, $0x4  }
0x15b: {  	v41 =	vsel vm10, $0x0, v61;
	s11 =	sand.u32 $0x1FFFFFF0, s11;
	s13 =	spop (v2sf);
	(v2sf) =	vpush v40, $0xF  }
0x15c: {  	(xrf0) =	vadd.scan.msk.s32 $0xffff, v41;
	s11 =	sadd.s32 s4, s11  }
0x15d: {  	v42, _, _ =	vpop (xrf0);
	[tilespmem:s26], [sflag:$0x1] =	stream.linear.gather [hbm4b:s11+s3], $0x80, $0x38;
	[tilespmem:$0x2100] =	vst v63  }
0x15e: {  	s29 =	sld [smem:$0x7EB];
	s11 =	sshll.u32 s28, $0x4;
	s15 =	spop (v2sf);
	(v2sf) =	vpush v42, $0xF  }
0x15f: {  	s11 =	sand.u32 $0x1FFFFFF0, s11  }
0x160: {  	s11 =	sadd.s32 s2, s11  }
0x161: {  	[tilespmem:s29], [sflag:$0x2] =	stream.linear.gather [hbm4b:s11+s3], $0x80, $0x38;
	[tilespmem:$0x2100] =	vst v63  }
0x162: {  	v43 =	vsel vm10, $0x0, v0;
	s31 =	sld [smem:$0x7EC];
	s11 =	sshll.u32 s30, $0x4  }
0x163: {  	(xrf0) =	vadd.scan.msk.s32 $0xffff, v43;
	v44, _, _ =	vpop (xrf0);
	s11 =	sand.u32 $0x1FFFFFF0, s11  }
0x164: {  	s11 =	sadd.s32 s4, s11;
	s17 =	spop (v2sf);
	(v2sf) =	vpush v44, $0xF  }
0x165: {  	v45 =	vsel vm11, $0x0, v61;
	[tilespmem:s31], [sflag:$0x1] =	stream.linear.gather [hbm4b:s11+s3], $0x80, $0x38;
	[tilespmem:$0x2100] =	vst v63  }
0x166: {  	s14 =	sld [smem:$0x7ED];
	(xrf0) =	vadd.scan.msk.s32 $0xffff, v45;
	s11 =	sshll.u32 s13, $0x4  }
0x167: {  	s11 =	sand.u32 $0x1FFFFFF0, s11  }
0x168: {  	s11 =	sadd.s32 s2, s11  }
0x169: {  	v46, _, _ =	vpop (xrf0);
	[tilespmem:s14], [sflag:$0x2] =	stream.linear.gather [hbm4b:s11+s3], $0x80, $0x38;
	[tilespmem:$0x2100] =	vst v63  }
0x16a: {  	s19 =	spop (v2sf);
	(v2sf) =	vpush v46, $0xF  }
0x16b: {  	v47 =	vsel vm11, $0x0, v0;
	s16 =	sld [smem:$0x7EE];
	s11 =	sshll.u32 s15, $0x4  }
0x16c: {  	(xrf0) =	vadd.scan.msk.s32 $0xffff, v47;
	v48, _, _ =	vpop (xrf0);
	s11 =	sand.u32 $0x1FFFFFF0, s11  }
0x16d: {  	s11 =	sadd.s32 s4, s11;
	s21 =	spop (v2sf);
	(v2sf) =	vpush v48, $0xF  }
0x16e: {  	[tilespmem:s16], [sflag:$0x1] =	stream.linear.gather [hbm4b:s11+s3], $0x80, $0x38;
	[tilespmem:$0x2100] =	vst v63  }
0x16f: {  	s18 =	sld [smem:$0x7EF];
	s11 =	sshll.u32 s17, $0x4  }
0x170: {  	v49 =	vsel vm12, $0x0, v61;
	s11 =	sand.u32 $0x1FFFFFF0, s11  }
0x171: {  	(xrf0) =	vadd.scan.msk.s32 $0xffff, v49;
	s11 =	sadd.s32 s2, s11  }
0x172: {  	v50, _, _ =	vpop (xrf0);
	[tilespmem:s18], [sflag:$0x2] =	stream.linear.gather [hbm4b:s11+s3], $0x80, $0x38;
	[tilespmem:$0x2100] =	vst v63  }
0x173: {  	s23 =	spop (v2sf);
	(v2sf) =	vpush v50, $0xF  }
0x174: {  	v51 =	vsel vm12, $0x0, v0;
	s20 =	sld [smem:$0x7F0];
	s11 =	sshll.u32 s19, $0x4  }
0x175: {  	(xrf0) =	vadd.scan.msk.s32 $0xffff, v51;
	s11 =	sand.u32 $0x1FFFFFF0, s11  }
0x176: {  	s11 =	sadd.s32 s4, s11  }
0x177: {  	[tilespmem:s20], [sflag:$0x1] =	stream.linear.gather [hbm4b:s11+s3], $0x80, $0x38;
	[tilespmem:$0x2100] =	vst v63  }
0x178: {  	s22 =	sld [smem:$0x7F1];
	v52, _, _ =	vpop (xrf0);
	s11 =	sshll.u32 s21, $0x4  }
0x179: {  	v53 =	vsel vm13, $0x0, v61;
	s11 =	sand.u32 $0x1FFFFFF0, s11;
	s25 =	spop (v2sf);
	(v2sf) =	vpush v52, $0xF  }
0x17a: {  	(xrf0) =	vadd.scan.msk.s32 $0xffff, v53;
	s11 =	sadd.s32 s2, s11  }
0x17b: {  	v54, _, _ =	vpop (xrf0);
	[tilespmem:s22], [sflag:$0x2] =	stream.linear.gather [hbm4b:s11+s3], $0x80, $0x38;
	[tilespmem:$0x2100] =	vst v63  }
0x17c: {  	s24 =	sld [smem:$0x7F2];
	s11 =	sshll.u32 s23, $0x4;
	s28 =	spop (v2sf);
	(v2sf) =	vpush v54, $0xF  }
0x17d: {  	s11 =	sand.u32 $0x1FFFFFF0, s11  }
0x17e: {  	s11 =	sadd.s32 s4, s11  }
0x17f: {  	[tilespmem:s24], [sflag:$0x1] =	stream.linear.gather [hbm4b:s11+s3], $0x80, $0x38;
	[tilespmem:$0x2100] =	vst v63  }
0x180: {  	v55 =	vsel vm13, $0x0, v0;
	s26 =	sld [smem:$0x7F3];
	s11 =	sshll.u32 s25, $0x4  }
0x181: {  	(xrf0) =	vadd.scan.msk.s32 $0xffff, v55;
	v56, _, _ =	vpop (xrf0);
	s11 =	sand.u32 $0x1FFFFFF0, s11  }
0x182: {  	s11 =	sadd.s32 s2, s11;
	s30 =	spop (v2sf);
	(v2sf) =	vpush v56, $0xF  }
0x183: {  	v57 =	vsel vm14, $0x0, v61;
	[tilespmem:s26], [sflag:$0x2] =	stream.linear.gather [hbm4b:s11+s3], $0x80, $0x38;
	[tilespmem:$0x2100] =	vst v63  }
0x184: {  	(xrf0) =	vadd.scan.msk.s32 $0xffff, v57;
	s29 =	sld [smem:$0x7F4];
	s11 =	sshll.u32 s28, $0x4  }
0x185: {  	s11 =	sand.u32 $0x1FFFFFF0, s11  }
0x186: {  	s11 =	sadd.s32 s4, s11  }
0x187: {  	v58, _, _ =	vpop (xrf0);
	[tilespmem:s29], [sflag:$0x1] =	stream.linear.gather [hbm4b:s11+s3], $0x80, $0x38;
	[tilespmem:$0x2100] =	vst v63  }
0x188: {  	s13 =	spop (v2sf);
	(v2sf) =	vpush v58, $0xF  }
0x189: {  	v59 =	vsel vm14, $0x0, v0;
	s31 =	sld [smem:$0x7F5];
	s11 =	sshll.u32 s30, $0x4  }
0x18a: {  	(xrf0) =	vadd.scan.msk.s32 $0xffff, v59;
	v60, _, _ =	vpop (xrf0);
	s11 =	sand.u32 $0x1FFFFFF0, s11  }
0x18b: {  	s11 =	sadd.s32 s2, s11;
	s15 =	spop (v2sf);
	(v2sf) =	vpush v60, $0xF  }
0x18c: {  	[tilespmem:s31], [sflag:$0x2] =	stream.linear.gather [hbm4b:s11+s3], $0x80, $0x38;
	[tilespmem:$0x2100] =	vst v63  }
0x18d: {  	s14 =	sld [smem:$0x7F6];
	s11 =	sshll.u32 s13, $0x4  }
0x18e: {  	v1 =	vsel vm15, $0x0, v61;
	s11 =	sand.u32 $0x1FFFFFF0, s11  }
0x18f: {  	(xrf0) =	vadd.scan.msk.s32 $0xffff, v1;
	s11 =	sadd.s32 s4, s11  }
0x190: {  	v61, _, _ =	vpop (xrf0);
	[tilespmem:s14], [sflag:$0x1] =	stream.linear.gather [hbm4b:s11+s3], $0x80, $0x38;
	[tilespmem:$0x2100] =	vst v63  }
0x191: {  	s17 =	spop (v2sf);
	(v2sf) =	vpush v61, $0xF  }
0x192: {  	v0 =	vsel vm15, $0x0, v0;
	s16 =	sld [smem:$0x7F7];
	s11 =	sshll.u32 s15, $0x4  }
0x193: {  	(xrf0) =	vadd.scan.msk.s32 $0xffff, v0;
	s11 =	sand.u32 $0x1FFFFFF0, s11  }
0x194: {  	s11 =	sadd.s32 s2, s11  }
0x195: {  	[tilespmem:s16], [sflag:$0x2] =	stream.linear.gather [hbm4b:s11+s3], $0x80, $0x38;
	[tilespmem:$0x2100] =	vst v63  }
0x196: {  	v62, _, _ =	vpop (xrf0);
	s18 =	sld [smem:$0x7F8];
	s11 =	sshll.u32 s17, $0x4  }
0x197: {  	s11 =	sand.u32 $0x1FFFFFF0, s11;
	s19 =	spop (v2sf);
	(v2sf) =	vpush v62, $0xF  }
0x198: {  	s11 =	sadd.s32 s4, s11  }
0x199: {  	v63, _, _ =	vpop (xrf0);
	[tilespmem:s18], [sflag:$0x1] =	stream.linear.gather [hbm4b:s11+s3], $0x80, $0x38;
	[tilespmem:$0x2100] =	vst v63  }
0x19a: {  	s20 =	sld [smem:$0x7F9];
	s11 =	sshll.u32 s19, $0x4;
	s21 =	spop (v2sf);
	(v2sf) =	vpush v63, $0xF  }
0x19b: {  	s11 =	sand.u32 $0x1FFFFFF0, s11  }
0x19c: {  	s11 =	sadd.s32 s2, s11  }
0x19d: {  	[tilespmem:s20], [sflag:$0x2] =	stream.linear.gather [hbm4b:s11+s3], $0x80, $0x38;
	[tilespmem:$0x2100] =	vst v63  }
0x19e: {  	s22 =	sld [smem:$0x7FA];
	s11 =	sshll.u32 s21, $0x4  }
0x19f: {  	s11 =	sand.u32 $0x1FFFFFF0, s11  }
0x1a0: {  	s11 =	sadd.s32 s4, s11;
	s23 =	spop (v2sf)  }
0x1a1: {  	[tilespmem:s22], [sflag:$0x1] =	stream.linear.gather [hbm4b:s11+s3], $0x80, $0x38;
	[tilespmem:$0x2100] =	vst v63  }
0x1a2: {  	s24 =	sld [smem:$0x7FB];
	s11 =	sshll.u32 s23, $0x4  }
0x1a3: {  	s11 =	sand.u32 $0x1FFFFFF0, s11  }
0x1a4: {  	s11 =	sadd.s32 s2, s11  }
0x1a5: {  	[tilespmem:s24], [sflag:$0x2] =	stream.linear.gather [hbm4b:s11+s3], $0x80, $0x38;
	[tilespmem:$0x2100] =	vst v63  }
0x1a6: {  	s25 =	spop (v2sf)  }
0x1a7: {  	s26 =	sld [smem:$0x7FC];
	s11 =	sshll.u32 s25, $0x4  }
0x1a8: {  	s11 =	sand.u32 $0x1FFFFFF0, s11  }
0x1a9: {  	s28 =	spop (v2sf);
	s11 =	sadd.s32 s4, s11  }
0x1aa: {  	[tilespmem:s26], [sflag:$0x1] =	stream.linear.gather [hbm4b:s11+s3], $0x80, $0x38;
	[tilespmem:$0x2100] =	vst v63  }
0x1ab: {  	s29 =	sld [smem:$0x7FD];
	s11 =	sshll.u32 s28, $0x4  }
0x1ac: {  	s11 =	sand.u32 $0x1FFFFFF0, s11  }
0x1ad: {  	s11 =	sadd.s32 s2, s11  }
0x1ae: {  	[tilespmem:s29], [sflag:$0x2] =	stream.linear.gather [hbm4b:s11+s3], $0x80, $0x38;
	[tilespmem:$0x2100] =	vst v63  }
0x1af: {  	_ =	swait.ge [sflag:s9], $0x80  }
0x1b0: {  	[sflag:s9] =	ssyncset.done $0x0  }
0x1b1: {  	[sflag:s9] =	ssyncadd.s32 $0xFFFFFF80  }
0x1b2: {  	_ =	swait.ge [sflag:s10], $0x80  }
0x1b3: {  	[sflag:s10] =	ssyncset.done $0x0  }
0x1b4: {  	[sflag:s10] =	ssyncadd.s32 $0xFFFFFF80  }
0x1b5: {  	_ =	swait.ge [sflag:s9], $0x80  }
0x1b6: {  	[sflag:s9] =	ssyncset.done $0x0  }
0x1b7: {  	[sflag:s9] =	ssyncadd.s32 $0xFFFFFF80  }
0x1b8: {  	_ =	swait.ge [sflag:s10], $0x80  }
0x1b9: {  	[sflag:s10] =	ssyncset.done $0x0  }
0x1ba: {  	[sflag:s10] =	ssyncadd.s32 $0xFFFFFF80  }
0x1bb: {  	_ =	swait.ge [sflag:s9], $0x80  }
0x1bc: {  	[sflag:s9] =	ssyncset.done $0x0  }
0x1bd: {  	[sflag:s9] =	ssyncadd.s32 $0xFFFFFF80  }
0x1be: {  	_ =	swait.ge [sflag:s10], $0x80  }
0x1bf: {  	[sflag:s10] =	ssyncset.done $0x0  }
0x1c0: {  	[sflag:s10] =	ssyncadd.s32 $0xFFFFFF80  }
0x1c1: {  	_ =	swait.ge [sflag:s9], $0x80  }
0x1c2: {  	[sflag:s9] =	ssyncset.done $0x0  }
0x1c3: {  	[sflag:s9] =	ssyncadd.s32 $0xFFFFFF80  }
0x1c4: {  	_ =	swait.ge [sflag:s10], $0x80  }
0x1c5: {  	[sflag:s10] =	ssyncset.done $0x0  }
0x1c6: {  	[sflag:s10] =	ssyncadd.s32 $0xFFFFFF80  }
0x1c7: {  	_ =	swait.ge [sflag:s9], $0x80  }
0x1c8: {  	[sflag:s9] =	ssyncset.done $0x0  }
0x1c9: {  	[sflag:s9] =	ssyncadd.s32 $0xFFFFFF80  }
0x1ca: {  	_ =	swait.ge [sflag:s10], $0x80  }
0x1cb: {  	[sflag:s10] =	ssyncset.done $0x0  }
0x1cc: {  	[sflag:s10] =	ssyncadd.s32 $0xFFFFFF80  }
0x1cd: {  	_ =	swait.ge [sflag:s9], $0x80  }
0x1ce: {  	[sflag:s9] =	ssyncset.done $0x0  }
0x1cf: {  	[sflag:s9] =	ssyncadd.s32 $0xFFFFFF80  }
0x1d0: {  	_ =	swait.ge [sflag:s10], $0x80  }
0x1d1: {  	[sflag:s10] =	ssyncset.done $0x0  }
0x1d2: {  	[sflag:s10] =	ssyncadd.s32 $0xFFFFFF80  }
0x1d3: {  	_ =	swait.ge [sflag:s9], $0x80  }
0x1d4: {  	[sflag:s9] =	ssyncset.done $0x0  }
0x1d5: {  	[sflag:s9] =	ssyncadd.s32 $0xFFFFFF80  }
0x1d6: {  	_ =	swait.ge [sflag:s10], $0x80  }
0x1d7: {  	[sflag:s10] =	ssyncset.done $0x0  }
0x1d8: {  	[sflag:s10] =	ssyncadd.s32 $0xFFFFFF80  }
0x1d9: {  	_ =	swait.ge [sflag:s9], $0x80  }
0x1da: {  	[sflag:s9] =	ssyncset.done $0x0  }
0x1db: {  	[sflag:s9] =	ssyncadd.s32 $0xFFFFFF80  }
0x1dc: {  	_ =	swait.ge [sflag:s10], $0x80  }
0x1dd: {  	[sflag:s10] =	ssyncset.done $0x0  }
0x1de: {  	[sflag:s10] =	ssyncadd.s32 $0xFFFFFF80  }
0x1df: {  	_ =	swait.ge [sflag:s9], $0x80  }
0x1e0: {  	[sflag:s9] =	ssyncset.done $0x0  }
0x1e1: {  	[sflag:s9] =	ssyncadd.s32 $0xFFFFFF80  }
0x1e2: {  	_ =	swait.ge [sflag:s10], $0x80  }
0x1e3: {  	[sflag:s10] =	ssyncset.done $0x0  }
0x1e4: {  	[sflag:s10] =	ssyncadd.s32 $0xFFFFFF80  }
0x1e5: {  	_ =	swait.ge [sflag:s9], $0x80  }
0x1e6: {  	[sflag:s9] =	ssyncset.done $0x0  }
0x1e7: {  	[sflag:s9] =	ssyncadd.s32 $0xFFFFFF80  }
0x1e8: {  	_ =	swait.ge [sflag:s10], $0x80  }
0x1e9: {  	[sflag:s10] =	ssyncset.done $0x0  }
0x1ea: {  	[sflag:s10] =	ssyncadd.s32 $0xFFFFFF80  }
0x1eb: {  	_ =	swait.ge [sflag:s9], $0x80  }
0x1ec: {  	[sflag:s9] =	ssyncset.done $0x0  }
0x1ed: {  	[sflag:s9] =	ssyncadd.s32 $0xFFFFFF80  }
0x1ee: {  	_ =	swait.ge [sflag:s10], $0x80  }
0x1ef: {  	[sflag:s10] =	ssyncset.done $0x0  }
0x1f0: {  	[sflag:s10] =	ssyncadd.s32 $0xFFFFFF80  }
0x1f1: {  	_ =	swait.ge [sflag:s9], $0x80  }
0x1f2: {  	[sflag:s9] =	ssyncset.done $0x0  }
0x1f3: {  	[sflag:s9] =	ssyncadd.s32 $0xFFFFFF80  }
0x1f4: {  	_ =	swait.ge [sflag:s10], $0x80  }
0x1f5: {  	[sflag:s10] =	ssyncset.done $0x0  }
0x1f6: {  	[sflag:s10] =	ssyncadd.s32 $0xFFFFFF80  }
0x1f7: {  	_ =	swait.ge [sflag:s9], $0x80  }
0x1f8: {  	[sflag:s9] =	ssyncset.done $0x0  }
0x1f9: {  	[sflag:s9] =	ssyncadd.s32 $0xFFFFFF80  }
0x1fa: {  	_ =	swait.ge [sflag:s10], $0x80  }
0x1fb: {  	[sflag:s10] =	ssyncset.done $0x0  }
0x1fc: {  	[sflag:s10] =	ssyncadd.s32 $0xFFFFFF80  }
0x1fd: {  	_ =	swait.ge [sflag:s9], $0x80  }
0x1fe: {  	[sflag:s9] =	ssyncset.done $0x0  }
0x1ff: {  	[sflag:s9] =	ssyncadd.s32 $0xFFFFFF80  }
0x200: {  	_ =	swait.ge [sflag:s10], $0x80  }
0x201: {  	[sflag:s10] =	ssyncset.done $0x0  }
0x202: {  	[sflag:s10] =	ssyncadd.s32 $0xFFFFFF80  }
0x203: {  	_ =	swait.ge [sflag:s9], $0x80  }
0x204: {  	[sflag:s9] =	ssyncset.done $0x0  }
0x205: {  	[sflag:s9] =	ssyncadd.s32 $0xFFFFFF80  }
0x206: {  	_ =	swait.ge [sflag:s10], $0x80  }
0x207: {  	[sflag:s10] =	ssyncset.done $0x0  }
0x208: {  	[sflag:s10] =	ssyncadd.s32 $0xFFFFFF80  }
0x209: {  	_ =	swait.ge [sflag:s9], $0x80  }
0x20a: {  	[sflag:s9] =	ssyncset.done $0x0  }
0x20b: {  	[sflag:s9] =	ssyncadd.s32 $0xFFFFFF80  }
0x20c: {  	_ =	swait.ge [sflag:s10], $0x80  }
0x20d: {  	[sflag:s10] =	ssyncset.done $0x0  }
0x20e: {  	[sflag:s10] =	ssyncadd.s32 $0xFFFFFF80  }
0x20f: {  	_ =	swait.ge [sflag:s9], $0x80  }
0x210: {  	[sflag:s9] =	ssyncset.done $0x0  }
0x211: {  	[sflag:s9] =	ssyncadd.s32 $0xFFFFFF80  }
0x212: {  	_ =	swait.ge [sflag:s10], $0x80  }
0x213: {  	[sflag:s10] =	ssyncset.done $0x0  }
0x214: {  	[sflag:s10] =	ssyncadd.s32 $0xFFFFFF80  }
0x215: {  	_ =	swait.ge [sflag:s9], $0x80  }
0x216: {  	[sflag:s9] =	ssyncset.done $0x0  }
0x217: {  	[sflag:s9] =	ssyncadd.s32 $0xFFFFFF80  }
0x218: {  	_ =	swait.ge [sflag:s10], $0x80  }
0x219: {  	[sflag:s10] =	ssyncset.done $0x0  }
0x21a: {  	[sflag:s10] =	ssyncadd.s32 $0xFFFFFF80  }
0x21b: {  	_ =	swait.ge [sflag:s9], $0x80  }
0x21c: {  	[sflag:s9] =	ssyncset.done $0x0  }
0x21d: {  	[sflag:s9] =	ssyncadd.s32 $0xFFFFFF80  }
0x21e: {  	_ =	swait.ge [sflag:s10], $0x80  }
0x21f: {  	[sflag:s10] =	ssyncset.done $0x0  }
0x220: {  	[sflag:s10] =	ssyncadd.s32 $0xFFFFFF80  }
0x221: {  	_ =	swait.ge [sflag:s9], $0x80  }
0x222: {  	[sflag:s9] =	ssyncset.done $0x0  }
0x223: {  	[sflag:s9] =	ssyncadd.s32 $0xFFFFFF80  }
0x224: {  	_ =	swait.ge [sflag:s10], $0x80  }
0x225: {  	[sflag:s10] =	ssyncset.done $0x0  }
0x226: {  	[sflag:s10] =	ssyncadd.s32 $0xFFFFFF80  }
0x227: {  	_ =	swait.ge [sflag:s9], $0x80  }
0x228: {  	[sflag:s9] =	ssyncset.done $0x0  }
0x229: {  	[sflag:s9] =	ssyncadd.s32 $0xFFFFFF80  }
0x22a: {  	_ =	swait.ge [sflag:s10], $0x80  }
0x22b: {  	[sflag:s10] =	ssyncset.done $0x0  }
0x22c: {  	[sflag:s10] =	ssyncadd.s32 $0xFFFFFF80  }
0x22d: {  	_ =	swait.ge [sflag:s9], $0x80  }
0x22e: {  	[sflag:s9] =	ssyncset.done $0x0  }
0x22f: {  	[sflag:s9] =	ssyncadd.s32 $0xFFFFFF80  }
0x230: {  	_ =	swait.ge [sflag:s10], $0x80  }
0x231: {  	[sflag:s10] =	ssyncset.done $0x0  }
0x232: {  	[sflag:s10] =	ssyncadd.s32 $0xFFFFFF80  }
0x233: {  	_ =	swait.ge [sflag:s9], $0x80  }
0x234: {  	[sflag:s9] =	ssyncset.done $0x0  }
0x235: {  	[sflag:s9] =	ssyncadd.s32 $0xFFFFFF80  }
0x236: {  	_ =	swait.ge [sflag:s10], $0x80  }
0x237: {  	[sflag:s10] =	ssyncset.done $0x0  }
0x238: {  	[sflag:s10] =	ssyncadd.s32 $0xFFFFFF80  }
0x239: {  	_ =	swait.ge [sflag:s9], $0x80  }
0x23a: {  	[sflag:s9] =	ssyncset.done $0x0  }
0x23b: {  	[sflag:s9] =	ssyncadd.s32 $0xFFFFFF80  }
0x23c: {  	_ =	swait.ge [sflag:s10], $0x80  }
0x23d: {  	[sflag:s10] =	ssyncset.done $0x0  }
0x23e: {  	[sflag:s10] =	ssyncadd.s32 $0xFFFFFF80  }
0x23f: {  	_ =	swait.ge [sflag:s9], $0x80  }
0x240: {  	[sflag:s9] =	ssyncset.done $0x0  }
0x241: {  	[sflag:s9] =	ssyncadd.s32 $0xFFFFFF80  }
0x242: {  	_ =	swait.ge [sflag:s10], $0x80  }
0x243: {  	[sflag:s10] =	ssyncset.done $0x0  }
0x244: {  	[sflag:s10] =	ssyncadd.s32 $0xFFFFFF80  }
0x245: {  	_ =	swait.ge [sflag:s9], $0x80  }
0x246: {  	[sflag:s9] =	ssyncset.done $0x0  }
0x247: {  	[sflag:s9] =	ssyncadd.s32 $0xFFFFFF80  }
0x248: {  	_ =	swait.ge [sflag:s10], $0x80  }
0x249: {  	[sflag:s10] =	ssyncset.done $0x0  }
0x24a: {  	[sflag:s10] =	ssyncadd.s32 $0xFFFFFF80  }
0x24b: {  	_ =	swait.ge [sflag:s9], $0x80  }
0x24c: {  	[sflag:s9] =	ssyncset.done $0x0  }
0x24d: {  	[sflag:s9] =	ssyncadd.s32 $0xFFFFFF80  }
0x24e: {  	_ =	swait.ge [sflag:s10], $0x80  }
0x24f: {  	[sflag:s10] =	ssyncset.done $0x0  }
0x250: {  	[sflag:s10] =	ssyncadd.s32 $0xFFFFFF80  }
0x251: {  	_ =	swait.ge [sflag:s9], $0x80  }
0x252: {  	[sflag:s9] =	ssyncset.done $0x0  }
0x253: {  	[sflag:s9] =	ssyncadd.s32 $0xFFFFFF80  }
0x254: {  	_ =	swait.ge [sflag:s10], $0x80  }
0x255: {  	[sflag:s10] =	ssyncset.done $0x0  }
0x256: {  	[sflag:s10] =	ssyncadd.s32 $0xFFFFFF80  }
0x257: {  	_ =	swait.ge [sflag:s9], $0x80  }
0x258: {  	[sflag:s9] =	ssyncset.done $0x0  }
0x259: {  	[sflag:s9] =	ssyncadd.s32 $0xFFFFFF80  }
0x25a: {  	_ =	swait.ge [sflag:s10], $0x80  }
0x25b: {  	[sflag:s10] =	ssyncset.done $0x0  }
0x25c: {  	[sflag:s10] =	ssyncadd.s32 $0xFFFFFF80  }
0x25d: {  	_ =	swait.ge [sflag:s9], $0x80  }
0x25e: {  	[sflag:s9] =	ssyncset.done $0x0  }
0x25f: {  	[sflag:s9] =	ssyncadd.s32 $0xFFFFFF80  }
0x260: {  	_ =	swait.ge [sflag:s10], $0x80  }
0x261: {  	[sflag:s10] =	ssyncset.done $0x0  }
0x262: {  	[sflag:s10] =	ssyncadd.s32 $0xFFFFFF80  }
0x263: {  	_ =	swait.ge [sflag:s9], $0x80  }
0x264: {  	[sflag:s9] =	ssyncset.done $0x0  }
0x265: {  	[sflag:s9] =	ssyncadd.s32 $0xFFFFFF80  }
0x266: {  	_ =	swait.ge [sflag:s10], $0x80  }
0x267: {  	[sflag:s10] =	ssyncset.done $0x0  }
0x268: {  	[sflag:s10] =	ssyncadd.s32 $0xFFFFFF80  }
0x269: {  	_ =	swait.ge [sflag:s9], $0x80  }
0x26a: {  	[sflag:s9] =	ssyncset.done $0x0  }
0x26b: {  	[sflag:s9] =	ssyncadd.s32 $0xFFFFFF80  }
0x26c: {  	_ =	swait.ge [sflag:s10], $0x80  }
0x26d: {  	[sflag:s10] =	ssyncset.done $0x0  }
0x26e: {  	s30 =	rddreg [dreg:$0x7];
	[sflag:s10] =	ssyncadd.s32 $0xFFFFFF80  }
0x26f: {  	[hbm4b:s30+s3] =	stream.linear.scatter [tilespmem:s7], [sflag:$0x3], $0x1000, $0x38;
	[tilespmem:$0x2100] =	vst v63  }
0x270: {  	_ =	swait.ge [sflag:s6], $0x1000  }
0x271: {  	p0 =	sne.s32 s5, $0x1;
	[sflag:s6] =	ssyncset.done $0x0  }
.Ltmp0:
0x272: {  	s31 =	rddreg [dreg:$0x8];
	[sflag:s6] =	ssyncadd.s32 $0xFFFFF000;
	(pc) =	sbr.rel @p0 .LBB2_1-.Ltmp0, $4  }
0x273: {  	[hbm4b:s31+s3] =	stream.linear.scatter [tilespmem:s8], [sflag:$0x3], $0x1000, $0x38;
	[tilespmem:$0x2100] =	vst v63  }
0x274: {  	_ =	swait.ge [sflag:s6], $0x1000  }
0x275: {  	[sflag:s6] =	ssyncset.done $0x0  }
0x276: {  	s5 =	sadd.s32 $0xFFFFFFFF, s5;
	[sflag:s6] =	ssyncadd.s32 $0xFFFFF000  }
0x277: {  	_ =	sfence.sel $0x180000  }
0x278: {  	[bflag:$0x0] =	sbarrier.arrive $0xFFFF  }
0x279: {  	p0 =	sne.s32 s0, $0x0;
	_ =	strace $0x90000047  }
0x27a: {  	s0 =	sadd.s32 @!p0 $0x100000, s1;
	[bflag:$0x2] =	sbarrier.arrive $0xFFFF  }
0x27b: {  	[sflag:s0] =	ssyncadd.tile.s32 @!p0 $0x1;
	_ =	shalt  }
.Lfunc_end2:
_tile_overlayer_lowered:
.L_overlay_start_2:
0x27c: {  	(tag) =	ssettag $0x2  }
0x27d: {  	s0 =	rddreg [dreg:$0x0];
	s2 =	stileid.u32  }
0x27e: {  	s1 =	rddreg [dreg:$0x1];
	p0 =	sne.s32 s2, $0x0  }
0x27f: {  	s3 =	rddreg [dreg:$0x2];
	[bflag:$0x3] =	sbarrier.arrive $0xFFFF;
	s2 =	simm.s32 @!p0 $0x1C03  }
0x280: {  	[timem:s3], [sflag:s2] =	dma.local @!p0 [hbm:s0], s1  }
0x281: {  	s0 =	simm.s32 @!p0 $0x3  }
0x282: {  	_ =	swait.ge @!p0 [sflag:s0], s1  }
0x283: {  	s1 =	ssub.s32 @!p0 $0x0, s1;
	[sflag:s0] =	ssyncset.done @!p0 $0x0  }
0x284: {  	[sflag:s0] =	ssyncadd.s32 @!p0 s1  }
0x285: {  	[bflag:$0x3] =	sbarrier.arrive $0xFFFF  }
0x286: {  	_ =	shalt  }

</sc_bundles>
